<compile_context>
chip_gen: v7x
topology: tpu7x:2x2x1
jax: 0.10.2.dev20260603
libtpu: 0.0.44.dev20260713+nightly
codegen_flags: <defaults>
</compile_context>

<pallas_src>
import functools

import jax
import jax.numpy as jnp
from jax import lax
from jax.experimental import pallas as pl
from jax.experimental.pallas import tpu as pltpu
from jax.experimental.pallas import tpu_sc as plsc

N = 10000
E = 160000
D = 128
EMB = 64
NC, NS, L = 2, 16, 16
NW = NC * NS
WRB = 624
TAIL = N - NS * WRB
ECH = 128
NECH = E // ECH
EIT = -(-NECH // NW)
VCH = 80
NVCH = N // VCH
VIT = -(-NVCH // NW)
ND = N + L

_MESH = plsc.VectorSubcoreMesh(
    core_axis_name="c", subcore_axis_name="s", num_cores=NC, num_subcores=NS)

F32 = jnp.float32


def _zero_core_rows(sh, zin, s):
    rs = s * WRB
    pltpu.sync_copy(zin, sh.at[pl.ds(rs, WRB), :])

    @pl.when(s == NS - 1)
    def _():
        pltpu.sync_copy(zin.at[pl.ds(0, TAIL), :],
                        sh.at[pl.ds(NS * WRB, TAIL), :])


def _writeout_core_rows(sh, out, c, s):
    rs = s * WRB
    pltpu.sync_copy(sh.at[pl.ds(rs, WRB), :], out.at[c, pl.ds(rs, WRB), :])

    @pl.when(s == NS - 1)
    def _():
        pltpu.sync_copy(sh.at[pl.ds(NS * WRB, TAIL), :],
                        out.at[c, pl.ds(NS * WRB, TAIL), :])


@functools.partial(
    pl.kernel,
    out_type=(
        jax.ShapeDtypeStruct((N, 2 * EMB), F32),
        jax.ShapeDtypeStruct((N, 2 * EMB), F32),
        jax.ShapeDtypeStruct((NC, N, D), F32),
    ),
    mesh=_MESH,
    scratch_types=[
        pltpu.VMEM((VCH,), jnp.int32),
        pltpu.VMEM((VCH,), jnp.int32),
        pltpu.VMEM((VCH, 2 * EMB), F32),
        pltpu.VMEM((VCH, 2 * EMB), F32),
        pltpu.VMEM((ECH,), jnp.int32),
        pltpu.VMEM((ECH, D), F32),
        pltpu.VMEM_SHARED((ND, D), F32),
        pltpu.SemaphoreType.DMA,
    ],
)
def _sc_embed_deg(user_t, item_t, u_idx, i_idx, dst, ones_in, zin,
                  u_out, i_out, deg_out,
                  uix, iix, urows, irows, dix, ones_v, deg_sh, sem):
    c = lax.axis_index("c")
    s = lax.axis_index("s")
    wid = s * NC + c

    pltpu.sync_copy(ones_in, ones_v)
    _zero_core_rows(deg_sh, zin, s)
    plsc.subcore_barrier()

    def deg_it(it, _):
        cid = it * NW + wid

        @pl.when(cid < NECH)
        def _():
            base = cid * ECH
            pltpu.sync_copy(dst.at[pl.ds(base, ECH)], dix)
            pltpu.sync_copy(ones_v, deg_sh.at[dix], add=True)
        return 0
    lax.fori_loop(0, EIT, deg_it, 0)
    plsc.subcore_barrier()
    _writeout_core_rows(deg_sh, deg_out, c, s)

    def emb_it(it, _):
        cid = it * NW + wid

        @pl.when(cid < NVCH)
        def _():
            base = cid * VCH
            pltpu.sync_copy(u_idx.at[pl.ds(base, VCH)], uix)
            pltpu.sync_copy(i_idx.at[pl.ds(base, VCH)], iix)
            cu = pltpu.async_copy(user_t.at[uix], urows, sem)
            ci = pltpu.async_copy(item_t.at[iix], irows, sem)
            cu.wait()
            ci.wait()
            pltpu.sync_copy(urows, u_out.at[pl.ds(base, VCH), :])
            pltpu.sync_copy(irows, i_out.at[pl.ds(base, VCH), :])
        return 0
    lax.fori_loop(0, VIT, emb_it, 0)


@functools.partial(
    pl.kernel,
    out_type=jax.ShapeDtypeStruct((NC, N, D), F32),
    mesh=_MESH,
    scratch_types=[
        pltpu.VMEM((ECH,), jnp.int32),
        pltpu.VMEM((ECH,), jnp.int32),
        pltpu.VMEM((ECH, D), F32),
        pltpu.VMEM_SHARED((ND, D), F32),
        pltpu.SemaphoreType.DMA,
    ],
)
def _sc_edge_sum(g, src, dst, zin, acc_out, six, dix, rows, acc_sh, sem):
    c = lax.axis_index("c")
    s = lax.axis_index("s")
    wid = s * NC + c

    _zero_core_rows(acc_sh, zin, s)
    plsc.subcore_barrier()

    def edge_it(it, _):
        cid = it * NW + wid

        @pl.when(cid < NECH)
        def _():
            base = cid * ECH
            pltpu.sync_copy(src.at[pl.ds(base, ECH)], six)
            pltpu.sync_copy(dst.at[pl.ds(base, ECH)], dix)
            pltpu.async_copy(g.at[six], rows, sem).wait()
            pltpu.sync_copy(rows, acc_sh.at[dix], add=True)
        return 0
    lax.fori_loop(0, EIT, edge_it, 0)
    plsc.subcore_barrier()
    _writeout_core_rows(acc_sh, acc_out, c, s)


@functools.partial(
    pl.kernel,
    out_type=jax.ShapeDtypeStruct((E, D), F32),
    mesh=_MESH,
    scratch_types=[
        pltpu.VMEM((ECH,), jnp.int32),
        pltpu.VMEM((ECH,), jnp.int32),
        pltpu.VMEM((ECH, D), F32),
        pltpu.VMEM((ECH, D), F32),
        pltpu.SemaphoreType.DMA,
    ],
)
def _sc_expand(meta_s, meta_d, src, dst, comb_out,
               six, dix, rows_s, rows_d, sem):
    c = lax.axis_index("c")
    s = lax.axis_index("s")
    wid = s * NC + c

    def edge_it(it, _):
        cid = it * NW + wid

        @pl.when(cid < NECH)
        def _():
            base = cid * ECH
            pltpu.sync_copy(src.at[pl.ds(base, ECH)], six)
            pltpu.sync_copy(dst.at[pl.ds(base, ECH)], dix)
            cs = pltpu.async_copy(meta_s.at[six], rows_s, sem)
            cd = pltpu.async_copy(meta_d.at[dix], rows_d, sem)
            cs.wait()
            cd.wait()

            def row_add(e, _):
                rows_s[e, pl.ds(0, L)] = (rows_s[e, pl.ds(0, L)]
                                          + rows_d[e, pl.ds(0, L)])
                return 0
            lax.fori_loop(0, ECH, row_add, 0)
            pltpu.sync_copy(rows_s, comb_out.at[pl.ds(base, ECH), :])
        return 0
    lax.fori_loop(0, EIT, edge_it, 0)


@functools.partial(
    pl.kernel,
    out_type=jax.ShapeDtypeStruct((NC, N, D), F32),
    mesh=_MESH,
    scratch_types=[
        pltpu.VMEM((ECH,), jnp.int32),
        pltpu.VMEM((ECH,), jnp.int32),
        pltpu.VMEM((ECH,), jnp.int32),
        pltpu.VMEM((ECH, D), F32),
        pltpu.VMEM((ECH, D), F32),
        pltpu.VMEM((ECH, D), F32),
        pltpu.VMEM((8, D), F32),
        pltpu.VMEM_SHARED((ND, D), F32),
        pltpu.SemaphoreType.DMA,
    ],
)
def _sc_den2(qm, src, dixa, dixb, masks, zin, den_out,
             six, da, db, rows, rowsa, rowsb, mrow, den_sh, sem):
    c = lax.axis_index("c")
    s = lax.axis_index("s")
    wid = s * NC + c

    pltpu.sync_copy(masks, mrow)
    pltpu.sync_copy(zin.at[pl.ds(0, ECH), :], rowsa)
    pltpu.sync_copy(zin.at[pl.ds(0, ECH), :], rowsb)
    _zero_core_rows(den_sh, zin, s)
    plsc.subcore_barrier()

    def edge_it(it, _):
        cid = it * NW + wid

        @pl.when(cid < NECH)
        def _():
            base = cid * ECH
            pltpu.sync_copy(src.at[pl.ds(base, ECH)], six)
            pltpu.sync_copy(dixa.at[pl.ds(base, ECH)], da)
            pltpu.sync_copy(dixb.at[pl.ds(base, ECH)], db)
            pltpu.async_copy(qm.at[six], rows, sem).wait()
            m0 = mrow[0, pl.ds(0, L)]
            m1 = mrow[1, pl.ds(0, L)]

            def row_mask(e, _):
                r = rows[e, pl.ds(0, L)]
                rowsa[e, pl.ds(0, L)] = r * m0
                rowsb[e, pl.ds(0, L)] = r * m1
                return 0
            lax.fori_loop(0, ECH, row_mask, 0)
            pltpu.sync_copy(rowsa, den_sh.at[da], add=True)
            pltpu.sync_copy(rowsb, den_sh.at[db], add=True)
        return 0
    lax.fori_loop(0, EIT, edge_it, 0)
    plsc.subcore_barrier()
    _writeout_core_rows(den_sh, den_out, c, s)


R = 1000
G = N // R


def _row_spec(cols):
    return pl.BlockSpec((R, cols), lambda i: (i, 0))


def _deg_spec():
    return pl.BlockSpec((NC, R, D), lambda i: (0, i, 0))


def _full_spec(r, cols):
    return pl.BlockSpec((r, cols), lambda i: (0, 0))


def _indeg(dref):
    return dref[0, :, 0] + dref[1, :, 0]


def _tca_body(u, i, pu, pi, d, W1u, W1i, b1, W2, b2, Wg, hg_o, g_o):
    lane = lax.broadcasted_iota(jnp.int32, (R, 2 * EMB), 1)
    low = (lane < EMB).astype(F32)
    mu = low * (1.0 - pu[:]) + (1.0 - low) * pu[:]
    mi = low * (1.0 - pi[:]) + (1.0 - low) * pi[:]
    h1 = jnp.maximum(
        jnp.dot(u[:] * mu, W1u[:], preferred_element_type=F32)
        + jnp.dot(i[:] * mi, W1i[:], preferred_element_type=F32)
        + b1[:], 0.0)
    h2 = jnp.maximum(jnp.dot(h1, W2[:], preferred_element_type=F32) + b2[:], 0.0)
    hg = jnp.dot(h2, Wg[:], preferred_element_type=F32)
    dinv = lax.rsqrt(_indeg(d) + 1.0)
    hg_o[:] = hg
    g_o[:] = hg * dinv[:, None]


def _tc_mlp(u_pack, i_pack, pu, pi, deg, W1u, W1i, b1, W2, b2, Wg):
    return pl.pallas_call(
        _tca_body,
        grid=(G,),
        in_specs=[
            _row_spec(2 * EMB), _row_spec(2 * EMB),
            _row_spec(1), _row_spec(1), _deg_spec(),
            _full_spec(2 * EMB, 1024), _full_spec(2 * EMB, 1024),
            _full_spec(1, 1024),
            _full_spec(1024, 512), _full_spec(1, 512),
            _full_spec(512, D),
        ],
        out_specs=[_row_spec(D), _row_spec(D)],
        out_shape=[
            jax.ShapeDtypeStruct((N, D), F32),
            jax.ShapeDtypeStruct((N, D), F32),
        ],
    )(u_pack, i_pack, pu, pi, deg, W1u, W1i, b1, W2, b2, Wg)


def _tcb_body(a0, a1, hg, d, bg, gam, bet, mu, var, o_ref):
    dinv = lax.rsqrt(_indeg(d) + 1.0)
    o = (a0[:] + a1[:]) * dinv[:, None] + hg[:] * (dinv * dinv)[:, None] + bg[:]
    o = gam[:] * (o - mu[:]) / jnp.sqrt(var[:] + 1e-5) + bet[:]
    o_ref[:] = jnp.maximum(o, 0.0)


def _tc_gcn_bn(a0, a1, hg, deg, bg, gam, bet, mu, var):
    return pl.pallas_call(
        _tcb_body,
        grid=(G,),
        in_specs=[
            _row_spec(D), _row_spec(D), _row_spec(D), _deg_spec(),
            _full_spec(1, D), _full_spec(1, D), _full_spec(1, D),
            _full_spec(1, D), _full_spec(1, D),
        ],
        out_specs=[_row_spec(D)],
        out_shape=[jax.ShapeDtypeStruct((N, D), F32)],
    )(a0, a1, hg, deg, bg, gam, bet, mu, var)[0]


def _tcc_body(a0, a1, hbn, d, Wl, Wr, bs, h3_o, gc_o):
    indeg = _indeg(d)
    aggr = (a0[:] + a1[:]) / jnp.maximum(indeg, 1.0)[:, None]
    h3 = jnp.maximum(
        jnp.dot(aggr, Wl[:], preferred_element_type=F32)
        + jnp.dot(hbn[:], Wr[:], preferred_element_type=F32) + bs[:], 0.0)
    dinv_c = jnp.where(indeg > 0, lax.rsqrt(jnp.maximum(indeg, 1.0)), 0.0)
    h3_o[:] = h3
    gc_o[:] = h3 * dinv_c[:, None]


def _tc_sage(a0, a1, hbn, deg, Wl, Wr, bs):
    return pl.pallas_call(
        _tcc_body,
        grid=(G,),
        in_specs=[
            _row_spec(D), _row_spec(D), _row_spec(D), _deg_spec(),
            _full_spec(D, D), _full_spec(D, D), _full_spec(1, D),
        ],
        out_specs=[_row_spec(D), _row_spec(D)],
        out_shape=[
            jax.ShapeDtypeStruct((N, D), F32),
            jax.ShapeDtypeStruct((N, D), F32),
        ],
    )(a0, a1, hbn, deg, Wl, Wr, bs)


def _tcd_body(t0, t1, h3, d, W0, W1c, bc, Wgat, avs, avd,
              hg4_o, g1_o, g2_o, ms_o, md_o, qm_o):
    indeg = _indeg(d)
    dinv_c = jnp.where(indeg > 0, lax.rsqrt(jnp.maximum(indeg, 1.0)), 0.0)
    tx1 = -(t0[:] + t1[:]) * dinv_c[:, None]
    h4 = jnp.maximum(
        jnp.dot(h3[:], W0[:], preferred_element_type=F32)
        + jnp.dot(tx1, W1c[:], preferred_element_type=F32) + bc[:], 0.0)
    hg4 = jnp.dot(h4, Wgat[:], preferred_element_type=F32)
    asv = jnp.sum(hg4 * avs[:], axis=-1)
    adv = jnp.sum(hg4 * avd[:], axis=-1)
    q1 = jnp.exp(asv)
    q2 = jnp.exp(0.2 * asv)
    lane = lax.broadcasted_iota(jnp.int32, (R, D), 1)
    l0 = (lane == 0).astype(F32)
    l1 = (lane == 1).astype(F32)
    hg4_o[:] = hg4
    g1_o[:] = hg4 * q1[:, None]
    g2_o[:] = hg4 * q2[:, None]
    ms_o[:] = asv[:, None] * l0
    md_o[:] = adv[:, None] * l1
    qm_o[:] = q1[:, None] * l0 + q2[:, None] * l1


def _tc_cheb_gatprep(t0, t1, h3, deg, W0, W1c, bc, Wgat, avs, avd):
    return pl.pallas_call(
        _tcd_body,
        grid=(G,),
        in_specs=[
            _row_spec(D), _row_spec(D), _row_spec(D), _deg_spec(),
            _full_spec(D, D), _full_spec(D, D), _full_spec(1, D),
            _full_spec(D, D), _full_spec(1, D), _full_spec(1, D),
        ],
        out_specs=[_row_spec(D), _row_spec(D), _row_spec(D),
                   _row_spec(D), _row_spec(D), _row_spec(D)],
        out_shape=[jax.ShapeDtypeStruct((N, D), F32)] * 6,
    )(t0, t1, h3, deg, W0, W1c, bc, Wgat, avs, avd)


EB = 4000
EG = E // EB


def _edge_spec(cols):
    return pl.BlockSpec((EB, cols), lambda i: (i, 0))


def _tcf_body(comb, dstb, dixa_o, dixb_o):
    t = comb[:, 0:1] + comb[:, 1:2]
    keep = t >= 0.0
    d = dstb[:]
    dixa_o[:] = jnp.where(keep, d, N)
    dixb_o[:] = jnp.where(keep, N, d)


def _tc_edge(comb, dst2d):
    return pl.pallas_call(
        _tcf_body,
        grid=(EG,),
        in_specs=[_edge_spec(D), _edge_spec(1)],
        out_specs=[_edge_spec(1), _edge_spec(1)],
        out_shape=[
            jax.ShapeDtypeStruct((E, 1), jnp.int32),
            jax.ShapeDtypeStruct((E, 1), jnp.int32),
        ],
    )(comb, dst2d)


def _tce_body(na0, na1, nb0, nb1, d0, d1, hg4, ms, md,
              bgat, Wp, bp, o_ref):
    a = ms[:, 0]
    b = md[:, 1]
    qd1 = jnp.exp(b)
    qd2 = jnp.exp(0.2 * b)
    t = a + b
    wself = jnp.exp(jnp.maximum(t, 0.2 * t))
    num = (qd1[:, None] * (na0[:] + na1[:])
           + qd2[:, None] * (nb0[:] + nb1[:])
           + wself[:, None] * hg4[:])
    den = (qd1 * (d0[:, 0] + d1[:, 0])
           + qd2 * (d0[:, 1] + d1[:, 1]) + wself)
    o = num / jnp.maximum(den, 1e-16)[:, None]
    h5 = o + bgat[:]
    h5 = jnp.where(h5 > 0, h5, jnp.exp(jnp.minimum(h5, 0.0)) - 1.0)
    o_ref[:] = jnp.dot(h5, Wp[:], preferred_element_type=F32) + bp[:]


def _tc_gat_pred(na0, na1, nb0, nb1, d0, d1, hg4, ms, md, bgat, Wp, bp):
    return pl.pallas_call(
        _tce_body,
        grid=(G,),
        in_specs=[
            _row_spec(D), _row_spec(D), _row_spec(D), _row_spec(D),
            _row_spec(D), _row_spec(D),
            _row_spec(D), _row_spec(D), _row_spec(D),
            _full_spec(1, D), _full_spec(D, 1), _full_spec(1, 1),
        ],
        out_specs=[_row_spec(1)],
        out_shape=[jax.ShapeDtypeStruct((N, 1), F32)],
    )(na0, na1, nb0, nb1, d0, d1, hg4, ms, md, bgat, Wp, bp)[0]


def kernel(x, edge_index, batch, user_table, item_table, W1, b1, W2, b2,
           W_gcn, b_gcn, bn_gamma, bn_beta, bn_mean, bn_var, W_sage_l,
           W_sage_r, b_sage, W_cheb0, W_cheb1, b_cheb, W_gat, a_src, a_dst,
           b_gat, W_pred, b_pred):
    u_idx = x[:, 0].astype(jnp.int32)
    i_idx = x[:, 1].astype(jnp.int32)
    src = edge_index[0].astype(jnp.int32)
    dst = edge_index[1].astype(jnp.int32)
    user_p = user_table.reshape(-1, 2 * EMB)
    item_p = item_table.reshape(-1, 2 * EMB)
    pu = (u_idx & 1).astype(F32).reshape(N, 1)
    pi = (i_idx & 1).astype(F32).reshape(N, 1)
    W1u2 = jnp.concatenate([W1[0:EMB], W1[0:EMB]], axis=0)
    W1i2 = jnp.concatenate([W1[EMB:2 * EMB], W1[EMB:2 * EMB]], axis=0)
    ones_in = jnp.concatenate(
        [jnp.ones((ECH, 1), F32), jnp.zeros((ECH, D - 1), F32)], axis=1)
    zin = jnp.zeros((WRB, D), F32)
    b1r = b1.reshape(1, -1)
    b2r = b2.reshape(1, -1)
    bgr = b_gcn.reshape(1, -1)
    gam = bn_gamma.reshape(1, -1)
    bet = bn_beta.reshape(1, -1)
    mu = bn_mean.reshape(1, -1)
    var = bn_var.reshape(1, -1)
    bsr = b_sage.reshape(1, -1)
    bcr = b_cheb.reshape(1, -1)
    bga = b_gat.reshape(1, -1)

    u_pack, i_pack, deg = _sc_embed_deg(user_p, item_p, u_idx >> 1,
                                        i_idx >> 1, dst, ones_in, zin)
    hg, g = _tc_mlp(u_pack, i_pack, pu, pi, deg, W1u2, W1i2, b1r, W2, b2r,
                    W_gcn)

    acc = _sc_edge_sum(g, src, dst, zin)
    hbn = _tc_gcn_bn(acc[0], acc[1], hg, deg, bgr, gam, bet, mu, var)

    aggr = _sc_edge_sum(hbn, src, dst, zin)
    h3, gc = _tc_sage(aggr[0], aggr[1], hbn, deg, W_sage_l, W_sage_r, bsr)

    tx = _sc_edge_sum(gc, src, dst, zin)
    hg4, g1, g2, ms, md, qm = _tc_cheb_gatprep(
        tx[0], tx[1], h3, deg, W_cheb0, W_cheb1, bcr, W_gat, a_src, a_dst)

    comb = _sc_expand(ms, md, src, dst)
    dixa, dixb = _tc_edge(comb, dst.reshape(E, 1))
    dixa = dixa.reshape(-1)
    dixb = dixb.reshape(-1)
    numa = _sc_edge_sum(g1, src, dixa, zin)
    numa, g2, dixb2 = lax.optimization_barrier((numa, g2, dixb))
    numb = _sc_edge_sum(g2, src, dixb2, zin)
    numb, qm1, dixa2, dixb3 = lax.optimization_barrier((numb, qm, dixa, dixb))
    lane = jnp.arange(D)
    masks = jnp.stack([(lane == 0).astype(F32), (lane == 1).astype(F32)]
                      + [jnp.zeros((D,), F32)] * 6, axis=0)
    den = _sc_den2(qm1, src, dixa2, dixb3, masks, zin)

    out = _tc_gat_pred(numa[0], numa[1], numb[0], numb[1],
                       den[0], den[1],
                       hg4, ms, md, bga, W_pred, b_pred.reshape(1, 1))
    return out.reshape(-1)

# --- scband reference (transcript-rebuilt; emitter-appended) ---
"""Pipeline reference for scband-ngcf-90881507983398 (READ-ONLY COPY).

The authoritative reference and input builder live on the scoring server;
editing this copy changes nothing except your own understanding.
"""

import jax, jax.numpy as jnp
import numpy as np

N_NODES = 10000
N_EDGES = 160000
NUM_USERS = 100000
NUM_ITEMS = 100000
EMB = 64
GCN_DIM = 128
EPS = 1e-5


def _gcn_conv(x, src, dst, W, b, n):
    h = x @ W
    loop = jnp.arange(n)
    src2 = jnp.concatenate([src, loop])
    dst2 = jnp.concatenate([dst, loop])
    deg = jax.ops.segment_sum(jnp.ones(src2.shape[0], dtype=h.dtype), dst2, num_segments=n)
    dinv = jnp.where(deg > 0, deg ** -0.5, 0.0)
    norm = dinv[src2] * dinv[dst2]
    out = jax.ops.segment_sum(h[src2] * norm[:, None], dst2, num_segments=n)
    return out + b


def _sage_conv(x, src, dst, Wl, Wr, b, n):
    deg = jax.ops.segment_sum(jnp.ones(src.shape[0], dtype=x.dtype), dst, num_segments=n)
    aggr = jax.ops.segment_sum(x[src], dst, num_segments=n) / jnp.maximum(deg, 1.0)[:, None]
    return aggr @ Wl + x @ Wr + b


def _cheb_conv(x, src, dst, W0, W1, b, n):
    deg = jax.ops.segment_sum(jnp.ones(src.shape[0], dtype=x.dtype), dst, num_segments=n)
    dinv = jnp.where(deg > 0, deg ** -0.5, 0.0)
    norm = -(dinv[src] * dinv[dst])
    tx1 = jax.ops.segment_sum(x[src] * norm[:, None], dst, num_segments=n)
    return x @ W0 + tx1 @ W1 + b


def _gat_conv(x, src, dst, W, a_src, a_dst, b, n, heads):
    d = W.shape[1] // heads
    h = (x @ W).reshape(n, heads, d)
    loop = jnp.arange(n)
    src2 = jnp.concatenate([src, loop])
    dst2 = jnp.concatenate([dst, loop])
    as_ = (h * a_src).sum(-1)
    ad_ = (h * a_dst).sum(-1)
    e = jax.nn.leaky_relu(as_[src2] + ad_[dst2], 0.2)
    emax = jax.ops.segment_max(e, dst2, num_segments=n)
    emax = jnp.where(jnp.isfinite(emax), emax, 0.0)
    ex = jnp.exp(e - emax[dst2])
    denom = jax.ops.segment_sum(ex, dst2, num_segments=n)
    alpha = ex / jnp.maximum(denom[dst2], 1e-16)
    out = jax.ops.segment_sum(h[src2] * alpha[:, :, None], dst2, num_segments=n)
    return out.mean(axis=1) + b


def setup_inputs(seed: int = 0):
    key = jax.random.key(seed)
    ks = jax.random.split(key, 28)
    def nrm(k, shape, scale=0.05):
        return jax.random.normal(k, shape, dtype=jnp.float32) * scale
    inp = {}
    inp["x"] = jax.random.randint(ks[0], (N_NODES, 2), 0, NUM_USERS)
    inp["edge_index"] = jax.random.randint(ks[1], (2, N_EDGES), 0, N_NODES)
    inp["batch"] = jnp.zeros((N_NODES,), dtype=jnp.int32)
    inp["user_table"] = nrm(ks[2], (NUM_USERS, EMB))
    inp["item_table"] = nrm(ks[3], (NUM_ITEMS, EMB))
    inp["W1"] = nrm(ks[4], (2 * EMB, 1024))
    inp["b1"] = jnp.zeros((1024,), jnp.float32)
    inp["W2"] = nrm(ks[5], (1024, 512))
    inp["b2"] = jnp.zeros((512,), jnp.float32)
    inp["W_gcn"] = nrm(ks[6], (512, GCN_DIM))
    inp["b_gcn"] = jnp.zeros((GCN_DIM,), jnp.float32)
    inp["bn_gamma"] = jnp.ones((GCN_DIM,), jnp.float32)
    inp["bn_beta"] = jnp.zeros((GCN_DIM,), jnp.float32)
    inp["bn_mean"] = jnp.zeros((GCN_DIM,), jnp.float32)
    inp["bn_var"] = jnp.ones((GCN_DIM,), jnp.float32)
    inp["W_sage_l"] = nrm(ks[7], (GCN_DIM, GCN_DIM))
    inp["W_sage_r"] = nrm(ks[8], (GCN_DIM, GCN_DIM))
    inp["b_sage"] = jnp.zeros((GCN_DIM,), jnp.float32)
    inp["W_cheb0"] = nrm(ks[9], (GCN_DIM, GCN_DIM))
    inp["W_cheb1"] = nrm(ks[10], (GCN_DIM, GCN_DIM))
    inp["b_cheb"] = jnp.zeros((GCN_DIM,), jnp.float32)
    inp["W_gat"] = nrm(ks[11], (GCN_DIM, GCN_DIM))
    inp["a_src"] = nrm(ks[12], (1, GCN_DIM))
    inp["a_dst"] = nrm(ks[13], (1, GCN_DIM))
    inp["b_gat"] = jnp.zeros((GCN_DIM,), jnp.float32)
    inp["W_pred"] = nrm(ks[14], (GCN_DIM, 1))
    inp["b_pred"] = jnp.zeros((1,), jnp.float32)
    return inp


def reference(x, edge_index, batch, user_table, item_table, W1, b1, W2, b2, W_gcn, b_gcn, bn_gamma, bn_beta, bn_mean, bn_var, W_sage_l, W_sage_r, b_sage, W_cheb0, W_cheb1, b_cheb, W_gat, a_src, a_dst, b_gat, W_pred, b_pred):
    n = x.shape[0]
    src, dst = edge_index[0], edge_index[1]
    u = user_table[x[:, 0]]
    i = item_table[x[:, 1]]
    h = jnp.concatenate([u, i], axis=1)
    h = jax.nn.relu(h @ W1 + b1)
    h = jax.nn.relu(h @ W2 + b2)
    h = _gcn_conv(h, src, dst, W_gcn, b_gcn, n)
    h = jax.nn.relu(bn_gamma * (h - bn_mean) / jnp.sqrt(bn_var + EPS) + bn_beta)
    h = jax.nn.relu(_sage_conv(h, src, dst, W_sage_l, W_sage_r, b_sage, n))
    h = jax.nn.relu(_cheb_conv(h, src, dst, W_cheb0, W_cheb1, b_cheb, n))
    h = jax.nn.elu(_gat_conv(h, src, dst, W_gat, a_src, a_dst, b_gat, n, 1))
    scores = (h @ W_pred + b_pred).squeeze(-1)
    return scores

if __name__ == "__main__":
    import jax
    _d = setup_inputs()
    print(jax.jit(kernel)(*tuple(_d.values())))

</pallas_src>

<mosaic_0001>
#map = affine_map<(d0, d1) -> (0, 0)>
#map1 = affine_map<(d0, d1) -> (0)>
#map2 = affine_map<(d0, d1) -> (0, 0, 0)>
module attributes {stable_mosaic.version = 14 : i64} {
  func.func @_sc_edge_sum(%arg0: i32, %arg1: i32, %arg2: memref<10000x128xf32, #tpu.memory_space<hbm>>, %arg3: memref<160000xi32, #tpu.memory_space<hbm>>, %arg4: memref<160000xi32, #tpu.memory_space<hbm>>, %arg5: memref<624x128xf32, #tpu.memory_space<hbm>>, %arg6: memref<2x10000x128xf32, #tpu.memory_space<hbm>>, %arg7: memref<128xi32, #tpu.memory_space<vmem>>, %arg8: memref<128xi32, #tpu.memory_space<vmem>>, %arg9: memref<128x128xf32, #tpu.memory_space<vmem>>, %arg10: memref<10016x128xf32, #tpu.memory_space<vmem_shared>>, %arg11: memref<!tpu.dma_semaphore, #tpu.memory_space<semaphore_mem>>) attributes {dimension_semantics = [#tpu.dimension_semantics<core_parallel>, #tpu.dimension_semantics<subcore_parallel>], iteration_bounds = array<i64: 2, 16>, scalar_prefetch = 0 : i64, scratch_operands = 5 : i64, tpu.core_type = #tpu.core_type<sc_vector_subcore>, window_params = [{transform_indices = #map}, {transform_indices = #map1}, {transform_indices = #map1}, {transform_indices = #map}, {transform_indices = #map2}]} {
    %mul3A = arith.constant 2 : i32
    %mul3A_0 = arith.muli %arg1, %mul3A : i32
    %add3A = arith.addi %mul3A_0, %arg0 : i32
    %mul3A_1 = arith.constant 624 : i32
    %mul3A_2 = arith.muli %arg1, %mul3A_1 : i32
    "tpu.region"() ({
      %run_scoped3A = tpu.sem_alloc : memref<!tpu.dma_semaphore, #tpu.memory_space<semaphore_mem>>
      %dma_start3A = arith.constant 0 : i32
      %dma_start3A_19 = tpu.memref_slice %arg10[%mul3A_2, %dma_start3A] : memref<10016x128xf32, #tpu.memory_space<vmem_shared>> -> memref<624x128xf32, #tpu.memory_space<vmem_shared>>
      tpu.enqueue_dma source(%arg5 : memref<624x128xf32, #tpu.memory_space<hbm>>) target(%dma_start3A_19 : memref<624x128xf32, #tpu.memory_space<vmem_shared>>) target_semaphore(%run_scoped3A : memref<!tpu.dma_semaphore, #tpu.memory_space<semaphore_mem>>)
      %dma_wait3A = arith.constant 0 : i32
      %dma_wait3A_20 = tpu.memref_slice %arg10[%mul3A_2, %dma_wait3A] : memref<10016x128xf32, #tpu.memory_space<vmem_shared>> -> memref<624x128xf32, #tpu.memory_space<vmem_shared>>
      tpu.wait_dma2 semaphore(%run_scoped3A : memref<!tpu.dma_semaphore, #tpu.memory_space<semaphore_mem>>) src(%arg5 : memref<624x128xf32, #tpu.memory_space<hbm>>) dst(%dma_wait3A_20 : memref<624x128xf32, #tpu.memory_space<vmem_shared>>)
      tpu.yield
    }) : () -> ()
    %eq3A = arith.constant 15 : i32
    %eq3A_3 = arith.cmpi eq, %arg1, %eq3A : i32
    %convert_element_type3A = arith.extui %eq3A_3 : i1 to i32
    %cond3A = arith.constant 0 : i32
    %cond3A_4 = arith.cmpi ne, %convert_element_type3A, %cond3A : i32
    scf.if %cond3A_4 {
      "tpu.region"() ({
        %run_scoped3A = tpu.sem_alloc : memref<!tpu.dma_semaphore, #tpu.memory_space<semaphore_mem>>
        %dma_start3A = arith.constant 9984 : i32
        %dma_start3A_19 = arith.constant 0 : i32
        %dma_start3A_20 = tpu.memref_slice %arg10[%dma_start3A, %dma_start3A_19] : memref<10016x128xf32, #tpu.memory_space<vmem_shared>> -> memref<16x128xf32, #tpu.memory_space<vmem_shared>>
        %dma_start3A_21 = arith.constant 0 : i32
        %dma_start3A_22 = arith.constant 0 : i32
        %dma_start3A_23 = tpu.memref_slice %arg5[%dma_start3A_21, %dma_start3A_22] : memref<624x128xf32, #tpu.memory_space<hbm>> -> memref<16x128xf32, #tpu.memory_space<hbm>>
        tpu.enqueue_dma source(%dma_start3A_23 : memref<16x128xf32, #tpu.memory_space<hbm>>) target(%dma_start3A_20 : memref<16x128xf32, #tpu.memory_space<vmem_shared>>) target_semaphore(%run_scoped3A : memref<!tpu.dma_semaphore, #tpu.memory_space<semaphore_mem>>)
        %dma_wait3A = arith.constant 9984 : i32
        %dma_wait3A_24 = arith.constant 0 : i32
        %dma_wait3A_25 = tpu.memref_slice %arg10[%dma_wait3A, %dma_wait3A_24] : memref<10016x128xf32, #tpu.memory_space<vmem_shared>> -> memref<16x128xf32, #tpu.memory_space<vmem_shared>>
        %dma_wait3A_26 = arith.constant 0 : i32
        %dma_wait3A_27 = arith.constant 0 : i32
        %dma_wait3A_28 = tpu.memref_slice %arg5[%dma_wait3A_26, %dma_wait3A_27] : memref<624x128xf32, #tpu.memory_space<hbm>> -> memref<16x128xf32, #tpu.memory_space<hbm>>
        tpu.wait_dma2 semaphore(%run_scoped3A : memref<!tpu.dma_semaphore, #tpu.memory_space<semaphore_mem>>) src(%dma_wait3A_28 : memref<16x128xf32, #tpu.memory_space<hbm>>) dst(%dma_wait3A_25 : memref<16x128xf32, #tpu.memory_space<vmem_shared>>)
        tpu.yield
      }) : () -> ()
    } else {
    }
    %barrier3A = arith.constant 0 : index
    tpu.barrier barrier_id(%barrier3A)
    %scan3A = arith.constant 0 : i32
    %scan3A_5 = arith.constant 0 : i32
    %scan3A_6 = arith.constant 40 : i32
    %scan3A_7 = arith.addi %scan3A_5, %scan3A_6 : i32
    %scan3A_8 = arith.constant 1 : i32
    %scan3A_9 = scf.for %scan3A_19 = %scan3A_5 to %scan3A_7 step %scan3A_8 iter_args(%scan3A_20 = %scan3A) -> (i32)  : i32 {
      %mul3A_21 = arith.constant 32 : i32
      %mul3A_22 = arith.muli %scan3A_19, %mul3A_21 : i32
      %add3A_23 = arith.addi %mul3A_22, %add3A : i32
      %lt3A = arith.constant 1250 : i32
      %lt3A_24 = arith.cmpi slt, %add3A_23, %lt3A : i32
      %convert_element_type3A_25 = arith.extui %lt3A_24 : i1 to i32
      %cond3A_26 = arith.constant 0 : i32
      %cond3A_27 = arith.cmpi ne, %convert_element_type3A_25, %cond3A_26 : i32
      scf.if %cond3A_27 {
        %mul3A_29 = arith.constant 128 : i32
        %mul3A_30 = arith.muli %add3A_23, %mul3A_29 : i32
        "tpu.region"() ({
          %run_scoped3A = tpu.sem_alloc : memref<!tpu.dma_semaphore, #tpu.memory_space<semaphore_mem>>
          %dma_start3A_35 = tpu.memref_slice %arg3[%mul3A_30] : memref<160000xi32, #tpu.memory_space<hbm>> -> memref<128xi32, #tpu.memory_space<hbm>>
          %dma_start3A_36 = tpu.memref_slice %arg3[%mul3A_30] : memref<160000xi32, #tpu.memory_space<hbm>> -> memref<128xi32, #tpu.memory_space<hbm>>
          tpu.enqueue_dma source(%dma_start3A_36 : memref<128xi32, #tpu.memory_space<hbm>>) target(%arg7 : memref<128xi32, #tpu.memory_space<vmem>>) target_semaphore(%run_scoped3A : memref<!tpu.dma_semaphore, #tpu.memory_space<semaphore_mem>>)
          %dma_wait3A_37 = tpu.memref_slice %arg3[%mul3A_30] : memref<160000xi32, #tpu.memory_space<hbm>> -> memref<128xi32, #tpu.memory_space<hbm>>
          %dma_wait3A_38 = tpu.memref_slice %arg3[%mul3A_30] : memref<160000xi32, #tpu.memory_space<hbm>> -> memref<128xi32, #tpu.memory_space<hbm>>
          tpu.wait_dma2 semaphore(%run_scoped3A : memref<!tpu.dma_semaphore, #tpu.memory_space<semaphore_mem>>) src(%dma_wait3A_38 : memref<128xi32, #tpu.memory_space<hbm>>) dst(%arg7 : memref<128xi32, #tpu.memory_space<vmem>>)
          tpu.yield
        }) : () -> ()
        "tpu.region"() ({
          %run_scoped3A = tpu.sem_alloc : memref<!tpu.dma_semaphore, #tpu.memory_space<semaphore_mem>>
          %dma_start3A_35 = tpu.memref_slice %arg4[%mul3A_30] : memref<160000xi32, #tpu.memory_space<hbm>> -> memref<128xi32, #tpu.memory_space<hbm>>
          %dma_start3A_36 = tpu.memref_slice %arg4[%mul3A_30] : memref<160000xi32, #tpu.memory_space<hbm>> -> memref<128xi32, #tpu.memory_space<hbm>>
          tpu.enqueue_dma source(%dma_start3A_36 : memref<128xi32, #tpu.memory_space<hbm>>) target(%arg8 : memref<128xi32, #tpu.memory_space<vmem>>) target_semaphore(%run_scoped3A : memref<!tpu.dma_semaphore, #tpu.memory_space<semaphore_mem>>)
          %dma_wait3A_37 = tpu.memref_slice %arg4[%mul3A_30] : memref<160000xi32, #tpu.memory_space<hbm>> -> memref<128xi32, #tpu.memory_space<hbm>>
          %dma_wait3A_38 = tpu.memref_slice %arg4[%mul3A_30] : memref<160000xi32, #tpu.memory_space<hbm>> -> memref<128xi32, #tpu.memory_space<hbm>>
          tpu.wait_dma2 semaphore(%run_scoped3A : memref<!tpu.dma_semaphore, #tpu.memory_space<semaphore_mem>>) src(%dma_wait3A_38 : memref<128xi32, #tpu.memory_space<hbm>>) dst(%arg8 : memref<128xi32, #tpu.memory_space<vmem>>)
          tpu.yield
        }) : () -> ()
        %dma_start3A = arith.constant 0 : i32
        %dma_start3A_31 = arith.constant 0 : i32
        %dma_start3A_32 = tpu.memref_slice %arg2[%dma_start3A, %dma_start3A_31] : memref<10000x128xf32, #tpu.memory_space<hbm>> -> memref<10000x128xf32, #tpu.memory_space<hbm>>
        tpu.enqueue_indirect_dma source(%dma_start3A_32 : memref<10000x128xf32, #tpu.memory_space<hbm>>) target(%arg9 : memref<128x128xf32, #tpu.memory_space<vmem>>) offsets(%arg7 : memref<128xi32, #tpu.memory_space<vmem>>) semaphore(%arg11 : memref<!tpu.dma_semaphore, #tpu.memory_space<semaphore_mem>>)
        %dma_wait3A = arith.constant 0 : i32
        %dma_wait3A_33 = arith.constant 0 : i32
        %dma_wait3A_34 = tpu.memref_slice %arg2[%dma_wait3A, %dma_wait3A_33] : memref<10000x128xf32, #tpu.memory_space<hbm>> -> memref<10000x128xf32, #tpu.memory_space<hbm>>
        tpu.wait_indirect_dma semaphore(%arg11 : memref<!tpu.dma_semaphore, #tpu.memory_space<semaphore_mem>>) src(%dma_wait3A_34 : memref<10000x128xf32, #tpu.memory_space<hbm>>) dst(%arg9 : memref<128x128xf32, #tpu.memory_space<vmem>>)
        "tpu.region"() ({
          %run_scoped3A = tpu.sem_alloc : memref<!tpu.dma_semaphore, #tpu.memory_space<semaphore_mem>>
          %dma_start3A_35 = arith.constant 0 : i32
          %dma_start3A_36 = arith.constant 0 : i32
          %dma_start3A_37 = tpu.memref_slice %arg10[%dma_start3A_35, %dma_start3A_36] : memref<10016x128xf32, #tpu.memory_space<vmem_shared>> -> memref<10016x128xf32, #tpu.memory_space<vmem_shared>>
          tpu.enqueue_indirect_dma source(%arg9 : memref<128x128xf32, #tpu.memory_space<vmem>>) target(%dma_start3A_37 : memref<10016x128xf32, #tpu.memory_space<vmem_shared>>) offsets(%arg8 : memref<128xi32, #tpu.memory_space<vmem>>) semaphore(%run_scoped3A : memref<!tpu.dma_semaphore, #tpu.memory_space<semaphore_mem>>) {add = true}
          %dma_wait3A_38 = arith.constant 0 : i32
          %dma_wait3A_39 = arith.constant 0 : i32
          %dma_wait3A_40 = tpu.memref_slice %arg10[%dma_wait3A_38, %dma_wait3A_39] : memref<10016x128xf32, #tpu.memory_space<vmem_shared>> -> memref<10016x128xf32, #tpu.memory_space<vmem_shared>>
          tpu.wait_indirect_dma semaphore(%run_scoped3A : memref<!tpu.dma_semaphore, #tpu.memory_space<semaphore_mem>>) src(%arg9 : memref<128x128xf32, #tpu.memory_space<vmem>>) dst(%dma_wait3A_40 : memref<10016x128xf32, #tpu.memory_space<vmem_shared>>)
          tpu.yield
        }) : () -> ()
      } else {
      }
      %scan3A_28 = arith.constant 0 : i32
      scf.yield %scan3A_28 : i32
    }
    %scan3A_10 = arith.constant 40 : i32
    %barrier3A_11 = arith.constant 0 : index
    tpu.barrier barrier_id(%barrier3A_11)
    %mul3A_12 = arith.constant 624 : i32
    %mul3A_13 = arith.muli %arg1, %mul3A_12 : i32
    "tpu.region"() ({
      %run_scoped3A = tpu.sem_alloc : memref<!tpu.dma_semaphore, #tpu.memory_space<semaphore_mem>>
      %dma_start3A = arith.constant 0 : i32
      %dma_start3A_19 = tpu.memref_slice %arg6[%arg0, %mul3A_13, %dma_start3A] : memref<2x10000x128xf32, #tpu.memory_space<hbm>> -> memref<1x624x128xf32, #tpu.memory_space<hbm>>
      %dma_start3A_20 = tpu.memref_squeeze %dma_start3A_19 : memref<1x624x128xf32, #tpu.memory_space<hbm>> -> memref<624x128xf32, #tpu.memory_space<hbm>>
      %dma_start3A_21 = arith.constant 0 : i32
      %dma_start3A_22 = tpu.memref_slice %arg10[%mul3A_13, %dma_start3A_21] : memref<10016x128xf32, #tpu.memory_space<vmem_shared>> -> memref<624x128xf32, #tpu.memory_space<vmem_shared>>
      tpu.enqueue_dma source(%dma_start3A_22 : memref<624x128xf32, #tpu.memory_space<vmem_shared>>) target(%dma_start3A_20 : memref<624x128xf32, #tpu.memory_space<hbm>>) target_semaphore(%run_scoped3A : memref<!tpu.dma_semaphore, #tpu.memory_space<semaphore_mem>>)
      %dma_wait3A = arith.constant 0 : i32
      %dma_wait3A_23 = tpu.memref_slice %arg6[%arg0, %mul3A_13, %dma_wait3A] : memref<2x10000x128xf32, #tpu.memory_space<hbm>> -> memref<1x624x128xf32, #tpu.memory_space<hbm>>
      %dma_wait3A_24 = tpu.memref_squeeze %dma_wait3A_23 : memref<1x624x128xf32, #tpu.memory_space<hbm>> -> memref<624x128xf32, #tpu.memory_space<hbm>>
      %dma_wait3A_25 = arith.constant 0 : i32
      %dma_wait3A_26 = tpu.memref_slice %arg10[%mul3A_13, %dma_wait3A_25] : memref<10016x128xf32, #tpu.memory_space<vmem_shared>> -> memref<624x128xf32, #tpu.memory_space<vmem_shared>>
      tpu.wait_dma2 semaphore(%run_scoped3A : memref<!tpu.dma_semaphore, #tpu.memory_space<semaphore_mem>>) src(%dma_wait3A_26 : memref<624x128xf32, #tpu.memory_space<vmem_shared>>) dst(%dma_wait3A_24 : memref<624x128xf32, #tpu.memory_space<hbm>>)
      tpu.yield
    }) : () -> ()
    %eq3A_14 = arith.constant 15 : i32
    %eq3A_15 = arith.cmpi eq, %arg1, %eq3A_14 : i32
    %convert_element_type3A_16 = arith.extui %eq3A_15 : i1 to i32
    %cond3A_17 = arith.constant 0 : i32
    %cond3A_18 = arith.cmpi ne, %convert_element_type3A_16, %cond3A_17 : i32
    scf.if %cond3A_18 {
      "tpu.region"() ({
        %run_scoped3A = tpu.sem_alloc : memref<!tpu.dma_semaphore, #tpu.memory_space<semaphore_mem>>
        %dma_start3A = arith.constant 9984 : i32
        %dma_start3A_19 = arith.constant 0 : i32
        %dma_start3A_20 = tpu.memref_slice %arg6[%arg0, %dma_start3A, %dma_start3A_19] : memref<2x10000x128xf32, #tpu.memory_space<hbm>> -> memref<1x16x128xf32, #tpu.memory_space<hbm>>
        %dma_start3A_21 = tpu.memref_squeeze %dma_start3A_20 : memref<1x16x128xf32, #tpu.memory_space<hbm>> -> memref<16x128xf32, #tpu.memory_space<hbm>>
        %dma_start3A_22 = arith.constant 9984 : i32
        %dma_start3A_23 = arith.constant 0 : i32
        %dma_start3A_24 = tpu.memref_slice %arg10[%dma_start3A_22, %dma_start3A_23] : memref<10016x128xf32, #tpu.memory_space<vmem_shared>> -> memref<16x128xf32, #tpu.memory_space<vmem_shared>>
        tpu.enqueue_dma source(%dma_start3A_24 : memref<16x128xf32, #tpu.memory_space<vmem_shared>>) target(%dma_start3A_21 : memref<16x128xf32, #tpu.memory_space<hbm>>) target_semaphore(%run_scoped3A : memref<!tpu.dma_semaphore, #tpu.memory_space<semaphore_mem>>)
        %dma_wait3A = arith.constant 9984 : i32
        %dma_wait3A_25 = arith.constant 0 : i32
        %dma_wait3A_26 = tpu.memref_slice %arg6[%arg0, %dma_wait3A, %dma_wait3A_25] : memref<2x10000x128xf32, #tpu.memory_space<hbm>> -> memref<1x16x128xf32, #tpu.memory_space<hbm>>
        %dma_wait3A_27 = tpu.memref_squeeze %dma_wait3A_26 : memref<1x16x128xf32, #tpu.memory_space<hbm>> -> memref<16x128xf32, #tpu.memory_space<hbm>>
        %dma_wait3A_28 = arith.constant 9984 : i32
        %dma_wait3A_29 = arith.constant 0 : i32
        %dma_wait3A_30 = tpu.memref_slice %arg10[%dma_wait3A_28, %dma_wait3A_29] : memref<10016x128xf32, #tpu.memory_space<vmem_shared>> -> memref<16x128xf32, #tpu.memory_space<vmem_shared>>
        tpu.wait_dma2 semaphore(%run_scoped3A : memref<!tpu.dma_semaphore, #tpu.memory_space<semaphore_mem>>) src(%dma_wait3A_30 : memref<16x128xf32, #tpu.memory_space<vmem_shared>>) dst(%dma_wait3A_27 : memref<16x128xf32, #tpu.memory_space<hbm>>)
        tpu.yield
      }) : () -> ()
    } else {
    }
    return
  }
}

#map = affine_map<(d0, d1) -> (0, 0)>
#map1 = affine_map<(d0, d1) -> (0)>
#map2 = affine_map<(d0, d1) -> (0, 0, 0)>
module attributes {stable_mosaic.version = 14 : i64} {
  func.func @_sc_embed_deg(%arg0: i32, %arg1: i32, %arg2: memref<50000x128xf32, #tpu.memory_space<hbm>>, %arg3: memref<50000x128xf32, #tpu.memory_space<hbm>>, %arg4: memref<10000xi32, #tpu.memory_space<hbm>>, %arg5: memref<10000xi32, #tpu.memory_space<hbm>>, %arg6: memref<160000xi32, #tpu.memory_space<hbm>>, %arg7: memref<128x128xf32, #tpu.memory_space<hbm>>, %arg8: memref<624x128xf32, #tpu.memory_space<hbm>>, %arg9: memref<10000x128xf32, #tpu.memory_space<hbm>>, %arg10: memref<10000x128xf32, #tpu.memory_space<hbm>>, %arg11: memref<2x10000x128xf32, #tpu.memory_space<hbm>>, %arg12: memref<80xi32, #tpu.memory_space<vmem>>, %arg13: memref<80xi32, #tpu.memory_space<vmem>>, %arg14: memref<80x128xf32, #tpu.memory_space<vmem>>, %arg15: memref<80x128xf32, #tpu.memory_space<vmem>>, %arg16: memref<128xi32, #tpu.memory_space<vmem>>, %arg17: memref<128x128xf32, #tpu.memory_space<vmem>>, %arg18: memref<10016x128xf32, #tpu.memory_space<vmem_shared>>, %arg19: memref<!tpu.dma_semaphore, #tpu.memory_space<semaphore_mem>>) attributes {dimension_semantics = [#tpu.dimension_semantics<core_parallel>, #tpu.dimension_semantics<subcore_parallel>], iteration_bounds = array<i64: 2, 16>, scalar_prefetch = 0 : i64, scratch_operands = 8 : i64, tpu.core_type = #tpu.core_type<sc_vector_subcore>, window_params = [{transform_indices = #map}, {transform_indices = #map}, {transform_indices = #map1}, {transform_indices = #map1}, {transform_indices = #map1}, {transform_indices = #map}, {transform_indices = #map}, {transform_indices = #map}, {transform_indices = #map}, {transform_indices = #map2}]} {
    %mul3A = arith.constant 2 : i32
    %mul3A_0 = arith.muli %arg1, %mul3A : i32
    %add3A = arith.addi %mul3A_0, %arg0 : i32
    "tpu.region"() ({
      %run_scoped3A = tpu.sem_alloc : memref<!tpu.dma_semaphore, #tpu.memory_space<semaphore_mem>>
      tpu.enqueue_dma source(%arg7 : memref<128x128xf32, #tpu.memory_space<hbm>>) target(%arg17 : memref<128x128xf32, #tpu.memory_space<vmem>>) target_semaphore(%run_scoped3A : memref<!tpu.dma_semaphore, #tpu.memory_space<semaphore_mem>>)
      tpu.wait_dma2 semaphore(%run_scoped3A : memref<!tpu.dma_semaphore, #tpu.memory_space<semaphore_mem>>) src(%arg7 : memref<128x128xf32, #tpu.memory_space<hbm>>) dst(%arg17 : memref<128x128xf32, #tpu.memory_space<vmem>>)
      tpu.yield
    }) : () -> ()
    %mul3A_1 = arith.constant 624 : i32
    %mul3A_2 = arith.muli %arg1, %mul3A_1 : i32
    "tpu.region"() ({
      %run_scoped3A = tpu.sem_alloc : memref<!tpu.dma_semaphore, #tpu.memory_space<semaphore_mem>>
      %dma_start3A = arith.constant 0 : i32
      %dma_start3A_26 = tpu.memref_slice %arg18[%mul3A_2, %dma_start3A] : memref<10016x128xf32, #tpu.memory_space<vmem_shared>> -> memref<624x128xf32, #tpu.memory_space<vmem_shared>>
      tpu.enqueue_dma source(%arg8 : memref<624x128xf32, #tpu.memory_space<hbm>>) target(%dma_start3A_26 : memref<624x128xf32, #tpu.memory_space<vmem_shared>>) target_semaphore(%run_scoped3A : memref<!tpu.dma_semaphore, #tpu.memory_space<semaphore_mem>>)
      %dma_wait3A = arith.constant 0 : i32
      %dma_wait3A_27 = tpu.memref_slice %arg18[%mul3A_2, %dma_wait3A] : memref<10016x128xf32, #tpu.memory_space<vmem_shared>> -> memref<624x128xf32, #tpu.memory_space<vmem_shared>>
      tpu.wait_dma2 semaphore(%run_scoped3A : memref<!tpu.dma_semaphore, #tpu.memory_space<semaphore_mem>>) src(%arg8 : memref<624x128xf32, #tpu.memory_space<hbm>>) dst(%dma_wait3A_27 : memref<624x128xf32, #tpu.memory_space<vmem_shared>>)
      tpu.yield
    }) : () -> ()
    %eq3A = arith.constant 15 : i32
    %eq3A_3 = arith.cmpi eq, %arg1, %eq3A : i32
    %convert_element_type3A = arith.extui %eq3A_3 : i1 to i32
    %cond3A = arith.constant 0 : i32
    %cond3A_4 = arith.cmpi ne, %convert_element_type3A, %cond3A : i32
    scf.if %cond3A_4 {
      "tpu.region"() ({
        %run_scoped3A = tpu.sem_alloc : memref<!tpu.dma_semaphore, #tpu.memory_space<semaphore_mem>>
        %dma_start3A = arith.constant 9984 : i32
        %dma_start3A_26 = arith.constant 0 : i32
        %dma_start3A_27 = tpu.memref_slice %arg18[%dma_start3A, %dma_start3A_26] : memref<10016x128xf32, #tpu.memory_space<vmem_shared>> -> memref<16x128xf32, #tpu.memory_space<vmem_shared>>
        %dma_start3A_28 = arith.constant 0 : i32
        %dma_start3A_29 = arith.constant 0 : i32
        %dma_start3A_30 = tpu.memref_slice %arg8[%dma_start3A_28, %dma_start3A_29] : memref<624x128xf32, #tpu.memory_space<hbm>> -> memref<16x128xf32, #tpu.memory_space<hbm>>
        tpu.enqueue_dma source(%dma_start3A_30 : memref<16x128xf32, #tpu.memory_space<hbm>>) target(%dma_start3A_27 : memref<16x128xf32, #tpu.memory_space<vmem_shared>>) target_semaphore(%run_scoped3A : memref<!tpu.dma_semaphore, #tpu.memory_space<semaphore_mem>>)
        %dma_wait3A = arith.constant 9984 : i32
        %dma_wait3A_31 = arith.constant 0 : i32
        %dma_wait3A_32 = tpu.memref_slice %arg18[%dma_wait3A, %dma_wait3A_31] : memref<10016x128xf32, #tpu.memory_space<vmem_shared>> -> memref<16x128xf32, #tpu.memory_space<vmem_shared>>
        %dma_wait3A_33 = arith.constant 0 : i32
        %dma_wait3A_34 = arith.constant 0 : i32
        %dma_wait3A_35 = tpu.memref_slice %arg8[%dma_wait3A_33, %dma_wait3A_34] : memref<624x128xf32, #tpu.memory_space<hbm>> -> memref<16x128xf32, #tpu.memory_space<hbm>>
        tpu.wait_dma2 semaphore(%run_scoped3A : memref<!tpu.dma_semaphore, #tpu.memory_space<semaphore_mem>>) src(%dma_wait3A_35 : memref<16x128xf32, #tpu.memory_space<hbm>>) dst(%dma_wait3A_32 : memref<16x128xf32, #tpu.memory_space<vmem_shared>>)
        tpu.yield
      }) : () -> ()
    } else {
    }
    %barrier3A = arith.constant 0 : index
    tpu.barrier barrier_id(%barrier3A)
    %scan3A = arith.constant 0 : i32
    %scan3A_5 = arith.constant 0 : i32
    %scan3A_6 = arith.constant 40 : i32
    %scan3A_7 = arith.addi %scan3A_5, %scan3A_6 : i32
    %scan3A_8 = arith.constant 1 : i32
    %scan3A_9 = scf.for %scan3A_26 = %scan3A_5 to %scan3A_7 step %scan3A_8 iter_args(%scan3A_27 = %scan3A) -> (i32)  : i32 {
      %mul3A_28 = arith.constant 32 : i32
      %mul3A_29 = arith.muli %scan3A_26, %mul3A_28 : i32
      %add3A_30 = arith.addi %mul3A_29, %add3A : i32
      %lt3A = arith.constant 1250 : i32
      %lt3A_31 = arith.cmpi slt, %add3A_30, %lt3A : i32
      %convert_element_type3A_32 = arith.extui %lt3A_31 : i1 to i32
      %cond3A_33 = arith.constant 0 : i32
      %cond3A_34 = arith.cmpi ne, %convert_element_type3A_32, %cond3A_33 : i32
      scf.if %cond3A_34 {
        %mul3A_36 = arith.constant 128 : i32
        %mul3A_37 = arith.muli %add3A_30, %mul3A_36 : i32
        "tpu.region"() ({
          %run_scoped3A = tpu.sem_alloc : memref<!tpu.dma_semaphore, #tpu.memory_space<semaphore_mem>>
          %dma_start3A = tpu.memref_slice %arg6[%mul3A_37] : memref<160000xi32, #tpu.memory_space<hbm>> -> memref<128xi32, #tpu.memory_space<hbm>>
          %dma_start3A_38 = tpu.memref_slice %arg6[%mul3A_37] : memref<160000xi32, #tpu.memory_space<hbm>> -> memref<128xi32, #tpu.memory_space<hbm>>
          tpu.enqueue_dma source(%dma_start3A_38 : memref<128xi32, #tpu.memory_space<hbm>>) target(%arg16 : memref<128xi32, #tpu.memory_space<vmem>>) target_semaphore(%run_scoped3A : memref<!tpu.dma_semaphore, #tpu.memory_space<semaphore_mem>>)
          %dma_wait3A = tpu.memref_slice %arg6[%mul3A_37] : memref<160000xi32, #tpu.memory_space<hbm>> -> memref<128xi32, #tpu.memory_space<hbm>>
          %dma_wait3A_39 = tpu.memref_slice %arg6[%mul3A_37] : memref<160000xi32, #tpu.memory_space<hbm>> -> memref<128xi32, #tpu.memory_space<hbm>>
          tpu.wait_dma2 semaphore(%run_scoped3A : memref<!tpu.dma_semaphore, #tpu.memory_space<semaphore_mem>>) src(%dma_wait3A_39 : memref<128xi32, #tpu.memory_space<hbm>>) dst(%arg16 : memref<128xi32, #tpu.memory_space<vmem>>)
          tpu.yield
        }) : () -> ()
        "tpu.region"() ({
          %run_scoped3A = tpu.sem_alloc : memref<!tpu.dma_semaphore, #tpu.memory_space<semaphore_mem>>
          %dma_start3A = arith.constant 0 : i32
          %dma_start3A_38 = arith.constant 0 : i32
          %dma_start3A_39 = tpu.memref_slice %arg18[%dma_start3A, %dma_start3A_38] : memref<10016x128xf32, #tpu.memory_space<vmem_shared>> -> memref<10016x128xf32, #tpu.memory_space<vmem_shared>>
          tpu.enqueue_indirect_dma source(%arg17 : memref<128x128xf32, #tpu.memory_space<vmem>>) target(%dma_start3A_39 : memref<10016x128xf32, #tpu.memory_space<vmem_shared>>) offsets(%arg16 : memref<128xi32, #tpu.memory_space<vmem>>) semaphore(%run_scoped3A : memref<!tpu.dma_semaphore, #tpu.memory_space<semaphore_mem>>) {add = true}
          %dma_wait3A = arith.constant 0 : i32
          %dma_wait3A_40 = arith.constant 0 : i32
          %dma_wait3A_41 = tpu.memref_slice %arg18[%dma_wait3A, %dma_wait3A_40] : memref<10016x128xf32, #tpu.memory_space<vmem_shared>> -> memref<10016x128xf32, #tpu.memory_space<vmem_shared>>
          tpu.wait_indirect_dma semaphore(%run_scoped3A : memref<!tpu.dma_semaphore, #tpu.memory_space<semaphore_mem>>) src(%arg17 : memref<128x128xf32, #tpu.memory_space<vmem>>) dst(%dma_wait3A_41 : memref<10016x128xf32, #tpu.memory_space<vmem_shared>>)
          tpu.yield
        }) : () -> ()
      } else {
      }
      %scan3A_35 = arith.constant 0 : i32
      scf.yield %scan3A_35 : i32
    }
    %scan3A_10 = arith.constant 40 : i32
    %barrier3A_11 = arith.constant 0 : index
    tpu.barrier barrier_id(%barrier3A_11)
    %mul3A_12 = arith.constant 624 : i32
    %mul3A_13 = arith.muli %arg1, %mul3A_12 : i32
    "tpu.region"() ({
      %run_scoped3A = tpu.sem_alloc : memref<!tpu.dma_semaphore, #tpu.memory_space<semaphore_mem>>
      %dma_start3A = arith.constant 0 : i32
      %dma_start3A_26 = tpu.memref_slice %arg11[%arg0, %mul3A_13, %dma_start3A] : memref<2x10000x128xf32, #tpu.memory_space<hbm>> -> memref<1x624x128xf32, #tpu.memory_space<hbm>>
      %dma_start3A_27 = tpu.memref_squeeze %dma_start3A_26 : memref<1x624x128xf32, #tpu.memory_space<hbm>> -> memref<624x128xf32, #tpu.memory_space<hbm>>
      %dma_start3A_28 = arith.constant 0 : i32
      %dma_start3A_29 = tpu.memref_slice %arg18[%mul3A_13, %dma_start3A_28] : memref<10016x128xf32, #tpu.memory_space<vmem_shared>> -> memref<624x128xf32, #tpu.memory_space<vmem_shared>>
      tpu.enqueue_dma source(%dma_start3A_29 : memref<624x128xf32, #tpu.memory_space<vmem_shared>>) target(%dma_start3A_27 : memref<624x128xf32, #tpu.memory_space<hbm>>) target_semaphore(%run_scoped3A : memref<!tpu.dma_semaphore, #tpu.memory_space<semaphore_mem>>)
      %dma_wait3A = arith.constant 0 : i32
      %dma_wait3A_30 = tpu.memref_slice %arg11[%arg0, %mul3A_13, %dma_wait3A] : memref<2x10000x128xf32, #tpu.memory_space<hbm>> -> memref<1x624x128xf32, #tpu.memory_space<hbm>>
      %dma_wait3A_31 = tpu.memref_squeeze %dma_wait3A_30 : memref<1x624x128xf32, #tpu.memory_space<hbm>> -> memref<624x128xf32, #tpu.memory_space<hbm>>
      %dma_wait3A_32 = arith.constant 0 : i32
      %dma_wait3A_33 = tpu.memref_slice %arg18[%mul3A_13, %dma_wait3A_32] : memref<10016x128xf32, #tpu.memory_space<vmem_shared>> -> memref<624x128xf32, #tpu.memory_space<vmem_shared>>
      tpu.wait_dma2 semaphore(%run_scoped3A : memref<!tpu.dma_semaphore, #tpu.memory_space<semaphore_mem>>) src(%dma_wait3A_33 : memref<624x128xf32, #tpu.memory_space<vmem_shared>>) dst(%dma_wait3A_31 : memref<624x128xf32, #tpu.memory_space<hbm>>)
      tpu.yield
    }) : () -> ()
    %eq3A_14 = arith.constant 15 : i32
    %eq3A_15 = arith.cmpi eq, %arg1, %eq3A_14 : i32
    %convert_element_type3A_16 = arith.extui %eq3A_15 : i1 to i32
    %cond3A_17 = arith.constant 0 : i32
    %cond3A_18 = arith.cmpi ne, %convert_element_type3A_16, %cond3A_17 : i32
    scf.if %cond3A_18 {
      "tpu.region"() ({
        %run_scoped3A = tpu.sem_alloc : memref<!tpu.dma_semaphore, #tpu.memory_space<semaphore_mem>>
        %dma_start3A = arith.constant 9984 : i32
        %dma_start3A_26 = arith.constant 0 : i32
        %dma_start3A_27 = tpu.memref_slice %arg11[%arg0, %dma_start3A, %dma_start3A_26] : memref<2x10000x128xf32, #tpu.memory_space<hbm>> -> memref<1x16x128xf32, #tpu.memory_space<hbm>>
        %dma_start3A_28 = tpu.memref_squeeze %dma_start3A_27 : memref<1x16x128xf32, #tpu.memory_space<hbm>> -> memref<16x128xf32, #tpu.memory_space<hbm>>
        %dma_start3A_29 = arith.constant 9984 : i32
        %dma_start3A_30 = arith.constant 0 : i32
        %dma_start3A_31 = tpu.memref_slice %arg18[%dma_start3A_29, %dma_start3A_30] : memref<10016x128xf32, #tpu.memory_space<vmem_shared>> -> memref<16x128xf32, #tpu.memory_space<vmem_shared>>
        tpu.enqueue_dma source(%dma_start3A_31 : memref<16x128xf32, #tpu.memory_space<vmem_shared>>) target(%dma_start3A_28 : memref<16x128xf32, #tpu.memory_space<hbm>>) target_semaphore(%run_scoped3A : memref<!tpu.dma_semaphore, #tpu.memory_space<semaphore_mem>>)
        %dma_wait3A = arith.constant 9984 : i32
        %dma_wait3A_32 = arith.constant 0 : i32
        %dma_wait3A_33 = tpu.memref_slice %arg11[%arg0, %dma_wait3A, %dma_wait3A_32] : memref<2x10000x128xf32, #tpu.memory_space<hbm>> -> memref<1x16x128xf32, #tpu.memory_space<hbm>>
        %dma_wait3A_34 = tpu.memref_squeeze %dma_wait3A_33 : memref<1x16x128xf32, #tpu.memory_space<hbm>> -> memref<16x128xf32, #tpu.memory_space<hbm>>
        %dma_wait3A_35 = arith.constant 9984 : i32
        %dma_wait3A_36 = arith.constant 0 : i32
        %dma_wait3A_37 = tpu.memref_slice %arg18[%dma_wait3A_35, %dma_wait3A_36] : memref<10016x128xf32, #tpu.memory_space<vmem_shared>> -> memref<16x128xf32, #tpu.memory_space<vmem_shared>>
        tpu.wait_dma2 semaphore(%run_scoped3A : memref<!tpu.dma_semaphore, #tpu.memory_space<semaphore_mem>>) src(%dma_wait3A_37 : memref<16x128xf32, #tpu.memory_space<vmem_shared>>) dst(%dma_wait3A_34 : memref<16x128xf32, #tpu.memory_space<hbm>>)
        tpu.yield
      }) : () -> ()
    } else {
    }
    %scan3A_19 = arith.constant 0 : i32
    %scan3A_20 = arith.constant 0 : i32
    %scan3A_21 = arith.constant 4 : i32
    %scan3A_22 = arith.addi %scan3A_20, %scan3A_21 : i32
    %scan3A_23 = arith.constant 1 : i32
    %scan3A_24 = scf.for %scan3A_26 = %scan3A_20 to %scan3A_22 step %scan3A_23 iter_args(%scan3A_27 = %scan3A_19) -> (i32)  : i32 {
      %mul3A_28 = arith.constant 32 : i32
      %mul3A_29 = arith.muli %scan3A_26, %mul3A_28 : i32
      %add3A_30 = arith.addi %mul3A_29, %add3A : i32
      %lt3A = arith.constant 125 : i32
      %lt3A_31 = arith.cmpi slt, %add3A_30, %lt3A : i32
      %convert_element_type3A_32 = arith.extui %lt3A_31 : i1 to i32
      %cond3A_33 = arith.constant 0 : i32
      %cond3A_34 = arith.cmpi ne, %convert_element_type3A_32, %cond3A_33 : i32
      scf.if %cond3A_34 {
        %mul3A_36 = arith.constant 80 : i32
        %mul3A_37 = arith.muli %add3A_30, %mul3A_36 : i32
        "tpu.region"() ({
          %run_scoped3A = tpu.sem_alloc : memref<!tpu.dma_semaphore, #tpu.memory_space<semaphore_mem>>
          %dma_start3A_48 = tpu.memref_slice %arg4[%mul3A_37] : memref<10000xi32, #tpu.memory_space<hbm>> -> memref<80xi32, #tpu.memory_space<hbm>>
          %dma_start3A_49 = tpu.memref_slice %arg4[%mul3A_37] : memref<10000xi32, #tpu.memory_space<hbm>> -> memref<80xi32, #tpu.memory_space<hbm>>
          tpu.enqueue_dma source(%dma_start3A_49 : memref<80xi32, #tpu.memory_space<hbm>>) target(%arg12 : memref<80xi32, #tpu.memory_space<vmem>>) target_semaphore(%run_scoped3A : memref<!tpu.dma_semaphore, #tpu.memory_space<semaphore_mem>>)
          %dma_wait3A_50 = tpu.memref_slice %arg4[%mul3A_37] : memref<10000xi32, #tpu.memory_space<hbm>> -> memref<80xi32, #tpu.memory_space<hbm>>
          %dma_wait3A_51 = tpu.memref_slice %arg4[%mul3A_37] : memref<10000xi32, #tpu.memory_space<hbm>> -> memref<80xi32, #tpu.memory_space<hbm>>
          tpu.wait_dma2 semaphore(%run_scoped3A : memref<!tpu.dma_semaphore, #tpu.memory_space<semaphore_mem>>) src(%dma_wait3A_51 : memref<80xi32, #tpu.memory_space<hbm>>) dst(%arg12 : memref<80xi32, #tpu.memory_space<vmem>>)
          tpu.yield
        }) : () -> ()
        "tpu.region"() ({
          %run_scoped3A = tpu.sem_alloc : memref<!tpu.dma_semaphore, #tpu.memory_space<semaphore_mem>>
          %dma_start3A_48 = tpu.memref_slice %arg5[%mul3A_37] : memref<10000xi32, #tpu.memory_space<hbm>> -> memref<80xi32, #tpu.memory_space<hbm>>
          %dma_start3A_49 = tpu.memref_slice %arg5[%mul3A_37] : memref<10000xi32, #tpu.memory_space<hbm>> -> memref<80xi32, #tpu.memory_space<hbm>>
          tpu.enqueue_dma source(%dma_start3A_49 : memref<80xi32, #tpu.memory_space<hbm>>) target(%arg13 : memref<80xi32, #tpu.memory_space<vmem>>) target_semaphore(%run_scoped3A : memref<!tpu.dma_semaphore, #tpu.memory_space<semaphore_mem>>)
          %dma_wait3A_50 = tpu.memref_slice %arg5[%mul3A_37] : memref<10000xi32, #tpu.memory_space<hbm>> -> memref<80xi32, #tpu.memory_space<hbm>>
          %dma_wait3A_51 = tpu.memref_slice %arg5[%mul3A_37] : memref<10000xi32, #tpu.memory_space<hbm>> -> memref<80xi32, #tpu.memory_space<hbm>>
          tpu.wait_dma2 semaphore(%run_scoped3A : memref<!tpu.dma_semaphore, #tpu.memory_space<semaphore_mem>>) src(%dma_wait3A_51 : memref<80xi32, #tpu.memory_space<hbm>>) dst(%arg13 : memref<80xi32, #tpu.memory_space<vmem>>)
          tpu.yield
        }) : () -> ()
        %dma_start3A = arith.constant 0 : i32
        %dma_start3A_38 = arith.constant 0 : i32
        %dma_start3A_39 = tpu.memref_slice %arg2[%dma_start3A, %dma_start3A_38] : memref<50000x128xf32, #tpu.memory_space<hbm>> -> memref<50000x128xf32, #tpu.memory_space<hbm>>
        tpu.enqueue_indirect_dma source(%dma_start3A_39 : memref<50000x128xf32, #tpu.memory_space<hbm>>) target(%arg14 : memref<80x128xf32, #tpu.memory_space<vmem>>) offsets(%arg12 : memref<80xi32, #tpu.memory_space<vmem>>) semaphore(%arg19 : memref<!tpu.dma_semaphore, #tpu.memory_space<semaphore_mem>>)
        %dma_start3A_40 = arith.constant 0 : i32
        %dma_start3A_41 = arith.constant 0 : i32
        %dma_start3A_42 = tpu.memref_slice %arg3[%dma_start3A_40, %dma_start3A_41] : memref<50000x128xf32, #tpu.memory_space<hbm>> -> memref<50000x128xf32, #tpu.memory_space<hbm>>
        tpu.enqueue_indirect_dma source(%dma_start3A_42 : memref<50000x128xf32, #tpu.memory_space<hbm>>) target(%arg15 : memref<80x128xf32, #tpu.memory_space<vmem>>) offsets(%arg13 : memref<80xi32, #tpu.memory_space<vmem>>) semaphore(%arg19 : memref<!tpu.dma_semaphore, #tpu.memory_space<semaphore_mem>>)
        %dma_wait3A = arith.constant 0 : i32
        %dma_wait3A_43 = arith.constant 0 : i32
        %dma_wait3A_44 = tpu.memref_slice %arg2[%dma_wait3A, %dma_wait3A_43] : memref<50000x128xf32, #tpu.memory_space<hbm>> -> memref<50000x128xf32, #tpu.memory_space<hbm>>
        tpu.wait_indirect_dma semaphore(%arg19 : memref<!tpu.dma_semaphore, #tpu.memory_space<semaphore_mem>>) src(%dma_wait3A_44 : memref<50000x128xf32, #tpu.memory_space<hbm>>) dst(%arg14 : memref<80x128xf32, #tpu.memory_space<vmem>>)
        %dma_wait3A_45 = arith.constant 0 : i32
        %dma_wait3A_46 = arith.constant 0 : i32
        %dma_wait3A_47 = tpu.memref_slice %arg3[%dma_wait3A_45, %dma_wait3A_46] : memref<50000x128xf32, #tpu.memory_space<hbm>> -> memref<50000x128xf32, #tpu.memory_space<hbm>>
        tpu.wait_indirect_dma semaphore(%arg19 : memref<!tpu.dma_semaphore, #tpu.memory_space<semaphore_mem>>) src(%dma_wait3A_47 : memref<50000x128xf32, #tpu.memory_space<hbm>>) dst(%arg15 : memref<80x128xf32, #tpu.memory_space<vmem>>)
        "tpu.region"() ({
          %run_scoped3A = tpu.sem_alloc : memref<!tpu.dma_semaphore, #tpu.memory_space<semaphore_mem>>
          %dma_start3A_48 = arith.constant 0 : i32
          %dma_start3A_49 = tpu.memref_slice %arg9[%mul3A_37, %dma_start3A_48] : memref<10000x128xf32, #tpu.memory_space<hbm>> -> memref<80x128xf32, #tpu.memory_space<hbm>>
          %dma_start3A_50 = arith.constant 0 : i32
          %dma_start3A_51 = tpu.memref_slice %arg9[%mul3A_37, %dma_start3A_50] : memref<10000x128xf32, #tpu.memory_space<hbm>> -> memref<80x128xf32, #tpu.memory_space<hbm>>
          tpu.enqueue_dma source(%arg14 : memref<80x128xf32, #tpu.memory_space<vmem>>) target(%dma_start3A_51 : memref<80x128xf32, #tpu.memory_space<hbm>>) target_semaphore(%run_scoped3A : memref<!tpu.dma_semaphore, #tpu.memory_space<semaphore_mem>>)
          %dma_wait3A_52 = arith.constant 0 : i32
          %dma_wait3A_53 = tpu.memref_slice %arg9[%mul3A_37, %dma_wait3A_52] : memref<10000x128xf32, #tpu.memory_space<hbm>> -> memref<80x128xf32, #tpu.memory_space<hbm>>
          %dma_wait3A_54 = arith.constant 0 : i32
          %dma_wait3A_55 = tpu.memref_slice %arg9[%mul3A_37, %dma_wait3A_54] : memref<10000x128xf32, #tpu.memory_space<hbm>> -> memref<80x128xf32, #tpu.memory_space<hbm>>
          tpu.wait_dma2 semaphore(%run_scoped3A : memref<!tpu.dma_semaphore, #tpu.memory_space<semaphore_mem>>) src(%arg14 : memref<80x128xf32, #tpu.memory_space<vmem>>) dst(%dma_wait3A_55 : memref<80x128xf32, #tpu.memory_space<hbm>>)
          tpu.yield
        }) : () -> ()
        "tpu.region"() ({
          %run_scoped3A = tpu.sem_alloc : memref<!tpu.dma_semaphore, #tpu.memory_space<semaphore_mem>>
          %dma_start3A_48 = arith.constant 0 : i32
          %dma_start3A_49 = tpu.memref_slice %arg10[%mul3A_37, %dma_start3A_48] : memref<10000x128xf32, #tpu.memory_space<hbm>> -> memref<80x128xf32, #tpu.memory_space<hbm>>
          %dma_start3A_50 = arith.constant 0 : i32
          %dma_start3A_51 = tpu.memref_slice %arg10[%mul3A_37, %dma_start3A_50] : memref<10000x128xf32, #tpu.memory_space<hbm>> -> memref<80x128xf32, #tpu.memory_space<hbm>>
          tpu.enqueue_dma source(%arg15 : memref<80x128xf32, #tpu.memory_space<vmem>>) target(%dma_start3A_51 : memref<80x128xf32, #tpu.memory_space<hbm>>) target_semaphore(%run_scoped3A : memref<!tpu.dma_semaphore, #tpu.memory_space<semaphore_mem>>)
          %dma_wait3A_52 = arith.constant 0 : i32
          %dma_wait3A_53 = tpu.memref_slice %arg10[%mul3A_37, %dma_wait3A_52] : memref<10000x128xf32, #tpu.memory_space<hbm>> -> memref<80x128xf32, #tpu.memory_space<hbm>>
          %dma_wait3A_54 = arith.constant 0 : i32
          %dma_wait3A_55 = tpu.memref_slice %arg10[%mul3A_37, %dma_wait3A_54] : memref<10000x128xf32, #tpu.memory_space<hbm>> -> memref<80x128xf32, #tpu.memory_space<hbm>>
          tpu.wait_dma2 semaphore(%run_scoped3A : memref<!tpu.dma_semaphore, #tpu.memory_space<semaphore_mem>>) src(%arg15 : memref<80x128xf32, #tpu.memory_space<vmem>>) dst(%dma_wait3A_55 : memref<80x128xf32, #tpu.memory_space<hbm>>)
          tpu.yield
        }) : () -> ()
      } else {
      }
      %scan3A_35 = arith.constant 0 : i32
      scf.yield %scan3A_35 : i32
    }
    %scan3A_25 = arith.constant 4 : i32
    return
  }
}

#map = affine_map<(d0, d1) -> (0, 0)>
#map1 = affine_map<(d0, d1) -> (0)>
#map2 = affine_map<(d0, d1) -> (0, 0, 0)>
module attributes {stable_mosaic.version = 14 : i64} {
  func.func @_sc_edge_sum(%arg0: i32, %arg1: i32, %arg2: memref<10000x128xf32, #tpu.memory_space<hbm>>, %arg3: memref<160000xi32, #tpu.memory_space<hbm>>, %arg4: memref<160000xi32, #tpu.memory_space<hbm>>, %arg5: memref<624x128xf32, #tpu.memory_space<hbm>>, %arg6: memref<2x10000x128xf32, #tpu.memory_space<hbm>>, %arg7: memref<128xi32, #tpu.memory_space<vmem>>, %arg8: memref<128xi32, #tpu.memory_space<vmem>>, %arg9: memref<128x128xf32, #tpu.memory_space<vmem>>, %arg10: memref<10016x128xf32, #tpu.memory_space<vmem_shared>>, %arg11: memref<!tpu.dma_semaphore, #tpu.memory_space<semaphore_mem>>) attributes {dimension_semantics = [#tpu.dimension_semantics<core_parallel>, #tpu.dimension_semantics<subcore_parallel>], iteration_bounds = array<i64: 2, 16>, scalar_prefetch = 0 : i64, scratch_operands = 5 : i64, tpu.core_type = #tpu.core_type<sc_vector_subcore>, window_params = [{transform_indices = #map}, {transform_indices = #map1}, {transform_indices = #map1}, {transform_indices = #map}, {transform_indices = #map2}]} {
    %mul3A = arith.constant 2 : i32
    %mul3A_0 = arith.muli %arg1, %mul3A : i32
    %add3A = arith.addi %mul3A_0, %arg0 : i32
    %mul3A_1 = arith.constant 624 : i32
    %mul3A_2 = arith.muli %arg1, %mul3A_1 : i32
    "tpu.region"() ({
      %run_scoped3A = tpu.sem_alloc : memref<!tpu.dma_semaphore, #tpu.memory_space<semaphore_mem>>
      %dma_start3A = arith.constant 0 : i32
      %dma_start3A_19 = tpu.memref_slice %arg10[%mul3A_2, %dma_start3A] : memref<10016x128xf32, #tpu.memory_space<vmem_shared>> -> memref<624x128xf32, #tpu.memory_space<vmem_shared>>
      tpu.enqueue_dma source(%arg5 : memref<624x128xf32, #tpu.memory_space<hbm>>) target(%dma_start3A_19 : memref<624x128xf32, #tpu.memory_space<vmem_shared>>) target_semaphore(%run_scoped3A : memref<!tpu.dma_semaphore, #tpu.memory_space<semaphore_mem>>)
      %dma_wait3A = arith.constant 0 : i32
      %dma_wait3A_20 = tpu.memref_slice %arg10[%mul3A_2, %dma_wait3A] : memref<10016x128xf32, #tpu.memory_space<vmem_shared>> -> memref<624x128xf32, #tpu.memory_space<vmem_shared>>
      tpu.wait_dma2 semaphore(%run_scoped3A : memref<!tpu.dma_semaphore, #tpu.memory_space<semaphore_mem>>) src(%arg5 : memref<624x128xf32, #tpu.memory_space<hbm>>) dst(%dma_wait3A_20 : memref<624x128xf32, #tpu.memory_space<vmem_shared>>)
      tpu.yield
    }) : () -> ()
    %eq3A = arith.constant 15 : i32
    %eq3A_3 = arith.cmpi eq, %arg1, %eq3A : i32
    %convert_element_type3A = arith.extui %eq3A_3 : i1 to i32
    %cond3A = arith.constant 0 : i32
    %cond3A_4 = arith.cmpi ne, %convert_element_type3A, %cond3A : i32
    scf.if %cond3A_4 {
      "tpu.region"() ({
        %run_scoped3A = tpu.sem_alloc : memref<!tpu.dma_semaphore, #tpu.memory_space<semaphore_mem>>
        %dma_start3A = arith.constant 9984 : i32
        %dma_start3A_19 = arith.constant 0 : i32
        %dma_start3A_20 = tpu.memref_slice %arg10[%dma_start3A, %dma_start3A_19] : memref<10016x128xf32, #tpu.memory_space<vmem_shared>> -> memref<16x128xf32, #tpu.memory_space<vmem_shared>>
        %dma_start3A_21 = arith.constant 0 : i32
        %dma_start3A_22 = arith.constant 0 : i32
        %dma_start3A_23 = tpu.memref_slice %arg5[%dma_start3A_21, %dma_start3A_22] : memref<624x128xf32, #tpu.memory_space<hbm>> -> memref<16x128xf32, #tpu.memory_space<hbm>>
        tpu.enqueue_dma source(%dma_start3A_23 : memref<16x128xf32, #tpu.memory_space<hbm>>) target(%dma_start3A_20 : memref<16x128xf32, #tpu.memory_space<vmem_shared>>) target_semaphore(%run_scoped3A : memref<!tpu.dma_semaphore, #tpu.memory_space<semaphore_mem>>)
        %dma_wait3A = arith.constant 9984 : i32
        %dma_wait3A_24 = arith.constant 0 : i32
        %dma_wait3A_25 = tpu.memref_slice %arg10[%dma_wait3A, %dma_wait3A_24] : memref<10016x128xf32, #tpu.memory_space<vmem_shared>> -> memref<16x128xf32, #tpu.memory_space<vmem_shared>>
        %dma_wait3A_26 = arith.constant 0 : i32
        %dma_wait3A_27 = arith.constant 0 : i32
        %dma_wait3A_28 = tpu.memref_slice %arg5[%dma_wait3A_26, %dma_wait3A_27] : memref<624x128xf32, #tpu.memory_space<hbm>> -> memref<16x128xf32, #tpu.memory_space<hbm>>
        tpu.wait_dma2 semaphore(%run_scoped3A : memref<!tpu.dma_semaphore, #tpu.memory_space<semaphore_mem>>) src(%dma_wait3A_28 : memref<16x128xf32, #tpu.memory_space<hbm>>) dst(%dma_wait3A_25 : memref<16x128xf32, #tpu.memory_space<vmem_shared>>)
        tpu.yield
      }) : () -> ()
    } else {
    }
    %barrier3A = arith.constant 0 : index
    tpu.barrier barrier_id(%barrier3A)
    %scan3A = arith.constant 0 : i32
    %scan3A_5 = arith.constant 0 : i32
    %scan3A_6 = arith.constant 40 : i32
    %scan3A_7 = arith.addi %scan3A_5, %scan3A_6 : i32
    %scan3A_8 = arith.constant 1 : i32
    %scan3A_9 = scf.for %scan3A_19 = %scan3A_5 to %scan3A_7 step %scan3A_8 iter_args(%scan3A_20 = %scan3A) -> (i32)  : i32 {
      %mul3A_21 = arith.constant 32 : i32
      %mul3A_22 = arith.muli %scan3A_19, %mul3A_21 : i32
      %add3A_23 = arith.addi %mul3A_22, %add3A : i32
      %lt3A = arith.constant 1250 : i32
      %lt3A_24 = arith.cmpi slt, %add3A_23, %lt3A : i32
      %convert_element_type3A_25 = arith.extui %lt3A_24 : i1 to i32
      %cond3A_26 = arith.constant 0 : i32
      %cond3A_27 = arith.cmpi ne, %convert_element_type3A_25, %cond3A_26 : i32
      scf.if %cond3A_27 {
        %mul3A_29 = arith.constant 128 : i32
        %mul3A_30 = arith.muli %add3A_23, %mul3A_29 : i32
        "tpu.region"() ({
          %run_scoped3A = tpu.sem_alloc : memref<!tpu.dma_semaphore, #tpu.memory_space<semaphore_mem>>
          %dma_start3A_35 = tpu.memref_slice %arg3[%mul3A_30] : memref<160000xi32, #tpu.memory_space<hbm>> -> memref<128xi32, #tpu.memory_space<hbm>>
          %dma_start3A_36 = tpu.memref_slice %arg3[%mul3A_30] : memref<160000xi32, #tpu.memory_space<hbm>> -> memref<128xi32, #tpu.memory_space<hbm>>
          tpu.enqueue_dma source(%dma_start3A_36 : memref<128xi32, #tpu.memory_space<hbm>>) target(%arg7 : memref<128xi32, #tpu.memory_space<vmem>>) target_semaphore(%run_scoped3A : memref<!tpu.dma_semaphore, #tpu.memory_space<semaphore_mem>>)
          %dma_wait3A_37 = tpu.memref_slice %arg3[%mul3A_30] : memref<160000xi32, #tpu.memory_space<hbm>> -> memref<128xi32, #tpu.memory_space<hbm>>
          %dma_wait3A_38 = tpu.memref_slice %arg3[%mul3A_30] : memref<160000xi32, #tpu.memory_space<hbm>> -> memref<128xi32, #tpu.memory_space<hbm>>
          tpu.wait_dma2 semaphore(%run_scoped3A : memref<!tpu.dma_semaphore, #tpu.memory_space<semaphore_mem>>) src(%dma_wait3A_38 : memref<128xi32, #tpu.memory_space<hbm>>) dst(%arg7 : memref<128xi32, #tpu.memory_space<vmem>>)
          tpu.yield
        }) : () -> ()
        "tpu.region"() ({
          %run_scoped3A = tpu.sem_alloc : memref<!tpu.dma_semaphore, #tpu.memory_space<semaphore_mem>>
          %dma_start3A_35 = tpu.memref_slice %arg4[%mul3A_30] : memref<160000xi32, #tpu.memory_space<hbm>> -> memref<128xi32, #tpu.memory_space<hbm>>
          %dma_start3A_36 = tpu.memref_slice %arg4[%mul3A_30] : memref<160000xi32, #tpu.memory_space<hbm>> -> memref<128xi32, #tpu.memory_space<hbm>>
          tpu.enqueue_dma source(%dma_start3A_36 : memref<128xi32, #tpu.memory_space<hbm>>) target(%arg8 : memref<128xi32, #tpu.memory_space<vmem>>) target_semaphore(%run_scoped3A : memref<!tpu.dma_semaphore, #tpu.memory_space<semaphore_mem>>)
          %dma_wait3A_37 = tpu.memref_slice %arg4[%mul3A_30] : memref<160000xi32, #tpu.memory_space<hbm>> -> memref<128xi32, #tpu.memory_space<hbm>>
          %dma_wait3A_38 = tpu.memref_slice %arg4[%mul3A_30] : memref<160000xi32, #tpu.memory_space<hbm>> -> memref<128xi32, #tpu.memory_space<hbm>>
          tpu.wait_dma2 semaphore(%run_scoped3A : memref<!tpu.dma_semaphore, #tpu.memory_space<semaphore_mem>>) src(%dma_wait3A_38 : memref<128xi32, #tpu.memory_space<hbm>>) dst(%arg8 : memref<128xi32, #tpu.memory_space<vmem>>)
          tpu.yield
        }) : () -> ()
        %dma_start3A = arith.constant 0 : i32
        %dma_start3A_31 = arith.constant 0 : i32
        %dma_start3A_32 = tpu.memref_slice %arg2[%dma_start3A, %dma_start3A_31] : memref<10000x128xf32, #tpu.memory_space<hbm>> -> memref<10000x128xf32, #tpu.memory_space<hbm>>
        tpu.enqueue_indirect_dma source(%dma_start3A_32 : memref<10000x128xf32, #tpu.memory_space<hbm>>) target(%arg9 : memref<128x128xf32, #tpu.memory_space<vmem>>) offsets(%arg7 : memref<128xi32, #tpu.memory_space<vmem>>) semaphore(%arg11 : memref<!tpu.dma_semaphore, #tpu.memory_space<semaphore_mem>>)
        %dma_wait3A = arith.constant 0 : i32
        %dma_wait3A_33 = arith.constant 0 : i32
        %dma_wait3A_34 = tpu.memref_slice %arg2[%dma_wait3A, %dma_wait3A_33] : memref<10000x128xf32, #tpu.memory_space<hbm>> -> memref<10000x128xf32, #tpu.memory_space<hbm>>
        tpu.wait_indirect_dma semaphore(%arg11 : memref<!tpu.dma_semaphore, #tpu.memory_space<semaphore_mem>>) src(%dma_wait3A_34 : memref<10000x128xf32, #tpu.memory_space<hbm>>) dst(%arg9 : memref<128x128xf32, #tpu.memory_space<vmem>>)
        "tpu.region"() ({
          %run_scoped3A = tpu.sem_alloc : memref<!tpu.dma_semaphore, #tpu.memory_space<semaphore_mem>>
          %dma_start3A_35 = arith.constant 0 : i32
          %dma_start3A_36 = arith.constant 0 : i32
          %dma_start3A_37 = tpu.memref_slice %arg10[%dma_start3A_35, %dma_start3A_36] : memref<10016x128xf32, #tpu.memory_space<vmem_shared>> -> memref<10016x128xf32, #tpu.memory_space<vmem_shared>>
          tpu.enqueue_indirect_dma source(%arg9 : memref<128x128xf32, #tpu.memory_space<vmem>>) target(%dma_start3A_37 : memref<10016x128xf32, #tpu.memory_space<vmem_shared>>) offsets(%arg8 : memref<128xi32, #tpu.memory_space<vmem>>) semaphore(%run_scoped3A : memref<!tpu.dma_semaphore, #tpu.memory_space<semaphore_mem>>) {add = true}
          %dma_wait3A_38 = arith.constant 0 : i32
          %dma_wait3A_39 = arith.constant 0 : i32
          %dma_wait3A_40 = tpu.memref_slice %arg10[%dma_wait3A_38, %dma_wait3A_39] : memref<10016x128xf32, #tpu.memory_space<vmem_shared>> -> memref<10016x128xf32, #tpu.memory_space<vmem_shared>>
          tpu.wait_indirect_dma semaphore(%run_scoped3A : memref<!tpu.dma_semaphore, #tpu.memory_space<semaphore_mem>>) src(%arg9 : memref<128x128xf32, #tpu.memory_space<vmem>>) dst(%dma_wait3A_40 : memref<10016x128xf32, #tpu.memory_space<vmem_shared>>)
          tpu.yield
        }) : () -> ()
      } else {
      }
      %scan3A_28 = arith.constant 0 : i32
      scf.yield %scan3A_28 : i32
    }
    %scan3A_10 = arith.constant 40 : i32
    %barrier3A_11 = arith.constant 0 : index
    tpu.barrier barrier_id(%barrier3A_11)
    %mul3A_12 = arith.constant 624 : i32
    %mul3A_13 = arith.muli %arg1, %mul3A_12 : i32
    "tpu.region"() ({
      %run_scoped3A = tpu.sem_alloc : memref<!tpu.dma_semaphore, #tpu.memory_space<semaphore_mem>>
      %dma_start3A = arith.constant 0 : i32
      %dma_start3A_19 = tpu.memref_slice %arg6[%arg0, %mul3A_13, %dma_start3A] : memref<2x10000x128xf32, #tpu.memory_space<hbm>> -> memref<1x624x128xf32, #tpu.memory_space<hbm>>
      %dma_start3A_20 = tpu.memref_squeeze %dma_start3A_19 : memref<1x624x128xf32, #tpu.memory_space<hbm>> -> memref<624x128xf32, #tpu.memory_space<hbm>>
      %dma_start3A_21 = arith.constant 0 : i32
      %dma_start3A_22 = tpu.memref_slice %arg10[%mul3A_13, %dma_start3A_21] : memref<10016x128xf32, #tpu.memory_space<vmem_shared>> -> memref<624x128xf32, #tpu.memory_space<vmem_shared>>
      tpu.enqueue_dma source(%dma_start3A_22 : memref<624x128xf32, #tpu.memory_space<vmem_shared>>) target(%dma_start3A_20 : memref<624x128xf32, #tpu.memory_space<hbm>>) target_semaphore(%run_scoped3A : memref<!tpu.dma_semaphore, #tpu.memory_space<semaphore_mem>>)
      %dma_wait3A = arith.constant 0 : i32
      %dma_wait3A_23 = tpu.memref_slice %arg6[%arg0, %mul3A_13, %dma_wait3A] : memref<2x10000x128xf32, #tpu.memory_space<hbm>> -> memref<1x624x128xf32, #tpu.memory_space<hbm>>
      %dma_wait3A_24 = tpu.memref_squeeze %dma_wait3A_23 : memref<1x624x128xf32, #tpu.memory_space<hbm>> -> memref<624x128xf32, #tpu.memory_space<hbm>>
      %dma_wait3A_25 = arith.constant 0 : i32
      %dma_wait3A_26 = tpu.memref_slice %arg10[%mul3A_13, %dma_wait3A_25] : memref<10016x128xf32, #tpu.memory_space<vmem_shared>> -> memref<624x128xf32, #tpu.memory_space<vmem_shared>>
      tpu.wait_dma2 semaphore(%run_scoped3A : memref<!tpu.dma_semaphore, #tpu.memory_space<semaphore_mem>>) src(%dma_wait3A_26 : memref<624x128xf32, #tpu.memory_space<vmem_shared>>) dst(%dma_wait3A_24 : memref<624x128xf32, #tpu.memory_space<hbm>>)
      tpu.yield
    }) : () -> ()
    %eq3A_14 = arith.constant 15 : i32
    %eq3A_15 = arith.cmpi eq, %arg1, %eq3A_14 : i32
    %convert_element_type3A_16 = arith.extui %eq3A_15 : i1 to i32
    %cond3A_17 = arith.constant 0 : i32
    %cond3A_18 = arith.cmpi ne, %convert_element_type3A_16, %cond3A_17 : i32
    scf.if %cond3A_18 {
      "tpu.region"() ({
        %run_scoped3A = tpu.sem_alloc : memref<!tpu.dma_semaphore, #tpu.memory_space<semaphore_mem>>
        %dma_start3A = arith.constant 9984 : i32
        %dma_start3A_19 = arith.constant 0 : i32
        %dma_start3A_20 = tpu.memref_slice %arg6[%arg0, %dma_start3A, %dma_start3A_19] : memref<2x10000x128xf32, #tpu.memory_space<hbm>> -> memref<1x16x128xf32, #tpu.memory_space<hbm>>
        %dma_start3A_21 = tpu.memref_squeeze %dma_start3A_20 : memref<1x16x128xf32, #tpu.memory_space<hbm>> -> memref<16x128xf32, #tpu.memory_space<hbm>>
        %dma_start3A_22 = arith.constant 9984 : i32
        %dma_start3A_23 = arith.constant 0 : i32
        %dma_start3A_24 = tpu.memref_slice %arg10[%dma_start3A_22, %dma_start3A_23] : memref<10016x128xf32, #tpu.memory_space<vmem_shared>> -> memref<16x128xf32, #tpu.memory_space<vmem_shared>>
        tpu.enqueue_dma source(%dma_start3A_24 : memref<16x128xf32, #tpu.memory_space<vmem_shared>>) target(%dma_start3A_21 : memref<16x128xf32, #tpu.memory_space<hbm>>) target_semaphore(%run_scoped3A : memref<!tpu.dma_semaphore, #tpu.memory_space<semaphore_mem>>)
        %dma_wait3A = arith.constant 9984 : i32
        %dma_wait3A_25 = arith.constant 0 : i32
        %dma_wait3A_26 = tpu.memref_slice %arg6[%arg0, %dma_wait3A, %dma_wait3A_25] : memref<2x10000x128xf32, #tpu.memory_space<hbm>> -> memref<1x16x128xf32, #tpu.memory_space<hbm>>
        %dma_wait3A_27 = tpu.memref_squeeze %dma_wait3A_26 : memref<1x16x128xf32, #tpu.memory_space<hbm>> -> memref<16x128xf32, #tpu.memory_space<hbm>>
        %dma_wait3A_28 = arith.constant 9984 : i32
        %dma_wait3A_29 = arith.constant 0 : i32
        %dma_wait3A_30 = tpu.memref_slice %arg10[%dma_wait3A_28, %dma_wait3A_29] : memref<10016x128xf32, #tpu.memory_space<vmem_shared>> -> memref<16x128xf32, #tpu.memory_space<vmem_shared>>
        tpu.wait_dma2 semaphore(%run_scoped3A : memref<!tpu.dma_semaphore, #tpu.memory_space<semaphore_mem>>) src(%dma_wait3A_30 : memref<16x128xf32, #tpu.memory_space<vmem_shared>>) dst(%dma_wait3A_27 : memref<16x128xf32, #tpu.memory_space<hbm>>)
        tpu.yield
      }) : () -> ()
    } else {
    }
    return
  }
}

#map = affine_map<(d0, d1) -> (0, 0)>
#map1 = affine_map<(d0, d1) -> (0)>
#map2 = affine_map<(d0, d1) -> (0, 0, 0)>
module attributes {stable_mosaic.version = 14 : i64} {
  func.func @_sc_edge_sum(%arg0: i32, %arg1: i32, %arg2: memref<10000x128xf32, #tpu.memory_space<hbm>>, %arg3: memref<160000xi32, #tpu.memory_space<hbm>>, %arg4: memref<160000xi32, #tpu.memory_space<hbm>>, %arg5: memref<624x128xf32, #tpu.memory_space<hbm>>, %arg6: memref<2x10000x128xf32, #tpu.memory_space<hbm>>, %arg7: memref<128xi32, #tpu.memory_space<vmem>>, %arg8: memref<128xi32, #tpu.memory_space<vmem>>, %arg9: memref<128x128xf32, #tpu.memory_space<vmem>>, %arg10: memref<10016x128xf32, #tpu.memory_space<vmem_shared>>, %arg11: memref<!tpu.dma_semaphore, #tpu.memory_space<semaphore_mem>>) attributes {dimension_semantics = [#tpu.dimension_semantics<core_parallel>, #tpu.dimension_semantics<subcore_parallel>], iteration_bounds = array<i64: 2, 16>, scalar_prefetch = 0 : i64, scratch_operands = 5 : i64, tpu.core_type = #tpu.core_type<sc_vector_subcore>, window_params = [{transform_indices = #map}, {transform_indices = #map1}, {transform_indices = #map1}, {transform_indices = #map}, {transform_indices = #map2}]} {
    %mul3A = arith.constant 2 : i32
    %mul3A_0 = arith.muli %arg1, %mul3A : i32
    %add3A = arith.addi %mul3A_0, %arg0 : i32
    %mul3A_1 = arith.constant 624 : i32
    %mul3A_2 = arith.muli %arg1, %mul3A_1 : i32
    "tpu.region"() ({
      %run_scoped3A = tpu.sem_alloc : memref<!tpu.dma_semaphore, #tpu.memory_space<semaphore_mem>>
      %dma_start3A = arith.constant 0 : i32
      %dma_start3A_19 = tpu.memref_slice %arg10[%mul3A_2, %dma_start3A] : memref<10016x128xf32, #tpu.memory_space<vmem_shared>> -> memref<624x128xf32, #tpu.memory_space<vmem_shared>>
      tpu.enqueue_dma source(%arg5 : memref<624x128xf32, #tpu.memory_space<hbm>>) target(%dma_start3A_19 : memref<624x128xf32, #tpu.memory_space<vmem_shared>>) target_semaphore(%run_scoped3A : memref<!tpu.dma_semaphore, #tpu.memory_space<semaphore_mem>>)
      %dma_wait3A = arith.constant 0 : i32
      %dma_wait3A_20 = tpu.memref_slice %arg10[%mul3A_2, %dma_wait3A] : memref<10016x128xf32, #tpu.memory_space<vmem_shared>> -> memref<624x128xf32, #tpu.memory_space<vmem_shared>>
      tpu.wait_dma2 semaphore(%run_scoped3A : memref<!tpu.dma_semaphore, #tpu.memory_space<semaphore_mem>>) src(%arg5 : memref<624x128xf32, #tpu.memory_space<hbm>>) dst(%dma_wait3A_20 : memref<624x128xf32, #tpu.memory_space<vmem_shared>>)
      tpu.yield
    }) : () -> ()
    %eq3A = arith.constant 15 : i32
    %eq3A_3 = arith.cmpi eq, %arg1, %eq3A : i32
    %convert_element_type3A = arith.extui %eq3A_3 : i1 to i32
    %cond3A = arith.constant 0 : i32
    %cond3A_4 = arith.cmpi ne, %convert_element_type3A, %cond3A : i32
    scf.if %cond3A_4 {
      "tpu.region"() ({
        %run_scoped3A = tpu.sem_alloc : memref<!tpu.dma_semaphore, #tpu.memory_space<semaphore_mem>>
        %dma_start3A = arith.constant 9984 : i32
        %dma_start3A_19 = arith.constant 0 : i32
        %dma_start3A_20 = tpu.memref_slice %arg10[%dma_start3A, %dma_start3A_19] : memref<10016x128xf32, #tpu.memory_space<vmem_shared>> -> memref<16x128xf32, #tpu.memory_space<vmem_shared>>
        %dma_start3A_21 = arith.constant 0 : i32
        %dma_start3A_22 = arith.constant 0 : i32
        %dma_start3A_23 = tpu.memref_slice %arg5[%dma_start3A_21, %dma_start3A_22] : memref<624x128xf32, #tpu.memory_space<hbm>> -> memref<16x128xf32, #tpu.memory_space<hbm>>
        tpu.enqueue_dma source(%dma_start3A_23 : memref<16x128xf32, #tpu.memory_space<hbm>>) target(%dma_start3A_20 : memref<16x128xf32, #tpu.memory_space<vmem_shared>>) target_semaphore(%run_scoped3A : memref<!tpu.dma_semaphore, #tpu.memory_space<semaphore_mem>>)
        %dma_wait3A = arith.constant 9984 : i32
        %dma_wait3A_24 = arith.constant 0 : i32
        %dma_wait3A_25 = tpu.memref_slice %arg10[%dma_wait3A, %dma_wait3A_24] : memref<10016x128xf32, #tpu.memory_space<vmem_shared>> -> memref<16x128xf32, #tpu.memory_space<vmem_shared>>
        %dma_wait3A_26 = arith.constant 0 : i32
        %dma_wait3A_27 = arith.constant 0 : i32
        %dma_wait3A_28 = tpu.memref_slice %arg5[%dma_wait3A_26, %dma_wait3A_27] : memref<624x128xf32, #tpu.memory_space<hbm>> -> memref<16x128xf32, #tpu.memory_space<hbm>>
        tpu.wait_dma2 semaphore(%run_scoped3A : memref<!tpu.dma_semaphore, #tpu.memory_space<semaphore_mem>>) src(%dma_wait3A_28 : memref<16x128xf32, #tpu.memory_space<hbm>>) dst(%dma_wait3A_25 : memref<16x128xf32, #tpu.memory_space<vmem_shared>>)
        tpu.yield
      }) : () -> ()
    } else {
    }
    %barrier3A = arith.constant 0 : index
    tpu.barrier barrier_id(%barrier3A)
    %scan3A = arith.constant 0 : i32
    %scan3A_5 = arith.constant 0 : i32
    %scan3A_6 = arith.constant 40 : i32
    %scan3A_7 = arith.addi %scan3A_5, %scan3A_6 : i32
    %scan3A_8 = arith.constant 1 : i32
    %scan3A_9 = scf.for %scan3A_19 = %scan3A_5 to %scan3A_7 step %scan3A_8 iter_args(%scan3A_20 = %scan3A) -> (i32)  : i32 {
      %mul3A_21 = arith.constant 32 : i32
      %mul3A_22 = arith.muli %scan3A_19, %mul3A_21 : i32
      %add3A_23 = arith.addi %mul3A_22, %add3A : i32
      %lt3A = arith.constant 1250 : i32
      %lt3A_24 = arith.cmpi slt, %add3A_23, %lt3A : i32
      %convert_element_type3A_25 = arith.extui %lt3A_24 : i1 to i32
      %cond3A_26 = arith.constant 0 : i32
      %cond3A_27 = arith.cmpi ne, %convert_element_type3A_25, %cond3A_26 : i32
      scf.if %cond3A_27 {
        %mul3A_29 = arith.constant 128 : i32
        %mul3A_30 = arith.muli %add3A_23, %mul3A_29 : i32
        "tpu.region"() ({
          %run_scoped3A = tpu.sem_alloc : memref<!tpu.dma_semaphore, #tpu.memory_space<semaphore_mem>>
          %dma_start3A_35 = tpu.memref_slice %arg3[%mul3A_30] : memref<160000xi32, #tpu.memory_space<hbm>> -> memref<128xi32, #tpu.memory_space<hbm>>
          %dma_start3A_36 = tpu.memref_slice %arg3[%mul3A_30] : memref<160000xi32, #tpu.memory_space<hbm>> -> memref<128xi32, #tpu.memory_space<hbm>>
          tpu.enqueue_dma source(%dma_start3A_36 : memref<128xi32, #tpu.memory_space<hbm>>) target(%arg7 : memref<128xi32, #tpu.memory_space<vmem>>) target_semaphore(%run_scoped3A : memref<!tpu.dma_semaphore, #tpu.memory_space<semaphore_mem>>)
          %dma_wait3A_37 = tpu.memref_slice %arg3[%mul3A_30] : memref<160000xi32, #tpu.memory_space<hbm>> -> memref<128xi32, #tpu.memory_space<hbm>>
          %dma_wait3A_38 = tpu.memref_slice %arg3[%mul3A_30] : memref<160000xi32, #tpu.memory_space<hbm>> -> memref<128xi32, #tpu.memory_space<hbm>>
          tpu.wait_dma2 semaphore(%run_scoped3A : memref<!tpu.dma_semaphore, #tpu.memory_space<semaphore_mem>>) src(%dma_wait3A_38 : memref<128xi32, #tpu.memory_space<hbm>>) dst(%arg7 : memref<128xi32, #tpu.memory_space<vmem>>)
          tpu.yield
        }) : () -> ()
        "tpu.region"() ({
          %run_scoped3A = tpu.sem_alloc : memref<!tpu.dma_semaphore, #tpu.memory_space<semaphore_mem>>
          %dma_start3A_35 = tpu.memref_slice %arg4[%mul3A_30] : memref<160000xi32, #tpu.memory_space<hbm>> -> memref<128xi32, #tpu.memory_space<hbm>>
          %dma_start3A_36 = tpu.memref_slice %arg4[%mul3A_30] : memref<160000xi32, #tpu.memory_space<hbm>> -> memref<128xi32, #tpu.memory_space<hbm>>
          tpu.enqueue_dma source(%dma_start3A_36 : memref<128xi32, #tpu.memory_space<hbm>>) target(%arg8 : memref<128xi32, #tpu.memory_space<vmem>>) target_semaphore(%run_scoped3A : memref<!tpu.dma_semaphore, #tpu.memory_space<semaphore_mem>>)
          %dma_wait3A_37 = tpu.memref_slice %arg4[%mul3A_30] : memref<160000xi32, #tpu.memory_space<hbm>> -> memref<128xi32, #tpu.memory_space<hbm>>
          %dma_wait3A_38 = tpu.memref_slice %arg4[%mul3A_30] : memref<160000xi32, #tpu.memory_space<hbm>> -> memref<128xi32, #tpu.memory_space<hbm>>
          tpu.wait_dma2 semaphore(%run_scoped3A : memref<!tpu.dma_semaphore, #tpu.memory_space<semaphore_mem>>) src(%dma_wait3A_38 : memref<128xi32, #tpu.memory_space<hbm>>) dst(%arg8 : memref<128xi32, #tpu.memory_space<vmem>>)
          tpu.yield
        }) : () -> ()
        %dma_start3A = arith.constant 0 : i32
        %dma_start3A_31 = arith.constant 0 : i32
        %dma_start3A_32 = tpu.memref_slice %arg2[%dma_start3A, %dma_start3A_31] : memref<10000x128xf32, #tpu.memory_space<hbm>> -> memref<10000x128xf32, #tpu.memory_space<hbm>>
        tpu.enqueue_indirect_dma source(%dma_start3A_32 : memref<10000x128xf32, #tpu.memory_space<hbm>>) target(%arg9 : memref<128x128xf32, #tpu.memory_space<vmem>>) offsets(%arg7 : memref<128xi32, #tpu.memory_space<vmem>>) semaphore(%arg11 : memref<!tpu.dma_semaphore, #tpu.memory_space<semaphore_mem>>)
        %dma_wait3A = arith.constant 0 : i32
        %dma_wait3A_33 = arith.constant 0 : i32
        %dma_wait3A_34 = tpu.memref_slice %arg2[%dma_wait3A, %dma_wait3A_33] : memref<10000x128xf32, #tpu.memory_space<hbm>> -> memref<10000x128xf32, #tpu.memory_space<hbm>>
        tpu.wait_indirect_dma semaphore(%arg11 : memref<!tpu.dma_semaphore, #tpu.memory_space<semaphore_mem>>) src(%dma_wait3A_34 : memref<10000x128xf32, #tpu.memory_space<hbm>>) dst(%arg9 : memref<128x128xf32, #tpu.memory_space<vmem>>)
        "tpu.region"() ({
          %run_scoped3A = tpu.sem_alloc : memref<!tpu.dma_semaphore, #tpu.memory_space<semaphore_mem>>
          %dma_start3A_35 = arith.constant 0 : i32
          %dma_start3A_36 = arith.constant 0 : i32
          %dma_start3A_37 = tpu.memref_slice %arg10[%dma_start3A_35, %dma_start3A_36] : memref<10016x128xf32, #tpu.memory_space<vmem_shared>> -> memref<10016x128xf32, #tpu.memory_space<vmem_shared>>
          tpu.enqueue_indirect_dma source(%arg9 : memref<128x128xf32, #tpu.memory_space<vmem>>) target(%dma_start3A_37 : memref<10016x128xf32, #tpu.memory_space<vmem_shared>>) offsets(%arg8 : memref<128xi32, #tpu.memory_space<vmem>>) semaphore(%run_scoped3A : memref<!tpu.dma_semaphore, #tpu.memory_space<semaphore_mem>>) {add = true}
          %dma_wait3A_38 = arith.constant 0 : i32
          %dma_wait3A_39 = arith.constant 0 : i32
          %dma_wait3A_40 = tpu.memref_slice %arg10[%dma_wait3A_38, %dma_wait3A_39] : memref<10016x128xf32, #tpu.memory_space<vmem_shared>> -> memref<10016x128xf32, #tpu.memory_space<vmem_shared>>
          tpu.wait_indirect_dma semaphore(%run_scoped3A : memref<!tpu.dma_semaphore, #tpu.memory_space<semaphore_mem>>) src(%arg9 : memref<128x128xf32, #tpu.memory_space<vmem>>) dst(%dma_wait3A_40 : memref<10016x128xf32, #tpu.memory_space<vmem_shared>>)
          tpu.yield
        }) : () -> ()
      } else {
      }
      %scan3A_28 = arith.constant 0 : i32
      scf.yield %scan3A_28 : i32
    }
    %scan3A_10 = arith.constant 40 : i32
    %barrier3A_11 = arith.constant 0 : index
    tpu.barrier barrier_id(%barrier3A_11)
    %mul3A_12 = arith.constant 624 : i32
    %mul3A_13 = arith.muli %arg1, %mul3A_12 : i32
    "tpu.region"() ({
      %run_scoped3A = tpu.sem_alloc : memref<!tpu.dma_semaphore, #tpu.memory_space<semaphore_mem>>
      %dma_start3A = arith.constant 0 : i32
      %dma_start3A_19 = tpu.memref_slice %arg6[%arg0, %mul3A_13, %dma_start3A] : memref<2x10000x128xf32, #tpu.memory_space<hbm>> -> memref<1x624x128xf32, #tpu.memory_space<hbm>>
      %dma_start3A_20 = tpu.memref_squeeze %dma_start3A_19 : memref<1x624x128xf32, #tpu.memory_space<hbm>> -> memref<624x128xf32, #tpu.memory_space<hbm>>
      %dma_start3A_21 = arith.constant 0 : i32
      %dma_start3A_22 = tpu.memref_slice %arg10[%mul3A_13, %dma_start3A_21] : memref<10016x128xf32, #tpu.memory_space<vmem_shared>> -> memref<624x128xf32, #tpu.memory_space<vmem_shared>>
      tpu.enqueue_dma source(%dma_start3A_22 : memref<624x128xf32, #tpu.memory_space<vmem_shared>>) target(%dma_start3A_20 : memref<624x128xf32, #tpu.memory_space<hbm>>) target_semaphore(%run_scoped3A : memref<!tpu.dma_semaphore, #tpu.memory_space<semaphore_mem>>)
      %dma_wait3A = arith.constant 0 : i32
      %dma_wait3A_23 = tpu.memref_slice %arg6[%arg0, %mul3A_13, %dma_wait3A] : memref<2x10000x128xf32, #tpu.memory_space<hbm>> -> memref<1x624x128xf32, #tpu.memory_space<hbm>>
      %dma_wait3A_24 = tpu.memref_squeeze %dma_wait3A_23 : memref<1x624x128xf32, #tpu.memory_space<hbm>> -> memref<624x128xf32, #tpu.memory_space<hbm>>
      %dma_wait3A_25 = arith.constant 0 : i32
      %dma_wait3A_26 = tpu.memref_slice %arg10[%mul3A_13, %dma_wait3A_25] : memref<10016x128xf32, #tpu.memory_space<vmem_shared>> -> memref<624x128xf32, #tpu.memory_space<vmem_shared>>
      tpu.wait_dma2 semaphore(%run_scoped3A : memref<!tpu.dma_semaphore, #tpu.memory_space<semaphore_mem>>) src(%dma_wait3A_26 : memref<624x128xf32, #tpu.memory_space<vmem_shared>>) dst(%dma_wait3A_24 : memref<624x128xf32, #tpu.memory_space<hbm>>)
      tpu.yield
    }) : () -> ()
    %eq3A_14 = arith.constant 15 : i32
    %eq3A_15 = arith.cmpi eq, %arg1, %eq3A_14 : i32
    %convert_element_type3A_16 = arith.extui %eq3A_15 : i1 to i32
    %cond3A_17 = arith.constant 0 : i32
    %cond3A_18 = arith.cmpi ne, %convert_element_type3A_16, %cond3A_17 : i32
    scf.if %cond3A_18 {
      "tpu.region"() ({
        %run_scoped3A = tpu.sem_alloc : memref<!tpu.dma_semaphore, #tpu.memory_space<semaphore_mem>>
        %dma_start3A = arith.constant 9984 : i32
        %dma_start3A_19 = arith.constant 0 : i32
        %dma_start3A_20 = tpu.memref_slice %arg6[%arg0, %dma_start3A, %dma_start3A_19] : memref<2x10000x128xf32, #tpu.memory_space<hbm>> -> memref<1x16x128xf32, #tpu.memory_space<hbm>>
        %dma_start3A_21 = tpu.memref_squeeze %dma_start3A_20 : memref<1x16x128xf32, #tpu.memory_space<hbm>> -> memref<16x128xf32, #tpu.memory_space<hbm>>
        %dma_start3A_22 = arith.constant 9984 : i32
        %dma_start3A_23 = arith.constant 0 : i32
        %dma_start3A_24 = tpu.memref_slice %arg10[%dma_start3A_22, %dma_start3A_23] : memref<10016x128xf32, #tpu.memory_space<vmem_shared>> -> memref<16x128xf32, #tpu.memory_space<vmem_shared>>
        tpu.enqueue_dma source(%dma_start3A_24 : memref<16x128xf32, #tpu.memory_space<vmem_shared>>) target(%dma_start3A_21 : memref<16x128xf32, #tpu.memory_space<hbm>>) target_semaphore(%run_scoped3A : memref<!tpu.dma_semaphore, #tpu.memory_space<semaphore_mem>>)
        %dma_wait3A = arith.constant 9984 : i32
        %dma_wait3A_25 = arith.constant 0 : i32
        %dma_wait3A_26 = tpu.memref_slice %arg6[%arg0, %dma_wait3A, %dma_wait3A_25] : memref<2x10000x128xf32, #tpu.memory_space<hbm>> -> memref<1x16x128xf32, #tpu.memory_space<hbm>>
        %dma_wait3A_27 = tpu.memref_squeeze %dma_wait3A_26 : memref<1x16x128xf32, #tpu.memory_space<hbm>> -> memref<16x128xf32, #tpu.memory_space<hbm>>
        %dma_wait3A_28 = arith.constant 9984 : i32
        %dma_wait3A_29 = arith.constant 0 : i32
        %dma_wait3A_30 = tpu.memref_slice %arg10[%dma_wait3A_28, %dma_wait3A_29] : memref<10016x128xf32, #tpu.memory_space<vmem_shared>> -> memref<16x128xf32, #tpu.memory_space<vmem_shared>>
        tpu.wait_dma2 semaphore(%run_scoped3A : memref<!tpu.dma_semaphore, #tpu.memory_space<semaphore_mem>>) src(%dma_wait3A_30 : memref<16x128xf32, #tpu.memory_space<vmem_shared>>) dst(%dma_wait3A_27 : memref<16x128xf32, #tpu.memory_space<hbm>>)
        tpu.yield
      }) : () -> ()
    } else {
    }
    return
  }
}

#map = affine_map<(d0, d1) -> (0, 0)>
#map1 = affine_map<(d0, d1) -> (0)>
module attributes {stable_mosaic.version = 14 : i64} {
  func.func @_sc_expand(%arg0: i32, %arg1: i32, %arg2: memref<10000x128xf32, #tpu.memory_space<hbm>>, %arg3: memref<10000x128xf32, #tpu.memory_space<hbm>>, %arg4: memref<160000xi32, #tpu.memory_space<hbm>>, %arg5: memref<160000xi32, #tpu.memory_space<hbm>>, %arg6: memref<160000x128xf32, #tpu.memory_space<hbm>>, %arg7: memref<128xi32, #tpu.memory_space<vmem>>, %arg8: memref<128xi32, #tpu.memory_space<vmem>>, %arg9: memref<128x128xf32, #tpu.memory_space<vmem>>, %arg10: memref<128x128xf32, #tpu.memory_space<vmem>>, %arg11: memref<!tpu.dma_semaphore, #tpu.memory_space<semaphore_mem>>) attributes {dimension_semantics = [#tpu.dimension_semantics<core_parallel>, #tpu.dimension_semantics<subcore_parallel>], iteration_bounds = array<i64: 2, 16>, scalar_prefetch = 0 : i64, scratch_operands = 5 : i64, tpu.core_type = #tpu.core_type<sc_vector_subcore>, window_params = [{transform_indices = #map}, {transform_indices = #map}, {transform_indices = #map1}, {transform_indices = #map1}, {transform_indices = #map}]} {
    %mul3A = arith.constant 2 : i32
    %mul3A_0 = arith.muli %arg1, %mul3A : i32
    %add3A = arith.addi %mul3A_0, %arg0 : i32
    %scan3A = arith.constant 0 : i32
    %scan3A_1 = arith.constant 0 : i32
    %scan3A_2 = arith.constant 40 : i32
    %scan3A_3 = arith.addi %scan3A_1, %scan3A_2 : i32
    %scan3A_4 = arith.constant 1 : i32
    %scan3A_5 = scf.for %scan3A_7 = %scan3A_1 to %scan3A_3 step %scan3A_4 iter_args(%scan3A_8 = %scan3A) -> (i32)  : i32 {
      %mul3A_9 = arith.constant 32 : i32
      %mul3A_10 = arith.muli %scan3A_7, %mul3A_9 : i32
      %add3A_11 = arith.addi %mul3A_10, %add3A : i32
      %lt3A = arith.constant 1250 : i32
      %lt3A_12 = arith.cmpi slt, %add3A_11, %lt3A : i32
      %convert_element_type3A = arith.extui %lt3A_12 : i1 to i32
      %cond3A = arith.constant 0 : i32
      %cond3A_13 = arith.cmpi ne, %convert_element_type3A, %cond3A : i32
      scf.if %cond3A_13 {
        %mul3A_15 = arith.constant 128 : i32
        %mul3A_16 = arith.muli %add3A_11, %mul3A_15 : i32
        "tpu.region"() ({
          %run_scoped3A = tpu.sem_alloc : memref<!tpu.dma_semaphore, #tpu.memory_space<semaphore_mem>>
          %dma_start3A_34 = tpu.memref_slice %arg4[%mul3A_16] : memref<160000xi32, #tpu.memory_space<hbm>> -> memref<128xi32, #tpu.memory_space<hbm>>
          %dma_start3A_35 = tpu.memref_slice %arg4[%mul3A_16] : memref<160000xi32, #tpu.memory_space<hbm>> -> memref<128xi32, #tpu.memory_space<hbm>>
          tpu.enqueue_dma source(%dma_start3A_35 : memref<128xi32, #tpu.memory_space<hbm>>) target(%arg7 : memref<128xi32, #tpu.memory_space<vmem>>) target_semaphore(%run_scoped3A : memref<!tpu.dma_semaphore, #tpu.memory_space<semaphore_mem>>)
          %dma_wait3A_36 = tpu.memref_slice %arg4[%mul3A_16] : memref<160000xi32, #tpu.memory_space<hbm>> -> memref<128xi32, #tpu.memory_space<hbm>>
          %dma_wait3A_37 = tpu.memref_slice %arg4[%mul3A_16] : memref<160000xi32, #tpu.memory_space<hbm>> -> memref<128xi32, #tpu.memory_space<hbm>>
          tpu.wait_dma2 semaphore(%run_scoped3A : memref<!tpu.dma_semaphore, #tpu.memory_space<semaphore_mem>>) src(%dma_wait3A_37 : memref<128xi32, #tpu.memory_space<hbm>>) dst(%arg7 : memref<128xi32, #tpu.memory_space<vmem>>)
          tpu.yield
        }) : () -> ()
        "tpu.region"() ({
          %run_scoped3A = tpu.sem_alloc : memref<!tpu.dma_semaphore, #tpu.memory_space<semaphore_mem>>
          %dma_start3A_34 = tpu.memref_slice %arg5[%mul3A_16] : memref<160000xi32, #tpu.memory_space<hbm>> -> memref<128xi32, #tpu.memory_space<hbm>>
          %dma_start3A_35 = tpu.memref_slice %arg5[%mul3A_16] : memref<160000xi32, #tpu.memory_space<hbm>> -> memref<128xi32, #tpu.memory_space<hbm>>
          tpu.enqueue_dma source(%dma_start3A_35 : memref<128xi32, #tpu.memory_space<hbm>>) target(%arg8 : memref<128xi32, #tpu.memory_space<vmem>>) target_semaphore(%run_scoped3A : memref<!tpu.dma_semaphore, #tpu.memory_space<semaphore_mem>>)
          %dma_wait3A_36 = tpu.memref_slice %arg5[%mul3A_16] : memref<160000xi32, #tpu.memory_space<hbm>> -> memref<128xi32, #tpu.memory_space<hbm>>
          %dma_wait3A_37 = tpu.memref_slice %arg5[%mul3A_16] : memref<160000xi32, #tpu.memory_space<hbm>> -> memref<128xi32, #tpu.memory_space<hbm>>
          tpu.wait_dma2 semaphore(%run_scoped3A : memref<!tpu.dma_semaphore, #tpu.memory_space<semaphore_mem>>) src(%dma_wait3A_37 : memref<128xi32, #tpu.memory_space<hbm>>) dst(%arg8 : memref<128xi32, #tpu.memory_space<vmem>>)
          tpu.yield
        }) : () -> ()
        %dma_start3A = arith.constant 0 : i32
        %dma_start3A_17 = arith.constant 0 : i32
        %dma_start3A_18 = tpu.memref_slice %arg2[%dma_start3A, %dma_start3A_17] : memref<10000x128xf32, #tpu.memory_space<hbm>> -> memref<10000x128xf32, #tpu.memory_space<hbm>>
        tpu.enqueue_indirect_dma source(%dma_start3A_18 : memref<10000x128xf32, #tpu.memory_space<hbm>>) target(%arg9 : memref<128x128xf32, #tpu.memory_space<vmem>>) offsets(%arg7 : memref<128xi32, #tpu.memory_space<vmem>>) semaphore(%arg11 : memref<!tpu.dma_semaphore, #tpu.memory_space<semaphore_mem>>)
        %dma_start3A_19 = arith.constant 0 : i32
        %dma_start3A_20 = arith.constant 0 : i32
        %dma_start3A_21 = tpu.memref_slice %arg3[%dma_start3A_19, %dma_start3A_20] : memref<10000x128xf32, #tpu.memory_space<hbm>> -> memref<10000x128xf32, #tpu.memory_space<hbm>>
        tpu.enqueue_indirect_dma source(%dma_start3A_21 : memref<10000x128xf32, #tpu.memory_space<hbm>>) target(%arg10 : memref<128x128xf32, #tpu.memory_space<vmem>>) offsets(%arg8 : memref<128xi32, #tpu.memory_space<vmem>>) semaphore(%arg11 : memref<!tpu.dma_semaphore, #tpu.memory_space<semaphore_mem>>)
        %dma_wait3A = arith.constant 0 : i32
        %dma_wait3A_22 = arith.constant 0 : i32
        %dma_wait3A_23 = tpu.memref_slice %arg2[%dma_wait3A, %dma_wait3A_22] : memref<10000x128xf32, #tpu.memory_space<hbm>> -> memref<10000x128xf32, #tpu.memory_space<hbm>>
        tpu.wait_indirect_dma semaphore(%arg11 : memref<!tpu.dma_semaphore, #tpu.memory_space<semaphore_mem>>) src(%dma_wait3A_23 : memref<10000x128xf32, #tpu.memory_space<hbm>>) dst(%arg9 : memref<128x128xf32, #tpu.memory_space<vmem>>)
        %dma_wait3A_24 = arith.constant 0 : i32
        %dma_wait3A_25 = arith.constant 0 : i32
        %dma_wait3A_26 = tpu.memref_slice %arg3[%dma_wait3A_24, %dma_wait3A_25] : memref<10000x128xf32, #tpu.memory_space<hbm>> -> memref<10000x128xf32, #tpu.memory_space<hbm>>
        tpu.wait_indirect_dma semaphore(%arg11 : memref<!tpu.dma_semaphore, #tpu.memory_space<semaphore_mem>>) src(%dma_wait3A_26 : memref<10000x128xf32, #tpu.memory_space<hbm>>) dst(%arg10 : memref<128x128xf32, #tpu.memory_space<vmem>>)
        %scan3A_27 = arith.constant 0 : i32
        %scan3A_28 = arith.constant 0 : i32
        %scan3A_29 = arith.constant 128 : i32
        %scan3A_30 = arith.addi %scan3A_28, %scan3A_29 : i32
        %scan3A_31 = arith.constant 1 : i32
        %scan3A_32 = scf.for %scan3A_34 = %scan3A_28 to %scan3A_30 step %scan3A_31 iter_args(%scan3A_35 = %scan3A_27) -> (i32)  : i32 {
          %get3A = arith.index_cast %scan3A_34 : i32 to index
          %get3A_36 = arith.constant 0 : index
          %get3A_37 = tpu.vector_load %arg9[%get3A, %get3A_36] {strides = array<i32>} : memref<128x128xf32, #tpu.memory_space<vmem>>, vector<1x16xf32>,
          %get3A_38 = vector.shape_cast %get3A_37 : vector<1x16xf32> to vector<16xf32>
          %get3A_39 = arith.index_cast %scan3A_34 : i32 to index
          %get3A_40 = arith.constant 0 : index
          %get3A_41 = tpu.vector_load %arg10[%get3A_39, %get3A_40] {strides = array<i32>} : memref<128x128xf32, #tpu.memory_space<vmem>>, vector<1x16xf32>,
          %get3A_42 = vector.shape_cast %get3A_41 : vector<1x16xf32> to vector<16xf32>
          %add3A_43 = arith.addf %get3A_38, %get3A_42 : vector<16xf32>
          %swap3A = arith.index_cast %scan3A_34 : i32 to index
          %swap3A_44 = arith.constant 0 : index
          %swap3A_45 = tpu.vector_load %arg9[%swap3A, %swap3A_44] {strides = array<i32>} : memref<128x128xf32, #tpu.memory_space<vmem>>, vector<1x16xf32>,
          %swap3A_46 = vector.shape_cast %swap3A_45 : vector<1x16xf32> to vector<16xf32>
          %swap3A_47 = vector.shape_cast %add3A_43 : vector<16xf32> to vector<1x16xf32>
          tpu.vector_store %arg9[%swap3A, %swap3A_44], %swap3A_47 {strides = array<i32>} : memref<128x128xf32, #tpu.memory_space<vmem>>, vector<1x16xf32>,
          %scan3A_48 = arith.constant 0 : i32
          scf.yield %scan3A_48 : i32
        }
        %scan3A_33 = arith.constant 128 : i32
        "tpu.region"() ({
          %run_scoped3A = tpu.sem_alloc : memref<!tpu.dma_semaphore, #tpu.memory_space<semaphore_mem>>
          %dma_start3A_34 = arith.constant 0 : i32
          %dma_start3A_35 = tpu.memref_slice %arg6[%mul3A_16, %dma_start3A_34] : memref<160000x128xf32, #tpu.memory_space<hbm>> -> memref<128x128xf32, #tpu.memory_space<hbm>>
          %dma_start3A_36 = arith.constant 0 : i32
          %dma_start3A_37 = tpu.memref_slice %arg6[%mul3A_16, %dma_start3A_36] : memref<160000x128xf32, #tpu.memory_space<hbm>> -> memref<128x128xf32, #tpu.memory_space<hbm>>
          tpu.enqueue_dma source(%arg9 : memref<128x128xf32, #tpu.memory_space<vmem>>) target(%dma_start3A_37 : memref<128x128xf32, #tpu.memory_space<hbm>>) target_semaphore(%run_scoped3A : memref<!tpu.dma_semaphore, #tpu.memory_space<semaphore_mem>>)
          %dma_wait3A_38 = arith.constant 0 : i32
          %dma_wait3A_39 = tpu.memref_slice %arg6[%mul3A_16, %dma_wait3A_38] : memref<160000x128xf32, #tpu.memory_space<hbm>> -> memref<128x128xf32, #tpu.memory_space<hbm>>
          %dma_wait3A_40 = arith.constant 0 : i32
          %dma_wait3A_41 = tpu.memref_slice %arg6[%mul3A_16, %dma_wait3A_40] : memref<160000x128xf32, #tpu.memory_space<hbm>> -> memref<128x128xf32, #tpu.memory_space<hbm>>
          tpu.wait_dma2 semaphore(%run_scoped3A : memref<!tpu.dma_semaphore, #tpu.memory_space<semaphore_mem>>) src(%arg9 : memref<128x128xf32, #tpu.memory_space<vmem>>) dst(%dma_wait3A_41 : memref<128x128xf32, #tpu.memory_space<hbm>>)
          tpu.yield
        }) : () -> ()
      } else {
      }
      %scan3A_14 = arith.constant 0 : i32
      scf.yield %scan3A_14 : i32
    }
    %scan3A_6 = arith.constant 40 : i32
    return
  }
}

#map = affine_map<(d0, d1) -> (0, 0)>
#map1 = affine_map<(d0, d1) -> (0)>
#map2 = affine_map<(d0, d1) -> (0, 0, 0)>
module attributes {stable_mosaic.version = 14 : i64} {
  func.func @_sc_edge_sum(%arg0: i32, %arg1: i32, %arg2: memref<10000x128xf32, #tpu.memory_space<hbm>>, %arg3: memref<160000xi32, #tpu.memory_space<hbm>>, %arg4: memref<160000xi32, #tpu.memory_space<hbm>>, %arg5: memref<624x128xf32, #tpu.memory_space<hbm>>, %arg6: memref<2x10000x128xf32, #tpu.memory_space<hbm>>, %arg7: memref<128xi32, #tpu.memory_space<vmem>>, %arg8: memref<128xi32, #tpu.memory_space<vmem>>, %arg9: memref<128x128xf32, #tpu.memory_space<vmem>>, %arg10: memref<10016x128xf32, #tpu.memory_space<vmem_shared>>, %arg11: memref<!tpu.dma_semaphore, #tpu.memory_space<semaphore_mem>>) attributes {dimension_semantics = [#tpu.dimension_semantics<core_parallel>, #tpu.dimension_semantics<subcore_parallel>], iteration_bounds = array<i64: 2, 16>, scalar_prefetch = 0 : i64, scratch_operands = 5 : i64, tpu.core_type = #tpu.core_type<sc_vector_subcore>, window_params = [{transform_indices = #map}, {transform_indices = #map1}, {transform_indices = #map1}, {transform_indices = #map}, {transform_indices = #map2}]} {
    %mul3A = arith.constant 2 : i32
    %mul3A_0 = arith.muli %arg1, %mul3A : i32
    %add3A = arith.addi %mul3A_0, %arg0 : i32
    %mul3A_1 = arith.constant 624 : i32
    %mul3A_2 = arith.muli %arg1, %mul3A_1 : i32
    "tpu.region"() ({
      %run_scoped3A = tpu.sem_alloc : memref<!tpu.dma_semaphore, #tpu.memory_space<semaphore_mem>>
      %dma_start3A = arith.constant 0 : i32
      %dma_start3A_19 = tpu.memref_slice %arg10[%mul3A_2, %dma_start3A] : memref<10016x128xf32, #tpu.memory_space<vmem_shared>> -> memref<624x128xf32, #tpu.memory_space<vmem_shared>>
      tpu.enqueue_dma source(%arg5 : memref<624x128xf32, #tpu.memory_space<hbm>>) target(%dma_start3A_19 : memref<624x128xf32, #tpu.memory_space<vmem_shared>>) target_semaphore(%run_scoped3A : memref<!tpu.dma_semaphore, #tpu.memory_space<semaphore_mem>>)
      %dma_wait3A = arith.constant 0 : i32
      %dma_wait3A_20 = tpu.memref_slice %arg10[%mul3A_2, %dma_wait3A] : memref<10016x128xf32, #tpu.memory_space<vmem_shared>> -> memref<624x128xf32, #tpu.memory_space<vmem_shared>>
      tpu.wait_dma2 semaphore(%run_scoped3A : memref<!tpu.dma_semaphore, #tpu.memory_space<semaphore_mem>>) src(%arg5 : memref<624x128xf32, #tpu.memory_space<hbm>>) dst(%dma_wait3A_20 : memref<624x128xf32, #tpu.memory_space<vmem_shared>>)
      tpu.yield
    }) : () -> ()
    %eq3A = arith.constant 15 : i32
    %eq3A_3 = arith.cmpi eq, %arg1, %eq3A : i32
    %convert_element_type3A = arith.extui %eq3A_3 : i1 to i32
    %cond3A = arith.constant 0 : i32
    %cond3A_4 = arith.cmpi ne, %convert_element_type3A, %cond3A : i32
    scf.if %cond3A_4 {
      "tpu.region"() ({
        %run_scoped3A = tpu.sem_alloc : memref<!tpu.dma_semaphore, #tpu.memory_space<semaphore_mem>>
        %dma_start3A = arith.constant 9984 : i32
        %dma_start3A_19 = arith.constant 0 : i32
        %dma_start3A_20 = tpu.memref_slice %arg10[%dma_start3A, %dma_start3A_19] : memref<10016x128xf32, #tpu.memory_space<vmem_shared>> -> memref<16x128xf32, #tpu.memory_space<vmem_shared>>
        %dma_start3A_21 = arith.constant 0 : i32
        %dma_start3A_22 = arith.constant 0 : i32
        %dma_start3A_23 = tpu.memref_slice %arg5[%dma_start3A_21, %dma_start3A_22] : memref<624x128xf32, #tpu.memory_space<hbm>> -> memref<16x128xf32, #tpu.memory_space<hbm>>
        tpu.enqueue_dma source(%dma_start3A_23 : memref<16x128xf32, #tpu.memory_space<hbm>>) target(%dma_start3A_20 : memref<16x128xf32, #tpu.memory_space<vmem_shared>>) target_semaphore(%run_scoped3A : memref<!tpu.dma_semaphore, #tpu.memory_space<semaphore_mem>>)
        %dma_wait3A = arith.constant 9984 : i32
        %dma_wait3A_24 = arith.constant 0 : i32
        %dma_wait3A_25 = tpu.memref_slice %arg10[%dma_wait3A, %dma_wait3A_24] : memref<10016x128xf32, #tpu.memory_space<vmem_shared>> -> memref<16x128xf32, #tpu.memory_space<vmem_shared>>
        %dma_wait3A_26 = arith.constant 0 : i32
        %dma_wait3A_27 = arith.constant 0 : i32
        %dma_wait3A_28 = tpu.memref_slice %arg5[%dma_wait3A_26, %dma_wait3A_27] : memref<624x128xf32, #tpu.memory_space<hbm>> -> memref<16x128xf32, #tpu.memory_space<hbm>>
        tpu.wait_dma2 semaphore(%run_scoped3A : memref<!tpu.dma_semaphore, #tpu.memory_space<semaphore_mem>>) src(%dma_wait3A_28 : memref<16x128xf32, #tpu.memory_space<hbm>>) dst(%dma_wait3A_25 : memref<16x128xf32, #tpu.memory_space<vmem_shared>>)
        tpu.yield
      }) : () -> ()
    } else {
    }
    %barrier3A = arith.constant 0 : index
    tpu.barrier barrier_id(%barrier3A)
    %scan3A = arith.constant 0 : i32
    %scan3A_5 = arith.constant 0 : i32
    %scan3A_6 = arith.constant 40 : i32
    %scan3A_7 = arith.addi %scan3A_5, %scan3A_6 : i32
    %scan3A_8 = arith.constant 1 : i32
    %scan3A_9 = scf.for %scan3A_19 = %scan3A_5 to %scan3A_7 step %scan3A_8 iter_args(%scan3A_20 = %scan3A) -> (i32)  : i32 {
      %mul3A_21 = arith.constant 32 : i32
      %mul3A_22 = arith.muli %scan3A_19, %mul3A_21 : i32
      %add3A_23 = arith.addi %mul3A_22, %add3A : i32
      %lt3A = arith.constant 1250 : i32
      %lt3A_24 = arith.cmpi slt, %add3A_23, %lt3A : i32
      %convert_element_type3A_25 = arith.extui %lt3A_24 : i1 to i32
      %cond3A_26 = arith.constant 0 : i32
      %cond3A_27 = arith.cmpi ne, %convert_element_type3A_25, %cond3A_26 : i32
      scf.if %cond3A_27 {
        %mul3A_29 = arith.constant 128 : i32
        %mul3A_30 = arith.muli %add3A_23, %mul3A_29 : i32
        "tpu.region"() ({
          %run_scoped3A = tpu.sem_alloc : memref<!tpu.dma_semaphore, #tpu.memory_space<semaphore_mem>>
          %dma_start3A_35 = tpu.memref_slice %arg3[%mul3A_30] : memref<160000xi32, #tpu.memory_space<hbm>> -> memref<128xi32, #tpu.memory_space<hbm>>
          %dma_start3A_36 = tpu.memref_slice %arg3[%mul3A_30] : memref<160000xi32, #tpu.memory_space<hbm>> -> memref<128xi32, #tpu.memory_space<hbm>>
          tpu.enqueue_dma source(%dma_start3A_36 : memref<128xi32, #tpu.memory_space<hbm>>) target(%arg7 : memref<128xi32, #tpu.memory_space<vmem>>) target_semaphore(%run_scoped3A : memref<!tpu.dma_semaphore, #tpu.memory_space<semaphore_mem>>)
          %dma_wait3A_37 = tpu.memref_slice %arg3[%mul3A_30] : memref<160000xi32, #tpu.memory_space<hbm>> -> memref<128xi32, #tpu.memory_space<hbm>>
          %dma_wait3A_38 = tpu.memref_slice %arg3[%mul3A_30] : memref<160000xi32, #tpu.memory_space<hbm>> -> memref<128xi32, #tpu.memory_space<hbm>>
          tpu.wait_dma2 semaphore(%run_scoped3A : memref<!tpu.dma_semaphore, #tpu.memory_space<semaphore_mem>>) src(%dma_wait3A_38 : memref<128xi32, #tpu.memory_space<hbm>>) dst(%arg7 : memref<128xi32, #tpu.memory_space<vmem>>)
          tpu.yield
        }) : () -> ()
        "tpu.region"() ({
          %run_scoped3A = tpu.sem_alloc : memref<!tpu.dma_semaphore, #tpu.memory_space<semaphore_mem>>
          %dma_start3A_35 = tpu.memref_slice %arg4[%mul3A_30] : memref<160000xi32, #tpu.memory_space<hbm>> -> memref<128xi32, #tpu.memory_space<hbm>>
          %dma_start3A_36 = tpu.memref_slice %arg4[%mul3A_30] : memref<160000xi32, #tpu.memory_space<hbm>> -> memref<128xi32, #tpu.memory_space<hbm>>
          tpu.enqueue_dma source(%dma_start3A_36 : memref<128xi32, #tpu.memory_space<hbm>>) target(%arg8 : memref<128xi32, #tpu.memory_space<vmem>>) target_semaphore(%run_scoped3A : memref<!tpu.dma_semaphore, #tpu.memory_space<semaphore_mem>>)
          %dma_wait3A_37 = tpu.memref_slice %arg4[%mul3A_30] : memref<160000xi32, #tpu.memory_space<hbm>> -> memref<128xi32, #tpu.memory_space<hbm>>
          %dma_wait3A_38 = tpu.memref_slice %arg4[%mul3A_30] : memref<160000xi32, #tpu.memory_space<hbm>> -> memref<128xi32, #tpu.memory_space<hbm>>
          tpu.wait_dma2 semaphore(%run_scoped3A : memref<!tpu.dma_semaphore, #tpu.memory_space<semaphore_mem>>) src(%dma_wait3A_38 : memref<128xi32, #tpu.memory_space<hbm>>) dst(%arg8 : memref<128xi32, #tpu.memory_space<vmem>>)
          tpu.yield
        }) : () -> ()
        %dma_start3A = arith.constant 0 : i32
        %dma_start3A_31 = arith.constant 0 : i32
        %dma_start3A_32 = tpu.memref_slice %arg2[%dma_start3A, %dma_start3A_31] : memref<10000x128xf32, #tpu.memory_space<hbm>> -> memref<10000x128xf32, #tpu.memory_space<hbm>>
        tpu.enqueue_indirect_dma source(%dma_start3A_32 : memref<10000x128xf32, #tpu.memory_space<hbm>>) target(%arg9 : memref<128x128xf32, #tpu.memory_space<vmem>>) offsets(%arg7 : memref<128xi32, #tpu.memory_space<vmem>>) semaphore(%arg11 : memref<!tpu.dma_semaphore, #tpu.memory_space<semaphore_mem>>)
        %dma_wait3A = arith.constant 0 : i32
        %dma_wait3A_33 = arith.constant 0 : i32
        %dma_wait3A_34 = tpu.memref_slice %arg2[%dma_wait3A, %dma_wait3A_33] : memref<10000x128xf32, #tpu.memory_space<hbm>> -> memref<10000x128xf32, #tpu.memory_space<hbm>>
        tpu.wait_indirect_dma semaphore(%arg11 : memref<!tpu.dma_semaphore, #tpu.memory_space<semaphore_mem>>) src(%dma_wait3A_34 : memref<10000x128xf32, #tpu.memory_space<hbm>>) dst(%arg9 : memref<128x128xf32, #tpu.memory_space<vmem>>)
        "tpu.region"() ({
          %run_scoped3A = tpu.sem_alloc : memref<!tpu.dma_semaphore, #tpu.memory_space<semaphore_mem>>
          %dma_start3A_35 = arith.constant 0 : i32
          %dma_start3A_36 = arith.constant 0 : i32
          %dma_start3A_37 = tpu.memref_slice %arg10[%dma_start3A_35, %dma_start3A_36] : memref<10016x128xf32, #tpu.memory_space<vmem_shared>> -> memref<10016x128xf32, #tpu.memory_space<vmem_shared>>
          tpu.enqueue_indirect_dma source(%arg9 : memref<128x128xf32, #tpu.memory_space<vmem>>) target(%dma_start3A_37 : memref<10016x128xf32, #tpu.memory_space<vmem_shared>>) offsets(%arg8 : memref<128xi32, #tpu.memory_space<vmem>>) semaphore(%run_scoped3A : memref<!tpu.dma_semaphore, #tpu.memory_space<semaphore_mem>>) {add = true}
          %dma_wait3A_38 = arith.constant 0 : i32
          %dma_wait3A_39 = arith.constant 0 : i32
          %dma_wait3A_40 = tpu.memref_slice %arg10[%dma_wait3A_38, %dma_wait3A_39] : memref<10016x128xf32, #tpu.memory_space<vmem_shared>> -> memref<10016x128xf32, #tpu.memory_space<vmem_shared>>
          tpu.wait_indirect_dma semaphore(%run_scoped3A : memref<!tpu.dma_semaphore, #tpu.memory_space<semaphore_mem>>) src(%arg9 : memref<128x128xf32, #tpu.memory_space<vmem>>) dst(%dma_wait3A_40 : memref<10016x128xf32, #tpu.memory_space<vmem_shared>>)
          tpu.yield
        }) : () -> ()
      } else {
      }
      %scan3A_28 = arith.constant 0 : i32
      scf.yield %scan3A_28 : i32
    }
    %scan3A_10 = arith.constant 40 : i32
    %barrier3A_11 = arith.constant 0 : index
    tpu.barrier barrier_id(%barrier3A_11)
    %mul3A_12 = arith.constant 624 : i32
    %mul3A_13 = arith.muli %arg1, %mul3A_12 : i32
    "tpu.region"() ({
      %run_scoped3A = tpu.sem_alloc : memref<!tpu.dma_semaphore, #tpu.memory_space<semaphore_mem>>
      %dma_start3A = arith.constant 0 : i32
      %dma_start3A_19 = tpu.memref_slice %arg6[%arg0, %mul3A_13, %dma_start3A] : memref<2x10000x128xf32, #tpu.memory_space<hbm>> -> memref<1x624x128xf32, #tpu.memory_space<hbm>>
      %dma_start3A_20 = tpu.memref_squeeze %dma_start3A_19 : memref<1x624x128xf32, #tpu.memory_space<hbm>> -> memref<624x128xf32, #tpu.memory_space<hbm>>
      %dma_start3A_21 = arith.constant 0 : i32
      %dma_start3A_22 = tpu.memref_slice %arg10[%mul3A_13, %dma_start3A_21] : memref<10016x128xf32, #tpu.memory_space<vmem_shared>> -> memref<624x128xf32, #tpu.memory_space<vmem_shared>>
      tpu.enqueue_dma source(%dma_start3A_22 : memref<624x128xf32, #tpu.memory_space<vmem_shared>>) target(%dma_start3A_20 : memref<624x128xf32, #tpu.memory_space<hbm>>) target_semaphore(%run_scoped3A : memref<!tpu.dma_semaphore, #tpu.memory_space<semaphore_mem>>)
      %dma_wait3A = arith.constant 0 : i32
      %dma_wait3A_23 = tpu.memref_slice %arg6[%arg0, %mul3A_13, %dma_wait3A] : memref<2x10000x128xf32, #tpu.memory_space<hbm>> -> memref<1x624x128xf32, #tpu.memory_space<hbm>>
      %dma_wait3A_24 = tpu.memref_squeeze %dma_wait3A_23 : memref<1x624x128xf32, #tpu.memory_space<hbm>> -> memref<624x128xf32, #tpu.memory_space<hbm>>
      %dma_wait3A_25 = arith.constant 0 : i32
      %dma_wait3A_26 = tpu.memref_slice %arg10[%mul3A_13, %dma_wait3A_25] : memref<10016x128xf32, #tpu.memory_space<vmem_shared>> -> memref<624x128xf32, #tpu.memory_space<vmem_shared>>
      tpu.wait_dma2 semaphore(%run_scoped3A : memref<!tpu.dma_semaphore, #tpu.memory_space<semaphore_mem>>) src(%dma_wait3A_26 : memref<624x128xf32, #tpu.memory_space<vmem_shared>>) dst(%dma_wait3A_24 : memref<624x128xf32, #tpu.memory_space<hbm>>)
      tpu.yield
    }) : () -> ()
    %eq3A_14 = arith.constant 15 : i32
    %eq3A_15 = arith.cmpi eq, %arg1, %eq3A_14 : i32
    %convert_element_type3A_16 = arith.extui %eq3A_15 : i1 to i32
    %cond3A_17 = arith.constant 0 : i32
    %cond3A_18 = arith.cmpi ne, %convert_element_type3A_16, %cond3A_17 : i32
    scf.if %cond3A_18 {
      "tpu.region"() ({
        %run_scoped3A = tpu.sem_alloc : memref<!tpu.dma_semaphore, #tpu.memory_space<semaphore_mem>>
        %dma_start3A = arith.constant 9984 : i32
        %dma_start3A_19 = arith.constant 0 : i32
        %dma_start3A_20 = tpu.memref_slice %arg6[%arg0, %dma_start3A, %dma_start3A_19] : memref<2x10000x128xf32, #tpu.memory_space<hbm>> -> memref<1x16x128xf32, #tpu.memory_space<hbm>>
        %dma_start3A_21 = tpu.memref_squeeze %dma_start3A_20 : memref<1x16x128xf32, #tpu.memory_space<hbm>> -> memref<16x128xf32, #tpu.memory_space<hbm>>
        %dma_start3A_22 = arith.constant 9984 : i32
        %dma_start3A_23 = arith.constant 0 : i32
        %dma_start3A_24 = tpu.memref_slice %arg10[%dma_start3A_22, %dma_start3A_23] : memref<10016x128xf32, #tpu.memory_space<vmem_shared>> -> memref<16x128xf32, #tpu.memory_space<vmem_shared>>
        tpu.enqueue_dma source(%dma_start3A_24 : memref<16x128xf32, #tpu.memory_space<vmem_shared>>) target(%dma_start3A_21 : memref<16x128xf32, #tpu.memory_space<hbm>>) target_semaphore(%run_scoped3A : memref<!tpu.dma_semaphore, #tpu.memory_space<semaphore_mem>>)
        %dma_wait3A = arith.constant 9984 : i32
        %dma_wait3A_25 = arith.constant 0 : i32
        %dma_wait3A_26 = tpu.memref_slice %arg6[%arg0, %dma_wait3A, %dma_wait3A_25] : memref<2x10000x128xf32, #tpu.memory_space<hbm>> -> memref<1x16x128xf32, #tpu.memory_space<hbm>>
        %dma_wait3A_27 = tpu.memref_squeeze %dma_wait3A_26 : memref<1x16x128xf32, #tpu.memory_space<hbm>> -> memref<16x128xf32, #tpu.memory_space<hbm>>
        %dma_wait3A_28 = arith.constant 9984 : i32
        %dma_wait3A_29 = arith.constant 0 : i32
        %dma_wait3A_30 = tpu.memref_slice %arg10[%dma_wait3A_28, %dma_wait3A_29] : memref<10016x128xf32, #tpu.memory_space<vmem_shared>> -> memref<16x128xf32, #tpu.memory_space<vmem_shared>>
        tpu.wait_dma2 semaphore(%run_scoped3A : memref<!tpu.dma_semaphore, #tpu.memory_space<semaphore_mem>>) src(%dma_wait3A_30 : memref<16x128xf32, #tpu.memory_space<vmem_shared>>) dst(%dma_wait3A_27 : memref<16x128xf32, #tpu.memory_space<hbm>>)
        tpu.yield
      }) : () -> ()
    } else {
    }
    return
  }
}

#map = affine_map<(d0, d1) -> (0, 0)>
#map1 = affine_map<(d0, d1) -> (0)>
#map2 = affine_map<(d0, d1) -> (0, 0, 0)>
module attributes {stable_mosaic.version = 14 : i64} {
  func.func @_sc_edge_sum(%arg0: i32, %arg1: i32, %arg2: memref<10000x128xf32, #tpu.memory_space<hbm>>, %arg3: memref<160000xi32, #tpu.memory_space<hbm>>, %arg4: memref<160000xi32, #tpu.memory_space<hbm>>, %arg5: memref<624x128xf32, #tpu.memory_space<hbm>>, %arg6: memref<2x10000x128xf32, #tpu.memory_space<hbm>>, %arg7: memref<128xi32, #tpu.memory_space<vmem>>, %arg8: memref<128xi32, #tpu.memory_space<vmem>>, %arg9: memref<128x128xf32, #tpu.memory_space<vmem>>, %arg10: memref<10016x128xf32, #tpu.memory_space<vmem_shared>>, %arg11: memref<!tpu.dma_semaphore, #tpu.memory_space<semaphore_mem>>) attributes {dimension_semantics = [#tpu.dimension_semantics<core_parallel>, #tpu.dimension_semantics<subcore_parallel>], iteration_bounds = array<i64: 2, 16>, scalar_prefetch = 0 : i64, scratch_operands = 5 : i64, tpu.core_type = #tpu.core_type<sc_vector_subcore>, window_params = [{transform_indices = #map}, {transform_indices = #map1}, {transform_indices = #map1}, {transform_indices = #map}, {transform_indices = #map2}]} {
    %mul3A = arith.constant 2 : i32
    %mul3A_0 = arith.muli %arg1, %mul3A : i32
    %add3A = arith.addi %mul3A_0, %arg0 : i32
    %mul3A_1 = arith.constant 624 : i32
    %mul3A_2 = arith.muli %arg1, %mul3A_1 : i32
    "tpu.region"() ({
      %run_scoped3A = tpu.sem_alloc : memref<!tpu.dma_semaphore, #tpu.memory_space<semaphore_mem>>
      %dma_start3A = arith.constant 0 : i32
      %dma_start3A_19 = tpu.memref_slice %arg10[%mul3A_2, %dma_start3A] : memref<10016x128xf32, #tpu.memory_space<vmem_shared>> -> memref<624x128xf32, #tpu.memory_space<vmem_shared>>
      tpu.enqueue_dma source(%arg5 : memref<624x128xf32, #tpu.memory_space<hbm>>) target(%dma_start3A_19 : memref<624x128xf32, #tpu.memory_space<vmem_shared>>) target_semaphore(%run_scoped3A : memref<!tpu.dma_semaphore, #tpu.memory_space<semaphore_mem>>)
      %dma_wait3A = arith.constant 0 : i32
      %dma_wait3A_20 = tpu.memref_slice %arg10[%mul3A_2, %dma_wait3A] : memref<10016x128xf32, #tpu.memory_space<vmem_shared>> -> memref<624x128xf32, #tpu.memory_space<vmem_shared>>
      tpu.wait_dma2 semaphore(%run_scoped3A : memref<!tpu.dma_semaphore, #tpu.memory_space<semaphore_mem>>) src(%arg5 : memref<624x128xf32, #tpu.memory_space<hbm>>) dst(%dma_wait3A_20 : memref<624x128xf32, #tpu.memory_space<vmem_shared>>)
      tpu.yield
    }) : () -> ()
    %eq3A = arith.constant 15 : i32
    %eq3A_3 = arith.cmpi eq, %arg1, %eq3A : i32
    %convert_element_type3A = arith.extui %eq3A_3 : i1 to i32
    %cond3A = arith.constant 0 : i32
    %cond3A_4 = arith.cmpi ne, %convert_element_type3A, %cond3A : i32
    scf.if %cond3A_4 {
      "tpu.region"() ({
        %run_scoped3A = tpu.sem_alloc : memref<!tpu.dma_semaphore, #tpu.memory_space<semaphore_mem>>
        %dma_start3A = arith.constant 9984 : i32
        %dma_start3A_19 = arith.constant 0 : i32
        %dma_start3A_20 = tpu.memref_slice %arg10[%dma_start3A, %dma_start3A_19] : memref<10016x128xf32, #tpu.memory_space<vmem_shared>> -> memref<16x128xf32, #tpu.memory_space<vmem_shared>>
        %dma_start3A_21 = arith.constant 0 : i32
        %dma_start3A_22 = arith.constant 0 : i32
        %dma_start3A_23 = tpu.memref_slice %arg5[%dma_start3A_21, %dma_start3A_22] : memref<624x128xf32, #tpu.memory_space<hbm>> -> memref<16x128xf32, #tpu.memory_space<hbm>>
        tpu.enqueue_dma source(%dma_start3A_23 : memref<16x128xf32, #tpu.memory_space<hbm>>) target(%dma_start3A_20 : memref<16x128xf32, #tpu.memory_space<vmem_shared>>) target_semaphore(%run_scoped3A : memref<!tpu.dma_semaphore, #tpu.memory_space<semaphore_mem>>)
        %dma_wait3A = arith.constant 9984 : i32
        %dma_wait3A_24 = arith.constant 0 : i32
        %dma_wait3A_25 = tpu.memref_slice %arg10[%dma_wait3A, %dma_wait3A_24] : memref<10016x128xf32, #tpu.memory_space<vmem_shared>> -> memref<16x128xf32, #tpu.memory_space<vmem_shared>>
        %dma_wait3A_26 = arith.constant 0 : i32
        %dma_wait3A_27 = arith.constant 0 : i32
        %dma_wait3A_28 = tpu.memref_slice %arg5[%dma_wait3A_26, %dma_wait3A_27] : memref<624x128xf32, #tpu.memory_space<hbm>> -> memref<16x128xf32, #tpu.memory_space<hbm>>
        tpu.wait_dma2 semaphore(%run_scoped3A : memref<!tpu.dma_semaphore, #tpu.memory_space<semaphore_mem>>) src(%dma_wait3A_28 : memref<16x128xf32, #tpu.memory_space<hbm>>) dst(%dma_wait3A_25 : memref<16x128xf32, #tpu.memory_space<vmem_shared>>)
        tpu.yield
      }) : () -> ()
    } else {
    }
    %barrier3A = arith.constant 0 : index
    tpu.barrier barrier_id(%barrier3A)
    %scan3A = arith.constant 0 : i32
    %scan3A_5 = arith.constant 0 : i32
    %scan3A_6 = arith.constant 40 : i32
    %scan3A_7 = arith.addi %scan3A_5, %scan3A_6 : i32
    %scan3A_8 = arith.constant 1 : i32
    %scan3A_9 = scf.for %scan3A_19 = %scan3A_5 to %scan3A_7 step %scan3A_8 iter_args(%scan3A_20 = %scan3A) -> (i32)  : i32 {
      %mul3A_21 = arith.constant 32 : i32
      %mul3A_22 = arith.muli %scan3A_19, %mul3A_21 : i32
      %add3A_23 = arith.addi %mul3A_22, %add3A : i32
      %lt3A = arith.constant 1250 : i32
      %lt3A_24 = arith.cmpi slt, %add3A_23, %lt3A : i32
      %convert_element_type3A_25 = arith.extui %lt3A_24 : i1 to i32
      %cond3A_26 = arith.constant 0 : i32
      %cond3A_27 = arith.cmpi ne, %convert_element_type3A_25, %cond3A_26 : i32
      scf.if %cond3A_27 {
        %mul3A_29 = arith.constant 128 : i32
        %mul3A_30 = arith.muli %add3A_23, %mul3A_29 : i32
        "tpu.region"() ({
          %run_scoped3A = tpu.sem_alloc : memref<!tpu.dma_semaphore, #tpu.memory_space<semaphore_mem>>
          %dma_start3A_35 = tpu.memref_slice %arg3[%mul3A_30] : memref<160000xi32, #tpu.memory_space<hbm>> -> memref<128xi32, #tpu.memory_space<hbm>>
          %dma_start3A_36 = tpu.memref_slice %arg3[%mul3A_30] : memref<160000xi32, #tpu.memory_space<hbm>> -> memref<128xi32, #tpu.memory_space<hbm>>
          tpu.enqueue_dma source(%dma_start3A_36 : memref<128xi32, #tpu.memory_space<hbm>>) target(%arg7 : memref<128xi32, #tpu.memory_space<vmem>>) target_semaphore(%run_scoped3A : memref<!tpu.dma_semaphore, #tpu.memory_space<semaphore_mem>>)
          %dma_wait3A_37 = tpu.memref_slice %arg3[%mul3A_30] : memref<160000xi32, #tpu.memory_space<hbm>> -> memref<128xi32, #tpu.memory_space<hbm>>
          %dma_wait3A_38 = tpu.memref_slice %arg3[%mul3A_30] : memref<160000xi32, #tpu.memory_space<hbm>> -> memref<128xi32, #tpu.memory_space<hbm>>
          tpu.wait_dma2 semaphore(%run_scoped3A : memref<!tpu.dma_semaphore, #tpu.memory_space<semaphore_mem>>) src(%dma_wait3A_38 : memref<128xi32, #tpu.memory_space<hbm>>) dst(%arg7 : memref<128xi32, #tpu.memory_space<vmem>>)
          tpu.yield
        }) : () -> ()
        "tpu.region"() ({
          %run_scoped3A = tpu.sem_alloc : memref<!tpu.dma_semaphore, #tpu.memory_space<semaphore_mem>>
          %dma_start3A_35 = tpu.memref_slice %arg4[%mul3A_30] : memref<160000xi32, #tpu.memory_space<hbm>> -> memref<128xi32, #tpu.memory_space<hbm>>
          %dma_start3A_36 = tpu.memref_slice %arg4[%mul3A_30] : memref<160000xi32, #tpu.memory_space<hbm>> -> memref<128xi32, #tpu.memory_space<hbm>>
          tpu.enqueue_dma source(%dma_start3A_36 : memref<128xi32, #tpu.memory_space<hbm>>) target(%arg8 : memref<128xi32, #tpu.memory_space<vmem>>) target_semaphore(%run_scoped3A : memref<!tpu.dma_semaphore, #tpu.memory_space<semaphore_mem>>)
          %dma_wait3A_37 = tpu.memref_slice %arg4[%mul3A_30] : memref<160000xi32, #tpu.memory_space<hbm>> -> memref<128xi32, #tpu.memory_space<hbm>>
          %dma_wait3A_38 = tpu.memref_slice %arg4[%mul3A_30] : memref<160000xi32, #tpu.memory_space<hbm>> -> memref<128xi32, #tpu.memory_space<hbm>>
          tpu.wait_dma2 semaphore(%run_scoped3A : memref<!tpu.dma_semaphore, #tpu.memory_space<semaphore_mem>>) src(%dma_wait3A_38 : memref<128xi32, #tpu.memory_space<hbm>>) dst(%arg8 : memref<128xi32, #tpu.memory_space<vmem>>)
          tpu.yield
        }) : () -> ()
        %dma_start3A = arith.constant 0 : i32
        %dma_start3A_31 = arith.constant 0 : i32
        %dma_start3A_32 = tpu.memref_slice %arg2[%dma_start3A, %dma_start3A_31] : memref<10000x128xf32, #tpu.memory_space<hbm>> -> memref<10000x128xf32, #tpu.memory_space<hbm>>
        tpu.enqueue_indirect_dma source(%dma_start3A_32 : memref<10000x128xf32, #tpu.memory_space<hbm>>) target(%arg9 : memref<128x128xf32, #tpu.memory_space<vmem>>) offsets(%arg7 : memref<128xi32, #tpu.memory_space<vmem>>) semaphore(%arg11 : memref<!tpu.dma_semaphore, #tpu.memory_space<semaphore_mem>>)
        %dma_wait3A = arith.constant 0 : i32
        %dma_wait3A_33 = arith.constant 0 : i32
        %dma_wait3A_34 = tpu.memref_slice %arg2[%dma_wait3A, %dma_wait3A_33] : memref<10000x128xf32, #tpu.memory_space<hbm>> -> memref<10000x128xf32, #tpu.memory_space<hbm>>
        tpu.wait_indirect_dma semaphore(%arg11 : memref<!tpu.dma_semaphore, #tpu.memory_space<semaphore_mem>>) src(%dma_wait3A_34 : memref<10000x128xf32, #tpu.memory_space<hbm>>) dst(%arg9 : memref<128x128xf32, #tpu.memory_space<vmem>>)
        "tpu.region"() ({
          %run_scoped3A = tpu.sem_alloc : memref<!tpu.dma_semaphore, #tpu.memory_space<semaphore_mem>>
          %dma_start3A_35 = arith.constant 0 : i32
          %dma_start3A_36 = arith.constant 0 : i32
          %dma_start3A_37 = tpu.memref_slice %arg10[%dma_start3A_35, %dma_start3A_36] : memref<10016x128xf32, #tpu.memory_space<vmem_shared>> -> memref<10016x128xf32, #tpu.memory_space<vmem_shared>>
          tpu.enqueue_indirect_dma source(%arg9 : memref<128x128xf32, #tpu.memory_space<vmem>>) target(%dma_start3A_37 : memref<10016x128xf32, #tpu.memory_space<vmem_shared>>) offsets(%arg8 : memref<128xi32, #tpu.memory_space<vmem>>) semaphore(%run_scoped3A : memref<!tpu.dma_semaphore, #tpu.memory_space<semaphore_mem>>) {add = true}
          %dma_wait3A_38 = arith.constant 0 : i32
          %dma_wait3A_39 = arith.constant 0 : i32
          %dma_wait3A_40 = tpu.memref_slice %arg10[%dma_wait3A_38, %dma_wait3A_39] : memref<10016x128xf32, #tpu.memory_space<vmem_shared>> -> memref<10016x128xf32, #tpu.memory_space<vmem_shared>>
          tpu.wait_indirect_dma semaphore(%run_scoped3A : memref<!tpu.dma_semaphore, #tpu.memory_space<semaphore_mem>>) src(%arg9 : memref<128x128xf32, #tpu.memory_space<vmem>>) dst(%dma_wait3A_40 : memref<10016x128xf32, #tpu.memory_space<vmem_shared>>)
          tpu.yield
        }) : () -> ()
      } else {
      }
      %scan3A_28 = arith.constant 0 : i32
      scf.yield %scan3A_28 : i32
    }
    %scan3A_10 = arith.constant 40 : i32
    %barrier3A_11 = arith.constant 0 : index
    tpu.barrier barrier_id(%barrier3A_11)
    %mul3A_12 = arith.constant 624 : i32
    %mul3A_13 = arith.muli %arg1, %mul3A_12 : i32
    "tpu.region"() ({
      %run_scoped3A = tpu.sem_alloc : memref<!tpu.dma_semaphore, #tpu.memory_space<semaphore_mem>>
      %dma_start3A = arith.constant 0 : i32
      %dma_start3A_19 = tpu.memref_slice %arg6[%arg0, %mul3A_13, %dma_start3A] : memref<2x10000x128xf32, #tpu.memory_space<hbm>> -> memref<1x624x128xf32, #tpu.memory_space<hbm>>
      %dma_start3A_20 = tpu.memref_squeeze %dma_start3A_19 : memref<1x624x128xf32, #tpu.memory_space<hbm>> -> memref<624x128xf32, #tpu.memory_space<hbm>>
      %dma_start3A_21 = arith.constant 0 : i32
      %dma_start3A_22 = tpu.memref_slice %arg10[%mul3A_13, %dma_start3A_21] : memref<10016x128xf32, #tpu.memory_space<vmem_shared>> -> memref<624x128xf32, #tpu.memory_space<vmem_shared>>
      tpu.enqueue_dma source(%dma_start3A_22 : memref<624x128xf32, #tpu.memory_space<vmem_shared>>) target(%dma_start3A_20 : memref<624x128xf32, #tpu.memory_space<hbm>>) target_semaphore(%run_scoped3A : memref<!tpu.dma_semaphore, #tpu.memory_space<semaphore_mem>>)
      %dma_wait3A = arith.constant 0 : i32
      %dma_wait3A_23 = tpu.memref_slice %arg6[%arg0, %mul3A_13, %dma_wait3A] : memref<2x10000x128xf32, #tpu.memory_space<hbm>> -> memref<1x624x128xf32, #tpu.memory_space<hbm>>
      %dma_wait3A_24 = tpu.memref_squeeze %dma_wait3A_23 : memref<1x624x128xf32, #tpu.memory_space<hbm>> -> memref<624x128xf32, #tpu.memory_space<hbm>>
      %dma_wait3A_25 = arith.constant 0 : i32
      %dma_wait3A_26 = tpu.memref_slice %arg10[%mul3A_13, %dma_wait3A_25] : memref<10016x128xf32, #tpu.memory_space<vmem_shared>> -> memref<624x128xf32, #tpu.memory_space<vmem_shared>>
      tpu.wait_dma2 semaphore(%run_scoped3A : memref<!tpu.dma_semaphore, #tpu.memory_space<semaphore_mem>>) src(%dma_wait3A_26 : memref<624x128xf32, #tpu.memory_space<vmem_shared>>) dst(%dma_wait3A_24 : memref<624x128xf32, #tpu.memory_space<hbm>>)
      tpu.yield
    }) : () -> ()
    %eq3A_14 = arith.constant 15 : i32
    %eq3A_15 = arith.cmpi eq, %arg1, %eq3A_14 : i32
    %convert_element_type3A_16 = arith.extui %eq3A_15 : i1 to i32
    %cond3A_17 = arith.constant 0 : i32
    %cond3A_18 = arith.cmpi ne, %convert_element_type3A_16, %cond3A_17 : i32
    scf.if %cond3A_18 {
      "tpu.region"() ({
        %run_scoped3A = tpu.sem_alloc : memref<!tpu.dma_semaphore, #tpu.memory_space<semaphore_mem>>
        %dma_start3A = arith.constant 9984 : i32
        %dma_start3A_19 = arith.constant 0 : i32
        %dma_start3A_20 = tpu.memref_slice %arg6[%arg0, %dma_start3A, %dma_start3A_19] : memref<2x10000x128xf32, #tpu.memory_space<hbm>> -> memref<1x16x128xf32, #tpu.memory_space<hbm>>
        %dma_start3A_21 = tpu.memref_squeeze %dma_start3A_20 : memref<1x16x128xf32, #tpu.memory_space<hbm>> -> memref<16x128xf32, #tpu.memory_space<hbm>>
        %dma_start3A_22 = arith.constant 9984 : i32
        %dma_start3A_23 = arith.constant 0 : i32
        %dma_start3A_24 = tpu.memref_slice %arg10[%dma_start3A_22, %dma_start3A_23] : memref<10016x128xf32, #tpu.memory_space<vmem_shared>> -> memref<16x128xf32, #tpu.memory_space<vmem_shared>>
        tpu.enqueue_dma source(%dma_start3A_24 : memref<16x128xf32, #tpu.memory_space<vmem_shared>>) target(%dma_start3A_21 : memref<16x128xf32, #tpu.memory_space<hbm>>) target_semaphore(%run_scoped3A : memref<!tpu.dma_semaphore, #tpu.memory_space<semaphore_mem>>)
        %dma_wait3A = arith.constant 9984 : i32
        %dma_wait3A_25 = arith.constant 0 : i32
        %dma_wait3A_26 = tpu.memref_slice %arg6[%arg0, %dma_wait3A, %dma_wait3A_25] : memref<2x10000x128xf32, #tpu.memory_space<hbm>> -> memref<1x16x128xf32, #tpu.memory_space<hbm>>
        %dma_wait3A_27 = tpu.memref_squeeze %dma_wait3A_26 : memref<1x16x128xf32, #tpu.memory_space<hbm>> -> memref<16x128xf32, #tpu.memory_space<hbm>>
        %dma_wait3A_28 = arith.constant 9984 : i32
        %dma_wait3A_29 = arith.constant 0 : i32
        %dma_wait3A_30 = tpu.memref_slice %arg10[%dma_wait3A_28, %dma_wait3A_29] : memref<10016x128xf32, #tpu.memory_space<vmem_shared>> -> memref<16x128xf32, #tpu.memory_space<vmem_shared>>
        tpu.wait_dma2 semaphore(%run_scoped3A : memref<!tpu.dma_semaphore, #tpu.memory_space<semaphore_mem>>) src(%dma_wait3A_30 : memref<16x128xf32, #tpu.memory_space<vmem_shared>>) dst(%dma_wait3A_27 : memref<16x128xf32, #tpu.memory_space<hbm>>)
        tpu.yield
      }) : () -> ()
    } else {
    }
    return
  }
}

#map = affine_map<(d0, d1) -> (0, 0)>
#map1 = affine_map<(d0, d1) -> (0)>
#map2 = affine_map<(d0, d1) -> (0, 0, 0)>
module attributes {stable_mosaic.version = 14 : i64} {
  func.func @_sc_den2(%arg0: i32, %arg1: i32, %arg2: memref<10000x128xf32, #tpu.memory_space<hbm>>, %arg3: memref<160000xi32, #tpu.memory_space<hbm>>, %arg4: memref<160000xi32, #tpu.memory_space<hbm>>, %arg5: memref<160000xi32, #tpu.memory_space<hbm>>, %arg6: memref<8x128xf32, #tpu.memory_space<hbm>>, %arg7: memref<624x128xf32, #tpu.memory_space<hbm>>, %arg8: memref<2x10000x128xf32, #tpu.memory_space<hbm>>, %arg9: memref<128xi32, #tpu.memory_space<vmem>>, %arg10: memref<128xi32, #tpu.memory_space<vmem>>, %arg11: memref<128xi32, #tpu.memory_space<vmem>>, %arg12: memref<128x128xf32, #tpu.memory_space<vmem>>, %arg13: memref<128x128xf32, #tpu.memory_space<vmem>>, %arg14: memref<128x128xf32, #tpu.memory_space<vmem>>, %arg15: memref<8x128xf32, #tpu.memory_space<vmem>>, %arg16: memref<10016x128xf32, #tpu.memory_space<vmem_shared>>, %arg17: memref<!tpu.dma_semaphore, #tpu.memory_space<semaphore_mem>>) attributes {dimension_semantics = [#tpu.dimension_semantics<core_parallel>, #tpu.dimension_semantics<subcore_parallel>], iteration_bounds = array<i64: 2, 16>, scalar_prefetch = 0 : i64, scratch_operands = 9 : i64, tpu.core_type = #tpu.core_type<sc_vector_subcore>, window_params = [{transform_indices = #map}, {transform_indices = #map1}, {transform_indices = #map1}, {transform_indices = #map1}, {transform_indices = #map}, {transform_indices = #map}, {transform_indices = #map2}]} {
    %mul3A = arith.constant 2 : i32
    %mul3A_0 = arith.muli %arg1, %mul3A : i32
    %add3A = arith.addi %mul3A_0, %arg0 : i32
    "tpu.region"() ({
      %run_scoped3A = tpu.sem_alloc : memref<!tpu.dma_semaphore, #tpu.memory_space<semaphore_mem>>
      tpu.enqueue_dma source(%arg6 : memref<8x128xf32, #tpu.memory_space<hbm>>) target(%arg15 : memref<8x128xf32, #tpu.memory_space<vmem>>) target_semaphore(%run_scoped3A : memref<!tpu.dma_semaphore, #tpu.memory_space<semaphore_mem>>)
      tpu.wait_dma2 semaphore(%run_scoped3A : memref<!tpu.dma_semaphore, #tpu.memory_space<semaphore_mem>>) src(%arg6 : memref<8x128xf32, #tpu.memory_space<hbm>>) dst(%arg15 : memref<8x128xf32, #tpu.memory_space<vmem>>)
      tpu.yield
    }) : () -> ()
    "tpu.region"() ({
      %run_scoped3A = tpu.sem_alloc : memref<!tpu.dma_semaphore, #tpu.memory_space<semaphore_mem>>
      %dma_start3A = arith.constant 0 : i32
      %dma_start3A_19 = arith.constant 0 : i32
      %dma_start3A_20 = tpu.memref_slice %arg7[%dma_start3A, %dma_start3A_19] : memref<624x128xf32, #tpu.memory_space<hbm>> -> memref<128x128xf32, #tpu.memory_space<hbm>>
      %dma_start3A_21 = arith.constant 0 : i32
      %dma_start3A_22 = arith.constant 0 : i32
      %dma_start3A_23 = tpu.memref_slice %arg7[%dma_start3A_21, %dma_start3A_22] : memref<624x128xf32, #tpu.memory_space<hbm>> -> memref<128x128xf32, #tpu.memory_space<hbm>>
      tpu.enqueue_dma source(%dma_start3A_23 : memref<128x128xf32, #tpu.memory_space<hbm>>) target(%arg13 : memref<128x128xf32, #tpu.memory_space<vmem>>) target_semaphore(%run_scoped3A : memref<!tpu.dma_semaphore, #tpu.memory_space<semaphore_mem>>)
      %dma_wait3A = arith.constant 0 : i32
      %dma_wait3A_24 = arith.constant 0 : i32
      %dma_wait3A_25 = tpu.memref_slice %arg7[%dma_wait3A, %dma_wait3A_24] : memref<624x128xf32, #tpu.memory_space<hbm>> -> memref<128x128xf32, #tpu.memory_space<hbm>>
      %dma_wait3A_26 = arith.constant 0 : i32
      %dma_wait3A_27 = arith.constant 0 : i32
      %dma_wait3A_28 = tpu.memref_slice %arg7[%dma_wait3A_26, %dma_wait3A_27] : memref<624x128xf32, #tpu.memory_space<hbm>> -> memref<128x128xf32, #tpu.memory_space<hbm>>
      tpu.wait_dma2 semaphore(%run_scoped3A : memref<!tpu.dma_semaphore, #tpu.memory_space<semaphore_mem>>) src(%dma_wait3A_28 : memref<128x128xf32, #tpu.memory_space<hbm>>) dst(%arg13 : memref<128x128xf32, #tpu.memory_space<vmem>>)
      tpu.yield
    }) : () -> ()
    "tpu.region"() ({
      %run_scoped3A = tpu.sem_alloc : memref<!tpu.dma_semaphore, #tpu.memory_space<semaphore_mem>>
      %dma_start3A = arith.constant 0 : i32
      %dma_start3A_19 = arith.constant 0 : i32
      %dma_start3A_20 = tpu.memref_slice %arg7[%dma_start3A, %dma_start3A_19] : memref<624x128xf32, #tpu.memory_space<hbm>> -> memref<128x128xf32, #tpu.memory_space<hbm>>
      %dma_start3A_21 = arith.constant 0 : i32
      %dma_start3A_22 = arith.constant 0 : i32
      %dma_start3A_23 = tpu.memref_slice %arg7[%dma_start3A_21, %dma_start3A_22] : memref<624x128xf32, #tpu.memory_space<hbm>> -> memref<128x128xf32, #tpu.memory_space<hbm>>
      tpu.enqueue_dma source(%dma_start3A_23 : memref<128x128xf32, #tpu.memory_space<hbm>>) target(%arg14 : memref<128x128xf32, #tpu.memory_space<vmem>>) target_semaphore(%run_scoped3A : memref<!tpu.dma_semaphore, #tpu.memory_space<semaphore_mem>>)
      %dma_wait3A = arith.constant 0 : i32
      %dma_wait3A_24 = arith.constant 0 : i32
      %dma_wait3A_25 = tpu.memref_slice %arg7[%dma_wait3A, %dma_wait3A_24] : memref<624x128xf32, #tpu.memory_space<hbm>> -> memref<128x128xf32, #tpu.memory_space<hbm>>
      %dma_wait3A_26 = arith.constant 0 : i32
      %dma_wait3A_27 = arith.constant 0 : i32
      %dma_wait3A_28 = tpu.memref_slice %arg7[%dma_wait3A_26, %dma_wait3A_27] : memref<624x128xf32, #tpu.memory_space<hbm>> -> memref<128x128xf32, #tpu.memory_space<hbm>>
      tpu.wait_dma2 semaphore(%run_scoped3A : memref<!tpu.dma_semaphore, #tpu.memory_space<semaphore_mem>>) src(%dma_wait3A_28 : memref<128x128xf32, #tpu.memory_space<hbm>>) dst(%arg14 : memref<128x128xf32, #tpu.memory_space<vmem>>)
      tpu.yield
    }) : () -> ()
    %mul3A_1 = arith.constant 624 : i32
    %mul3A_2 = arith.muli %arg1, %mul3A_1 : i32
    "tpu.region"() ({
      %run_scoped3A = tpu.sem_alloc : memref<!tpu.dma_semaphore, #tpu.memory_space<semaphore_mem>>
      %dma_start3A = arith.constant 0 : i32
      %dma_start3A_19 = tpu.memref_slice %arg16[%mul3A_2, %dma_start3A] : memref<10016x128xf32, #tpu.memory_space<vmem_shared>> -> memref<624x128xf32, #tpu.memory_space<vmem_shared>>
      tpu.enqueue_dma source(%arg7 : memref<624x128xf32, #tpu.memory_space<hbm>>) target(%dma_start3A_19 : memref<624x128xf32, #tpu.memory_space<vmem_shared>>) target_semaphore(%run_scoped3A : memref<!tpu.dma_semaphore, #tpu.memory_space<semaphore_mem>>)
      %dma_wait3A = arith.constant 0 : i32
      %dma_wait3A_20 = tpu.memref_slice %arg16[%mul3A_2, %dma_wait3A] : memref<10016x128xf32, #tpu.memory_space<vmem_shared>> -> memref<624x128xf32, #tpu.memory_space<vmem_shared>>
      tpu.wait_dma2 semaphore(%run_scoped3A : memref<!tpu.dma_semaphore, #tpu.memory_space<semaphore_mem>>) src(%arg7 : memref<624x128xf32, #tpu.memory_space<hbm>>) dst(%dma_wait3A_20 : memref<624x128xf32, #tpu.memory_space<vmem_shared>>)
      tpu.yield
    }) : () -> ()
    %eq3A = arith.constant 15 : i32
    %eq3A_3 = arith.cmpi eq, %arg1, %eq3A : i32
    %convert_element_type3A = arith.extui %eq3A_3 : i1 to i32
    %cond3A = arith.constant 0 : i32
    %cond3A_4 = arith.cmpi ne, %convert_element_type3A, %cond3A : i32
    scf.if %cond3A_4 {
      "tpu.region"() ({
        %run_scoped3A = tpu.sem_alloc : memref<!tpu.dma_semaphore, #tpu.memory_space<semaphore_mem>>
        %dma_start3A = arith.constant 9984 : i32
        %dma_start3A_19 = arith.constant 0 : i32
        %dma_start3A_20 = tpu.memref_slice %arg16[%dma_start3A, %dma_start3A_19] : memref<10016x128xf32, #tpu.memory_space<vmem_shared>> -> memref<16x128xf32, #tpu.memory_space<vmem_shared>>
        %dma_start3A_21 = arith.constant 0 : i32
        %dma_start3A_22 = arith.constant 0 : i32
        %dma_start3A_23 = tpu.memref_slice %arg7[%dma_start3A_21, %dma_start3A_22] : memref<624x128xf32, #tpu.memory_space<hbm>> -> memref<16x128xf32, #tpu.memory_space<hbm>>
        tpu.enqueue_dma source(%dma_start3A_23 : memref<16x128xf32, #tpu.memory_space<hbm>>) target(%dma_start3A_20 : memref<16x128xf32, #tpu.memory_space<vmem_shared>>) target_semaphore(%run_scoped3A : memref<!tpu.dma_semaphore, #tpu.memory_space<semaphore_mem>>)
        %dma_wait3A = arith.constant 9984 : i32
        %dma_wait3A_24 = arith.constant 0 : i32
        %dma_wait3A_25 = tpu.memref_slice %arg16[%dma_wait3A, %dma_wait3A_24] : memref<10016x128xf32, #tpu.memory_space<vmem_shared>> -> memref<16x128xf32, #tpu.memory_space<vmem_shared>>
        %dma_wait3A_26 = arith.constant 0 : i32
        %dma_wait3A_27 = arith.constant 0 : i32
        %dma_wait3A_28 = tpu.memref_slice %arg7[%dma_wait3A_26, %dma_wait3A_27] : memref<624x128xf32, #tpu.memory_space<hbm>> -> memref<16x128xf32, #tpu.memory_space<hbm>>
        tpu.wait_dma2 semaphore(%run_scoped3A : memref<!tpu.dma_semaphore, #tpu.memory_space<semaphore_mem>>) src(%dma_wait3A_28 : memref<16x128xf32, #tpu.memory_space<hbm>>) dst(%dma_wait3A_25 : memref<16x128xf32, #tpu.memory_space<vmem_shared>>)
        tpu.yield
      }) : () -> ()
    } else {
    }
    %barrier3A = arith.constant 0 : index
    tpu.barrier barrier_id(%barrier3A)
    %scan3A = arith.constant 0 : i32
    %scan3A_5 = arith.constant 0 : i32
    %scan3A_6 = arith.constant 40 : i32
    %scan3A_7 = arith.addi %scan3A_5, %scan3A_6 : i32
    %scan3A_8 = arith.constant 1 : i32
    %scan3A_9 = scf.for %scan3A_19 = %scan3A_5 to %scan3A_7 step %scan3A_8 iter_args(%scan3A_20 = %scan3A) -> (i32)  : i32 {
      %mul3A_21 = arith.constant 32 : i32
      %mul3A_22 = arith.muli %scan3A_19, %mul3A_21 : i32
      %add3A_23 = arith.addi %mul3A_22, %add3A : i32
      %lt3A = arith.constant 1250 : i32
      %lt3A_24 = arith.cmpi slt, %add3A_23, %lt3A : i32
      %convert_element_type3A_25 = arith.extui %lt3A_24 : i1 to i32
      %cond3A_26 = arith.constant 0 : i32
      %cond3A_27 = arith.cmpi ne, %convert_element_type3A_25, %cond3A_26 : i32
      scf.if %cond3A_27 {
        %mul3A_29 = arith.constant 128 : i32
        %mul3A_30 = arith.muli %add3A_23, %mul3A_29 : i32
        "tpu.region"() ({
          %run_scoped3A = tpu.sem_alloc : memref<!tpu.dma_semaphore, #tpu.memory_space<semaphore_mem>>
          %dma_start3A_51 = tpu.memref_slice %arg3[%mul3A_30] : memref<160000xi32, #tpu.memory_space<hbm>> -> memref<128xi32, #tpu.memory_space<hbm>>
          %dma_start3A_52 = tpu.memref_slice %arg3[%mul3A_30] : memref<160000xi32, #tpu.memory_space<hbm>> -> memref<128xi32, #tpu.memory_space<hbm>>
          tpu.enqueue_dma source(%dma_start3A_52 : memref<128xi32, #tpu.memory_space<hbm>>) target(%arg9 : memref<128xi32, #tpu.memory_space<vmem>>) target_semaphore(%run_scoped3A : memref<!tpu.dma_semaphore, #tpu.memory_space<semaphore_mem>>)
          %dma_wait3A_53 = tpu.memref_slice %arg3[%mul3A_30] : memref<160000xi32, #tpu.memory_space<hbm>> -> memref<128xi32, #tpu.memory_space<hbm>>
          %dma_wait3A_54 = tpu.memref_slice %arg3[%mul3A_30] : memref<160000xi32, #tpu.memory_space<hbm>> -> memref<128xi32, #tpu.memory_space<hbm>>
          tpu.wait_dma2 semaphore(%run_scoped3A : memref<!tpu.dma_semaphore, #tpu.memory_space<semaphore_mem>>) src(%dma_wait3A_54 : memref<128xi32, #tpu.memory_space<hbm>>) dst(%arg9 : memref<128xi32, #tpu.memory_space<vmem>>)
          tpu.yield
        }) : () -> ()
        "tpu.region"() ({
          %run_scoped3A = tpu.sem_alloc : memref<!tpu.dma_semaphore, #tpu.memory_space<semaphore_mem>>
          %dma_start3A_51 = tpu.memref_slice %arg4[%mul3A_30] : memref<160000xi32, #tpu.memory_space<hbm>> -> memref<128xi32, #tpu.memory_space<hbm>>
          %dma_start3A_52 = tpu.memref_slice %arg4[%mul3A_30] : memref<160000xi32, #tpu.memory_space<hbm>> -> memref<128xi32, #tpu.memory_space<hbm>>
          tpu.enqueue_dma source(%dma_start3A_52 : memref<128xi32, #tpu.memory_space<hbm>>) target(%arg10 : memref<128xi32, #tpu.memory_space<vmem>>) target_semaphore(%run_scoped3A : memref<!tpu.dma_semaphore, #tpu.memory_space<semaphore_mem>>)
          %dma_wait3A_53 = tpu.memref_slice %arg4[%mul3A_30] : memref<160000xi32, #tpu.memory_space<hbm>> -> memref<128xi32, #tpu.memory_space<hbm>>
          %dma_wait3A_54 = tpu.memref_slice %arg4[%mul3A_30] : memref<160000xi32, #tpu.memory_space<hbm>> -> memref<128xi32, #tpu.memory_space<hbm>>
          tpu.wait_dma2 semaphore(%run_scoped3A : memref<!tpu.dma_semaphore, #tpu.memory_space<semaphore_mem>>) src(%dma_wait3A_54 : memref<128xi32, #tpu.memory_space<hbm>>) dst(%arg10 : memref<128xi32, #tpu.memory_space<vmem>>)
          tpu.yield
        }) : () -> ()
        "tpu.region"() ({
          %run_scoped3A = tpu.sem_alloc : memref<!tpu.dma_semaphore, #tpu.memory_space<semaphore_mem>>
          %dma_start3A_51 = tpu.memref_slice %arg5[%mul3A_30] : memref<160000xi32, #tpu.memory_space<hbm>> -> memref<128xi32, #tpu.memory_space<hbm>>
          %dma_start3A_52 = tpu.memref_slice %arg5[%mul3A_30] : memref<160000xi32, #tpu.memory_space<hbm>> -> memref<128xi32, #tpu.memory_space<hbm>>
          tpu.enqueue_dma source(%dma_start3A_52 : memref<128xi32, #tpu.memory_space<hbm>>) target(%arg11 : memref<128xi32, #tpu.memory_space<vmem>>) target_semaphore(%run_scoped3A : memref<!tpu.dma_semaphore, #tpu.memory_space<semaphore_mem>>)
          %dma_wait3A_53 = tpu.memref_slice %arg5[%mul3A_30] : memref<160000xi32, #tpu.memory_space<hbm>> -> memref<128xi32, #tpu.memory_space<hbm>>
          %dma_wait3A_54 = tpu.memref_slice %arg5[%mul3A_30] : memref<160000xi32, #tpu.memory_space<hbm>> -> memref<128xi32, #tpu.memory_space<hbm>>
          tpu.wait_dma2 semaphore(%run_scoped3A : memref<!tpu.dma_semaphore, #tpu.memory_space<semaphore_mem>>) src(%dma_wait3A_54 : memref<128xi32, #tpu.memory_space<hbm>>) dst(%arg11 : memref<128xi32, #tpu.memory_space<vmem>>)
          tpu.yield
        }) : () -> ()
        %dma_start3A = arith.constant 0 : i32
        %dma_start3A_31 = arith.constant 0 : i32
        %dma_start3A_32 = tpu.memref_slice %arg2[%dma_start3A, %dma_start3A_31] : memref<10000x128xf32, #tpu.memory_space<hbm>> -> memref<10000x128xf32, #tpu.memory_space<hbm>>
        tpu.enqueue_indirect_dma source(%dma_start3A_32 : memref<10000x128xf32, #tpu.memory_space<hbm>>) target(%arg12 : memref<128x128xf32, #tpu.memory_space<vmem>>) offsets(%arg9 : memref<128xi32, #tpu.memory_space<vmem>>) semaphore(%arg17 : memref<!tpu.dma_semaphore, #tpu.memory_space<semaphore_mem>>)
        %dma_wait3A = arith.constant 0 : i32
        %dma_wait3A_33 = arith.constant 0 : i32
        %dma_wait3A_34 = tpu.memref_slice %arg2[%dma_wait3A, %dma_wait3A_33] : memref<10000x128xf32, #tpu.memory_space<hbm>> -> memref<10000x128xf32, #tpu.memory_space<hbm>>
        tpu.wait_indirect_dma semaphore(%arg17 : memref<!tpu.dma_semaphore, #tpu.memory_space<semaphore_mem>>) src(%dma_wait3A_34 : memref<10000x128xf32, #tpu.memory_space<hbm>>) dst(%arg12 : memref<128x128xf32, #tpu.memory_space<vmem>>)
        %get3A = arith.constant 0 : i32
        %get3A_35 = arith.index_cast %get3A : i32 to index
        %get3A_36 = arith.constant 0 : index
        %get3A_37 = tpu.vector_load %arg15[%get3A_35, %get3A_36] {strides = array<i32>} : memref<8x128xf32, #tpu.memory_space<vmem>>, vector<1x16xf32>,
        %get3A_38 = vector.shape_cast %get3A_37 : vector<1x16xf32> to vector<16xf32>
        %get3A_39 = arith.constant 1 : i32
        %get3A_40 = arith.index_cast %get3A_39 : i32 to index
        %get3A_41 = arith.constant 0 : index
        %get3A_42 = tpu.vector_load %arg15[%get3A_40, %get3A_41] {strides = array<i32>} : memref<8x128xf32, #tpu.memory_space<vmem>>, vector<1x16xf32>,
        %get3A_43 = vector.shape_cast %get3A_42 : vector<1x16xf32> to vector<16xf32>
        %scan3A_44 = arith.constant 0 : i32
        %scan3A_45 = arith.constant 0 : i32
        %scan3A_46 = arith.constant 128 : i32
        %scan3A_47 = arith.addi %scan3A_45, %scan3A_46 : i32
        %scan3A_48 = arith.constant 1 : i32
        %scan3A_49 = scf.for %scan3A_51 = %scan3A_45 to %scan3A_47 step %scan3A_48 iter_args(%scan3A_52 = %scan3A_44) -> (i32)  : i32 {
          %get3A_53 = arith.index_cast %scan3A_51 : i32 to index
          %get3A_54 = arith.constant 0 : index
          %get3A_55 = tpu.vector_load %arg12[%get3A_53, %get3A_54] {strides = array<i32>} : memref<128x128xf32, #tpu.memory_space<vmem>>, vector<1x16xf32>,
          %get3A_56 = vector.shape_cast %get3A_55 : vector<1x16xf32> to vector<16xf32>
          %mul3A_57 = arith.mulf %get3A_56, %get3A_38 : vector<16xf32>
          %swap3A = arith.index_cast %scan3A_51 : i32 to index
          %swap3A_58 = arith.constant 0 : index
          %swap3A_59 = tpu.vector_load %arg13[%swap3A, %swap3A_58] {strides = array<i32>} : memref<128x128xf32, #tpu.memory_space<vmem>>, vector<1x16xf32>,
          %swap3A_60 = vector.shape_cast %swap3A_59 : vector<1x16xf32> to vector<16xf32>
          %swap3A_61 = vector.shape_cast %mul3A_57 : vector<16xf32> to vector<1x16xf32>
          tpu.vector_store %arg13[%swap3A, %swap3A_58], %swap3A_61 {strides = array<i32>} : memref<128x128xf32, #tpu.memory_space<vmem>>, vector<1x16xf32>,
          %mul3A_62 = arith.mulf %get3A_56, %get3A_43 : vector<16xf32>
          %swap3A_63 = arith.index_cast %scan3A_51 : i32 to index
          %swap3A_64 = arith.constant 0 : index
          %swap3A_65 = tpu.vector_load %arg14[%swap3A_63, %swap3A_64] {strides = array<i32>} : memref<128x128xf32, #tpu.memory_space<vmem>>, vector<1x16xf32>,
          %swap3A_66 = vector.shape_cast %swap3A_65 : vector<1x16xf32> to vector<16xf32>
          %swap3A_67 = vector.shape_cast %mul3A_62 : vector<16xf32> to vector<1x16xf32>
          tpu.vector_store %arg14[%swap3A_63, %swap3A_64], %swap3A_67 {strides = array<i32>} : memref<128x128xf32, #tpu.memory_space<vmem>>, vector<1x16xf32>,
          %scan3A_68 = arith.constant 0 : i32
          scf.yield %scan3A_68 : i32
        }
        %scan3A_50 = arith.constant 128 : i32
        "tpu.region"() ({
          %run_scoped3A = tpu.sem_alloc : memref<!tpu.dma_semaphore, #tpu.memory_space<semaphore_mem>>
          %dma_start3A_51 = arith.constant 0 : i32
          %dma_start3A_52 = arith.constant 0 : i32
          %dma_start3A_53 = tpu.memref_slice %arg16[%dma_start3A_51, %dma_start3A_52] : memref<10016x128xf32, #tpu.memory_space<vmem_shared>> -> memref<10016x128xf32, #tpu.memory_space<vmem_shared>>
          tpu.enqueue_indirect_dma source(%arg13 : memref<128x128xf32, #tpu.memory_space<vmem>>) target(%dma_start3A_53 : memref<10016x128xf32, #tpu.memory_space<vmem_shared>>) offsets(%arg10 : memref<128xi32, #tpu.memory_space<vmem>>) semaphore(%run_scoped3A : memref<!tpu.dma_semaphore, #tpu.memory_space<semaphore_mem>>) {add = true}
          %dma_wait3A_54 = arith.constant 0 : i32
          %dma_wait3A_55 = arith.constant 0 : i32
          %dma_wait3A_56 = tpu.memref_slice %arg16[%dma_wait3A_54, %dma_wait3A_55] : memref<10016x128xf32, #tpu.memory_space<vmem_shared>> -> memref<10016x128xf32, #tpu.memory_space<vmem_shared>>
          tpu.wait_indirect_dma semaphore(%run_scoped3A : memref<!tpu.dma_semaphore, #tpu.memory_space<semaphore_mem>>) src(%arg13 : memref<128x128xf32, #tpu.memory_space<vmem>>) dst(%dma_wait3A_56 : memref<10016x128xf32, #tpu.memory_space<vmem_shared>>)
          tpu.yield
        }) : () -> ()
        "tpu.region"() ({
          %run_scoped3A = tpu.sem_alloc : memref<!tpu.dma_semaphore, #tpu.memory_space<semaphore_mem>>
          %dma_start3A_51 = arith.constant 0 : i32
          %dma_start3A_52 = arith.constant 0 : i32
          %dma_start3A_53 = tpu.memref_slice %arg16[%dma_start3A_51, %dma_start3A_52] : memref<10016x128xf32, #tpu.memory_space<vmem_shared>> -> memref<10016x128xf32, #tpu.memory_space<vmem_shared>>
          tpu.enqueue_indirect_dma source(%arg14 : memref<128x128xf32, #tpu.memory_space<vmem>>) target(%dma_start3A_53 : memref<10016x128xf32, #tpu.memory_space<vmem_shared>>) offsets(%arg11 : memref<128xi32, #tpu.memory_space<vmem>>) semaphore(%run_scoped3A : memref<!tpu.dma_semaphore, #tpu.memory_space<semaphore_mem>>) {add = true}
          %dma_wait3A_54 = arith.constant 0 : i32
          %dma_wait3A_55 = arith.constant 0 : i32
          %dma_wait3A_56 = tpu.memref_slice %arg16[%dma_wait3A_54, %dma_wait3A_55] : memref<10016x128xf32, #tpu.memory_space<vmem_shared>> -> memref<10016x128xf32, #tpu.memory_space<vmem_shared>>
          tpu.wait_indirect_dma semaphore(%run_scoped3A : memref<!tpu.dma_semaphore, #tpu.memory_space<semaphore_mem>>) src(%arg14 : memref<128x128xf32, #tpu.memory_space<vmem>>) dst(%dma_wait3A_56 : memref<10016x128xf32, #tpu.memory_space<vmem_shared>>)
          tpu.yield
        }) : () -> ()
      } else {
      }
      %scan3A_28 = arith.constant 0 : i32
      scf.yield %scan3A_28 : i32
    }
    %scan3A_10 = arith.constant 40 : i32
    %barrier3A_11 = arith.constant 0 : index
    tpu.barrier barrier_id(%barrier3A_11)
    %mul3A_12 = arith.constant 624 : i32
    %mul3A_13 = arith.muli %arg1, %mul3A_12 : i32
    "tpu.region"() ({
      %run_scoped3A = tpu.sem_alloc : memref<!tpu.dma_semaphore, #tpu.memory_space<semaphore_mem>>
      %dma_start3A = arith.constant 0 : i32
      %dma_start3A_19 = tpu.memref_slice %arg8[%arg0, %mul3A_13, %dma_start3A] : memref<2x10000x128xf32, #tpu.memory_space<hbm>> -> memref<1x624x128xf32, #tpu.memory_space<hbm>>
      %dma_start3A_20 = tpu.memref_squeeze %dma_start3A_19 : memref<1x624x128xf32, #tpu.memory_space<hbm>> -> memref<624x128xf32, #tpu.memory_space<hbm>>
      %dma_start3A_21 = arith.constant 0 : i32
      %dma_start3A_22 = tpu.memref_slice %arg16[%mul3A_13, %dma_start3A_21] : memref<10016x128xf32, #tpu.memory_space<vmem_shared>> -> memref<624x128xf32, #tpu.memory_space<vmem_shared>>
      tpu.enqueue_dma source(%dma_start3A_22 : memref<624x128xf32, #tpu.memory_space<vmem_shared>>) target(%dma_start3A_20 : memref<624x128xf32, #tpu.memory_space<hbm>>) target_semaphore(%run_scoped3A : memref<!tpu.dma_semaphore, #tpu.memory_space<semaphore_mem>>)
      %dma_wait3A = arith.constant 0 : i32
      %dma_wait3A_23 = tpu.memref_slice %arg8[%arg0, %mul3A_13, %dma_wait3A] : memref<2x10000x128xf32, #tpu.memory_space<hbm>> -> memref<1x624x128xf32, #tpu.memory_space<hbm>>
      %dma_wait3A_24 = tpu.memref_squeeze %dma_wait3A_23 : memref<1x624x128xf32, #tpu.memory_space<hbm>> -> memref<624x128xf32, #tpu.memory_space<hbm>>
      %dma_wait3A_25 = arith.constant 0 : i32
      %dma_wait3A_26 = tpu.memref_slice %arg16[%mul3A_13, %dma_wait3A_25] : memref<10016x128xf32, #tpu.memory_space<vmem_shared>> -> memref<624x128xf32, #tpu.memory_space<vmem_shared>>
      tpu.wait_dma2 semaphore(%run_scoped3A : memref<!tpu.dma_semaphore, #tpu.memory_space<semaphore_mem>>) src(%dma_wait3A_26 : memref<624x128xf32, #tpu.memory_space<vmem_shared>>) dst(%dma_wait3A_24 : memref<624x128xf32, #tpu.memory_space<hbm>>)
      tpu.yield
    }) : () -> ()
    %eq3A_14 = arith.constant 15 : i32
    %eq3A_15 = arith.cmpi eq, %arg1, %eq3A_14 : i32
    %convert_element_type3A_16 = arith.extui %eq3A_15 : i1 to i32
    %cond3A_17 = arith.constant 0 : i32
    %cond3A_18 = arith.cmpi ne, %convert_element_type3A_16, %cond3A_17 : i32
    scf.if %cond3A_18 {
      "tpu.region"() ({
        %run_scoped3A = tpu.sem_alloc : memref<!tpu.dma_semaphore, #tpu.memory_space<semaphore_mem>>
        %dma_start3A = arith.constant 9984 : i32
        %dma_start3A_19 = arith.constant 0 : i32
        %dma_start3A_20 = tpu.memref_slice %arg8[%arg0, %dma_start3A, %dma_start3A_19] : memref<2x10000x128xf32, #tpu.memory_space<hbm>> -> memref<1x16x128xf32, #tpu.memory_space<hbm>>
        %dma_start3A_21 = tpu.memref_squeeze %dma_start3A_20 : memref<1x16x128xf32, #tpu.memory_space<hbm>> -> memref<16x128xf32, #tpu.memory_space<hbm>>
        %dma_start3A_22 = arith.constant 9984 : i32
        %dma_start3A_23 = arith.constant 0 : i32
        %dma_start3A_24 = tpu.memref_slice %arg16[%dma_start3A_22, %dma_start3A_23] : memref<10016x128xf32, #tpu.memory_space<vmem_shared>> -> memref<16x128xf32, #tpu.memory_space<vmem_shared>>
        tpu.enqueue_dma source(%dma_start3A_24 : memref<16x128xf32, #tpu.memory_space<vmem_shared>>) target(%dma_start3A_21 : memref<16x128xf32, #tpu.memory_space<hbm>>) target_semaphore(%run_scoped3A : memref<!tpu.dma_semaphore, #tpu.memory_space<semaphore_mem>>)
        %dma_wait3A = arith.constant 9984 : i32
        %dma_wait3A_25 = arith.constant 0 : i32
        %dma_wait3A_26 = tpu.memref_slice %arg8[%arg0, %dma_wait3A, %dma_wait3A_25] : memref<2x10000x128xf32, #tpu.memory_space<hbm>> -> memref<1x16x128xf32, #tpu.memory_space<hbm>>
        %dma_wait3A_27 = tpu.memref_squeeze %dma_wait3A_26 : memref<1x16x128xf32, #tpu.memory_space<hbm>> -> memref<16x128xf32, #tpu.memory_space<hbm>>
        %dma_wait3A_28 = arith.constant 9984 : i32
        %dma_wait3A_29 = arith.constant 0 : i32
        %dma_wait3A_30 = tpu.memref_slice %arg16[%dma_wait3A_28, %dma_wait3A_29] : memref<10016x128xf32, #tpu.memory_space<vmem_shared>> -> memref<16x128xf32, #tpu.memory_space<vmem_shared>>
        tpu.wait_dma2 semaphore(%run_scoped3A : memref<!tpu.dma_semaphore, #tpu.memory_space<semaphore_mem>>) src(%dma_wait3A_30 : memref<16x128xf32, #tpu.memory_space<vmem_shared>>) dst(%dma_wait3A_27 : memref<16x128xf32, #tpu.memory_space<hbm>>)
        tpu.yield
      }) : () -> ()
    } else {
    }
    return
  }
}

module attributes {stable_mosaic.version = 14 : i64} {
  func.func @_tca_body(%arg0: i32, %arg1: memref<1000x128xf32, #tpu.memory_space<vmem>>, %arg2: memref<1000x128xf32, #tpu.memory_space<vmem>>, %arg3: memref<1000x1xf32, #tpu.memory_space<vmem>>, %arg4: memref<1000x1xf32, #tpu.memory_space<vmem>>, %arg5: memref<2x1000x128xf32, #tpu.memory_space<vmem>>, %arg6: memref<128x1024xf32, #tpu.memory_space<vmem>>, %arg7: memref<128x1024xf32, #tpu.memory_space<vmem>>, %arg8: memref<1x1024xf32, #tpu.memory_space<vmem>>, %arg9: memref<1024x512xf32, #tpu.memory_space<vmem>>, %arg10: memref<1x512xf32, #tpu.memory_space<vmem>>, %arg11: memref<512x128xf32, #tpu.memory_space<vmem>>, %arg12: memref<1000x128xf32, #tpu.memory_space<vmem>>, %arg13: memref<1000x128xf32, #tpu.memory_space<vmem>>) attributes {dimension_semantics = [#tpu.dimension_semantics<arbitrary>], iteration_bounds = array<i64: 10>, scalar_prefetch = 0 : i64, scratch_operands = 0 : i64, tpu.core_type = #tpu.core_type<tc>, window_params = [{transform_indices = @transform_0, window_bounds = array<i64: 1000, 128>}, {transform_indices = @transform_1, window_bounds = array<i64: 1000, 128>}, {transform_indices = @transform_2, window_bounds = array<i64: 1000, 1>}, {transform_indices = @transform_3, window_bounds = array<i64: 1000, 1>}, {transform_indices = @transform_4, window_bounds = array<i64: 2, 1000, 128>}, {pipeline_mode = #tpu.pipeline_mode<synchronous>, transform_indices = @transform_5, window_bounds = array<i64: 128, 1024>}, {pipeline_mode = #tpu.pipeline_mode<synchronous>, transform_indices = @transform_6, window_bounds = array<i64: 128, 1024>}, {pipeline_mode = #tpu.pipeline_mode<synchronous>, transform_indices = @transform_7, window_bounds = array<i64: 1, 1024>}, {pipeline_mode = #tpu.pipeline_mode<synchronous>, transform_indices = @transform_8, window_bounds = array<i64: 1024, 512>}, {pipeline_mode = #tpu.pipeline_mode<synchronous>, transform_indices = @transform_9, window_bounds = array<i64: 1, 512>}, {pipeline_mode = #tpu.pipeline_mode<synchronous>, transform_indices = @transform_10, window_bounds = array<i64: 512, 128>}, {transform_indices = @transform_11, window_bounds = array<i64: 1000, 128>}, {transform_indices = @transform_12, window_bounds = array<i64: 1000, 128>}]} {
    %iota3A = tpu.iota {dimensions = array<i32: 1>} : vector<1000x128xi32>
    %lt3A = arith.constant 64 : i32
    %lt3A_0 = vector.broadcast %lt3A : i32 to vector<1000x128xi32>
    %lt3A_1 = arith.cmpi slt, %iota3A, %lt3A_0 : vector<1000x128xi32>
    %convert_element_type3A = arith.extui %lt3A_1 : vector<1000x128xi1> to vector<1000x128xi32>
    %convert_element_type3A_2 = arith.sitofp %convert_element_type3A : vector<1000x128xi32> to vector<1000x128xf32>
    %get3A = arith.constant 0 : index
    %get3A_3 = arith.constant 0 : index
    %get3A_4 = vector.load %arg3[%get3A, %get3A_3] : memref<1000x1xf32, #tpu.memory_space<vmem>>, vector<1000x1xf32>
    %sub3A = arith.constant 1.000000e+00 : f32
    %sub3A_5 = vector.broadcast %sub3A : f32 to vector<1000x1xf32>
    %sub3A_6 = arith.subf %sub3A_5, %get3A_4 : vector<1000x1xf32>
    %mul3A = vector.broadcast %sub3A_6 : vector<1000x1xf32> to vector<1000x128xf32>
    %mul3A_7 = arith.mulf %convert_element_type3A_2, %mul3A : vector<1000x128xf32>
    %sub3A_8 = arith.constant 1.000000e+00 : f32
    %sub3A_9 = vector.broadcast %sub3A_8 : f32 to vector<1000x128xf32>
    %sub3A_10 = arith.subf %sub3A_9, %convert_element_type3A_2 : vector<1000x128xf32>
    %get3A_11 = arith.constant 0 : index
    %get3A_12 = arith.constant 0 : index
    %get3A_13 = vector.load %arg3[%get3A_11, %get3A_12] : memref<1000x1xf32, #tpu.memory_space<vmem>>, vector<1000x1xf32>
    %mul3A_14 = vector.broadcast %get3A_13 : vector<1000x1xf32> to vector<1000x128xf32>
    %mul3A_15 = arith.mulf %sub3A_10, %mul3A_14 : vector<1000x128xf32>
    %add3A = arith.addf %mul3A_7, %mul3A_15 : vector<1000x128xf32>
    %get3A_16 = arith.constant 0 : index
    %get3A_17 = arith.constant 0 : index
    %get3A_18 = vector.load %arg4[%get3A_16, %get3A_17] : memref<1000x1xf32, #tpu.memory_space<vmem>>, vector<1000x1xf32>
    %sub3A_19 = arith.constant 1.000000e+00 : f32
    %sub3A_20 = vector.broadcast %sub3A_19 : f32 to vector<1000x1xf32>
    %sub3A_21 = arith.subf %sub3A_20, %get3A_18 : vector<1000x1xf32>
    %mul3A_22 = vector.broadcast %sub3A_21 : vector<1000x1xf32> to vector<1000x128xf32>
    %mul3A_23 = arith.mulf %convert_element_type3A_2, %mul3A_22 : vector<1000x128xf32>
    %sub3A_24 = arith.constant 1.000000e+00 : f32
    %sub3A_25 = vector.broadcast %sub3A_24 : f32 to vector<1000x128xf32>
    %sub3A_26 = arith.subf %sub3A_25, %convert_element_type3A_2 : vector<1000x128xf32>
    %get3A_27 = arith.constant 0 : index
    %get3A_28 = arith.constant 0 : index
    %get3A_29 = vector.load %arg4[%get3A_27, %get3A_28] : memref<1000x1xf32, #tpu.memory_space<vmem>>, vector<1000x1xf32>
    %mul3A_30 = vector.broadcast %get3A_29 : vector<1000x1xf32> to vector<1000x128xf32>
    %mul3A_31 = arith.mulf %sub3A_26, %mul3A_30 : vector<1000x128xf32>
    %add3A_32 = arith.addf %mul3A_23, %mul3A_31 : vector<1000x128xf32>
    %get3A_33 = arith.constant 0 : index
    %get3A_34 = arith.constant 0 : index
    %get3A_35 = vector.load %arg1[%get3A_33, %get3A_34] : memref<1000x128xf32, #tpu.memory_space<vmem>>, vector<1000x128xf32>
    %mul3A_36 = arith.mulf %get3A_35, %add3A : vector<1000x128xf32>
    %get3A_37 = arith.constant 0 : index
    %get3A_38 = arith.constant 0 : index
    %get3A_39 = vector.load %arg6[%get3A_37, %get3A_38] : memref<128x1024xf32, #tpu.memory_space<vmem>>, vector<128x1024xf32>
    %dot_general3A = arith.constant dense<0.000000e+00> : vector<1000x1024xf32>
    %dot_general3A_40 = tpu.matmul %mul3A_36, %get3A_39, %dot_general3A {dimension_numbers = #tpu.dot_dimension_numbers<[1], [0], [0], [1], [0, 0, 1, 1], [], []>, transpose_lhs_hint = false} : vector<1000x128xf32>, vector<128x1024xf32>, vector<1000x1024xf32> -> vector<1000x1024xf32>
    %get3A_41 = arith.constant 0 : index
    %get3A_42 = arith.constant 0 : index
    %get3A_43 = vector.load %arg2[%get3A_41, %get3A_42] : memref<1000x128xf32, #tpu.memory_space<vmem>>, vector<1000x128xf32>
    %mul3A_44 = arith.mulf %get3A_43, %add3A_32 : vector<1000x128xf32>
    %get3A_45 = arith.constant 0 : index
    %get3A_46 = arith.constant 0 : index
    %get3A_47 = vector.load %arg7[%get3A_45, %get3A_46] : memref<128x1024xf32, #tpu.memory_space<vmem>>, vector<128x1024xf32>
    %dot_general3A_48 = arith.constant dense<0.000000e+00> : vector<1000x1024xf32>
    %dot_general3A_49 = tpu.matmul %mul3A_44, %get3A_47, %dot_general3A_48 {dimension_numbers = #tpu.dot_dimension_numbers<[1], [0], [0], [1], [0, 0, 1, 1], [], []>, transpose_lhs_hint = false} : vector<1000x128xf32>, vector<128x1024xf32>, vector<1000x1024xf32> -> vector<1000x1024xf32>
    %add3A_50 = arith.addf %dot_general3A_40, %dot_general3A_49 : vector<1000x1024xf32>
    %get3A_51 = arith.constant 0 : index
    %get3A_52 = arith.constant 0 : index
    %get3A_53 = vector.load %arg8[%get3A_51, %get3A_52] : memref<1x1024xf32, #tpu.memory_space<vmem>>, vector<1x1024xf32>
    %add3A_54 = vector.broadcast %get3A_53 : vector<1x1024xf32> to vector<1000x1024xf32>
    %add3A_55 = arith.addf %add3A_50, %add3A_54 : vector<1000x1024xf32>
    %max3A = arith.constant 0.000000e+00 : f32
    %max3A_56 = vector.broadcast %max3A : f32 to vector<1000x1024xf32>
    %max3A_57 = arith.maximumf %add3A_55, %max3A_56 : vector<1000x1024xf32>
    %get3A_58 = arith.constant 0 : index
    %get3A_59 = arith.constant 0 : index
    %get3A_60 = vector.load %arg9[%get3A_58, %get3A_59] : memref<1024x512xf32, #tpu.memory_space<vmem>>, vector<1024x512xf32>
    %dot_general3A_61 = arith.constant dense<0.000000e+00> : vector<1000x512xf32>
    %dot_general3A_62 = tpu.matmul %max3A_57, %get3A_60, %dot_general3A_61 {dimension_numbers = #tpu.dot_dimension_numbers<[1], [0], [0], [1], [0, 0, 1, 1], [], []>, transpose_lhs_hint = false} : vector<1000x1024xf32>, vector<1024x512xf32>, vector<1000x512xf32> -> vector<1000x512xf32>
    %get3A_63 = arith.constant 0 : index
    %get3A_64 = arith.constant 0 : index
    %get3A_65 = vector.load %arg10[%get3A_63, %get3A_64] : memref<1x512xf32, #tpu.memory_space<vmem>>, vector<1x512xf32>
    %add3A_66 = vector.broadcast %get3A_65 : vector<1x512xf32> to vector<1000x512xf32>
    %add3A_67 = arith.addf %dot_general3A_62, %add3A_66 : vector<1000x512xf32>
    %max3A_68 = arith.constant 0.000000e+00 : f32
    %max3A_69 = vector.broadcast %max3A_68 : f32 to vector<1000x512xf32>
    %max3A_70 = arith.maximumf %add3A_67, %max3A_69 : vector<1000x512xf32>
    %get3A_71 = arith.constant 0 : index
    %get3A_72 = arith.constant 0 : index
    %get3A_73 = vector.load %arg11[%get3A_71, %get3A_72] : memref<512x128xf32, #tpu.memory_space<vmem>>, vector<512x128xf32>
    %dot_general3A_74 = arith.constant dense<0.000000e+00> : vector<1000x128xf32>
    %dot_general3A_75 = tpu.matmul %max3A_70, %get3A_73, %dot_general3A_74 {dimension_numbers = #tpu.dot_dimension_numbers<[1], [0], [0], [1], [0, 0, 1, 1], [], []>, transpose_lhs_hint = false} : vector<1000x512xf32>, vector<512x128xf32>, vector<1000x128xf32> -> vector<1000x128xf32>
    %get3A_76 = arith.constant 0 : index
    %get3A_77 = arith.constant 0 : index
    %get3A_78 = arith.constant 0 : index
    %get3A_79 = vector.load %arg5[%get3A_76, %get3A_77, %get3A_78] : memref<2x1000x128xf32, #tpu.memory_space<vmem>>, vector<1x1000x1xf32>
    %get3A_80 = vector.shape_cast %get3A_79 : vector<1x1000x1xf32> to vector<1000xf32>
    %get3A_81 = arith.constant 1 : index
    %get3A_82 = arith.constant 0 : index
    %get3A_83 = arith.constant 0 : index
    %get3A_84 = vector.load %arg5[%get3A_81, %get3A_82, %get3A_83] : memref<2x1000x128xf32, #tpu.memory_space<vmem>>, vector<1x1000x1xf32>
    %get3A_85 = vector.shape_cast %get3A_84 : vector<1x1000x1xf32> to vector<1000xf32>
    %add3A_86 = arith.addf %get3A_80, %get3A_85 : vector<1000xf32>
    %add3A_87 = arith.constant 1.000000e+00 : f32
    %add3A_88 = vector.broadcast %add3A_87 : f32 to vector<1000xf32>
    %add3A_89 = arith.addf %add3A_86, %add3A_88 : vector<1000xf32>
    %rsqrt3A = math.rsqrt %add3A_89 : vector<1000xf32>
    %swap3A = arith.constant 0 : index
    %swap3A_90 = arith.constant 0 : index
    %swap3A_91 = vector.load %arg12[%swap3A, %swap3A_90] : memref<1000x128xf32, #tpu.memory_space<vmem>>, vector<1000x128xf32>
    tpu.vector_store %arg12[%swap3A, %swap3A_90], %dot_general3A_75 {strides = array<i32>} : memref<1000x128xf32, #tpu.memory_space<vmem>>, vector<1000x128xf32>,
    %broadcast_in_dim3A = vector.shape_cast %rsqrt3A : vector<1000xf32> to vector<1000x1xf32>
    %mul3A_92 = vector.broadcast %broadcast_in_dim3A : vector<1000x1xf32> to vector<1000x128xf32>
    %mul3A_93 = arith.mulf %dot_general3A_75, %mul3A_92 : vector<1000x128xf32>
    %swap3A_94 = arith.constant 0 : index
    %swap3A_95 = arith.constant 0 : index
    %swap3A_96 = vector.load %arg13[%swap3A_94, %swap3A_95] : memref<1000x128xf32, #tpu.memory_space<vmem>>, vector<1000x128xf32>
    tpu.vector_store %arg13[%swap3A_94, %swap3A_95], %mul3A_93 {strides = array<i32>} : memref<1000x128xf32, #tpu.memory_space<vmem>>, vector<1000x128xf32>,
    return
  }
  func.func @transform_0(%arg0: i32) -> (i32, i32) {
    %c0_i32 = arith.constant 0 : i32
    %c0_i32_0 = arith.constant 0 : i32
    return %arg0, %c0_i32 : i32, i32
  }
  func.func @transform_1(%arg0: i32) -> (i32, i32) {
    %c0_i32 = arith.constant 0 : i32
    %c0_i32_0 = arith.constant 0 : i32
    return %arg0, %c0_i32 : i32, i32
  }
  func.func @transform_2(%arg0: i32) -> (i32, i32) {
    %c0_i32 = arith.constant 0 : i32
    %c0_i32_0 = arith.constant 0 : i32
    return %arg0, %c0_i32 : i32, i32
  }
  func.func @transform_3(%arg0: i32) -> (i32, i32) {
    %c0_i32 = arith.constant 0 : i32
    %c0_i32_0 = arith.constant 0 : i32
    return %arg0, %c0_i32 : i32, i32
  }
  func.func @transform_4(%arg0: i32) -> (i32, i32, i32) {
    %c0_i32 = arith.constant 0 : i32
    %c0_i32_0 = arith.constant 0 : i32
    %c0_i32_1 = arith.constant 0 : i32
    return %c0_i32, %arg0, %c0_i32_0 : i32, i32, i32
  }
  func.func @transform_5(%arg0: i32) -> (i32, i32) {
    %c0_i32 = arith.constant 0 : i32
    %c0_i32_0 = arith.constant 0 : i32
    %c0_i32_1 = arith.constant 0 : i32
    return %c0_i32, %c0_i32_0 : i32, i32
  }
  func.func @transform_6(%arg0: i32) -> (i32, i32) {
    %c0_i32 = arith.constant 0 : i32
    %c0_i32_0 = arith.constant 0 : i32
    %c0_i32_1 = arith.constant 0 : i32
    return %c0_i32, %c0_i32_0 : i32, i32
  }
  func.func @transform_7(%arg0: i32) -> (i32, i32) {
    %c0_i32 = arith.constant 0 : i32
    %c0_i32_0 = arith.constant 0 : i32
    %c0_i32_1 = arith.constant 0 : i32
    return %c0_i32, %c0_i32_0 : i32, i32
  }
  func.func @transform_8(%arg0: i32) -> (i32, i32) {
    %c0_i32 = arith.constant 0 : i32
    %c0_i32_0 = arith.constant 0 : i32
    %c0_i32_1 = arith.constant 0 : i32
    return %c0_i32, %c0_i32_0 : i32, i32
  }
  func.func @transform_9(%arg0: i32) -> (i32, i32) {
    %c0_i32 = arith.constant 0 : i32
    %c0_i32_0 = arith.constant 0 : i32
    %c0_i32_1 = arith.constant 0 : i32
    return %c0_i32, %c0_i32_0 : i32, i32
  }
  func.func @transform_10(%arg0: i32) -> (i32, i32) {
    %c0_i32 = arith.constant 0 : i32
    %c0_i32_0 = arith.constant 0 : i32
    %c0_i32_1 = arith.constant 0 : i32
    return %c0_i32, %c0_i32_0 : i32, i32
  }
  func.func @transform_11(%arg0: i32) -> (i32, i32) {
    %c0_i32 = arith.constant 0 : i32
    %c0_i32_0 = arith.constant 0 : i32
    return %arg0, %c0_i32 : i32, i32
  }
  func.func @transform_12(%arg0: i32) -> (i32, i32) {
    %c0_i32 = arith.constant 0 : i32
    %c0_i32_0 = arith.constant 0 : i32
    return %arg0, %c0_i32 : i32, i32
  }
}

module attributes {stable_mosaic.version = 14 : i64} {
  func.func @_tcb_body(%arg0: i32, %arg1: memref<1000x128xf32, #tpu.memory_space<vmem>>, %arg2: memref<1000x128xf32, #tpu.memory_space<vmem>>, %arg3: memref<1000x128xf32, #tpu.memory_space<vmem>>, %arg4: memref<2x1000x128xf32, #tpu.memory_space<vmem>>, %arg5: memref<1x128xf32, #tpu.memory_space<vmem>>, %arg6: memref<1x128xf32, #tpu.memory_space<vmem>>, %arg7: memref<1x128xf32, #tpu.memory_space<vmem>>, %arg8: memref<1x128xf32, #tpu.memory_space<vmem>>, %arg9: memref<1x128xf32, #tpu.memory_space<vmem>>, %arg10: memref<1000x128xf32, #tpu.memory_space<vmem>>) attributes {dimension_semantics = [#tpu.dimension_semantics<arbitrary>], iteration_bounds = array<i64: 10>, scalar_prefetch = 0 : i64, scratch_operands = 0 : i64, tpu.core_type = #tpu.core_type<tc>, window_params = [{transform_indices = @transform_0, window_bounds = array<i64: 1000, 128>}, {transform_indices = @transform_1, window_bounds = array<i64: 1000, 128>}, {transform_indices = @transform_2, window_bounds = array<i64: 1000, 128>}, {transform_indices = @transform_3, window_bounds = array<i64: 2, 1000, 128>}, {pipeline_mode = #tpu.pipeline_mode<synchronous>, transform_indices = @transform_4, window_bounds = array<i64: 1, 128>}, {pipeline_mode = #tpu.pipeline_mode<synchronous>, transform_indices = @transform_5, window_bounds = array<i64: 1, 128>}, {pipeline_mode = #tpu.pipeline_mode<synchronous>, transform_indices = @transform_6, window_bounds = array<i64: 1, 128>}, {pipeline_mode = #tpu.pipeline_mode<synchronous>, transform_indices = @transform_7, window_bounds = array<i64: 1, 128>}, {pipeline_mode = #tpu.pipeline_mode<synchronous>, transform_indices = @transform_8, window_bounds = array<i64: 1, 128>}, {transform_indices = @transform_9, window_bounds = array<i64: 1000, 128>}]} {
    %get3A = arith.constant 0 : index
    %get3A_0 = arith.constant 0 : index
    %get3A_1 = arith.constant 0 : index
    %get3A_2 = vector.load %arg4[%get3A, %get3A_0, %get3A_1] : memref<2x1000x128xf32, #tpu.memory_space<vmem>>, vector<1x1000x1xf32>
    %get3A_3 = vector.shape_cast %get3A_2 : vector<1x1000x1xf32> to vector<1000xf32>
    %get3A_4 = arith.constant 1 : index
    %get3A_5 = arith.constant 0 : index
    %get3A_6 = arith.constant 0 : index
    %get3A_7 = vector.load %arg4[%get3A_4, %get3A_5, %get3A_6] : memref<2x1000x128xf32, #tpu.memory_space<vmem>>, vector<1x1000x1xf32>
    %get3A_8 = vector.shape_cast %get3A_7 : vector<1x1000x1xf32> to vector<1000xf32>
    %add3A = arith.addf %get3A_3, %get3A_8 : vector<1000xf32>
    %add3A_9 = arith.constant 1.000000e+00 : f32
    %add3A_10 = vector.broadcast %add3A_9 : f32 to vector<1000xf32>
    %add3A_11 = arith.addf %add3A, %add3A_10 : vector<1000xf32>
    %rsqrt3A = math.rsqrt %add3A_11 : vector<1000xf32>
    %get3A_12 = arith.constant 0 : index
    %get3A_13 = arith.constant 0 : index
    %get3A_14 = vector.load %arg1[%get3A_12, %get3A_13] : memref<1000x128xf32, #tpu.memory_space<vmem>>, vector<1000x128xf32>
    %get3A_15 = arith.constant 0 : index
    %get3A_16 = arith.constant 0 : index
    %get3A_17 = vector.load %arg2[%get3A_15, %get3A_16] : memref<1000x128xf32, #tpu.memory_space<vmem>>, vector<1000x128xf32>
    %add3A_18 = arith.addf %get3A_14, %get3A_17 : vector<1000x128xf32>
    %broadcast_in_dim3A = vector.shape_cast %rsqrt3A : vector<1000xf32> to vector<1000x1xf32>
    %mul3A = vector.broadcast %broadcast_in_dim3A : vector<1000x1xf32> to vector<1000x128xf32>
    %mul3A_19 = arith.mulf %add3A_18, %mul3A : vector<1000x128xf32>
    %get3A_20 = arith.constant 0 : index
    %get3A_21 = arith.constant 0 : index
    %get3A_22 = vector.load %arg3[%get3A_20, %get3A_21] : memref<1000x128xf32, #tpu.memory_space<vmem>>, vector<1000x128xf32>
    %mul3A_23 = arith.mulf %rsqrt3A, %rsqrt3A : vector<1000xf32>
    %broadcast_in_dim3A_24 = vector.shape_cast %mul3A_23 : vector<1000xf32> to vector<1000x1xf32>
    %mul3A_25 = vector.broadcast %broadcast_in_dim3A_24 : vector<1000x1xf32> to vector<1000x128xf32>
    %mul3A_26 = arith.mulf %get3A_22, %mul3A_25 : vector<1000x128xf32>
    %add3A_27 = arith.addf %mul3A_19, %mul3A_26 : vector<1000x128xf32>
    %get3A_28 = arith.constant 0 : index
    %get3A_29 = arith.constant 0 : index
    %get3A_30 = vector.load %arg5[%get3A_28, %get3A_29] : memref<1x128xf32, #tpu.memory_space<vmem>>, vector<1x128xf32>
    %add3A_31 = vector.broadcast %get3A_30 : vector<1x128xf32> to vector<1000x128xf32>
    %add3A_32 = arith.addf %add3A_27, %add3A_31 : vector<1000x128xf32>
    %get3A_33 = arith.constant 0 : index
    %get3A_34 = arith.constant 0 : index
    %get3A_35 = vector.load %arg6[%get3A_33, %get3A_34] : memref<1x128xf32, #tpu.memory_space<vmem>>, vector<1x128xf32>
    %get3A_36 = arith.constant 0 : index
    %get3A_37 = arith.constant 0 : index
    %get3A_38 = vector.load %arg8[%get3A_36, %get3A_37] : memref<1x128xf32, #tpu.memory_space<vmem>>, vector<1x128xf32>
    %sub3A = vector.broadcast %get3A_38 : vector<1x128xf32> to vector<1000x128xf32>
    %sub3A_39 = arith.subf %add3A_32, %sub3A : vector<1000x128xf32>
    %mul3A_40 = vector.broadcast %get3A_35 : vector<1x128xf32> to vector<1000x128xf32>
    %mul3A_41 = arith.mulf %mul3A_40, %sub3A_39 : vector<1000x128xf32>
    %get3A_42 = arith.constant 0 : index
    %get3A_43 = arith.constant 0 : index
    %get3A_44 = vector.load %arg9[%get3A_42, %get3A_43] : memref<1x128xf32, #tpu.memory_space<vmem>>, vector<1x128xf32>
    %add3A_45 = arith.constant 9.99999974E-6 : f32
    %add3A_46 = vector.broadcast %add3A_45 : f32 to vector<1x128xf32>
    %add3A_47 = arith.addf %get3A_44, %add3A_46 : vector<1x128xf32>
    %sqrt3A = math.sqrt %add3A_47 : vector<1x128xf32>
    %div3A = vector.broadcast %sqrt3A : vector<1x128xf32> to vector<1000x128xf32>
    %div3A_48 = arith.divf %mul3A_41, %div3A : vector<1000x128xf32>
    %get3A_49 = arith.constant 0 : index
    %get3A_50 = arith.constant 0 : index
    %get3A_51 = vector.load %arg7[%get3A_49, %get3A_50] : memref<1x128xf32, #tpu.memory_space<vmem>>, vector<1x128xf32>
    %add3A_52 = vector.broadcast %get3A_51 : vector<1x128xf32> to vector<1000x128xf32>
    %add3A_53 = arith.addf %div3A_48, %add3A_52 : vector<1000x128xf32>
    %max3A = arith.constant 0.000000e+00 : f32
    %max3A_54 = vector.broadcast %max3A : f32 to vector<1000x128xf32>
    %max3A_55 = arith.maximumf %add3A_53, %max3A_54 : vector<1000x128xf32>
    %swap3A = arith.constant 0 : index
    %swap3A_56 = arith.constant 0 : index
    %swap3A_57 = vector.load %arg10[%swap3A, %swap3A_56] : memref<1000x128xf32, #tpu.memory_space<vmem>>, vector<1000x128xf32>
    tpu.vector_store %arg10[%swap3A, %swap3A_56], %max3A_55 {strides = array<i32>} : memref<1000x128xf32, #tpu.memory_space<vmem>>, vector<1000x128xf32>,
    return
  }
  func.func @transform_0(%arg0: i32) -> (i32, i32) {
    %c0_i32 = arith.constant 0 : i32
    %c0_i32_0 = arith.constant 0 : i32
    return %arg0, %c0_i32 : i32, i32
  }
  func.func @transform_1(%arg0: i32) -> (i32, i32) {
    %c0_i32 = arith.constant 0 : i32
    %c0_i32_0 = arith.constant 0 : i32
    return %arg0, %c0_i32 : i32, i32
  }
  func.func @transform_2(%arg0: i32) -> (i32, i32) {
    %c0_i32 = arith.constant 0 : i32
    %c0_i32_0 = arith.constant 0 : i32
    return %arg0, %c0_i32 : i32, i32
  }
  func.func @transform_3(%arg0: i32) -> (i32, i32, i32) {
    %c0_i32 = arith.constant 0 : i32
    %c0_i32_0 = arith.constant 0 : i32
    %c0_i32_1 = arith.constant 0 : i32
    return %c0_i32, %arg0, %c0_i32_0 : i32, i32, i32
  }
  func.func @transform_4(%arg0: i32) -> (i32, i32) {
    %c0_i32 = arith.constant 0 : i32
    %c0_i32_0 = arith.constant 0 : i32
    %c0_i32_1 = arith.constant 0 : i32
    return %c0_i32, %c0_i32_0 : i32, i32
  }
  func.func @transform_5(%arg0: i32) -> (i32, i32) {
    %c0_i32 = arith.constant 0 : i32
    %c0_i32_0 = arith.constant 0 : i32
    %c0_i32_1 = arith.constant 0 : i32
    return %c0_i32, %c0_i32_0 : i32, i32
  }
  func.func @transform_6(%arg0: i32) -> (i32, i32) {
    %c0_i32 = arith.constant 0 : i32
    %c0_i32_0 = arith.constant 0 : i32
    %c0_i32_1 = arith.constant 0 : i32
    return %c0_i32, %c0_i32_0 : i32, i32
  }
  func.func @transform_7(%arg0: i32) -> (i32, i32) {
    %c0_i32 = arith.constant 0 : i32
    %c0_i32_0 = arith.constant 0 : i32
    %c0_i32_1 = arith.constant 0 : i32
    return %c0_i32, %c0_i32_0 : i32, i32
  }
  func.func @transform_8(%arg0: i32) -> (i32, i32) {
    %c0_i32 = arith.constant 0 : i32
    %c0_i32_0 = arith.constant 0 : i32
    %c0_i32_1 = arith.constant 0 : i32
    return %c0_i32, %c0_i32_0 : i32, i32
  }
  func.func @transform_9(%arg0: i32) -> (i32, i32) {
    %c0_i32 = arith.constant 0 : i32
    %c0_i32_0 = arith.constant 0 : i32
    return %arg0, %c0_i32 : i32, i32
  }
}

module attributes {stable_mosaic.version = 14 : i64} {
  func.func @_tcc_body(%arg0: i32, %arg1: memref<1000x128xf32, #tpu.memory_space<vmem>>, %arg2: memref<1000x128xf32, #tpu.memory_space<vmem>>, %arg3: memref<1000x128xf32, #tpu.memory_space<vmem>>, %arg4: memref<2x1000x128xf32, #tpu.memory_space<vmem>>, %arg5: memref<128x128xf32, #tpu.memory_space<vmem>>, %arg6: memref<128x128xf32, #tpu.memory_space<vmem>>, %arg7: memref<1x128xf32, #tpu.memory_space<vmem>>, %arg8: memref<1000x128xf32, #tpu.memory_space<vmem>>, %arg9: memref<1000x128xf32, #tpu.memory_space<vmem>>) attributes {dimension_semantics = [#tpu.dimension_semantics<arbitrary>], iteration_bounds = array<i64: 10>, scalar_prefetch = 0 : i64, scratch_operands = 0 : i64, tpu.core_type = #tpu.core_type<tc>, window_params = [{transform_indices = @transform_0, window_bounds = array<i64: 1000, 128>}, {transform_indices = @transform_1, window_bounds = array<i64: 1000, 128>}, {transform_indices = @transform_2, window_bounds = array<i64: 1000, 128>}, {transform_indices = @transform_3, window_bounds = array<i64: 2, 1000, 128>}, {pipeline_mode = #tpu.pipeline_mode<synchronous>, transform_indices = @transform_4, window_bounds = array<i64: 128, 128>}, {pipeline_mode = #tpu.pipeline_mode<synchronous>, transform_indices = @transform_5, window_bounds = array<i64: 128, 128>}, {pipeline_mode = #tpu.pipeline_mode<synchronous>, transform_indices = @transform_6, window_bounds = array<i64: 1, 128>}, {transform_indices = @transform_7, window_bounds = array<i64: 1000, 128>}, {transform_indices = @transform_8, window_bounds = array<i64: 1000, 128>}]} {
    %get3A = arith.constant 0 : index
    %get3A_0 = arith.constant 0 : index
    %get3A_1 = arith.constant 0 : index
    %get3A_2 = vector.load %arg4[%get3A, %get3A_0, %get3A_1] : memref<2x1000x128xf32, #tpu.memory_space<vmem>>, vector<1x1000x1xf32>
    %get3A_3 = vector.shape_cast %get3A_2 : vector<1x1000x1xf32> to vector<1000xf32>
    %get3A_4 = arith.constant 1 : index
    %get3A_5 = arith.constant 0 : index
    %get3A_6 = arith.constant 0 : index
    %get3A_7 = vector.load %arg4[%get3A_4, %get3A_5, %get3A_6] : memref<2x1000x128xf32, #tpu.memory_space<vmem>>, vector<1x1000x1xf32>
    %get3A_8 = vector.shape_cast %get3A_7 : vector<1x1000x1xf32> to vector<1000xf32>
    %add3A = arith.addf %get3A_3, %get3A_8 : vector<1000xf32>
    %get3A_9 = arith.constant 0 : index
    %get3A_10 = arith.constant 0 : index
    %get3A_11 = vector.load %arg1[%get3A_9, %get3A_10] : memref<1000x128xf32, #tpu.memory_space<vmem>>, vector<1000x128xf32>
    %get3A_12 = arith.constant 0 : index
    %get3A_13 = arith.constant 0 : index
    %get3A_14 = vector.load %arg2[%get3A_12, %get3A_13] : memref<1000x128xf32, #tpu.memory_space<vmem>>, vector<1000x128xf32>
    %add3A_15 = arith.addf %get3A_11, %get3A_14 : vector<1000x128xf32>
    %max3A = arith.constant 1.000000e+00 : f32
    %max3A_16 = vector.broadcast %max3A : f32 to vector<1000xf32>
    %max3A_17 = arith.maximumf %add3A, %max3A_16 : vector<1000xf32>
    %broadcast_in_dim3A = vector.shape_cast %max3A_17 : vector<1000xf32> to vector<1000x1xf32>
    %div3A = vector.broadcast %broadcast_in_dim3A : vector<1000x1xf32> to vector<1000x128xf32>
    %div3A_18 = arith.divf %add3A_15, %div3A : vector<1000x128xf32>
    %get3A_19 = arith.constant 0 : index
    %get3A_20 = arith.constant 0 : index
    %get3A_21 = vector.load %arg5[%get3A_19, %get3A_20] : memref<128x128xf32, #tpu.memory_space<vmem>>, vector<128x128xf32>
    %dot_general3A = arith.constant dense<0.000000e+00> : vector<1000x128xf32>
    %dot_general3A_22 = tpu.matmul %div3A_18, %get3A_21, %dot_general3A {dimension_numbers = #tpu.dot_dimension_numbers<[1], [0], [0], [1], [0, 0, 1, 1], [], []>, transpose_lhs_hint = false} : vector<1000x128xf32>, vector<128x128xf32>, vector<1000x128xf32> -> vector<1000x128xf32>
    %get3A_23 = arith.constant 0 : index
    %get3A_24 = arith.constant 0 : index
    %get3A_25 = vector.load %arg3[%get3A_23, %get3A_24] : memref<1000x128xf32, #tpu.memory_space<vmem>>, vector<1000x128xf32>
    %get3A_26 = arith.constant 0 : index
    %get3A_27 = arith.constant 0 : index
    %get3A_28 = vector.load %arg6[%get3A_26, %get3A_27] : memref<128x128xf32, #tpu.memory_space<vmem>>, vector<128x128xf32>
    %dot_general3A_29 = arith.constant dense<0.000000e+00> : vector<1000x128xf32>
    %dot_general3A_30 = tpu.matmul %get3A_25, %get3A_28, %dot_general3A_29 {dimension_numbers = #tpu.dot_dimension_numbers<[1], [0], [0], [1], [0, 0, 1, 1], [], []>, transpose_lhs_hint = false} : vector<1000x128xf32>, vector<128x128xf32>, vector<1000x128xf32> -> vector<1000x128xf32>
    %add3A_31 = arith.addf %dot_general3A_22, %dot_general3A_30 : vector<1000x128xf32>
    %get3A_32 = arith.constant 0 : index
    %get3A_33 = arith.constant 0 : index
    %get3A_34 = vector.load %arg7[%get3A_32, %get3A_33] : memref<1x128xf32, #tpu.memory_space<vmem>>, vector<1x128xf32>
    %add3A_35 = vector.broadcast %get3A_34 : vector<1x128xf32> to vector<1000x128xf32>
    %add3A_36 = arith.addf %add3A_31, %add3A_35 : vector<1000x128xf32>
    %max3A_37 = arith.constant 0.000000e+00 : f32
    %max3A_38 = vector.broadcast %max3A_37 : f32 to vector<1000x128xf32>
    %max3A_39 = arith.maximumf %add3A_36, %max3A_38 : vector<1000x128xf32>
    %gt3A = arith.constant 0.000000e+00 : f32
    %gt3A_40 = vector.broadcast %gt3A : f32 to vector<1000xf32>
    %gt3A_41 = arith.cmpf ogt, %add3A, %gt3A_40 : vector<1000xf32>
    %max3A_42 = arith.constant 1.000000e+00 : f32
    %max3A_43 = vector.broadcast %max3A_42 : f32 to vector<1000xf32>
    %max3A_44 = arith.maximumf %add3A, %max3A_43 : vector<1000xf32>
    %rsqrt3A = math.rsqrt %max3A_44 : vector<1000xf32>
    %jit3A = arith.constant 0.000000e+00 : f32
    %broadcast_in_dim3A_45 = vector.broadcast %jit3A : f32 to vector<1000xf32>
    %select_n3A = arith.select %gt3A_41, %rsqrt3A, %broadcast_in_dim3A_45 : vector<1000xi1>, vector<1000xf32>
    %swap3A = arith.constant 0 : index
    %swap3A_46 = arith.constant 0 : index
    %swap3A_47 = vector.load %arg8[%swap3A, %swap3A_46] : memref<1000x128xf32, #tpu.memory_space<vmem>>, vector<1000x128xf32>
    tpu.vector_store %arg8[%swap3A, %swap3A_46], %max3A_39 {strides = array<i32>} : memref<1000x128xf32, #tpu.memory_space<vmem>>, vector<1000x128xf32>,
    %broadcast_in_dim3A_48 = vector.shape_cast %select_n3A : vector<1000xf32> to vector<1000x1xf32>
    %mul3A = vector.broadcast %broadcast_in_dim3A_48 : vector<1000x1xf32> to vector<1000x128xf32>
    %mul3A_49 = arith.mulf %max3A_39, %mul3A : vector<1000x128xf32>
    %swap3A_50 = arith.constant 0 : index
    %swap3A_51 = arith.constant 0 : index
    %swap3A_52 = vector.load %arg9[%swap3A_50, %swap3A_51] : memref<1000x128xf32, #tpu.memory_space<vmem>>, vector<1000x128xf32>
    tpu.vector_store %arg9[%swap3A_50, %swap3A_51], %mul3A_49 {strides = array<i32>} : memref<1000x128xf32, #tpu.memory_space<vmem>>, vector<1000x128xf32>,
    return
  }
  func.func @transform_0(%arg0: i32) -> (i32, i32) {
    %c0_i32 = arith.constant 0 : i32
    %c0_i32_0 = arith.constant 0 : i32
    return %arg0, %c0_i32 : i32, i32
  }
  func.func @transform_1(%arg0: i32) -> (i32, i32) {
    %c0_i32 = arith.constant 0 : i32
    %c0_i32_0 = arith.constant 0 : i32
    return %arg0, %c0_i32 : i32, i32
  }
  func.func @transform_2(%arg0: i32) -> (i32, i32) {
    %c0_i32 = arith.constant 0 : i32
    %c0_i32_0 = arith.constant 0 : i32
    return %arg0, %c0_i32 : i32, i32
  }
  func.func @transform_3(%arg0: i32) -> (i32, i32, i32) {
    %c0_i32 = arith.constant 0 : i32
    %c0_i32_0 = arith.constant 0 : i32
    %c0_i32_1 = arith.constant 0 : i32
    return %c0_i32, %arg0, %c0_i32_0 : i32, i32, i32
  }
  func.func @transform_4(%arg0: i32) -> (i32, i32) {
    %c0_i32 = arith.constant 0 : i32
    %c0_i32_0 = arith.constant 0 : i32
    %c0_i32_1 = arith.constant 0 : i32
    return %c0_i32, %c0_i32_0 : i32, i32
  }
  func.func @transform_5(%arg0: i32) -> (i32, i32) {
    %c0_i32 = arith.constant 0 : i32
    %c0_i32_0 = arith.constant 0 : i32
    %c0_i32_1 = arith.constant 0 : i32
    return %c0_i32, %c0_i32_0 : i32, i32
  }
  func.func @transform_6(%arg0: i32) -> (i32, i32) {
    %c0_i32 = arith.constant 0 : i32
    %c0_i32_0 = arith.constant 0 : i32
    %c0_i32_1 = arith.constant 0 : i32
    return %c0_i32, %c0_i32_0 : i32, i32
  }
  func.func @transform_7(%arg0: i32) -> (i32, i32) {
    %c0_i32 = arith.constant 0 : i32
    %c0_i32_0 = arith.constant 0 : i32
    return %arg0, %c0_i32 : i32, i32
  }
  func.func @transform_8(%arg0: i32) -> (i32, i32) {
    %c0_i32 = arith.constant 0 : i32
    %c0_i32_0 = arith.constant 0 : i32
    return %arg0, %c0_i32 : i32, i32
  }
}

module attributes {stable_mosaic.version = 14 : i64} {
  func.func @_tcd_body(%arg0: i32, %arg1: memref<1000x128xf32, #tpu.memory_space<vmem>>, %arg2: memref<1000x128xf32, #tpu.memory_space<vmem>>, %arg3: memref<1000x128xf32, #tpu.memory_space<vmem>>, %arg4: memref<2x1000x128xf32, #tpu.memory_space<vmem>>, %arg5: memref<128x128xf32, #tpu.memory_space<vmem>>, %arg6: memref<128x128xf32, #tpu.memory_space<vmem>>, %arg7: memref<1x128xf32, #tpu.memory_space<vmem>>, %arg8: memref<128x128xf32, #tpu.memory_space<vmem>>, %arg9: memref<1x128xf32, #tpu.memory_space<vmem>>, %arg10: memref<1x128xf32, #tpu.memory_space<vmem>>, %arg11: memref<1000x128xf32, #tpu.memory_space<vmem>>, %arg12: memref<1000x128xf32, #tpu.memory_space<vmem>>, %arg13: memref<1000x128xf32, #tpu.memory_space<vmem>>, %arg14: memref<1000x128xf32, #tpu.memory_space<vmem>>, %arg15: memref<1000x128xf32, #tpu.memory_space<vmem>>, %arg16: memref<1000x128xf32, #tpu.memory_space<vmem>>) attributes {dimension_semantics = [#tpu.dimension_semantics<arbitrary>], iteration_bounds = array<i64: 10>, scalar_prefetch = 0 : i64, scratch_operands = 0 : i64, tpu.core_type = #tpu.core_type<tc>, window_params = [{transform_indices = @transform_0, window_bounds = array<i64: 1000, 128>}, {transform_indices = @transform_1, window_bounds = array<i64: 1000, 128>}, {transform_indices = @transform_2, window_bounds = array<i64: 1000, 128>}, {transform_indices = @transform_3, window_bounds = array<i64: 2, 1000, 128>}, {pipeline_mode = #tpu.pipeline_mode<synchronous>, transform_indices = @transform_4, window_bounds = array<i64: 128, 128>}, {pipeline_mode = #tpu.pipeline_mode<synchronous>, transform_indices = @transform_5, window_bounds = array<i64: 128, 128>}, {pipeline_mode = #tpu.pipeline_mode<synchronous>, transform_indices = @transform_6, window_bounds = array<i64: 1, 128>}, {pipeline_mode = #tpu.pipeline_mode<synchronous>, transform_indices = @transform_7, window_bounds = array<i64: 128, 128>}, {pipeline_mode = #tpu.pipeline_mode<synchronous>, transform_indices = @transform_8, window_bounds = array<i64: 1, 128>}, {pipeline_mode = #tpu.pipeline_mode<synchronous>, transform_indices = @transform_9, window_bounds = array<i64: 1, 128>}, {transform_indices = @transform_10, window_bounds = array<i64: 1000, 128>}, {transform_indices = @transform_11, window_bounds = array<i64: 1000, 128>}, {transform_indices = @transform_12, window_bounds = array<i64: 1000, 128>}, {transform_indices = @transform_13, window_bounds = array<i64: 1000, 128>}, {transform_indices = @transform_14, window_bounds = array<i64: 1000, 128>}, {transform_indices = @transform_15, window_bounds = array<i64: 1000, 128>}]} {
    %get3A = arith.constant 0 : index
    %get3A_0 = arith.constant 0 : index
    %get3A_1 = arith.constant 0 : index
    %get3A_2 = vector.load %arg4[%get3A, %get3A_0, %get3A_1] : memref<2x1000x128xf32, #tpu.memory_space<vmem>>, vector<1x1000x1xf32>
    %get3A_3 = vector.shape_cast %get3A_2 : vector<1x1000x1xf32> to vector<1000xf32>
    %get3A_4 = arith.constant 1 : index
    %get3A_5 = arith.constant 0 : index
    %get3A_6 = arith.constant 0 : index
    %get3A_7 = vector.load %arg4[%get3A_4, %get3A_5, %get3A_6] : memref<2x1000x128xf32, #tpu.memory_space<vmem>>, vector<1x1000x1xf32>
    %get3A_8 = vector.shape_cast %get3A_7 : vector<1x1000x1xf32> to vector<1000xf32>
    %add3A = arith.addf %get3A_3, %get3A_8 : vector<1000xf32>
    %gt3A = arith.constant 0.000000e+00 : f32
    %gt3A_9 = vector.broadcast %gt3A : f32 to vector<1000xf32>
    %gt3A_10 = arith.cmpf ogt, %add3A, %gt3A_9 : vector<1000xf32>
    %max3A = arith.constant 1.000000e+00 : f32
    %max3A_11 = vector.broadcast %max3A : f32 to vector<1000xf32>
    %max3A_12 = arith.maximumf %add3A, %max3A_11 : vector<1000xf32>
    %rsqrt3A = math.rsqrt %max3A_12 : vector<1000xf32>
    %jit3A = arith.constant 0.000000e+00 : f32
    %broadcast_in_dim3A = vector.broadcast %jit3A : f32 to vector<1000xf32>
    %select_n3A = arith.select %gt3A_10, %rsqrt3A, %broadcast_in_dim3A : vector<1000xi1>, vector<1000xf32>
    %get3A_13 = arith.constant 0 : index
    %get3A_14 = arith.constant 0 : index
    %get3A_15 = vector.load %arg1[%get3A_13, %get3A_14] : memref<1000x128xf32, #tpu.memory_space<vmem>>, vector<1000x128xf32>
    %get3A_16 = arith.constant 0 : index
    %get3A_17 = arith.constant 0 : index
    %get3A_18 = vector.load %arg2[%get3A_16, %get3A_17] : memref<1000x128xf32, #tpu.memory_space<vmem>>, vector<1000x128xf32>
    %add3A_19 = arith.addf %get3A_15, %get3A_18 : vector<1000x128xf32>
    %neg3A = arith.constant 0.000000e+00 : f32
    %neg3A_20 = vector.broadcast %neg3A : f32 to vector<1000x128xf32>
    %neg3A_21 = arith.subf %neg3A_20, %add3A_19 : vector<1000x128xf32>
    %broadcast_in_dim3A_22 = vector.shape_cast %select_n3A : vector<1000xf32> to vector<1000x1xf32>
    %mul3A = vector.broadcast %broadcast_in_dim3A_22 : vector<1000x1xf32> to vector<1000x128xf32>
    %mul3A_23 = arith.mulf %neg3A_21, %mul3A : vector<1000x128xf32>
    %get3A_24 = arith.constant 0 : index
    %get3A_25 = arith.constant 0 : index
    %get3A_26 = vector.load %arg3[%get3A_24, %get3A_25] : memref<1000x128xf32, #tpu.memory_space<vmem>>, vector<1000x128xf32>
    %get3A_27 = arith.constant 0 : index
    %get3A_28 = arith.constant 0 : index
    %get3A_29 = vector.load %arg5[%get3A_27, %get3A_28] : memref<128x128xf32, #tpu.memory_space<vmem>>, vector<128x128xf32>
    %dot_general3A = arith.constant dense<0.000000e+00> : vector<1000x128xf32>
    %dot_general3A_30 = tpu.matmul %get3A_26, %get3A_29, %dot_general3A {dimension_numbers = #tpu.dot_dimension_numbers<[1], [0], [0], [1], [0, 0, 1, 1], [], []>, transpose_lhs_hint = false} : vector<1000x128xf32>, vector<128x128xf32>, vector<1000x128xf32> -> vector<1000x128xf32>
    %get3A_31 = arith.constant 0 : index
    %get3A_32 = arith.constant 0 : index
    %get3A_33 = vector.load %arg6[%get3A_31, %get3A_32] : memref<128x128xf32, #tpu.memory_space<vmem>>, vector<128x128xf32>
    %dot_general3A_34 = arith.constant dense<0.000000e+00> : vector<1000x128xf32>
    %dot_general3A_35 = tpu.matmul %mul3A_23, %get3A_33, %dot_general3A_34 {dimension_numbers = #tpu.dot_dimension_numbers<[1], [0], [0], [1], [0, 0, 1, 1], [], []>, transpose_lhs_hint = false} : vector<1000x128xf32>, vector<128x128xf32>, vector<1000x128xf32> -> vector<1000x128xf32>
    %add3A_36 = arith.addf %dot_general3A_30, %dot_general3A_35 : vector<1000x128xf32>
    %get3A_37 = arith.constant 0 : index
    %get3A_38 = arith.constant 0 : index
    %get3A_39 = vector.load %arg7[%get3A_37, %get3A_38] : memref<1x128xf32, #tpu.memory_space<vmem>>, vector<1x128xf32>
    %add3A_40 = vector.broadcast %get3A_39 : vector<1x128xf32> to vector<1000x128xf32>
    %add3A_41 = arith.addf %add3A_36, %add3A_40 : vector<1000x128xf32>
    %max3A_42 = arith.constant 0.000000e+00 : f32
    %max3A_43 = vector.broadcast %max3A_42 : f32 to vector<1000x128xf32>
    %max3A_44 = arith.maximumf %add3A_41, %max3A_43 : vector<1000x128xf32>
    %get3A_45 = arith.constant 0 : index
    %get3A_46 = arith.constant 0 : index
    %get3A_47 = vector.load %arg8[%get3A_45, %get3A_46] : memref<128x128xf32, #tpu.memory_space<vmem>>, vector<128x128xf32>
    %dot_general3A_48 = arith.constant dense<0.000000e+00> : vector<1000x128xf32>
    %dot_general3A_49 = tpu.matmul %max3A_44, %get3A_47, %dot_general3A_48 {dimension_numbers = #tpu.dot_dimension_numbers<[1], [0], [0], [1], [0, 0, 1, 1], [], []>, transpose_lhs_hint = false} : vector<1000x128xf32>, vector<128x128xf32>, vector<1000x128xf32> -> vector<1000x128xf32>
    %get3A_50 = arith.constant 0 : index
    %get3A_51 = arith.constant 0 : index
    %get3A_52 = vector.load %arg9[%get3A_50, %get3A_51] : memref<1x128xf32, #tpu.memory_space<vmem>>, vector<1x128xf32>
    %mul3A_53 = vector.broadcast %get3A_52 : vector<1x128xf32> to vector<1000x128xf32>
    %mul3A_54 = arith.mulf %dot_general3A_49, %mul3A_53 : vector<1000x128xf32>
    %reduce_sum3A = arith.constant dense<0.000000e+00> : vector<1000xf32>
    %reduce_sum3A_55 = vector.multi_reduction <add>, %mul3A_54, %reduce_sum3A [1] : vector<1000x128xf32> to vector<1000xf32>
    %get3A_56 = arith.constant 0 : index
    %get3A_57 = arith.constant 0 : index
    %get3A_58 = vector.load %arg10[%get3A_56, %get3A_57] : memref<1x128xf32, #tpu.memory_space<vmem>>, vector<1x128xf32>
    %mul3A_59 = vector.broadcast %get3A_58 : vector<1x128xf32> to vector<1000x128xf32>
    %mul3A_60 = arith.mulf %dot_general3A_49, %mul3A_59 : vector<1000x128xf32>
    %reduce_sum3A_61 = arith.constant dense<0.000000e+00> : vector<1000xf32>
    %reduce_sum3A_62 = vector.multi_reduction <add>, %mul3A_60, %reduce_sum3A_61 [1] : vector<1000x128xf32> to vector<1000xf32>
    %exp3A = math.exp %reduce_sum3A_55 : vector<1000xf32>
    %mul3A_63 = arith.constant 2.000000e-01 : f32
    %mul3A_64 = vector.broadcast %mul3A_63 : f32 to vector<1000xf32>
    %mul3A_65 = arith.mulf %mul3A_64, %reduce_sum3A_55 : vector<1000xf32>
    %exp3A_66 = math.exp %mul3A_65 : vector<1000xf32>
    %iota3A = tpu.iota {dimensions = array<i32: 1>} : vector<1000x128xi32>
    %eq3A = arith.constant 0 : i32
    %eq3A_67 = vector.broadcast %eq3A : i32 to vector<1000x128xi32>
    %eq3A_68 = arith.cmpi eq, %iota3A, %eq3A_67 : vector<1000x128xi32>
    %convert_element_type3A = arith.extui %eq3A_68 : vector<1000x128xi1> to vector<1000x128xi32>
    %convert_element_type3A_69 = arith.sitofp %convert_element_type3A : vector<1000x128xi32> to vector<1000x128xf32>
    %eq3A_70 = arith.constant 1 : i32
    %eq3A_71 = vector.broadcast %eq3A_70 : i32 to vector<1000x128xi32>
    %eq3A_72 = arith.cmpi eq, %iota3A, %eq3A_71 : vector<1000x128xi32>
    %convert_element_type3A_73 = arith.extui %eq3A_72 : vector<1000x128xi1> to vector<1000x128xi32>
    %convert_element_type3A_74 = arith.sitofp %convert_element_type3A_73 : vector<1000x128xi32> to vector<1000x128xf32>
    %swap3A = arith.constant 0 : index
    %swap3A_75 = arith.constant 0 : index
    %swap3A_76 = vector.load %arg11[%swap3A, %swap3A_75] : memref<1000x128xf32, #tpu.memory_space<vmem>>, vector<1000x128xf32>
    tpu.vector_store %arg11[%swap3A, %swap3A_75], %dot_general3A_49 {strides = array<i32>} : memref<1000x128xf32, #tpu.memory_space<vmem>>, vector<1000x128xf32>,
    %broadcast_in_dim3A_77 = vector.shape_cast %exp3A : vector<1000xf32> to vector<1000x1xf32>
    %mul3A_78 = vector.broadcast %broadcast_in_dim3A_77 : vector<1000x1xf32> to vector<1000x128xf32>
    %mul3A_79 = arith.mulf %dot_general3A_49, %mul3A_78 : vector<1000x128xf32>
    %swap3A_80 = arith.constant 0 : index
    %swap3A_81 = arith.constant 0 : index
    %swap3A_82 = vector.load %arg12[%swap3A_80, %swap3A_81] : memref<1000x128xf32, #tpu.memory_space<vmem>>, vector<1000x128xf32>
    tpu.vector_store %arg12[%swap3A_80, %swap3A_81], %mul3A_79 {strides = array<i32>} : memref<1000x128xf32, #tpu.memory_space<vmem>>, vector<1000x128xf32>,
    %broadcast_in_dim3A_83 = vector.shape_cast %exp3A_66 : vector<1000xf32> to vector<1000x1xf32>
    %mul3A_84 = vector.broadcast %broadcast_in_dim3A_83 : vector<1000x1xf32> to vector<1000x128xf32>
    %mul3A_85 = arith.mulf %dot_general3A_49, %mul3A_84 : vector<1000x128xf32>
    %swap3A_86 = arith.constant 0 : index
    %swap3A_87 = arith.constant 0 : index
    %swap3A_88 = vector.load %arg13[%swap3A_86, %swap3A_87] : memref<1000x128xf32, #tpu.memory_space<vmem>>, vector<1000x128xf32>
    tpu.vector_store %arg13[%swap3A_86, %swap3A_87], %mul3A_85 {strides = array<i32>} : memref<1000x128xf32, #tpu.memory_space<vmem>>, vector<1000x128xf32>,
    %broadcast_in_dim3A_89 = vector.shape_cast %reduce_sum3A_55 : vector<1000xf32> to vector<1000x1xf32>
    %mul3A_90 = vector.broadcast %broadcast_in_dim3A_89 : vector<1000x1xf32> to vector<1000x128xf32>
    %mul3A_91 = arith.mulf %mul3A_90, %convert_element_type3A_69 : vector<1000x128xf32>
    %swap3A_92 = arith.constant 0 : index
    %swap3A_93 = arith.constant 0 : index
    %swap3A_94 = vector.load %arg14[%swap3A_92, %swap3A_93] : memref<1000x128xf32, #tpu.memory_space<vmem>>, vector<1000x128xf32>
    tpu.vector_store %arg14[%swap3A_92, %swap3A_93], %mul3A_91 {strides = array<i32>} : memref<1000x128xf32, #tpu.memory_space<vmem>>, vector<1000x128xf32>,
    %broadcast_in_dim3A_95 = vector.shape_cast %reduce_sum3A_62 : vector<1000xf32> to vector<1000x1xf32>
    %mul3A_96 = vector.broadcast %broadcast_in_dim3A_95 : vector<1000x1xf32> to vector<1000x128xf32>
    %mul3A_97 = arith.mulf %mul3A_96, %convert_element_type3A_74 : vector<1000x128xf32>
    %swap3A_98 = arith.constant 0 : index
    %swap3A_99 = arith.constant 0 : index
    %swap3A_100 = vector.load %arg15[%swap3A_98, %swap3A_99] : memref<1000x128xf32, #tpu.memory_space<vmem>>, vector<1000x128xf32>
    tpu.vector_store %arg15[%swap3A_98, %swap3A_99], %mul3A_97 {strides = array<i32>} : memref<1000x128xf32, #tpu.memory_space<vmem>>, vector<1000x128xf32>,
    %broadcast_in_dim3A_101 = vector.shape_cast %exp3A : vector<1000xf32> to vector<1000x1xf32>
    %mul3A_102 = vector.broadcast %broadcast_in_dim3A_101 : vector<1000x1xf32> to vector<1000x128xf32>
    %mul3A_103 = arith.mulf %mul3A_102, %convert_element_type3A_69 : vector<1000x128xf32>
    %broadcast_in_dim3A_104 = vector.shape_cast %exp3A_66 : vector<1000xf32> to vector<1000x1xf32>
    %mul3A_105 = vector.broadcast %broadcast_in_dim3A_104 : vector<1000x1xf32> to vector<1000x128xf32>
    %mul3A_106 = arith.mulf %mul3A_105, %convert_element_type3A_74 : vector<1000x128xf32>
    %add3A_107 = arith.addf %mul3A_103, %mul3A_106 : vector<1000x128xf32>
    %swap3A_108 = arith.constant 0 : index
    %swap3A_109 = arith.constant 0 : index
    %swap3A_110 = vector.load %arg16[%swap3A_108, %swap3A_109] : memref<1000x128xf32, #tpu.memory_space<vmem>>, vector<1000x128xf32>
    tpu.vector_store %arg16[%swap3A_108, %swap3A_109], %add3A_107 {strides = array<i32>} : memref<1000x128xf32, #tpu.memory_space<vmem>>, vector<1000x128xf32>,
    return
  }
  func.func @transform_0(%arg0: i32) -> (i32, i32) {
    %c0_i32 = arith.constant 0 : i32
    %c0_i32_0 = arith.constant 0 : i32
    return %arg0, %c0_i32 : i32, i32
  }
  func.func @transform_1(%arg0: i32) -> (i32, i32) {
    %c0_i32 = arith.constant 0 : i32
    %c0_i32_0 = arith.constant 0 : i32
    return %arg0, %c0_i32 : i32, i32
  }
  func.func @transform_2(%arg0: i32) -> (i32, i32) {
    %c0_i32 = arith.constant 0 : i32
    %c0_i32_0 = arith.constant 0 : i32
    return %arg0, %c0_i32 : i32, i32
  }
  func.func @transform_3(%arg0: i32) -> (i32, i32, i32) {
    %c0_i32 = arith.constant 0 : i32
    %c0_i32_0 = arith.constant 0 : i32
    %c0_i32_1 = arith.constant 0 : i32
    return %c0_i32, %arg0, %c0_i32_0 : i32, i32, i32
  }
  func.func @transform_4(%arg0: i32) -> (i32, i32) {
    %c0_i32 = arith.constant 0 : i32
    %c0_i32_0 = arith.constant 0 : i32
    %c0_i32_1 = arith.constant 0 : i32
    return %c0_i32, %c0_i32_0 : i32, i32
  }
  func.func @transform_5(%arg0: i32) -> (i32, i32) {
    %c0_i32 = arith.constant 0 : i32
    %c0_i32_0 = arith.constant 0 : i32
    %c0_i32_1 = arith.constant 0 : i32
    return %c0_i32, %c0_i32_0 : i32, i32
  }
  func.func @transform_6(%arg0: i32) -> (i32, i32) {
    %c0_i32 = arith.constant 0 : i32
    %c0_i32_0 = arith.constant 0 : i32
    %c0_i32_1 = arith.constant 0 : i32
    return %c0_i32, %c0_i32_0 : i32, i32
  }
  func.func @transform_7(%arg0: i32) -> (i32, i32) {
    %c0_i32 = arith.constant 0 : i32
    %c0_i32_0 = arith.constant 0 : i32
    %c0_i32_1 = arith.constant 0 : i32
    return %c0_i32, %c0_i32_0 : i32, i32
  }
  func.func @transform_8(%arg0: i32) -> (i32, i32) {
    %c0_i32 = arith.constant 0 : i32
    %c0_i32_0 = arith.constant 0 : i32
    %c0_i32_1 = arith.constant 0 : i32
    return %c0_i32, %c0_i32_0 : i32, i32
  }
  func.func @transform_9(%arg0: i32) -> (i32, i32) {
    %c0_i32 = arith.constant 0 : i32
    %c0_i32_0 = arith.constant 0 : i32
    %c0_i32_1 = arith.constant 0 : i32
    return %c0_i32, %c0_i32_0 : i32, i32
  }
  func.func @transform_10(%arg0: i32) -> (i32, i32) {
    %c0_i32 = arith.constant 0 : i32
    %c0_i32_0 = arith.constant 0 : i32
    return %arg0, %c0_i32 : i32, i32
  }
  func.func @transform_11(%arg0: i32) -> (i32, i32) {
    %c0_i32 = arith.constant 0 : i32
    %c0_i32_0 = arith.constant 0 : i32
    return %arg0, %c0_i32 : i32, i32
  }
  func.func @transform_12(%arg0: i32) -> (i32, i32) {
    %c0_i32 = arith.constant 0 : i32
    %c0_i32_0 = arith.constant 0 : i32
    return %arg0, %c0_i32 : i32, i32
  }
  func.func @transform_13(%arg0: i32) -> (i32, i32) {
    %c0_i32 = arith.constant 0 : i32
    %c0_i32_0 = arith.constant 0 : i32
    return %arg0, %c0_i32 : i32, i32
  }
  func.func @transform_14(%arg0: i32) -> (i32, i32) {
    %c0_i32 = arith.constant 0 : i32
    %c0_i32_0 = arith.constant 0 : i32
    return %arg0, %c0_i32 : i32, i32
  }
  func.func @transform_15(%arg0: i32) -> (i32, i32) {
    %c0_i32 = arith.constant 0 : i32
    %c0_i32_0 = arith.constant 0 : i32
    return %arg0, %c0_i32 : i32, i32
  }
}

module attributes {stable_mosaic.version = 14 : i64} {
  func.func @_tcf_body(%arg0: i32, %arg1: memref<4000x128xf32, #tpu.memory_space<vmem>>, %arg2: memref<4000x1xi32, #tpu.memory_space<vmem>>, %arg3: memref<4000x1xi32, #tpu.memory_space<vmem>>, %arg4: memref<4000x1xi32, #tpu.memory_space<vmem>>) attributes {dimension_semantics = [#tpu.dimension_semantics<arbitrary>], iteration_bounds = array<i64: 40>, scalar_prefetch = 0 : i64, scratch_operands = 0 : i64, tpu.core_type = #tpu.core_type<tc>, window_params = [{transform_indices = @transform_0, window_bounds = array<i64: 4000, 128>}, {transform_indices = @transform_1, window_bounds = array<i64: 4000, 1>}, {transform_indices = @transform_2, window_bounds = array<i64: 4000, 1>}, {transform_indices = @transform_3, window_bounds = array<i64: 4000, 1>}]} {
    %get3A = arith.constant 0 : index
    %get3A_0 = arith.constant 0 : index
    %get3A_1 = vector.load %arg1[%get3A, %get3A_0] : memref<4000x128xf32, #tpu.memory_space<vmem>>, vector<4000x1xf32>
    %get3A_2 = arith.constant 0 : index
    %get3A_3 = arith.constant 1 : index
    %get3A_4 = vector.load %arg1[%get3A_2, %get3A_3] : memref<4000x128xf32, #tpu.memory_space<vmem>>, vector<4000x1xf32>
    %add3A = arith.addf %get3A_1, %get3A_4 : vector<4000x1xf32>
    %ge3A = arith.constant 0.000000e+00 : f32
    %ge3A_5 = vector.broadcast %ge3A : f32 to vector<4000x1xf32>
    %ge3A_6 = arith.cmpf oge, %add3A, %ge3A_5 : vector<4000x1xf32>
    %get3A_7 = arith.constant 0 : index
    %get3A_8 = arith.constant 0 : index
    %get3A_9 = vector.load %arg2[%get3A_7, %get3A_8] : memref<4000x1xi32, #tpu.memory_space<vmem>>, vector<4000x1xi32>
    %jit3A = arith.constant 10000 : i32
    %broadcast_in_dim3A = vector.broadcast %jit3A : i32 to vector<4000x1xi32>
    %select_n3A = arith.select %ge3A_6, %get3A_9, %broadcast_in_dim3A : vector<4000x1xi1>, vector<4000x1xi32>
    %swap3A = arith.constant 0 : index
    %swap3A_10 = arith.constant 0 : index
    %swap3A_11 = vector.load %arg3[%swap3A, %swap3A_10] : memref<4000x1xi32, #tpu.memory_space<vmem>>, vector<4000x1xi32>
    tpu.vector_store %arg3[%swap3A, %swap3A_10], %select_n3A {strides = array<i32>} : memref<4000x1xi32, #tpu.memory_space<vmem>>, vector<4000x1xi32>,
    %jit3A_12 = arith.constant 10000 : i32
    %broadcast_in_dim3A_13 = vector.broadcast %jit3A_12 : i32 to vector<4000x1xi32>
    %select_n3A_14 = arith.select %ge3A_6, %broadcast_in_dim3A_13, %get3A_9 : vector<4000x1xi1>, vector<4000x1xi32>
    %swap3A_15 = arith.constant 0 : index
    %swap3A_16 = arith.constant 0 : index
    %swap3A_17 = vector.load %arg4[%swap3A_15, %swap3A_16] : memref<4000x1xi32, #tpu.memory_space<vmem>>, vector<4000x1xi32>
    tpu.vector_store %arg4[%swap3A_15, %swap3A_16], %select_n3A_14 {strides = array<i32>} : memref<4000x1xi32, #tpu.memory_space<vmem>>, vector<4000x1xi32>,
    return
  }
  func.func @transform_0(%arg0: i32) -> (i32, i32) {
    %c0_i32 = arith.constant 0 : i32
    %c0_i32_0 = arith.constant 0 : i32
    return %arg0, %c0_i32 : i32, i32
  }
  func.func @transform_1(%arg0: i32) -> (i32, i32) {
    %c0_i32 = arith.constant 0 : i32
    %c0_i32_0 = arith.constant 0 : i32
    return %arg0, %c0_i32 : i32, i32
  }
  func.func @transform_2(%arg0: i32) -> (i32, i32) {
    %c0_i32 = arith.constant 0 : i32
    %c0_i32_0 = arith.constant 0 : i32
    return %arg0, %c0_i32 : i32, i32
  }
  func.func @transform_3(%arg0: i32) -> (i32, i32) {
    %c0_i32 = arith.constant 0 : i32
    %c0_i32_0 = arith.constant 0 : i32
    return %arg0, %c0_i32 : i32, i32
  }
}

module attributes {stable_mosaic.version = 14 : i64} {
  func.func @_tce_body(%arg0: i32, %arg1: memref<1000x128xf32, #tpu.memory_space<vmem>>, %arg2: memref<1000x128xf32, #tpu.memory_space<vmem>>, %arg3: memref<1000x128xf32, #tpu.memory_space<vmem>>, %arg4: memref<1000x128xf32, #tpu.memory_space<vmem>>, %arg5: memref<1000x128xf32, #tpu.memory_space<vmem>>, %arg6: memref<1000x128xf32, #tpu.memory_space<vmem>>, %arg7: memref<1000x128xf32, #tpu.memory_space<vmem>>, %arg8: memref<1000x128xf32, #tpu.memory_space<vmem>>, %arg9: memref<1000x128xf32, #tpu.memory_space<vmem>>, %arg10: memref<1x128xf32, #tpu.memory_space<vmem>>, %arg11: memref<128x1xf32, #tpu.memory_space<vmem>>, %arg12: memref<1x1xf32, #tpu.memory_space<vmem>>, %arg13: memref<1000x1xf32, #tpu.memory_space<vmem>>) attributes {dimension_semantics = [#tpu.dimension_semantics<arbitrary>], iteration_bounds = array<i64: 10>, scalar_prefetch = 0 : i64, scratch_operands = 0 : i64, tpu.core_type = #tpu.core_type<tc>, window_params = [{transform_indices = @transform_0, window_bounds = array<i64: 1000, 128>}, {transform_indices = @transform_1, window_bounds = array<i64: 1000, 128>}, {transform_indices = @transform_2, window_bounds = array<i64: 1000, 128>}, {transform_indices = @transform_3, window_bounds = array<i64: 1000, 128>}, {transform_indices = @transform_4, window_bounds = array<i64: 1000, 128>}, {transform_indices = @transform_5, window_bounds = array<i64: 1000, 128>}, {transform_indices = @transform_6, window_bounds = array<i64: 1000, 128>}, {transform_indices = @transform_7, window_bounds = array<i64: 1000, 128>}, {transform_indices = @transform_8, window_bounds = array<i64: 1000, 128>}, {pipeline_mode = #tpu.pipeline_mode<synchronous>, transform_indices = @transform_9, window_bounds = array<i64: 1, 128>}, {pipeline_mode = #tpu.pipeline_mode<synchronous>, transform_indices = @transform_10, window_bounds = array<i64: 128, 1>}, {pipeline_mode = #tpu.pipeline_mode<synchronous>, transform_indices = @transform_11, window_bounds = array<i64: 1, 1>}, {transform_indices = @transform_12, window_bounds = array<i64: 1000, 1>}]} {
    %get3A = arith.constant 0 : index
    %get3A_0 = arith.constant 0 : index
    %get3A_1 = vector.load %arg8[%get3A, %get3A_0] : memref<1000x128xf32, #tpu.memory_space<vmem>>, vector<1000x1xf32>
    %get3A_2 = vector.shape_cast %get3A_1 : vector<1000x1xf32> to vector<1000xf32>
    %get3A_3 = arith.constant 0 : index
    %get3A_4 = arith.constant 1 : index
    %get3A_5 = vector.load %arg9[%get3A_3, %get3A_4] : memref<1000x128xf32, #tpu.memory_space<vmem>>, vector<1000x1xf32>
    %get3A_6 = vector.shape_cast %get3A_5 : vector<1000x1xf32> to vector<1000xf32>
    %exp3A = math.exp %get3A_6 : vector<1000xf32>
    %mul3A = arith.constant 2.000000e-01 : f32
    %mul3A_7 = vector.broadcast %mul3A : f32 to vector<1000xf32>
    %mul3A_8 = arith.mulf %mul3A_7, %get3A_6 : vector<1000xf32>
    %exp3A_9 = math.exp %mul3A_8 : vector<1000xf32>
    %add3A = arith.addf %get3A_2, %get3A_6 : vector<1000xf32>
    %mul3A_10 = arith.constant 2.000000e-01 : f32
    %mul3A_11 = vector.broadcast %mul3A_10 : f32 to vector<1000xf32>
    %mul3A_12 = arith.mulf %mul3A_11, %add3A : vector<1000xf32>
    %max3A = arith.maximumf %add3A, %mul3A_12 : vector<1000xf32>
    %exp3A_13 = math.exp %max3A : vector<1000xf32>
    %broadcast_in_dim3A = vector.shape_cast %exp3A : vector<1000xf32> to vector<1000x1xf32>
    %get3A_14 = arith.constant 0 : index
    %get3A_15 = arith.constant 0 : index
    %get3A_16 = vector.load %arg1[%get3A_14, %get3A_15] : memref<1000x128xf32, #tpu.memory_space<vmem>>, vector<1000x128xf32>
    %get3A_17 = arith.constant 0 : index
    %get3A_18 = arith.constant 0 : index
    %get3A_19 = vector.load %arg2[%get3A_17, %get3A_18] : memref<1000x128xf32, #tpu.memory_space<vmem>>, vector<1000x128xf32>
    %add3A_20 = arith.addf %get3A_16, %get3A_19 : vector<1000x128xf32>
    %mul3A_21 = vector.broadcast %broadcast_in_dim3A : vector<1000x1xf32> to vector<1000x128xf32>
    %mul3A_22 = arith.mulf %mul3A_21, %add3A_20 : vector<1000x128xf32>
    %broadcast_in_dim3A_23 = vector.shape_cast %exp3A_9 : vector<1000xf32> to vector<1000x1xf32>
    %get3A_24 = arith.constant 0 : index
    %get3A_25 = arith.constant 0 : index
    %get3A_26 = vector.load %arg3[%get3A_24, %get3A_25] : memref<1000x128xf32, #tpu.memory_space<vmem>>, vector<1000x128xf32>
    %get3A_27 = arith.constant 0 : index
    %get3A_28 = arith.constant 0 : index
    %get3A_29 = vector.load %arg4[%get3A_27, %get3A_28] : memref<1000x128xf32, #tpu.memory_space<vmem>>, vector<1000x128xf32>
    %add3A_30 = arith.addf %get3A_26, %get3A_29 : vector<1000x128xf32>
    %mul3A_31 = vector.broadcast %broadcast_in_dim3A_23 : vector<1000x1xf32> to vector<1000x128xf32>
    %mul3A_32 = arith.mulf %mul3A_31, %add3A_30 : vector<1000x128xf32>
    %add3A_33 = arith.addf %mul3A_22, %mul3A_32 : vector<1000x128xf32>
    %broadcast_in_dim3A_34 = vector.shape_cast %exp3A_13 : vector<1000xf32> to vector<1000x1xf32>
    %get3A_35 = arith.constant 0 : index
    %get3A_36 = arith.constant 0 : index
    %get3A_37 = vector.load %arg7[%get3A_35, %get3A_36] : memref<1000x128xf32, #tpu.memory_space<vmem>>, vector<1000x128xf32>
    %mul3A_38 = vector.broadcast %broadcast_in_dim3A_34 : vector<1000x1xf32> to vector<1000x128xf32>
    %mul3A_39 = arith.mulf %mul3A_38, %get3A_37 : vector<1000x128xf32>
    %add3A_40 = arith.addf %add3A_33, %mul3A_39 : vector<1000x128xf32>
    %get3A_41 = arith.constant 0 : index
    %get3A_42 = arith.constant 0 : index
    %get3A_43 = vector.load %arg5[%get3A_41, %get3A_42] : memref<1000x128xf32, #tpu.memory_space<vmem>>, vector<1000x1xf32>
    %get3A_44 = vector.shape_cast %get3A_43 : vector<1000x1xf32> to vector<1000xf32>
    %get3A_45 = arith.constant 0 : index
    %get3A_46 = arith.constant 0 : index
    %get3A_47 = vector.load %arg6[%get3A_45, %get3A_46] : memref<1000x128xf32, #tpu.memory_space<vmem>>, vector<1000x1xf32>
    %get3A_48 = vector.shape_cast %get3A_47 : vector<1000x1xf32> to vector<1000xf32>
    %add3A_49 = arith.addf %get3A_44, %get3A_48 : vector<1000xf32>
    %mul3A_50 = arith.mulf %exp3A, %add3A_49 : vector<1000xf32>
    %get3A_51 = arith.constant 0 : index
    %get3A_52 = arith.constant 1 : index
    %get3A_53 = vector.load %arg5[%get3A_51, %get3A_52] : memref<1000x128xf32, #tpu.memory_space<vmem>>, vector<1000x1xf32>
    %get3A_54 = vector.shape_cast %get3A_53 : vector<1000x1xf32> to vector<1000xf32>
    %get3A_55 = arith.constant 0 : index
    %get3A_56 = arith.constant 1 : index
    %get3A_57 = vector.load %arg6[%get3A_55, %get3A_56] : memref<1000x128xf32, #tpu.memory_space<vmem>>, vector<1000x1xf32>
    %get3A_58 = vector.shape_cast %get3A_57 : vector<1000x1xf32> to vector<1000xf32>
    %add3A_59 = arith.addf %get3A_54, %get3A_58 : vector<1000xf32>
    %mul3A_60 = arith.mulf %exp3A_9, %add3A_59 : vector<1000xf32>
    %add3A_61 = arith.addf %mul3A_50, %mul3A_60 : vector<1000xf32>
    %add3A_62 = arith.addf %add3A_61, %exp3A_13 : vector<1000xf32>
    %max3A_63 = arith.constant 1.000000e-16 : f32
    %max3A_64 = vector.broadcast %max3A_63 : f32 to vector<1000xf32>
    %max3A_65 = arith.maximumf %add3A_62, %max3A_64 : vector<1000xf32>
    %broadcast_in_dim3A_66 = vector.shape_cast %max3A_65 : vector<1000xf32> to vector<1000x1xf32>
    %div3A = vector.broadcast %broadcast_in_dim3A_66 : vector<1000x1xf32> to vector<1000x128xf32>
    %div3A_67 = arith.divf %add3A_40, %div3A : vector<1000x128xf32>
    %get3A_68 = arith.constant 0 : index
    %get3A_69 = arith.constant 0 : index
    %get3A_70 = vector.load %arg10[%get3A_68, %get3A_69] : memref<1x128xf32, #tpu.memory_space<vmem>>, vector<1x128xf32>
    %add3A_71 = vector.broadcast %get3A_70 : vector<1x128xf32> to vector<1000x128xf32>
    %add3A_72 = arith.addf %div3A_67, %add3A_71 : vector<1000x128xf32>
    %gt3A = arith.constant 0.000000e+00 : f32
    %gt3A_73 = vector.broadcast %gt3A : f32 to vector<1000x128xf32>
    %gt3A_74 = arith.cmpf ogt, %add3A_72, %gt3A_73 : vector<1000x128xf32>
    %min3A = arith.constant 0.000000e+00 : f32
    %min3A_75 = vector.broadcast %min3A : f32 to vector<1000x128xf32>
    %min3A_76 = arith.minimumf %add3A_72, %min3A_75 : vector<1000x128xf32>
    %exp3A_77 = math.exp %min3A_76 : vector<1000x128xf32>
    %sub3A = arith.constant 1.000000e+00 : f32
    %sub3A_78 = vector.broadcast %sub3A : f32 to vector<1000x128xf32>
    %sub3A_79 = arith.subf %exp3A_77, %sub3A_78 : vector<1000x128xf32>
    %select_n3A = arith.select %gt3A_74, %add3A_72, %sub3A_79 : vector<1000x128xi1>, vector<1000x128xf32>
    %get3A_80 = arith.constant 0 : index
    %get3A_81 = arith.constant 0 : index
    %get3A_82 = vector.load %arg11[%get3A_80, %get3A_81] : memref<128x1xf32, #tpu.memory_space<vmem>>, vector<128x1xf32>
    %dot_general3A = arith.constant dense<0.000000e+00> : vector<1000x1xf32>
    %dot_general3A_83 = tpu.matmul %select_n3A, %get3A_82, %dot_general3A {dimension_numbers = #tpu.dot_dimension_numbers<[1], [0], [0], [1], [0, 0, 1, 1], [], []>, transpose_lhs_hint = false} : vector<1000x128xf32>, vector<128x1xf32>, vector<1000x1xf32> -> vector<1000x1xf32>
    %get3A_84 = arith.constant 0 : index
    %get3A_85 = arith.constant 0 : index
    %get3A_86 = vector.load %arg12[%get3A_84, %get3A_85] : memref<1x1xf32, #tpu.memory_space<vmem>>, vector<1x1xf32>
    %add3A_87 = vector.broadcast %get3A_86 : vector<1x1xf32> to vector<1000x1xf32>
    %add3A_88 = arith.addf %dot_general3A_83, %add3A_87 : vector<1000x1xf32>
    %swap3A = arith.constant 0 : index
    %swap3A_89 = arith.constant 0 : index
    %swap3A_90 = vector.load %arg13[%swap3A, %swap3A_89] : memref<1000x1xf32, #tpu.memory_space<vmem>>, vector<1000x1xf32>
    tpu.vector_store %arg13[%swap3A, %swap3A_89], %add3A_88 {strides = array<i32>} : memref<1000x1xf32, #tpu.memory_space<vmem>>, vector<1000x1xf32>,
    return
  }
  func.func @transform_0(%arg0: i32) -> (i32, i32) {
    %c0_i32 = arith.constant 0 : i32
    %c0_i32_0 = arith.constant 0 : i32
    return %arg0, %c0_i32 : i32, i32
  }
  func.func @transform_1(%arg0: i32) -> (i32, i32) {
    %c0_i32 = arith.constant 0 : i32
    %c0_i32_0 = arith.constant 0 : i32
    return %arg0, %c0_i32 : i32, i32
  }
  func.func @transform_2(%arg0: i32) -> (i32, i32) {
    %c0_i32 = arith.constant 0 : i32
    %c0_i32_0 = arith.constant 0 : i32
    return %arg0, %c0_i32 : i32, i32
  }
  func.func @transform_3(%arg0: i32) -> (i32, i32) {
    %c0_i32 = arith.constant 0 : i32
    %c0_i32_0 = arith.constant 0 : i32
    return %arg0, %c0_i32 : i32, i32
  }
  func.func @transform_4(%arg0: i32) -> (i32, i32) {
    %c0_i32 = arith.constant 0 : i32
    %c0_i32_0 = arith.constant 0 : i32
    return %arg0, %c0_i32 : i32, i32
  }
  func.func @transform_5(%arg0: i32) -> (i32, i32) {
    %c0_i32 = arith.constant 0 : i32
    %c0_i32_0 = arith.constant 0 : i32
    return %arg0, %c0_i32 : i32, i32
  }
  func.func @transform_6(%arg0: i32) -> (i32, i32) {
    %c0_i32 = arith.constant 0 : i32
    %c0_i32_0 = arith.constant 0 : i32
    return %arg0, %c0_i32 : i32, i32
  }
  func.func @transform_7(%arg0: i32) -> (i32, i32) {
    %c0_i32 = arith.constant 0 : i32
    %c0_i32_0 = arith.constant 0 : i32
    return %arg0, %c0_i32 : i32, i32
  }
  func.func @transform_8(%arg0: i32) -> (i32, i32) {
    %c0_i32 = arith.constant 0 : i32
    %c0_i32_0 = arith.constant 0 : i32
    return %arg0, %c0_i32 : i32, i32
  }
  func.func @transform_9(%arg0: i32) -> (i32, i32) {
    %c0_i32 = arith.constant 0 : i32
    %c0_i32_0 = arith.constant 0 : i32
    %c0_i32_1 = arith.constant 0 : i32
    return %c0_i32, %c0_i32_0 : i32, i32
  }
  func.func @transform_10(%arg0: i32) -> (i32, i32) {
    %c0_i32 = arith.constant 0 : i32
    %c0_i32_0 = arith.constant 0 : i32
    %c0_i32_1 = arith.constant 0 : i32
    return %c0_i32, %c0_i32_0 : i32, i32
  }
  func.func @transform_11(%arg0: i32) -> (i32, i32) {
    %c0_i32 = arith.constant 0 : i32
    %c0_i32_0 = arith.constant 0 : i32
    %c0_i32_1 = arith.constant 0 : i32
    return %c0_i32, %c0_i32_0 : i32, i32
  }
  func.func @transform_12(%arg0: i32) -> (i32, i32) {
    %c0_i32 = arith.constant 0 : i32
    %c0_i32_0 = arith.constant 0 : i32
    return %arg0, %c0_i32 : i32, i32
  }
}

</mosaic_0001>

<sc_bundles>
// kernel: kernel.16.cloned.1.call-start
scs
__scs_entry_jumppad:
0x0: {  	(pc) =	sbr.rel $0x88, $3  }
0x1: {  	(tag) =	ssettag $0x0;
	lr =	simm.s32 $0x1  }
0x2: {  	[smem:$0x3F87] =	sst lr;
	_ =	strace $0xD0000000  }
0x3: {  	_ = 	snop  }
0x4: {  	_ = 	snop  }
0x5: {  	_ = 	snop  }
0x6: {  	_ = 	snop  }
0x7: {  	_ = 	snop  }
__scs_overlays_trampoline_lowered:
0x8: {  	[smem:$0x3F96] =	sst s0  }
0x9: {  	[smem:$0x3F97] =	sst s1  }
0xa: {  	[smem:$0x3F98] =	sst s2  }
0xb: {  	[smem:$0x3F99] =	sst s3  }
0xc: {  	[smem:$0x3F9A] =	sst s4  }
0xd: {  	[smem:$0x3F9B] =	sst s5  }
0xe: {  	[smem:$0x3F9C] =	sst s6  }
0xf: {  	[smem:$0x3F9D] =	sst s7  }
0x10: {  	[smem:$0x3F9E] =	sst s8  }
0x11: {  	[smem:$0x3F9F] =	sst s9;
	s0 =	simm.s32 @!p0 $0x0  }
0x12: {  	s1 =	sld [smem:$0x3F85];
	s0 =	simm.s32 @p0 $0x1  }
0x13: {  	[smem:$0x3FA0] =	sst s0;
	s0 =	simm.s32 @!p1 $0x0  }
0x14: {  	s2 =	sld [smem:$0x3F84];
	s0 =	simm.s32 @p1 $0x1  }
0x15: {  	[smem:$0x3FA1] =	sst s0;
	s0 =	simm.s32 @!p2 $0x0  }
0x16: {  	s3 =	sld [smem:$0x3FDB];
	s0 =	simm.s32 @p2 $0x1  }
0x17: {  	s4 =	simm.s32 $0x1BF5;
	[smem:$0x3FA3] =	sst s0  }
0x18: {  	s0 =	sld [smem:$0x3F86];
	_ =	swait.ge [sflag:s4], $0x0  }
0x19: {  	s7 =	sld [smem:$0x3F87]  }
0x1a: {  	s8 =	sadd.s32 $0xFFFFE003, lr  }
0x1b: {  	s9 =	sadd.s32 $0xFFFFFEF7, lr;
	s5 =	simm.s32 $0xFFFFFFFF;
	p2 =	slt.u32 s8, $0xFFFFF086  }
0x1c: {  	p1 =	slt.u32 s9, $0xF7A;
	s5 =	simm.s32 @!p2 $0x0  }
0x1d: {  	s5 =	simm.s32 @p1 $0x1;
	p0 =	seq.s32 s7, s2  }
0x1e: {  	s7 =	smul.u32 @!p0 $0xF7A, s2;
	p2 =	seq.s32 @!p0 s5, $0x0  }
0x1f: {  	s9 =	smul.u32 $0xF7A, s1;
	s8 =	simm.s32 @!p0 $0x1BF5;
	p2 =	por !p2, p0  }
0x20: {  	[sflag:s8] =	ssyncset.s32 @!p0 $0xFFFFF086;
	s6 =	sadd.s32 @!p0 s3, s7;
	s7 =	simm.s32 @!p0 $0x108  }
0x21: {  	s3 =	sadd.s32 s3, s9;
	s6 =	sadd.s32 @!p0 $0x88, s6;
	s7 =	simm.s32 @p2 $0x1082  }
0x22: {  	[simem:s7], [sflag:s8] =	dma.local @!p0 [hbm:s6], $0xF7A  }
0x23: {  	s9 =	sor.u32 $0xD0000000, s2;
	s6 =	simm.s32 $0x108;
	_ =	swait.ge @!p0 [sflag:s8], $0x0  }
0x24: {  	s3 =	sadd.s32 $0x88, s3;
	s6 =	simm.s32 @!p1 $0x1082;
	[sflag:s4] =	ssyncset.s32 $0xFFFFF086  }
0x25: {  	[simem:s6], [sflag:s4] =	dma.local [hbm:s3], $0xF7A  }
0x26: {  	[smem:$0x3F87] =	sst s1;
	(tag) =	ssettag s2;
	_ =	strace s9  }
0x27: {  	s1 =	sld [smem:$0x3F97]  }
0x28: {  	s2 =	sld [smem:$0x3F98]  }
0x29: {  	s4 =	sld [smem:$0x3F9A]  }
0x2a: {  	p0 =	seq.s32 s5, $0x0;
	s5 =	sld [smem:$0x3F9B]  }
0x2b: {  	s6 =	sld [smem:$0x3F9C]  }
0x2c: {  	s7 =	sld [smem:$0x3F9D]  }
0x2d: {  	s3 =	simm.s32 $0x108;
	s8 =	sld [smem:$0x3F9E]  }
0x2e: {  	s3 =	simm.s32 @!p0 $0x1082;
	s9 =	sld [smem:$0x3F9F]  }
0x2f: {  	lr =	sadd.s32 s0, s3;
	s0 =	sld [smem:$0x3F96]  }
0x30: {  	s3 =	sld [smem:$0x3F99]  }
0x31: {  	[smem:$0x3FA2] =	sst s10  }
0x32: {  	s10 =	sld [smem:$0x3FA0];
	_ =	sdelay $0x3  }
0x33: {  	p0 =	seq.s32 s10, $0x1;
	s10 =	sld [smem:$0x3FA2];
	_ =	sdelay $0x3  }
0x34: {  	[smem:$0x3FA2] =	sst s10  }
0x35: {  	s10 =	sld [smem:$0x3FA1];
	_ =	sdelay $0x3  }
0x36: {  	p1 =	seq.s32 s10, $0x1;
	s10 =	sld [smem:$0x3FA2];
	_ =	sdelay $0x3  }
0x37: {  	[smem:$0x3FA2] =	sst s10  }
0x38: {  	s10 =	sld [smem:$0x3FA3]  }
0x39: {  	_ = 	snop;
	(pc) =	sbr.ind lr, $3  }
0x3a: {  	_ = 	snop  }
0x3b: {  	_ = 	snop  }
0x3c: {  	p2 =	seq.s32 s10, $0x1;
	s10 =	sld [smem:$0x3FA2]  }
0x3d: {  	_ =	shalt  }
0x3e: {  	_ =	shalt  }
0x3f: {  	_ =	shalt  }
0x40: {  	_ =	shalt  }
0x41: {  	_ =	shalt  }
0x42: {  	_ =	shalt  }
0x43: {  	_ =	shalt  }
0x44: {  	_ =	shalt  }
0x45: {  	_ =	shalt  }
0x46: {  	_ =	shalt  }
0x47: {  	_ =	shalt  }
0x48: {  	_ =	shalt  }
0x49: {  	_ =	shalt  }
0x4a: {  	_ =	shalt  }
0x4b: {  	_ =	shalt  }
0x4c: {  	_ =	shalt  }
0x4d: {  	_ =	shalt  }
0x4e: {  	_ =	shalt  }
0x4f: {  	_ =	shalt  }
0x50: {  	_ =	shalt  }
0x51: {  	_ =	shalt  }
0x52: {  	_ =	shalt  }
0x53: {  	_ =	shalt  }
0x54: {  	_ =	shalt  }
0x55: {  	_ =	shalt  }
0x56: {  	_ =	shalt  }
0x57: {  	_ =	shalt  }
0x58: {  	_ =	shalt  }
0x59: {  	_ =	shalt  }
0x5a: {  	_ =	shalt  }
0x5b: {  	_ =	shalt  }
0x5c: {  	_ =	shalt  }
0x5d: {  	_ =	shalt  }
0x5e: {  	_ =	shalt  }
0x5f: {  	_ =	shalt  }
0x60: {  	_ =	shalt  }
0x61: {  	_ =	shalt  }
0x62: {  	_ =	shalt  }
0x63: {  	_ =	shalt  }
0x64: {  	_ =	shalt  }
0x65: {  	_ =	shalt  }
0x66: {  	_ =	shalt  }
0x67: {  	_ =	shalt  }
0x68: {  	_ =	shalt  }
0x69: {  	_ =	shalt  }
0x6a: {  	_ =	shalt  }
0x6b: {  	_ =	shalt  }
0x6c: {  	_ =	shalt  }
0x6d: {  	_ =	shalt  }
0x6e: {  	_ =	shalt  }
0x6f: {  	_ =	shalt  }
0x70: {  	_ =	shalt  }
0x71: {  	_ =	shalt  }
0x72: {  	_ =	shalt  }
0x73: {  	_ =	shalt  }
0x74: {  	_ =	shalt  }
0x75: {  	_ =	shalt  }
0x76: {  	_ =	shalt  }
0x77: {  	_ =	shalt  }
0x78: {  	_ =	shalt  }
0x79: {  	_ =	shalt  }
0x7a: {  	_ =	shalt  }
0x7b: {  	_ =	shalt  }
0x7c: {  	_ =	shalt  }
0x7d: {  	_ =	shalt  }
0x7e: {  	_ =	shalt  }
0x7f: {  	_ =	shalt  }
0x80: {  	_ =	shalt  }
0x81: {  	_ =	shalt  }
0x82: {  	_ =	shalt  }
0x83: {  	_ =	shalt  }
0x84: {  	_ =	shalt  }
0x85: {  	_ =	shalt  }
0x86: {  	_ =	shalt  }
0x87: {  	_ =	shalt  }
.Lfunc_end0:
.L_simem_size_0:
called_computation_lowered:
.L_overlay_start_0:
0x88: {  	s2 =	sld [smem:$0x3FD9]  }
0x89: {  	s3 =	sld [smem:$0x3FFE];
	_ =	sdelay $0x1  }
0x8a: {  	s1 =	srdreg.scid  }
0x8b: {  	s0 =	sand.u32 $0x1, s1  }
0x8c: {  	s17 =	sshll.u32 s0, $0xA;
	s2 =	sadd.s32 s3, s2  }
0x8d: {  	s2 =	sadd.s32 s2, s17  }
0x8e: {  	[smem:$0x3FAE] =	sst s2  }
0x8f: {  	_ = 	snop  }
0x90: {  	s2 =	sld [smem:$0x3FD0];
	(tm) =	ssettm $0x1  }
0x91: {  	s18 =	sld [smem:$0x3FFB];
	_ =	sdelay $0x3  }
0x92: {  	_ =	strace s18  }
0x93: {  	s3 =	sld [smem:$0x3FFC];
	_ =	sdelay $0x3  }
0x94: {  	_ =	strace s3  }
0x95: {  	s3 =	sld [smem:$0x3FFD];
	_ =	sdelay $0x3  }
0x96: {  	_ =	strace s3  }
0x97: {  	_ =	strace $0x8FFFFFFF  }
0x98: {  	s19 =	sld [smem:$0x3FDB];
	_ =	sdelay $0x1  }
0x99: {  	s4 =	simm.s32 $_scs_section_size  }
0x9a: {  	s5 =	simm.s32 $_size__tile_overlayer_lowered;
	s6 =	simm.s32 $_tile_overlayer_lowered  }
0x9b: {  	s22 =	simm.s32 $0x1BFF;
	s21 =	sshll.u32 s6, $0x1;
	s3 =	sadd.s32 s4, s19  }
0x9c: {  	s7 =	simm.s32 $0x0;
	s20 =	sshll.u32 s5, $0x1;
	s5 =	sadd.s32 s21, s3  }
0x9d: {  	[timem:s7], [sflag:s22] =	dma.local [hbm:s5], s20  }
0x9e: {  	_ =	swait.ge [sflag:s22], s20  }
0x9f: {  	s4 =	ssub.s32 $0x0, s20;
	[sflag:s22] =	ssyncset.done $0x0  }
0xa0: {  	[sflag:s22] =	ssyncadd.s32 s4;
	_ =	sdelay $0x1  }
0xa1: {  	s23 =	simm.s32 $0x1B8B  }
0xa2: {  	_ =	swait.ge [sflag:s23], $0x1  }
0xa3: {  	[sflag:s23] =	ssyncset.done $0x0  }
0xa4: {  	s25 =	simm.s32 $0x1B8E;
	s24 =	sld [smem:$0x3FFE];
	[sflag:s23] =	ssyncadd.s32 $0xFFFFFFFF  }
0xa5: {  	s26 =	simm.s32 $execute0_lowered;
	[smem:$0x3FD2] =	sst s25  }
0xa6: {  	s5 =	sshll.u32 s26, $0x1;
	_ =	strace $0x80000046;
	[dreg:$0x1] =	wrdreg $0xFFFFFFFF  }
0xa7: {  	s28 =	simm.s32 $_size_execute0_lowered;
	s3 =	sadd.s32 s3, s5;
	[dreg:$0x0] =	wrdreg $0x0  }
0xa8: {  	s5 =	sshll.u32 s28, $0x1;
	[dreg:$0x2] =	wrdreg s3  }
0xa9: {  	[dreg:$0x3] =	wrdreg s5  }
0xaa: {  	[dreg:$0x4] =	wrdreg $0xC0  }
0xab: {  	_ =	task [dreg:s7], $0x5FFFF  }
0xac: {  	[dreg:$0x1] =	wrdreg $0xFFFFFFFF  }
0xad: {  	[dreg:$0x0] =	wrdreg $0x60  }
0xae: {  	[dreg:$0x2] =	wrdreg s24  }
0xaf: {  	[dreg:$0x3] =	wrdreg s2  }
0xb0: {  	[dreg:$0x4] =	wrdreg $0x91800  }
0xb1: {  	[dreg:$0x5] =	wrdreg $0x9  }
0xb2: {  	_ =	task.clear_ibuf [dreg:s7], $0x6FFFF;
	_ =	strace $0x90000046  }
0xb3: {  	s29 =	simm.s32 $0x9;
	_ =	strace $0x80000048  }
0xb4: {  	_ =	swait.ge [sflag:s29], $0x1  }
0xb5: {  	[sflag:s29] =	ssyncadd.s32 $0xFFFFFFFF  }
0xb6: {  	_ =	strace $0x90000048  }
0xb7: {  	_ =	sfence  }
0xb8: {  	s30 =	sld [smem:$0x0];
	_ =	sdelay $0x2  }
0xb9: {  	s31 =	sshll.u32 s1, $0xD;
	s1 =	sshrl.u32 s1, $0x2  }
0xba: {  	s3 =	sand.u32 $0x4000, s31;
	s1 =	sadd.s32 s1, s30  }
0xbb: {  	s0 =	sor.u32 s3, s0;
	s1 =	sshll.u32 s1, $0x11  }
0xbc: {  	s0 =	sor.u32 s1, s0  }
0xbd: {  	s0 =	sadd.s32 $0x8F2B, s0  }
0xbe: {  	[sflag:s0] =	ssyncadd.remote.s32 $0x1  }
0xbf: {  	_ =	sfence.sel $0xFFFF  }
0xc0: {  	[dreg:$0x0] =	wrdreg $0xFFFFFFFF;
	(pc) =	sbr.abs _section_cstart, $3  }
0xc1: {  	[dreg:$0x1] =	wrdreg $0xFFFFFFFF  }
0xc2: {  	_ =	task.clear_ibuf [dreg:s7], $0x2FFFF;
	_ =	strace $0x9FFFFFFF  }
0xc3: {  	(tm) =	ssettm $0x7FFFFFFF  }
tec
execute0_lowered:
.L_overlay_start_1:
0x0: {  	(tag) =	ssettag $0x1  }
0x1: {  	s8 =	rddreg [dreg:$0x0]  }
0x2: {  	s14 =	rddreg [dreg:$0x1]  }
0x3: {  	s2 =	rddreg [dreg:$0x2]  }
0x4: {  	s1 =	simm.s32 $0x0;
	s0 =	stileid.u32;
	s7 =	srdreg.scid  }
0x5: {  	[smem:$0x7FF] =	sst s1;
	s15 =	smul.u32 $0x14, s0;
	s4 =	sadd.s32 $0x1C5200, s8  }
0x6: {  	s5 =	sadd.s32 $0x288800, s8;
	s6 =	sshll.u32 s0, $0x5;
	s9 =	smul.u32 $0xA00, s0  }
0x7: {  	s22 =	sadd.s32 $0x66000, s8;
	s13 =	sand.u32 $0x1, s7;
	s10 =	smul.u32 $0x4E000, s0  }
0x8: {  	s7 =	sadd.s32 $0x66800, s8;
	s19 =	smul.u32 $0x13800, s0;
	s20 =	sadd.s32 $0xB7400, s8  }
0x9: {  	s21 =	sshll.u32 s0, $0x1;
	p0 =	sne.s32 s0, $0xF;
	s31 =	sshll.u32 s0, $0x6  }
0xa: {  	_ =	strace $0x80000047;
	s11 =	sadd.s32 s6, s8;
	s17 =	smul.u32 $0x138800, s13  }
0xb: {  	[dreg:$0x4] =	wrdreg s22;
	s12 =	ssub.s32 $0x2, s13;
	s29 =	smul.u32 $0xA, s13  }
0xc: {  	s28 =	sshll.u32 s13, $0x4;
	s30 =	smul.u32 $0x500, s13;
	s13 =	sor.u32 s13, s21  }
0xd: {  	s16 =	sadd.s32 s15, s8;
	s18 =	sadd.s32 s9, s8;
	s23 =	sshrl.u32 s12, $0x1  }
0xe: {  	s24 =	sshrl.u32 s10, $0x2;
	s8 =	sadd.s32 $0x138000, s2;
	s15 =	sadd.s32 s15, s14  }
0xf: {  	s12 =	ssub.s32 s12, s23;
	s22 =	sadd.s32 s24, s2;
	s25 =	sadd.s32 s19, s17  }
0x10: {  	s26 =	sshrl.u32 s17, $0x3;
	s17 =	sadd.s32 s28, s11;
	s16 =	sadd.s32 s29, s16  }
0x11: {  	s15 =	sadd.s32 s29, s15;
	s19 =	simm.s32 $0x2;
	s9 =	sshrl.u32 s25, $0x3  }
0x12: {  	s10 =	sadd.s32 s20, s26;
	s11 =	smax.u32 s12, $0x1;
	s12 =	sadd.s32 $0xD600, s17  }
0x13: {  	s14 =	sadd.s32 $0x3E800, s16;
	s17 =	sadd.s32 s30, s18;
	s21 =	sshrl.u32 s22, $0x3  }
0x14: {  	s22 =	simm.s32 $0x0;
	s9 =	sadd.s32 s20, s9;
	s10 =	sadd.s32 $0x27000, s10  }
0x15: {  	s16 =	sadd.s32 $0x69000, s17;
	s17 =	sadd.s32 $0x90200, s17;
	s20 =	sor.u32 $0x1C02, s31  }
.LBB2_1:
0x16: {  	s0 =	simm.s32 $0x0;
	s1 =	rddreg [dreg:$0x4];
	s3 =	simm.s32 $0x5180  }
0x17: {  	[tilespmem:s3], [sflag:$0x2] =	stream.linear.gather [hbm4b:s1+s0], $0x4000, $0x38;
	[tilespmem:$0x1CA80] =	vst v63  }
0x18: {  	_ =	swait.ge [sflag:s19], $0x4000  }
0x19: {  	[sflag:s19] =	ssyncset.done $0x0  }
0x1a: {  	[sflag:s19] =	ssyncadd.s32 $0xFFFFC000  }
0x1b: {  	[spmem:s21], [sflag:s20] =	dma.local [hbm:s7], $0x2700  }
0x1c: {  	_ =	swait.ge [sflag:s19], $0x2700  }
0x1d: {  	[sflag:s19] =	ssyncset.done $0x0  }
0x1e: {  	s23 =	sshrl.u32 @!p0 s8, $0x3;
	s24 =	simm.s32 @!p0 $0x2;
	[sflag:s19] =	ssyncadd.s32 $0xFFFFD900  }
0x1f: {  	[spmem:s23], [sflag:s20] =	dma.local @!p0 [hbm:s7], $0x100  }
0x20: {  	s25 =	sadd.s32 $0x0, s13;
	_ =	swait.ge @!p0 [sflag:s24], $0x100  }
0x21: {  	p2 =	sgt.u32 s25, $0x4E1;
	[sflag:s24] =	ssyncset.done @!p0 $0x0  }
0x22: {  	p1 =	por p2, p2;
	s25 =	simm.s32 @!p2 $0x5100;
	[sflag:s24] =	ssyncadd.s32 @!p0 $0xFFFFFF00  }
0x23: {  	s26 =	simm.s32 @!p1 $0x3;
	s24 =	simm.s32 @!p2 $0x0;
	[bflag:$0x0] =	sbarrier.arrive $0xFFFF  }
0x24: {  	[tilespmem:s25], [sflag:$0x3] =	stream.linear.gather @!p1 [hbm4b:s12+s24], $0x80, $0x38;
	[tilespmem:$0x1CA80] =	vst v63  }
0x25: {  	_ =	swait.ge @!p1 [sflag:s26], $0x80  }
0x26: {  	s31 =	sadd.s32 $0x20, s13;
	[sflag:s26] =	ssyncset.done @!p1 $0x0  }
0x27: {  	s24 =	simm.s32 @!p1 $0x80;
	[sflag:s26] =	ssyncadd.s32 @!p1 $0xFFFFFF80;
	s26 =	simm.s32 @!p1 $0x5180  }
0x28: {  	[spmem:s2] =	stream.indirect.scatter.add.f32 @!p1 [tilespmem:s26], [sflag:$0x2], $0x80, s25, s24, $0xb8;
	[tilespmem:$0x1CA80] =	vst v63  }
0x29: {  	p2 =	sgt.u32 s31, $0x4E1;
	s26 =	simm.s32 @!p1 $0x2  }
0x2a: {  	s25 =	simm.s32 $0x40;
	s24 =	sadd.s32 $0x200, s12;
	_ =	swait.ge @!p1 [sflag:s26], $0x4000  }
.LBB2_2:
0x2b: {  	s28 =	simm.s32 @!p2 $0x0  }
0x2c: {  	s29 =	simm.s32 @!p2 $0x5100;
	[sflag:s26] =	ssyncset.done @!p1 $0x0;
	s30 =	smov.u32 s25  }
0x2d: {  	p3 =	por p1, p1;
	p1 =	por p2, p2;
	s25 =	sadd.s32 $0x20, s25  }
0x2e: {  	s31 =	simm.s32 @!p1 $0x3;
	[sflag:s26] =	ssyncadd.s32 @!p3 $0xFFFFC000;
	p3 =	sne.s32 s25, $0x500  }
0x2f: {  	[tilespmem:s29], [sflag:$0x3] =	stream.linear.gather @!p1 [hbm4b:s24+s28], $0x80, $0x38;
	[tilespmem:$0x1CA80] =	vst v63  }
.Ltmp0:
0x30: {  	_ =	swait.ge @!p1 [sflag:s31], $0x80;
	(pc) =	sbr.rel @p3 .LBB2_2-.Ltmp0, $4  }
0x31: {  	s26 =	simm.s32 @!p1 $0x2;
	s28 =	sadd.s32 s30, s13;
	[sflag:s31] =	ssyncset.done @!p1 $0x0  }
0x32: {  	s30 =	simm.s32 @!p1 $0x80;
	[sflag:s31] =	ssyncadd.s32 @!p1 $0xFFFFFF80;
	s31 =	simm.s32 @!p1 $0x5180  }
0x33: {  	[spmem:s2] =	stream.indirect.scatter.add.f32 @!p1 [tilespmem:s31], [sflag:$0x2], $0x80, s29, s30, $0xb8;
	[tilespmem:$0x1CA80] =	vst v63  }
0x34: {  	s24 =	sadd.s32 $0x200, s24;
	p2 =	sgt.u32 s28, $0x4E1;
	_ =	swait.ge @!p1 [sflag:s26], $0x4000  }
0x35: {  	s25 =	simm.s32 @!p2 $0x0  }
0x36: {  	[sflag:s26] =	ssyncset.done @!p1 $0x0;
	p1 =	por p1, p1;
	p3 =	por p2, p2  }
0x37: {  	s28 =	simm.s32 @!p2 $0x5100;
	s29 =	simm.s32 @!p3 $0x3;
	[sflag:s26] =	ssyncadd.s32 @!p1 $0xFFFFC000  }
0x38: {  	[tilespmem:s28], [sflag:$0x3] =	stream.linear.gather @!p3 [hbm4b:s24+s25], $0x80, $0x38;
	[tilespmem:$0x1CA80] =	vst v63  }
0x39: {  	_ =	swait.ge @!p3 [sflag:s29], $0x80  }
0x3a: {  	s26 =	simm.s32 @!p3 $0x5180;
	[sflag:s29] =	ssyncset.done @!p3 $0x0  }
0x3b: {  	s24 =	simm.s32 @!p3 $0x2;
	s25 =	simm.s32 @!p3 $0x80;
	[sflag:s29] =	ssyncadd.s32 @!p3 $0xFFFFFF80  }
0x3c: {  	[spmem:s2] =	stream.indirect.scatter.add.f32 @!p3 [tilespmem:s26], [sflag:$0x2], $0x80, s28, s25, $0xb8;
	[tilespmem:$0x1CA80] =	vst v63  }
0x3d: {  	_ =	swait.ge @!p3 [sflag:s24], $0x4000  }
0x3e: {  	p1 =	por p3, p3;
	[sflag:s24] =	ssyncset.done @!p3 $0x0  }
0x3f: {  	[sflag:s24] =	ssyncadd.s32 @!p1 $0xFFFFC000  }
0x40: {  	[bflag:$0x0] =	sbarrier.arrive $0xFFFF  }
0x41: {  	[hbm:s9], [sflag:s20] =	dma.local [spmem:s21], $0x2700  }
0x42: {  	_ =	swait.ge [sflag:s19], $0x2700  }
0x43: {  	[sflag:s19] =	ssyncset.done $0x0  }
0x44: {  	[sflag:s19] =	ssyncadd.s32 $0xFFFFD900  }
0x45: {  	[hbm:s10], [sflag:s20] =	dma.local @!p0 [spmem:s23], $0x100  }
0x46: {  	s23 =	simm.s32 @!p0 $0x2  }
0x47: {  	p1 =	sgt.u32 s13, $0x7C;
	_ =	swait.ge @!p0 [sflag:s23], $0x100  }
0x48: {  	s24 =	simm.s32 @!p1 $0x0;
	[sflag:s23] =	ssyncset.done @!p0 $0x0  }
0x49: {  	s28 =	simm.s32 @!p1 $0x3;
	[sflag:s23] =	ssyncadd.s32 @!p0 $0xFFFFFF00;
	s23 =	sadd.s32 @!p1 $0x0, s14  }
0x4a: {  	[tilespmem:s24], [sflag:$0x3] =	stream.linear.gather @!p1 [hbm4b:s23+s24], $0x50, $0x38;
	[tilespmem:$0x1CA80] =	vst v63  }
0x4b: {  	_ =	swait.ge @!p1 [sflag:s28], $0x50;
	p1 =	por p1, p1  }
0x4c: {  	[sflag:s28] =	ssyncset.done @!p1 $0x0  }
0x4d: {  	s23 =	sadd.s32 @!p1 $0x0, s15;
	s25 =	simm.s32 @!p1 $0x80;
	[sflag:s28] =	ssyncadd.s32 @!p1 $0xFFFFFFB0  }
0x4e: {  	[tilespmem:s25], [sflag:$0x3] =	stream.linear.gather @!p1 [hbm4b:s23+s24], $0x50, $0x38;
	[tilespmem:$0x1CA80] =	vst v63  }
0x4f: {  	_ =	swait.ge @!p1 [sflag:s28], $0x50  }
0x50: {  	[sflag:s28] =	ssyncset.done @!p1 $0x0  }
0x51: {  	s26 =	simm.s32 @!p1 $0x100;
	s23 =	simm.s32 @!p1 $0x50;
	[sflag:s28] =	ssyncadd.s32 @!p1 $0xFFFFFFB0  }
0x52: {  	[tilespmem:s26], [sflag:$0x1] =	stream.indirect.gather @!p1 [hbm4b:s4+s23], $0x80, s24, s23, $0xb8;
	[tilespmem:$0x1CA80] =	vst v63  }
0x53: {  	s29 =	simm.s32 @!p1 $0x2900;
	s30 =	simm.s32 @!p1 $0x1  }
0x54: {  	[tilespmem:s29], [sflag:$0x1] =	stream.indirect.gather @!p1 [hbm4b:s5+s23], $0x80, s25, s23, $0xb8;
	[tilespmem:$0x1CA80] =	vst v63  }
0x55: {  	_ =	swait.ge @!p1 [sflag:s30], $0x2800  }
0x56: {  	[sflag:s30] =	ssyncset.done @!p1 $0x0  }
0x57: {  	[sflag:s30] =	ssyncadd.s32 @!p1 $0xFFFFD800  }
0x58: {  	_ =	swait.ge @!p1 [sflag:s30], $0x2800  }
0x59: {  	[sflag:s30] =	ssyncset.done @!p1 $0x0  }
0x5a: {  	[sflag:s30] =	ssyncadd.s32 @!p1 $0xFFFFD800  }
0x5b: {  	[hbm4b:s16+s24] =	stream.linear.scatter @!p1 [tilespmem:s26], [sflag:$0x3], $0x2800, $0x38;
	[tilespmem:$0x1CA80] =	vst v63  }
0x5c: {  	_ =	swait.ge @!p1 [sflag:s28], $0x2800  }
0x5d: {  	[sflag:s28] =	ssyncset.done @!p1 $0x0  }
0x5e: {  	s25 =	simm.s32 $0x140;
	s23 =	sadd.s32 $0xA000, s17;
	[sflag:s28] =	ssyncadd.s32 @!p1 $0xFFFFD800  }
0x5f: {  	[hbm4b:s17+s24] =	stream.linear.scatter @!p1 [tilespmem:s29], [sflag:$0x2], $0x2800, $0x38;
	[tilespmem:$0x1CA80] =	vst v63  }
0x60: {  	s26 =	simm.s32 $0x280;
	s28 =	sadd.s32 $0x20, s13;
	s29 =	simm.s32 @!p1 $0x2  }
0x61: {  	p3 =	sgt.u32 s28, $0x7C;
	s24 =	sadd.s32 $0xA000, s16;
	_ =	swait.ge @!p1 [sflag:s29], $0x2800  }
.LBB2_4:
0x62: {  	s30 =	sadd.s32 @!p3 s25, s14;
	s31 =	simm.s32 @!p3 $0x0  }
0x63: {  	[sflag:s29] =	ssyncset.done @!p1 $0x0;
	s0 =	smov.u32 s26;
	s1 =	smov.u32 s23  }
0x64: {  	s26 =	sadd.s32 $0x140, s26;
	s3 =	simm.s32 @!p3 $0x3;
	[sflag:s29] =	ssyncadd.s32 @!p1 $0xFFFFD800  }
0x65: {  	[tilespmem:s31], [sflag:$0x3] =	stream.linear.gather @!p3 [hbm4b:s30+s31], $0x50, $0x38;
	[tilespmem:$0x1CA80] =	vst v63  }
0x66: {  	p2 =	sne.s32 s26, $0x500;
	p1 =	por p3, p3;
	_ =	swait.ge @!p3 [sflag:s3], $0x50  }
0x67: {  	[sflag:s3] =	ssyncset.done @!p1 $0x0  }
0x68: {  	s25 =	sadd.s32 @!p1 s25, s15;
	s29 =	simm.s32 @!p1 $0x80;
	[sflag:s3] =	ssyncadd.s32 @!p1 $0xFFFFFFB0  }
0x69: {  	[tilespmem:s29], [sflag:$0x3] =	stream.linear.gather @!p1 [hbm4b:s25+s31], $0x50, $0x38;
	[tilespmem:$0x1CA80] =	vst v63  }
0x6a: {  	s25 =	smov.u32 s0;
	_ =	swait.ge @!p1 [sflag:s3], $0x50  }
0x6b: {  	[sflag:s3] =	ssyncset.done @!p1 $0x0  }
0x6c: {  	s30 =	simm.s32 @!p1 $0x100;
	s0 =	simm.s32 @!p1 $0x50;
	[sflag:s3] =	ssyncadd.s32 @!p1 $0xFFFFFFB0  }
0x6d: {  	[tilespmem:s30], [sflag:$0x1] =	stream.indirect.gather @!p1 [hbm4b:s4+s0], $0x80, s31, s0, $0xb8;
	[tilespmem:$0x1CA80] =	vst v63  }
0x6e: {  	s18 =	simm.s32 @!p1 $0x2900;
	s6 =	simm.s32 @!p1 $0x1  }
0x6f: {  	[tilespmem:s18], [sflag:$0x1] =	stream.indirect.gather @!p1 [hbm4b:s5+s0], $0x80, s29, s0, $0xb8;
	[tilespmem:$0x1CA80] =	vst v63  }
0x70: {  	_ =	swait.ge @!p1 [sflag:s6], $0x2800  }
0x71: {  	[sflag:s6] =	ssyncset.done @!p1 $0x0  }
0x72: {  	[sflag:s6] =	ssyncadd.s32 @!p1 $0xFFFFD800  }
0x73: {  	_ =	swait.ge @!p1 [sflag:s6], $0x2800  }
0x74: {  	[sflag:s6] =	ssyncset.done @!p1 $0x0  }
0x75: {  	[sflag:s6] =	ssyncadd.s32 @!p1 $0xFFFFD800  }
0x76: {  	[hbm4b:s24+s31] =	stream.linear.scatter @!p1 [tilespmem:s30], [sflag:$0x3], $0x2800, $0x38;
	[tilespmem:$0x1CA80] =	vst v63  }
.Ltmp1:
0x77: {  	_ =	swait.ge @!p1 [sflag:s3], $0x2800;
	(pc) =	sbr.rel @p2 .LBB2_4-.Ltmp1, $4  }
0x78: {  	s23 =	sadd.s32 $0xA000, s23;
	[sflag:s3] =	ssyncset.done @!p1 $0x0  }
0x79: {  	s28 =	sadd.s32 $0x20, s28;
	s29 =	simm.s32 @!p1 $0x2;
	[sflag:s3] =	ssyncadd.s32 @!p1 $0xFFFFD800  }
0x7a: {  	[hbm4b:s1+s31] =	stream.linear.scatter @!p1 [tilespmem:s18], [sflag:$0x2], $0x2800, $0x38;
	[tilespmem:$0x1CA80] =	vst v63  }
0x7b: {  	p3 =	sgt.u32 s28, $0x7C;
	s24 =	sadd.s32 $0xA000, s24;
	_ =	swait.ge @!p1 [sflag:s29], $0x2800  }
0x7c: {  	s0 =	sadd.s32 @!p3 s25, s14;
	[sflag:s29] =	ssyncset.done @!p1 $0x0  }
0x7d: {  	s1 =	simm.s32 @!p3 $0x0;
	s3 =	simm.s32 @!p3 $0x3;
	[sflag:s29] =	ssyncadd.s32 @!p1 $0xFFFFD800  }
0x7e: {  	[tilespmem:s1], [sflag:$0x3] =	stream.linear.gather @!p3 [hbm4b:s0+s1], $0x50, $0x38;
	[tilespmem:$0x1CA80] =	vst v63  }
0x7f: {  	p1 =	por p3, p3;
	_ =	swait.ge @!p3 [sflag:s3], $0x50  }
0x80: {  	[sflag:s3] =	ssyncset.done @!p1 $0x0  }
0x81: {  	s0 =	sadd.s32 @!p1 s25, s15;
	s6 =	simm.s32 @!p1 $0x80;
	[sflag:s3] =	ssyncadd.s32 @!p1 $0xFFFFFFB0  }
0x82: {  	[tilespmem:s6], [sflag:$0x3] =	stream.linear.gather @!p1 [hbm4b:s0+s1], $0x50, $0x38;
	[tilespmem:$0x1CA80] =	vst v63  }
0x83: {  	_ =	swait.ge @!p1 [sflag:s3], $0x50  }
0x84: {  	[sflag:s3] =	ssyncset.done @!p1 $0x0  }
0x85: {  	s18 =	simm.s32 @!p1 $0x100;
	s0 =	simm.s32 @!p1 $0x50;
	[sflag:s3] =	ssyncadd.s32 @!p1 $0xFFFFFFB0  }
0x86: {  	[tilespmem:s18], [sflag:$0x1] =	stream.indirect.gather @!p1 [hbm4b:s4+s0], $0x80, s1, s0, $0xb8;
	[tilespmem:$0x1CA80] =	vst v63  }
0x87: {  	s25 =	simm.s32 @!p1 $0x2900;
	s26 =	simm.s32 @!p1 $0x1  }
0x88: {  	[tilespmem:s25], [sflag:$0x1] =	stream.indirect.gather @!p1 [hbm4b:s5+s0], $0x80, s6, s0, $0xb8;
	[tilespmem:$0x1CA80] =	vst v63  }
0x89: {  	_ =	swait.ge @!p1 [sflag:s26], $0x2800  }
0x8a: {  	[sflag:s26] =	ssyncset.done @!p1 $0x0  }
0x8b: {  	[sflag:s26] =	ssyncadd.s32 @!p1 $0xFFFFD800  }
0x8c: {  	_ =	swait.ge @!p1 [sflag:s26], $0x2800  }
0x8d: {  	[sflag:s26] =	ssyncset.done @!p1 $0x0  }
0x8e: {  	[sflag:s26] =	ssyncadd.s32 @!p1 $0xFFFFD800  }
0x8f: {  	[hbm4b:s24+s1] =	stream.linear.scatter @!p1 [tilespmem:s18], [sflag:$0x3], $0x2800, $0x38;
	[tilespmem:$0x1CA80] =	vst v63  }
0x90: {  	s22 =	sadd.s32 $0x1, s22;
	_ =	swait.ge @!p1 [sflag:s3], $0x2800  }
0x91: {  	p2 =	sne.s32 s22, s11;
	[sflag:s3] =	ssyncset.done @!p1 $0x0  }
.Ltmp2:
0x92: {  	s0 =	simm.s32 @!p1 $0x2;
	[sflag:s3] =	ssyncadd.s32 @!p1 $0xFFFFD800;
	(pc) =	sbr.rel @p2 .LBB2_1-.Ltmp2, $4  }
0x93: {  	[hbm4b:s23+s1] =	stream.linear.scatter @!p1 [tilespmem:s25], [sflag:$0x2], $0x2800, $0x38;
	[tilespmem:$0x1CA80] =	vst v63  }
0x94: {  	_ =	swait.ge @!p1 [sflag:s0], $0x2800  }
0x95: {  	[sflag:s0] =	ssyncset.done @!p1 $0x0  }
0x96: {  	[sflag:s0] =	ssyncadd.s32 @!p1 $0xFFFFD800  }
0x97: {  	_ =	sfence.sel $0x180000  }
0x98: {  	[bflag:$0x0] =	sbarrier.arrive $0xFFFF  }
0x99: {  	_ =	strace $0x90000047  }
0x9a: {  	s0 =	stileid.u32;
	[bflag:$0x2] =	sbarrier.arrive $0xFFFF  }
0x9b: {  	p0 =	sne.s32 s0, $0x0;
	s0 =	rddreg [dreg:$0x3]  }
0x9c: {  	s0 =	sadd.s32 @!p0 $0x100000, s0  }
0x9d: {  	[sflag:s0] =	ssyncadd.tile.s32 @!p0 $0x1;
	_ =	shalt  }
.Lfunc_end2:
_tile_overlayer_lowered:
.L_overlay_start_2:
0x9e: {  	(tag) =	ssettag $0x2  }
0x9f: {  	s0 =	rddreg [dreg:$0x0];
	s2 =	stileid.u32  }
0xa0: {  	s1 =	rddreg [dreg:$0x1];
	p0 =	sne.s32 s2, $0x0  }
0xa1: {  	s3 =	rddreg [dreg:$0x2];
	[bflag:$0x3] =	sbarrier.arrive $0xFFFF;
	s2 =	simm.s32 @!p0 $0x1C02  }
0xa2: {  	[timem:s3], [sflag:s2] =	dma.local @!p0 [hbm:s0], s1  }
0xa3: {  	s0 =	simm.s32 @!p0 $0x2  }
0xa4: {  	_ =	swait.ge @!p0 [sflag:s0], s1  }
0xa5: {  	s1 =	ssub.s32 @!p0 $0x0, s1;
	[sflag:s0] =	ssyncset.done @!p0 $0x0  }
0xa6: {  	[sflag:s0] =	ssyncadd.s32 @!p0 s1  }
0xa7: {  	[bflag:$0x3] =	sbarrier.arrive $0xFFFF  }
0xa8: {  	_ =	shalt  }

// kernel: kernel.19.cloned.1.call-start
scs
__scs_entry_jumppad:
0x0: {  	(pc) =	sbr.rel $0x88, $3  }
0x1: {  	(tag) =	ssettag $0x0;
	lr =	simm.s32 $0x1  }
0x2: {  	[smem:$0x3F87] =	sst lr;
	_ =	strace $0xD0000000  }
0x3: {  	_ = 	snop  }
0x4: {  	_ = 	snop  }
0x5: {  	_ = 	snop  }
0x6: {  	_ = 	snop  }
0x7: {  	_ = 	snop  }
__scs_overlays_trampoline_lowered:
0x8: {  	[smem:$0x3F96] =	sst s0  }
0x9: {  	[smem:$0x3F97] =	sst s1  }
0xa: {  	[smem:$0x3F98] =	sst s2  }
0xb: {  	[smem:$0x3F99] =	sst s3  }
0xc: {  	[smem:$0x3F9A] =	sst s4  }
0xd: {  	[smem:$0x3F9B] =	sst s5  }
0xe: {  	[smem:$0x3F9C] =	sst s6  }
0xf: {  	[smem:$0x3F9D] =	sst s7  }
0x10: {  	[smem:$0x3F9E] =	sst s8  }
0x11: {  	[smem:$0x3F9F] =	sst s9;
	s0 =	simm.s32 @!p0 $0x0  }
0x12: {  	s1 =	sld [smem:$0x3F85];
	s0 =	simm.s32 @p0 $0x1  }
0x13: {  	[smem:$0x3FA0] =	sst s0;
	s0 =	simm.s32 @!p1 $0x0  }
0x14: {  	s2 =	sld [smem:$0x3F84];
	s0 =	simm.s32 @p1 $0x1  }
0x15: {  	[smem:$0x3FA1] =	sst s0;
	s0 =	simm.s32 @!p2 $0x0  }
0x16: {  	s3 =	sld [smem:$0x3FDB];
	s0 =	simm.s32 @p2 $0x1  }
0x17: {  	s4 =	simm.s32 $0x1BF5;
	[smem:$0x3FA3] =	sst s0  }
0x18: {  	s0 =	sld [smem:$0x3F86];
	_ =	swait.ge [sflag:s4], $0x0  }
0x19: {  	s7 =	sld [smem:$0x3F87]  }
0x1a: {  	s8 =	sadd.s32 $0xFFFFE003, lr  }
0x1b: {  	s9 =	sadd.s32 $0xFFFFFEF7, lr;
	s5 =	simm.s32 $0xFFFFFFFF;
	p2 =	slt.u32 s8, $0xFFFFF086  }
0x1c: {  	p1 =	slt.u32 s9, $0xF7A;
	s5 =	simm.s32 @!p2 $0x0  }
0x1d: {  	s5 =	simm.s32 @p1 $0x1;
	p0 =	seq.s32 s7, s2  }
0x1e: {  	s7 =	smul.u32 @!p0 $0xF7A, s2;
	p2 =	seq.s32 @!p0 s5, $0x0  }
0x1f: {  	s9 =	smul.u32 $0xF7A, s1;
	s8 =	simm.s32 @!p0 $0x1BF5;
	p2 =	por !p2, p0  }
0x20: {  	[sflag:s8] =	ssyncset.s32 @!p0 $0xFFFFF086;
	s6 =	sadd.s32 @!p0 s3, s7;
	s7 =	simm.s32 @!p0 $0x108  }
0x21: {  	s3 =	sadd.s32 s3, s9;
	s6 =	sadd.s32 @!p0 $0x88, s6;
	s7 =	simm.s32 @p2 $0x1082  }
0x22: {  	[simem:s7], [sflag:s8] =	dma.local @!p0 [hbm:s6], $0xF7A  }
0x23: {  	s9 =	sor.u32 $0xD0000000, s2;
	s6 =	simm.s32 $0x108;
	_ =	swait.ge @!p0 [sflag:s8], $0x0  }
0x24: {  	s3 =	sadd.s32 $0x88, s3;
	s6 =	simm.s32 @!p1 $0x1082;
	[sflag:s4] =	ssyncset.s32 $0xFFFFF086  }
0x25: {  	[simem:s6], [sflag:s4] =	dma.local [hbm:s3], $0xF7A  }
0x26: {  	[smem:$0x3F87] =	sst s1;
	(tag) =	ssettag s2;
	_ =	strace s9  }
0x27: {  	s1 =	sld [smem:$0x3F97]  }
0x28: {  	s2 =	sld [smem:$0x3F98]  }
0x29: {  	s4 =	sld [smem:$0x3F9A]  }
0x2a: {  	p0 =	seq.s32 s5, $0x0;
	s5 =	sld [smem:$0x3F9B]  }
0x2b: {  	s6 =	sld [smem:$0x3F9C]  }
0x2c: {  	s7 =	sld [smem:$0x3F9D]  }
0x2d: {  	s3 =	simm.s32 $0x108;
	s8 =	sld [smem:$0x3F9E]  }
0x2e: {  	s3 =	simm.s32 @!p0 $0x1082;
	s9 =	sld [smem:$0x3F9F]  }
0x2f: {  	lr =	sadd.s32 s0, s3;
	s0 =	sld [smem:$0x3F96]  }
0x30: {  	s3 =	sld [smem:$0x3F99]  }
0x31: {  	[smem:$0x3FA2] =	sst s10  }
0x32: {  	s10 =	sld [smem:$0x3FA0];
	_ =	sdelay $0x3  }
0x33: {  	p0 =	seq.s32 s10, $0x1;
	s10 =	sld [smem:$0x3FA2];
	_ =	sdelay $0x3  }
0x34: {  	[smem:$0x3FA2] =	sst s10  }
0x35: {  	s10 =	sld [smem:$0x3FA1];
	_ =	sdelay $0x3  }
0x36: {  	p1 =	seq.s32 s10, $0x1;
	s10 =	sld [smem:$0x3FA2];
	_ =	sdelay $0x3  }
0x37: {  	[smem:$0x3FA2] =	sst s10  }
0x38: {  	s10 =	sld [smem:$0x3FA3]  }
0x39: {  	_ = 	snop;
	(pc) =	sbr.ind lr, $3  }
0x3a: {  	_ = 	snop  }
0x3b: {  	_ = 	snop  }
0x3c: {  	p2 =	seq.s32 s10, $0x1;
	s10 =	sld [smem:$0x3FA2]  }
0x3d: {  	_ =	shalt  }
0x3e: {  	_ =	shalt  }
0x3f: {  	_ =	shalt  }
0x40: {  	_ =	shalt  }
0x41: {  	_ =	shalt  }
0x42: {  	_ =	shalt  }
0x43: {  	_ =	shalt  }
0x44: {  	_ =	shalt  }
0x45: {  	_ =	shalt  }
0x46: {  	_ =	shalt  }
0x47: {  	_ =	shalt  }
0x48: {  	_ =	shalt  }
0x49: {  	_ =	shalt  }
0x4a: {  	_ =	shalt  }
0x4b: {  	_ =	shalt  }
0x4c: {  	_ =	shalt  }
0x4d: {  	_ =	shalt  }
0x4e: {  	_ =	shalt  }
0x4f: {  	_ =	shalt  }
0x50: {  	_ =	shalt  }
0x51: {  	_ =	shalt  }
0x52: {  	_ =	shalt  }
0x53: {  	_ =	shalt  }
0x54: {  	_ =	shalt  }
0x55: {  	_ =	shalt  }
0x56: {  	_ =	shalt  }
0x57: {  	_ =	shalt  }
0x58: {  	_ =	shalt  }
0x59: {  	_ =	shalt  }
0x5a: {  	_ =	shalt  }
0x5b: {  	_ =	shalt  }
0x5c: {  	_ =	shalt  }
0x5d: {  	_ =	shalt  }
0x5e: {  	_ =	shalt  }
0x5f: {  	_ =	shalt  }
0x60: {  	_ =	shalt  }
0x61: {  	_ =	shalt  }
0x62: {  	_ =	shalt  }
0x63: {  	_ =	shalt  }
0x64: {  	_ =	shalt  }
0x65: {  	_ =	shalt  }
0x66: {  	_ =	shalt  }
0x67: {  	_ =	shalt  }
0x68: {  	_ =	shalt  }
0x69: {  	_ =	shalt  }
0x6a: {  	_ =	shalt  }
0x6b: {  	_ =	shalt  }
0x6c: {  	_ =	shalt  }
0x6d: {  	_ =	shalt  }
0x6e: {  	_ =	shalt  }
0x6f: {  	_ =	shalt  }
0x70: {  	_ =	shalt  }
0x71: {  	_ =	shalt  }
0x72: {  	_ =	shalt  }
0x73: {  	_ =	shalt  }
0x74: {  	_ =	shalt  }
0x75: {  	_ =	shalt  }
0x76: {  	_ =	shalt  }
0x77: {  	_ =	shalt  }
0x78: {  	_ =	shalt  }
0x79: {  	_ =	shalt  }
0x7a: {  	_ =	shalt  }
0x7b: {  	_ =	shalt  }
0x7c: {  	_ =	shalt  }
0x7d: {  	_ =	shalt  }
0x7e: {  	_ =	shalt  }
0x7f: {  	_ =	shalt  }
0x80: {  	_ =	shalt  }
0x81: {  	_ =	shalt  }
0x82: {  	_ =	shalt  }
0x83: {  	_ =	shalt  }
0x84: {  	_ =	shalt  }
0x85: {  	_ =	shalt  }
0x86: {  	_ =	shalt  }
0x87: {  	_ =	shalt  }
.Lfunc_end0:
.L_simem_size_0:
called_computation.1_lowered:
.L_overlay_start_0:
0x88: {  	s2 =	sld [smem:$0x3FD9]  }
0x89: {  	s3 =	sld [smem:$0x3FFE];
	_ =	sdelay $0x1  }
0x8a: {  	s1 =	srdreg.scid  }
0x8b: {  	s0 =	sand.u32 $0x1, s1  }
0x8c: {  	s16 =	sshll.u32 s0, $0xA;
	s2 =	sadd.s32 s3, s2  }
0x8d: {  	s2 =	sadd.s32 s2, s16  }
0x8e: {  	[smem:$0x3FAE] =	sst s2  }
0x8f: {  	_ = 	snop  }
0x90: {  	(tm) =	ssettm $0x1  }
0x91: {  	s17 =	sld [smem:$0x3FFB];
	_ =	sdelay $0x3  }
0x92: {  	_ =	strace s17  }
0x93: {  	s2 =	sld [smem:$0x3FFC];
	_ =	sdelay $0x3  }
0x94: {  	_ =	strace s2  }
0x95: {  	s2 =	sld [smem:$0x3FFD];
	_ =	sdelay $0x3  }
0x96: {  	_ =	strace s2  }
0x97: {  	_ =	strace $0x8FFFFFFF  }
0x98: {  	s18 =	sld [smem:$0x3FDB];
	_ =	sdelay $0x1  }
0x99: {  	s19 =	simm.s32 $_scs_section_size  }
0x9a: {  	s4 =	simm.s32 $_size__tile_overlayer_lowered;
	s5 =	simm.s32 $_tile_overlayer_lowered  }
0x9b: {  	s22 =	simm.s32 $0x1BFF;
	s21 =	sshll.u32 s5, $0x1;
	s2 =	sadd.s32 s19, s18  }
0x9c: {  	s6 =	simm.s32 $0x0;
	s20 =	sshll.u32 s4, $0x1;
	s4 =	sadd.s32 s21, s2  }
0x9d: {  	[timem:s6], [sflag:s22] =	dma.local [hbm:s4], s20  }
0x9e: {  	_ =	swait.ge [sflag:s22], s20  }
0x9f: {  	s3 =	ssub.s32 $0x0, s20;
	[sflag:s22] =	ssyncset.done $0x0  }
0xa0: {  	[sflag:s22] =	ssyncadd.s32 s3;
	_ =	sdelay $0x1  }
0xa1: {  	s23 =	simm.s32 $0x1B8B  }
0xa2: {  	_ =	swait.ge [sflag:s23], $0x1  }
0xa3: {  	[sflag:s23] =	ssyncset.done $0x0  }
0xa4: {  	s25 =	simm.s32 $0x1B8E;
	s24 =	sld [smem:$0x3FFE];
	[sflag:s23] =	ssyncadd.s32 $0xFFFFFFFF  }
0xa5: {  	s26 =	simm.s32 $execute0_lowered;
	[smem:$0x3FD2] =	sst s25  }
0xa6: {  	s4 =	sshll.u32 s26, $0x1;
	_ =	strace $0x80000049;
	[dreg:$0x1] =	wrdreg $0xFFFFFFFF  }
0xa7: {  	s28 =	simm.s32 $_size_execute0_lowered;
	s2 =	sadd.s32 s2, s4;
	[dreg:$0x0] =	wrdreg $0x0  }
0xa8: {  	s4 =	sshll.u32 s28, $0x1;
	[dreg:$0x2] =	wrdreg s2  }
0xa9: {  	[dreg:$0x3] =	wrdreg s4  }
0xaa: {  	[dreg:$0x4] =	wrdreg $0xC0  }
0xab: {  	_ =	task [dreg:s6], $0x5FFFF  }
0xac: {  	[dreg:$0x1] =	wrdreg $0xFFFFFFFF  }
0xad: {  	[dreg:$0x0] =	wrdreg $0x60  }
0xae: {  	[dreg:$0x2] =	wrdreg s24  }
0xaf: {  	[dreg:$0x3] =	wrdreg $0x41000  }
0xb0: {  	[dreg:$0x4] =	wrdreg $0x9  }
0xb1: {  	_ =	task.clear_ibuf [dreg:s6], $0x5FFFF;
	_ =	strace $0x90000049  }
0xb2: {  	s29 =	simm.s32 $0x9;
	_ =	strace $0x8000004B  }
0xb3: {  	_ =	swait.ge [sflag:s29], $0x1  }
0xb4: {  	[sflag:s29] =	ssyncadd.s32 $0xFFFFFFFF  }
0xb5: {  	_ =	strace $0x9000004B  }
0xb6: {  	_ =	sfence  }
0xb7: {  	s30 =	sld [smem:$0x0];
	_ =	sdelay $0x2  }
0xb8: {  	s31 =	sshll.u32 s1, $0xD;
	s1 =	sshrl.u32 s1, $0x2  }
0xb9: {  	s3 =	sand.u32 $0x4000, s31;
	s1 =	sadd.s32 s1, s30  }
0xba: {  	s0 =	sor.u32 s3, s0;
	s1 =	sshll.u32 s1, $0x11  }
0xbb: {  	s0 =	sor.u32 s1, s0  }
0xbc: {  	s0 =	sadd.s32 $0x8F2B, s0  }
0xbd: {  	[sflag:s0] =	ssyncadd.remote.s32 $0x1  }
0xbe: {  	_ =	sfence.sel $0xFFFF  }
0xbf: {  	[dreg:$0x0] =	wrdreg $0xFFFFFFFF;
	(pc) =	sbr.abs _section_cstart, $3  }
0xc0: {  	[dreg:$0x1] =	wrdreg $0xFFFFFFFF  }
0xc1: {  	_ =	task.clear_ibuf [dreg:s6], $0x2FFFF;
	_ =	strace $0x9FFFFFFF  }
0xc2: {  	(tm) =	ssettm $0x7FFFFFFF  }
0xc3: {  	_ =	shalt  }
tec
execute0_lowered:
.L_overlay_start_1:
0x0: {  	(tag) =	ssettag $0x1  }
0x1: {  	s6 =	rddreg [dreg:$0x0]  }
0x2: {  	s1 =	rddreg [dreg:$0x1]  }
0x3: {  	s0 =	rddreg [dreg:$0x2];
	s3 =	simm.s32 $0x0;
	s2 =	stileid.u32  }
0x4: {  	s5 =	srdreg.scid;
	[smem:$0x7FF] =	sst s3;
	s4 =	sadd.s32 $0x69000, s6  }
0x5: {  	s7 =	sshll.u32 s2, $0x5;
	s9 =	sand.u32 $0x1, s5;
	s8 =	smul.u32 $0x4E000, s2  }
0x6: {  	s5 =	sadd.s32 $0x66800, s6;
	s13 =	sadd.s32 $0x17600, s6;
	s14 =	smul.u32 $0x13800, s2  }
0x7: {  	s28 =	sshll.u32 s2, $0x6;
	s16 =	sadd.s32 $0x138000, s1;
	p0 =	sne.s32 s2, $0xF  }
0x8: {  	_ =	strace $0x8000004A;
	s11 =	sadd.s32 s7, s6;
	s25 =	ssub.s32 $0x2, s9  }
0x9: {  	s12 =	smul.u32 $0x138800, s9;
	s6 =	sshll.u32 s2, $0x1;
	s7 =	sor.u32 $0x1C02, s28  }
0xa: {  	s30 =	sshll.u32 s9, $0x4;
	s10 =	sshrl.u32 s25, $0x1;
	s26 =	sshrl.u32 s8, $0x2  }
0xb: {  	s31 =	sadd.s32 s30, s11;
	s10 =	ssub.s32 s25, s10;
	s15 =	sadd.s32 s26, s1  }
0xc: {  	s29 =	sadd.s32 s14, s12;
	s12 =	sshrl.u32 s12, $0x3;
	s11 =	sadd.s32 $0xD600, s31  }
0xd: {  	s14 =	simm.s32 $0x2;
	s8 =	sshrl.u32 s29, $0x3;
	s12 =	sadd.s32 s13, s12  }
0xe: {  	s10 =	smax.u32 s10, $0x1;
	s8 =	sadd.s32 s13, s8;
	s9 =	sadd.s32 $0x27000, s12  }
0xf: {  	s12 =	sadd.s32 $0x12600, s31;
	s13 =	sshrl.u32 s15, $0x3;
	s15 =	sshrl.u32 @!p0 s16, $0x3  }
.LBB2_1:
0x10: {  	[spmem:s13], [sflag:s7] =	dma.local [hbm:s5], $0x2700  }
0x11: {  	_ =	swait.ge [sflag:s14], $0x2700  }
0x12: {  	[sflag:s14] =	ssyncset.done $0x0  }
0x13: {  	s16 =	simm.s32 @!p0 $0x2;
	[sflag:s14] =	ssyncadd.s32 $0xFFFFD900  }
0x14: {  	[spmem:s15], [sflag:s7] =	dma.local @!p0 [hbm:s5], $0x100  }
0x15: {  	_ =	swait.ge @!p0 [sflag:s16], $0x100  }
0x16: {  	p1 =	sgt.u32 s6, $0x4E1;
	[sflag:s16] =	ssyncset.done @!p0 $0x0  }
0x17: {  	s17 =	simm.s32 @!p1 $0x0;
	[sflag:s16] =	ssyncadd.s32 @!p0 $0xFFFFFF00  }
0x18: {  	s18 =	simm.s32 @!p1 $0x3;
	s16 =	sadd.s32 @!p1 $0x0, s12;
	[bflag:$0x0] =	sbarrier.arrive $0xFFFF  }
0x19: {  	[tilespmem:s17], [sflag:$0x3] =	stream.linear.gather @!p1 [hbm4b:s16+s17], $0x80, $0x38;
	[tilespmem:$0x17A00] =	vst v63  }
0x1a: {  	_ =	swait.ge @!p1 [sflag:s18], $0x80;
	p1 =	por p1, p1  }
0x1b: {  	[sflag:s18] =	ssyncset.done @!p1 $0x0  }
0x1c: {  	s16 =	sadd.s32 @!p1 $0x0, s11;
	s19 =	simm.s32 @!p1 $0x80;
	[sflag:s18] =	ssyncadd.s32 @!p1 $0xFFFFFF80  }
0x1d: {  	[tilespmem:s19], [sflag:$0x3] =	stream.linear.gather @!p1 [hbm4b:s16+s17], $0x80, $0x38;
	[tilespmem:$0x17A00] =	vst v63  }
0x1e: {  	_ =	swait.ge @!p1 [sflag:s18], $0x80  }
0x1f: {  	[sflag:s18] =	ssyncset.done @!p1 $0x0  }
0x20: {  	s16 =	simm.s32 @!p1 $0x100;
	[sflag:s18] =	ssyncadd.s32 @!p1 $0xFFFFFF80;
	s18 =	simm.s32 @!p1 $0x1  }
0x21: {  	[tilespmem:s16], [sflag:$0x1] =	stream.indirect.gather @!p1 [hbm4b:s4+s19], $0x80, s17, s19, $0xb8;
	[tilespmem:$0x17A00] =	vst v63  }
0x22: {  	_ =	swait.ge @!p1 [sflag:s18], $0x4000  }
0x23: {  	[sflag:s18] =	ssyncset.done @!p1 $0x0  }
0x24: {  	s17 =	sadd.s32 $0x20, s6;
	[sflag:s18] =	ssyncadd.s32 @!p1 $0xFFFFC000  }
0x25: {  	[spmem:s1] =	stream.indirect.scatter.add.f32 @!p1 [tilespmem:s16], [sflag:$0x2], $0x80, s19, s19, $0xb8;
	[tilespmem:$0x17A00] =	vst v63  }
0x26: {  	p3 =	sgt.u32 s17, $0x4E1;
	s19 =	simm.s32 @!p1 $0x2  }
0x27: {  	s18 =	simm.s32 $0x400;
	s16 =	simm.s32 $0x200;
	_ =	swait.ge @!p1 [sflag:s19], $0x4000  }
.LBB2_2:
0x28: {  	s20 =	sadd.s32 @!p3 s16, s12  }
0x29: {  	s21 =	simm.s32 @!p3 $0x0;
	[sflag:s19] =	ssyncset.done @!p1 $0x0;
	s22 =	smov.u32 s18  }
0x2a: {  	s18 =	sadd.s32 $0x200, s18;
	s23 =	simm.s32 @!p3 $0x3;
	[sflag:s19] =	ssyncadd.s32 @!p1 $0xFFFFC000  }
0x2b: {  	[tilespmem:s21], [sflag:$0x3] =	stream.linear.gather @!p3 [hbm4b:s20+s21], $0x80, $0x38;
	[tilespmem:$0x17A00] =	vst v63  }
0x2c: {  	p2 =	sne.s32 s18, $0x5000;
	p1 =	por p3, p3;
	_ =	swait.ge @!p3 [sflag:s23], $0x80  }
0x2d: {  	[sflag:s23] =	ssyncset.done @!p1 $0x0  }
0x2e: {  	s16 =	sadd.s32 @!p1 s16, s11;
	s20 =	simm.s32 @!p1 $0x80;
	[sflag:s23] =	ssyncadd.s32 @!p1 $0xFFFFFF80  }
0x2f: {  	[tilespmem:s20], [sflag:$0x3] =	stream.linear.gather @!p1 [hbm4b:s16+s21], $0x80, $0x38;
	[tilespmem:$0x17A00] =	vst v63  }
0x30: {  	s16 =	smov.u32 s22;
	_ =	swait.ge @!p1 [sflag:s23], $0x80  }
0x31: {  	[sflag:s23] =	ssyncset.done @!p1 $0x0  }
0x32: {  	s19 =	simm.s32 @!p1 $0x1;
	s22 =	simm.s32 @!p1 $0x100;
	[sflag:s23] =	ssyncadd.s32 @!p1 $0xFFFFFF80  }
0x33: {  	[tilespmem:s22], [sflag:$0x1] =	stream.indirect.gather @!p1 [hbm4b:s4+s20], $0x80, s21, s20, $0xb8;
	[tilespmem:$0x17A00] =	vst v63  }
.Ltmp0:
0x34: {  	_ =	swait.ge @!p1 [sflag:s19], $0x4000;
	(pc) =	sbr.rel @p2 .LBB2_2-.Ltmp0, $4  }
0x35: {  	[sflag:s19] =	ssyncset.done @!p1 $0x0  }
0x36: {  	s17 =	sadd.s32 $0x20, s17;
	[sflag:s19] =	ssyncadd.s32 @!p1 $0xFFFFC000;
	s19 =	simm.s32 @!p1 $0x2  }
0x37: {  	[spmem:s1] =	stream.indirect.scatter.add.f32 @!p1 [tilespmem:s22], [sflag:$0x2], $0x80, s20, s20, $0xb8;
	[tilespmem:$0x17A00] =	vst v63  }
0x38: {  	p3 =	sgt.u32 s17, $0x4E1;
	_ =	swait.ge @!p1 [sflag:s19], $0x4000  }
0x39: {  	s17 =	sadd.s32 @!p3 s16, s12;
	[sflag:s19] =	ssyncset.done @!p1 $0x0  }
0x3a: {  	s18 =	simm.s32 @!p3 $0x0;
	s20 =	simm.s32 @!p3 $0x3;
	[sflag:s19] =	ssyncadd.s32 @!p1 $0xFFFFC000  }
0x3b: {  	[tilespmem:s18], [sflag:$0x3] =	stream.linear.gather @!p3 [hbm4b:s17+s18], $0x80, $0x38;
	[tilespmem:$0x17A00] =	vst v63  }
0x3c: {  	p1 =	por p3, p3;
	_ =	swait.ge @!p3 [sflag:s20], $0x80  }
0x3d: {  	[sflag:s20] =	ssyncset.done @!p1 $0x0  }
0x3e: {  	s16 =	sadd.s32 @!p1 s16, s11;
	s17 =	simm.s32 @!p1 $0x80;
	[sflag:s20] =	ssyncadd.s32 @!p1 $0xFFFFFF80  }
0x3f: {  	[tilespmem:s17], [sflag:$0x3] =	stream.linear.gather @!p1 [hbm4b:s16+s18], $0x80, $0x38;
	[tilespmem:$0x17A00] =	vst v63  }
0x40: {  	_ =	swait.ge @!p1 [sflag:s20], $0x80  }
0x41: {  	[sflag:s20] =	ssyncset.done @!p1 $0x0  }
0x42: {  	s19 =	simm.s32 @!p1 $0x1;
	s16 =	simm.s32 @!p1 $0x100;
	[sflag:s20] =	ssyncadd.s32 @!p1 $0xFFFFFF80  }
0x43: {  	[tilespmem:s16], [sflag:$0x1] =	stream.indirect.gather @!p1 [hbm4b:s4+s17], $0x80, s18, s17, $0xb8;
	[tilespmem:$0x17A00] =	vst v63  }
0x44: {  	_ =	swait.ge @!p1 [sflag:s19], $0x4000  }
0x45: {  	[sflag:s19] =	ssyncset.done @!p1 $0x0  }
0x46: {  	s18 =	simm.s32 @!p1 $0x2;
	[sflag:s19] =	ssyncadd.s32 @!p1 $0xFFFFC000  }
0x47: {  	[spmem:s1] =	stream.indirect.scatter.add.f32 @!p1 [tilespmem:s16], [sflag:$0x2], $0x80, s17, s17, $0xb8;
	[tilespmem:$0x17A00] =	vst v63  }
0x48: {  	_ =	swait.ge @!p1 [sflag:s18], $0x4000  }
0x49: {  	[sflag:s18] =	ssyncset.done @!p1 $0x0  }
0x4a: {  	[sflag:s18] =	ssyncadd.s32 @!p1 $0xFFFFC000  }
0x4b: {  	[bflag:$0x0] =	sbarrier.arrive $0xFFFF  }
0x4c: {  	[hbm:s8], [sflag:s7] =	dma.local [spmem:s13], $0x2700  }
0x4d: {  	s3 =	sadd.s32 $0x1, s3;
	_ =	swait.ge [sflag:s14], $0x2700  }
0x4e: {  	p1 =	sne.s32 s3, s10;
	[sflag:s14] =	ssyncset.done $0x0  }
.Ltmp1:
0x4f: {  	s16 =	simm.s32 @!p0 $0x2;
	[sflag:s14] =	ssyncadd.s32 $0xFFFFD900;
	(pc) =	sbr.rel @p1 .LBB2_1-.Ltmp1, $4  }
0x50: {  	[hbm:s9], [sflag:s7] =	dma.local @!p0 [spmem:s15], $0x100  }
0x51: {  	_ =	swait.ge @!p0 [sflag:s16], $0x100  }
0x52: {  	[sflag:s16] =	ssyncset.done @!p0 $0x0  }
0x53: {  	[sflag:s16] =	ssyncadd.s32 @!p0 $0xFFFFFF00  }
0x54: {  	_ =	sfence.sel $0x180000  }
0x55: {  	[bflag:$0x0] =	sbarrier.arrive $0xFFFF  }
0x56: {  	p0 =	sne.s32 s2, $0x0;
	_ =	strace $0x9000004A  }
0x57: {  	s0 =	sadd.s32 @!p0 $0x100000, s0;
	[bflag:$0x2] =	sbarrier.arrive $0xFFFF  }
0x58: {  	[sflag:s0] =	ssyncadd.tile.s32 @!p0 $0x1;
	_ =	shalt  }
.Lfunc_end2:
_tile_overlayer_lowered:
.L_overlay_start_2:
0x59: {  	(tag) =	ssettag $0x2  }
0x5a: {  	s0 =	rddreg [dreg:$0x0];
	s2 =	stileid.u32  }
0x5b: {  	s1 =	rddreg [dreg:$0x1];
	p0 =	sne.s32 s2, $0x0  }
0x5c: {  	s3 =	rddreg [dreg:$0x2];
	[bflag:$0x3] =	sbarrier.arrive $0xFFFF;
	s2 =	simm.s32 @!p0 $0x1C02  }
0x5d: {  	[timem:s3], [sflag:s2] =	dma.local @!p0 [hbm:s0], s1  }
0x5e: {  	s0 =	simm.s32 @!p0 $0x2  }
0x5f: {  	_ =	swait.ge @!p0 [sflag:s0], s1  }
0x60: {  	s1 =	ssub.s32 @!p0 $0x0, s1;
	[sflag:s0] =	ssyncset.done @!p0 $0x0  }
0x61: {  	[sflag:s0] =	ssyncadd.s32 @!p0 s1  }
0x62: {  	[bflag:$0x3] =	sbarrier.arrive $0xFFFF  }
0x63: {  	_ =	shalt  }

// kernel: kernel.22.cloned.1.call-start
scs
__scs_entry_jumppad:
0x0: {  	(pc) =	sbr.rel $0x88, $3  }
0x1: {  	(tag) =	ssettag $0x0;
	lr =	simm.s32 $0x1  }
0x2: {  	[smem:$0x3F87] =	sst lr;
	_ =	strace $0xD0000000  }
0x3: {  	_ = 	snop  }
0x4: {  	_ = 	snop  }
0x5: {  	_ = 	snop  }
0x6: {  	_ = 	snop  }
0x7: {  	_ = 	snop  }
__scs_overlays_trampoline_lowered:
0x8: {  	[smem:$0x3F96] =	sst s0  }
0x9: {  	[smem:$0x3F97] =	sst s1  }
0xa: {  	[smem:$0x3F98] =	sst s2  }
0xb: {  	[smem:$0x3F99] =	sst s3  }
0xc: {  	[smem:$0x3F9A] =	sst s4  }
0xd: {  	[smem:$0x3F9B] =	sst s5  }
0xe: {  	[smem:$0x3F9C] =	sst s6  }
0xf: {  	[smem:$0x3F9D] =	sst s7  }
0x10: {  	[smem:$0x3F9E] =	sst s8  }
0x11: {  	[smem:$0x3F9F] =	sst s9;
	s0 =	simm.s32 @!p0 $0x0  }
0x12: {  	s1 =	sld [smem:$0x3F85];
	s0 =	simm.s32 @p0 $0x1  }
0x13: {  	[smem:$0x3FA0] =	sst s0;
	s0 =	simm.s32 @!p1 $0x0  }
0x14: {  	s2 =	sld [smem:$0x3F84];
	s0 =	simm.s32 @p1 $0x1  }
0x15: {  	[smem:$0x3FA1] =	sst s0;
	s0 =	simm.s32 @!p2 $0x0  }
0x16: {  	s3 =	sld [smem:$0x3FDB];
	s0 =	simm.s32 @p2 $0x1  }
0x17: {  	s4 =	simm.s32 $0x1BF5;
	[smem:$0x3FA3] =	sst s0  }
0x18: {  	s0 =	sld [smem:$0x3F86];
	_ =	swait.ge [sflag:s4], $0x0  }
0x19: {  	s7 =	sld [smem:$0x3F87]  }
0x1a: {  	s8 =	sadd.s32 $0xFFFFE003, lr  }
0x1b: {  	s9 =	sadd.s32 $0xFFFFFEF7, lr;
	s5 =	simm.s32 $0xFFFFFFFF;
	p2 =	slt.u32 s8, $0xFFFFF086  }
0x1c: {  	p1 =	slt.u32 s9, $0xF7A;
	s5 =	simm.s32 @!p2 $0x0  }
0x1d: {  	s5 =	simm.s32 @p1 $0x1;
	p0 =	seq.s32 s7, s2  }
0x1e: {  	s7 =	smul.u32 @!p0 $0xF7A, s2;
	p2 =	seq.s32 @!p0 s5, $0x0  }
0x1f: {  	s9 =	smul.u32 $0xF7A, s1;
	s8 =	simm.s32 @!p0 $0x1BF5;
	p2 =	por !p2, p0  }
0x20: {  	[sflag:s8] =	ssyncset.s32 @!p0 $0xFFFFF086;
	s6 =	sadd.s32 @!p0 s3, s7;
	s7 =	simm.s32 @!p0 $0x108  }
0x21: {  	s3 =	sadd.s32 s3, s9;
	s6 =	sadd.s32 @!p0 $0x88, s6;
	s7 =	simm.s32 @p2 $0x1082  }
0x22: {  	[simem:s7], [sflag:s8] =	dma.local @!p0 [hbm:s6], $0xF7A  }
0x23: {  	s9 =	sor.u32 $0xD0000000, s2;
	s6 =	simm.s32 $0x108;
	_ =	swait.ge @!p0 [sflag:s8], $0x0  }
0x24: {  	s3 =	sadd.s32 $0x88, s3;
	s6 =	simm.s32 @!p1 $0x1082;
	[sflag:s4] =	ssyncset.s32 $0xFFFFF086  }
0x25: {  	[simem:s6], [sflag:s4] =	dma.local [hbm:s3], $0xF7A  }
0x26: {  	[smem:$0x3F87] =	sst s1;
	(tag) =	ssettag s2;
	_ =	strace s9  }
0x27: {  	s1 =	sld [smem:$0x3F97]  }
0x28: {  	s2 =	sld [smem:$0x3F98]  }
0x29: {  	s4 =	sld [smem:$0x3F9A]  }
0x2a: {  	p0 =	seq.s32 s5, $0x0;
	s5 =	sld [smem:$0x3F9B]  }
0x2b: {  	s6 =	sld [smem:$0x3F9C]  }
0x2c: {  	s7 =	sld [smem:$0x3F9D]  }
0x2d: {  	s3 =	simm.s32 $0x108;
	s8 =	sld [smem:$0x3F9E]  }
0x2e: {  	s3 =	simm.s32 @!p0 $0x1082;
	s9 =	sld [smem:$0x3F9F]  }
0x2f: {  	lr =	sadd.s32 s0, s3;
	s0 =	sld [smem:$0x3F96]  }
0x30: {  	s3 =	sld [smem:$0x3F99]  }
0x31: {  	[smem:$0x3FA2] =	sst s10  }
0x32: {  	s10 =	sld [smem:$0x3FA0];
	_ =	sdelay $0x3  }
0x33: {  	p0 =	seq.s32 s10, $0x1;
	s10 =	sld [smem:$0x3FA2];
	_ =	sdelay $0x3  }
0x34: {  	[smem:$0x3FA2] =	sst s10  }
0x35: {  	s10 =	sld [smem:$0x3FA1];
	_ =	sdelay $0x3  }
0x36: {  	p1 =	seq.s32 s10, $0x1;
	s10 =	sld [smem:$0x3FA2];
	_ =	sdelay $0x3  }
0x37: {  	[smem:$0x3FA2] =	sst s10  }
0x38: {  	s10 =	sld [smem:$0x3FA3]  }
0x39: {  	_ = 	snop;
	(pc) =	sbr.ind lr, $3  }
0x3a: {  	_ = 	snop  }
0x3b: {  	_ = 	snop  }
0x3c: {  	p2 =	seq.s32 s10, $0x1;
	s10 =	sld [smem:$0x3FA2]  }
0x3d: {  	_ =	shalt  }
0x3e: {  	_ =	shalt  }
0x3f: {  	_ =	shalt  }
0x40: {  	_ =	shalt  }
0x41: {  	_ =	shalt  }
0x42: {  	_ =	shalt  }
0x43: {  	_ =	shalt  }
0x44: {  	_ =	shalt  }
0x45: {  	_ =	shalt  }
0x46: {  	_ =	shalt  }
0x47: {  	_ =	shalt  }
0x48: {  	_ =	shalt  }
0x49: {  	_ =	shalt  }
0x4a: {  	_ =	shalt  }
0x4b: {  	_ =	shalt  }
0x4c: {  	_ =	shalt  }
0x4d: {  	_ =	shalt  }
0x4e: {  	_ =	shalt  }
0x4f: {  	_ =	shalt  }
0x50: {  	_ =	shalt  }
0x51: {  	_ =	shalt  }
0x52: {  	_ =	shalt  }
0x53: {  	_ =	shalt  }
0x54: {  	_ =	shalt  }
0x55: {  	_ =	shalt  }
0x56: {  	_ =	shalt  }
0x57: {  	_ =	shalt  }
0x58: {  	_ =	shalt  }
0x59: {  	_ =	shalt  }
0x5a: {  	_ =	shalt  }
0x5b: {  	_ =	shalt  }
0x5c: {  	_ =	shalt  }
0x5d: {  	_ =	shalt  }
0x5e: {  	_ =	shalt  }
0x5f: {  	_ =	shalt  }
0x60: {  	_ =	shalt  }
0x61: {  	_ =	shalt  }
0x62: {  	_ =	shalt  }
0x63: {  	_ =	shalt  }
0x64: {  	_ =	shalt  }
0x65: {  	_ =	shalt  }
0x66: {  	_ =	shalt  }
0x67: {  	_ =	shalt  }
0x68: {  	_ =	shalt  }
0x69: {  	_ =	shalt  }
0x6a: {  	_ =	shalt  }
0x6b: {  	_ =	shalt  }
0x6c: {  	_ =	shalt  }
0x6d: {  	_ =	shalt  }
0x6e: {  	_ =	shalt  }
0x6f: {  	_ =	shalt  }
0x70: {  	_ =	shalt  }
0x71: {  	_ =	shalt  }
0x72: {  	_ =	shalt  }
0x73: {  	_ =	shalt  }
0x74: {  	_ =	shalt  }
0x75: {  	_ =	shalt  }
0x76: {  	_ =	shalt  }
0x77: {  	_ =	shalt  }
0x78: {  	_ =	shalt  }
0x79: {  	_ =	shalt  }
0x7a: {  	_ =	shalt  }
0x7b: {  	_ =	shalt  }
0x7c: {  	_ =	shalt  }
0x7d: {  	_ =	shalt  }
0x7e: {  	_ =	shalt  }
0x7f: {  	_ =	shalt  }
0x80: {  	_ =	shalt  }
0x81: {  	_ =	shalt  }
0x82: {  	_ =	shalt  }
0x83: {  	_ =	shalt  }
0x84: {  	_ =	shalt  }
0x85: {  	_ =	shalt  }
0x86: {  	_ =	shalt  }
0x87: {  	_ =	shalt  }
.Lfunc_end0:
.L_simem_size_0:
called_computation.2_lowered:
.L_overlay_start_0:
0x88: {  	s2 =	sld [smem:$0x3FD9]  }
0x89: {  	s3 =	sld [smem:$0x3FFE];
	_ =	sdelay $0x1  }
0x8a: {  	s1 =	srdreg.scid  }
0x8b: {  	s0 =	sand.u32 $0x1, s1  }
0x8c: {  	s16 =	sshll.u32 s0, $0xA;
	s2 =	sadd.s32 s3, s2  }
0x8d: {  	s2 =	sadd.s32 s2, s16  }
0x8e: {  	[smem:$0x3FAE] =	sst s2  }
0x8f: {  	_ = 	snop  }
0x90: {  	(tm) =	ssettm $0x1  }
0x91: {  	s17 =	sld [smem:$0x3FFB];
	_ =	sdelay $0x3  }
0x92: {  	_ =	strace s17  }
0x93: {  	s2 =	sld [smem:$0x3FFC];
	_ =	sdelay $0x3  }
0x94: {  	_ =	strace s2  }
0x95: {  	s2 =	sld [smem:$0x3FFD];
	_ =	sdelay $0x3  }
0x96: {  	_ =	strace s2  }
0x97: {  	_ =	strace $0x8FFFFFFF  }
0x98: {  	s18 =	sld [smem:$0x3FDB];
	_ =	sdelay $0x1  }
0x99: {  	s19 =	simm.s32 $_scs_section_size  }
0x9a: {  	s4 =	simm.s32 $_size__tile_overlayer_lowered;
	s5 =	simm.s32 $_tile_overlayer_lowered  }
0x9b: {  	s22 =	simm.s32 $0x1BFF;
	s21 =	sshll.u32 s5, $0x1;
	s2 =	sadd.s32 s19, s18  }
0x9c: {  	s6 =	simm.s32 $0x0;
	s20 =	sshll.u32 s4, $0x1;
	s4 =	sadd.s32 s21, s2  }
0x9d: {  	[timem:s6], [sflag:s22] =	dma.local [hbm:s4], s20  }
0x9e: {  	_ =	swait.ge [sflag:s22], s20  }
0x9f: {  	s3 =	ssub.s32 $0x0, s20;
	[sflag:s22] =	ssyncset.done $0x0  }
0xa0: {  	[sflag:s22] =	ssyncadd.s32 s3;
	_ =	sdelay $0x1  }
0xa1: {  	s23 =	simm.s32 $0x1B8B  }
0xa2: {  	_ =	swait.ge [sflag:s23], $0x1  }
0xa3: {  	[sflag:s23] =	ssyncset.done $0x0  }
0xa4: {  	s25 =	simm.s32 $0x1B8E;
	s24 =	sld [smem:$0x3FFE];
	[sflag:s23] =	ssyncadd.s32 $0xFFFFFFFF  }
0xa5: {  	s26 =	simm.s32 $execute0_lowered;
	[smem:$0x3FD2] =	sst s25  }
0xa6: {  	s4 =	sshll.u32 s26, $0x1;
	_ =	strace $0x8000004C;
	[dreg:$0x1] =	wrdreg $0xFFFFFFFF  }
0xa7: {  	s28 =	simm.s32 $_size_execute0_lowered;
	s2 =	sadd.s32 s2, s4;
	[dreg:$0x0] =	wrdreg $0x0  }
0xa8: {  	s4 =	sshll.u32 s28, $0x1;
	[dreg:$0x2] =	wrdreg s2  }
0xa9: {  	[dreg:$0x3] =	wrdreg s4  }
0xaa: {  	[dreg:$0x4] =	wrdreg $0xC0  }
0xab: {  	_ =	task [dreg:s6], $0x5FFFF  }
0xac: {  	[dreg:$0x1] =	wrdreg $0xFFFFFFFF  }
0xad: {  	[dreg:$0x0] =	wrdreg $0x60  }
0xae: {  	[dreg:$0x2] =	wrdreg s24  }
0xaf: {  	[dreg:$0x3] =	wrdreg $0x41000  }
0xb0: {  	[dreg:$0x4] =	wrdreg $0x9  }
0xb1: {  	_ =	task.clear_ibuf [dreg:s6], $0x5FFFF;
	_ =	strace $0x9000004C  }
0xb2: {  	s29 =	simm.s32 $0x9;
	_ =	strace $0x8000004E  }
0xb3: {  	_ =	swait.ge [sflag:s29], $0x1  }
0xb4: {  	[sflag:s29] =	ssyncadd.s32 $0xFFFFFFFF  }
0xb5: {  	_ =	strace $0x9000004E  }
0xb6: {  	_ =	sfence  }
0xb7: {  	s30 =	sld [smem:$0x0];
	_ =	sdelay $0x2  }
0xb8: {  	s31 =	sshll.u32 s1, $0xD;
	s1 =	sshrl.u32 s1, $0x2  }
0xb9: {  	s3 =	sand.u32 $0x4000, s31;
	s1 =	sadd.s32 s1, s30  }
0xba: {  	s0 =	sor.u32 s3, s0;
	s1 =	sshll.u32 s1, $0x11  }
0xbb: {  	s0 =	sor.u32 s1, s0  }
0xbc: {  	s0 =	sadd.s32 $0x8F2B, s0  }
0xbd: {  	[sflag:s0] =	ssyncadd.remote.s32 $0x1  }
0xbe: {  	_ =	sfence.sel $0xFFFF  }
0xbf: {  	[dreg:$0x0] =	wrdreg $0xFFFFFFFF;
	(pc) =	sbr.abs _section_cstart, $3  }
0xc0: {  	[dreg:$0x1] =	wrdreg $0xFFFFFFFF  }
0xc1: {  	_ =	task.clear_ibuf [dreg:s6], $0x2FFFF;
	_ =	strace $0x9FFFFFFF  }
0xc2: {  	(tm) =	ssettm $0x7FFFFFFF  }
0xc3: {  	_ =	shalt  }
tec
execute0_lowered:
.L_overlay_start_1:
0x0: {  	(tag) =	ssettag $0x1  }
0x1: {  	s6 =	rddreg [dreg:$0x0]  }
0x2: {  	s1 =	rddreg [dreg:$0x1]  }
0x3: {  	s0 =	rddreg [dreg:$0x2];
	s3 =	simm.s32 $0x0;
	s2 =	stileid.u32  }
0x4: {  	s5 =	srdreg.scid;
	[smem:$0x7FF] =	sst s3;
	s4 =	sadd.s32 $0x69000, s6  }
0x5: {  	s7 =	sshll.u32 s2, $0x5;
	s9 =	sand.u32 $0x1, s5;
	s8 =	smul.u32 $0x4E000, s2  }
0x6: {  	s5 =	sadd.s32 $0x66800, s6;
	s13 =	sadd.s32 $0x17600, s6;
	s14 =	smul.u32 $0x13800, s2  }
0x7: {  	s28 =	sshll.u32 s2, $0x6;
	s16 =	sadd.s32 $0x138000, s1;
	p0 =	sne.s32 s2, $0xF  }
0x8: {  	_ =	strace $0x8000004D;
	s11 =	sadd.s32 s7, s6;
	s25 =	ssub.s32 $0x2, s9  }
0x9: {  	s12 =	smul.u32 $0x138800, s9;
	s6 =	sshll.u32 s2, $0x1;
	s7 =	sor.u32 $0x1C02, s28  }
0xa: {  	s30 =	sshll.u32 s9, $0x4;
	s10 =	sshrl.u32 s25, $0x1;
	s26 =	sshrl.u32 s8, $0x2  }
0xb: {  	s31 =	sadd.s32 s30, s11;
	s10 =	ssub.s32 s25, s10;
	s15 =	sadd.s32 s26, s1  }
0xc: {  	s29 =	sadd.s32 s14, s12;
	s12 =	sshrl.u32 s12, $0x3;
	s11 =	sadd.s32 $0xD600, s31  }
0xd: {  	s14 =	simm.s32 $0x2;
	s8 =	sshrl.u32 s29, $0x3;
	s12 =	sadd.s32 s13, s12  }
0xe: {  	s10 =	smax.u32 s10, $0x1;
	s8 =	sadd.s32 s13, s8;
	s9 =	sadd.s32 $0x27000, s12  }
0xf: {  	s12 =	sadd.s32 $0x12600, s31;
	s13 =	sshrl.u32 s15, $0x3;
	s15 =	sshrl.u32 @!p0 s16, $0x3  }
.LBB2_1:
0x10: {  	[spmem:s13], [sflag:s7] =	dma.local [hbm:s5], $0x2700  }
0x11: {  	_ =	swait.ge [sflag:s14], $0x2700  }
0x12: {  	[sflag:s14] =	ssyncset.done $0x0  }
0x13: {  	s16 =	simm.s32 @!p0 $0x2;
	[sflag:s14] =	ssyncadd.s32 $0xFFFFD900  }
0x14: {  	[spmem:s15], [sflag:s7] =	dma.local @!p0 [hbm:s5], $0x100  }
0x15: {  	_ =	swait.ge @!p0 [sflag:s16], $0x100  }
0x16: {  	p1 =	sgt.u32 s6, $0x4E1;
	[sflag:s16] =	ssyncset.done @!p0 $0x0  }
0x17: {  	s17 =	simm.s32 @!p1 $0x0;
	[sflag:s16] =	ssyncadd.s32 @!p0 $0xFFFFFF00  }
0x18: {  	s18 =	simm.s32 @!p1 $0x3;
	s16 =	sadd.s32 @!p1 $0x0, s12;
	[bflag:$0x0] =	sbarrier.arrive $0xFFFF  }
0x19: {  	[tilespmem:s17], [sflag:$0x3] =	stream.linear.gather @!p1 [hbm4b:s16+s17], $0x80, $0x38;
	[tilespmem:$0x17A00] =	vst v63  }
0x1a: {  	_ =	swait.ge @!p1 [sflag:s18], $0x80;
	p1 =	por p1, p1  }
0x1b: {  	[sflag:s18] =	ssyncset.done @!p1 $0x0  }
0x1c: {  	s16 =	sadd.s32 @!p1 $0x0, s11;
	s19 =	simm.s32 @!p1 $0x80;
	[sflag:s18] =	ssyncadd.s32 @!p1 $0xFFFFFF80  }
0x1d: {  	[tilespmem:s19], [sflag:$0x3] =	stream.linear.gather @!p1 [hbm4b:s16+s17], $0x80, $0x38;
	[tilespmem:$0x17A00] =	vst v63  }
0x1e: {  	_ =	swait.ge @!p1 [sflag:s18], $0x80  }
0x1f: {  	[sflag:s18] =	ssyncset.done @!p1 $0x0  }
0x20: {  	s16 =	simm.s32 @!p1 $0x100;
	[sflag:s18] =	ssyncadd.s32 @!p1 $0xFFFFFF80;
	s18 =	simm.s32 @!p1 $0x1  }
0x21: {  	[tilespmem:s16], [sflag:$0x1] =	stream.indirect.gather @!p1 [hbm4b:s4+s19], $0x80, s17, s19, $0xb8;
	[tilespmem:$0x17A00] =	vst v63  }
0x22: {  	_ =	swait.ge @!p1 [sflag:s18], $0x4000  }
0x23: {  	[sflag:s18] =	ssyncset.done @!p1 $0x0  }
0x24: {  	s17 =	sadd.s32 $0x20, s6;
	[sflag:s18] =	ssyncadd.s32 @!p1 $0xFFFFC000  }
0x25: {  	[spmem:s1] =	stream.indirect.scatter.add.f32 @!p1 [tilespmem:s16], [sflag:$0x2], $0x80, s19, s19, $0xb8;
	[tilespmem:$0x17A00] =	vst v63  }
0x26: {  	p3 =	sgt.u32 s17, $0x4E1;
	s19 =	simm.s32 @!p1 $0x2  }
0x27: {  	s18 =	simm.s32 $0x400;
	s16 =	simm.s32 $0x200;
	_ =	swait.ge @!p1 [sflag:s19], $0x4000  }
.LBB2_2:
0x28: {  	s20 =	sadd.s32 @!p3 s16, s12  }
0x29: {  	s21 =	simm.s32 @!p3 $0x0;
	[sflag:s19] =	ssyncset.done @!p1 $0x0;
	s22 =	smov.u32 s18  }
0x2a: {  	s18 =	sadd.s32 $0x200, s18;
	s23 =	simm.s32 @!p3 $0x3;
	[sflag:s19] =	ssyncadd.s32 @!p1 $0xFFFFC000  }
0x2b: {  	[tilespmem:s21], [sflag:$0x3] =	stream.linear.gather @!p3 [hbm4b:s20+s21], $0x80, $0x38;
	[tilespmem:$0x17A00] =	vst v63  }
0x2c: {  	p2 =	sne.s32 s18, $0x5000;
	p1 =	por p3, p3;
	_ =	swait.ge @!p3 [sflag:s23], $0x80  }
0x2d: {  	[sflag:s23] =	ssyncset.done @!p1 $0x0  }
0x2e: {  	s16 =	sadd.s32 @!p1 s16, s11;
	s20 =	simm.s32 @!p1 $0x80;
	[sflag:s23] =	ssyncadd.s32 @!p1 $0xFFFFFF80  }
0x2f: {  	[tilespmem:s20], [sflag:$0x3] =	stream.linear.gather @!p1 [hbm4b:s16+s21], $0x80, $0x38;
	[tilespmem:$0x17A00] =	vst v63  }
0x30: {  	s16 =	smov.u32 s22;
	_ =	swait.ge @!p1 [sflag:s23], $0x80  }
0x31: {  	[sflag:s23] =	ssyncset.done @!p1 $0x0  }
0x32: {  	s19 =	simm.s32 @!p1 $0x1;
	s22 =	simm.s32 @!p1 $0x100;
	[sflag:s23] =	ssyncadd.s32 @!p1 $0xFFFFFF80  }
0x33: {  	[tilespmem:s22], [sflag:$0x1] =	stream.indirect.gather @!p1 [hbm4b:s4+s20], $0x80, s21, s20, $0xb8;
	[tilespmem:$0x17A00] =	vst v63  }
.Ltmp0:
0x34: {  	_ =	swait.ge @!p1 [sflag:s19], $0x4000;
	(pc) =	sbr.rel @p2 .LBB2_2-.Ltmp0, $4  }
0x35: {  	[sflag:s19] =	ssyncset.done @!p1 $0x0  }
0x36: {  	s17 =	sadd.s32 $0x20, s17;
	[sflag:s19] =	ssyncadd.s32 @!p1 $0xFFFFC000;
	s19 =	simm.s32 @!p1 $0x2  }
0x37: {  	[spmem:s1] =	stream.indirect.scatter.add.f32 @!p1 [tilespmem:s22], [sflag:$0x2], $0x80, s20, s20, $0xb8;
	[tilespmem:$0x17A00] =	vst v63  }
0x38: {  	p3 =	sgt.u32 s17, $0x4E1;
	_ =	swait.ge @!p1 [sflag:s19], $0x4000  }
0x39: {  	s17 =	sadd.s32 @!p3 s16, s12;
	[sflag:s19] =	ssyncset.done @!p1 $0x0  }
0x3a: {  	s18 =	simm.s32 @!p3 $0x0;
	s20 =	simm.s32 @!p3 $0x3;
	[sflag:s19] =	ssyncadd.s32 @!p1 $0xFFFFC000  }
0x3b: {  	[tilespmem:s18], [sflag:$0x3] =	stream.linear.gather @!p3 [hbm4b:s17+s18], $0x80, $0x38;
	[tilespmem:$0x17A00] =	vst v63  }
0x3c: {  	p1 =	por p3, p3;
	_ =	swait.ge @!p3 [sflag:s20], $0x80  }
0x3d: {  	[sflag:s20] =	ssyncset.done @!p1 $0x0  }
0x3e: {  	s16 =	sadd.s32 @!p1 s16, s11;
	s17 =	simm.s32 @!p1 $0x80;
	[sflag:s20] =	ssyncadd.s32 @!p1 $0xFFFFFF80  }
0x3f: {  	[tilespmem:s17], [sflag:$0x3] =	stream.linear.gather @!p1 [hbm4b:s16+s18], $0x80, $0x38;
	[tilespmem:$0x17A00] =	vst v63  }
0x40: {  	_ =	swait.ge @!p1 [sflag:s20], $0x80  }
0x41: {  	[sflag:s20] =	ssyncset.done @!p1 $0x0  }
0x42: {  	s19 =	simm.s32 @!p1 $0x1;
	s16 =	simm.s32 @!p1 $0x100;
	[sflag:s20] =	ssyncadd.s32 @!p1 $0xFFFFFF80  }
0x43: {  	[tilespmem:s16], [sflag:$0x1] =	stream.indirect.gather @!p1 [hbm4b:s4+s17], $0x80, s18, s17, $0xb8;
	[tilespmem:$0x17A00] =	vst v63  }
0x44: {  	_ =	swait.ge @!p1 [sflag:s19], $0x4000  }
0x45: {  	[sflag:s19] =	ssyncset.done @!p1 $0x0  }
0x46: {  	s18 =	simm.s32 @!p1 $0x2;
	[sflag:s19] =	ssyncadd.s32 @!p1 $0xFFFFC000  }
0x47: {  	[spmem:s1] =	stream.indirect.scatter.add.f32 @!p1 [tilespmem:s16], [sflag:$0x2], $0x80, s17, s17, $0xb8;
	[tilespmem:$0x17A00] =	vst v63  }
0x48: {  	_ =	swait.ge @!p1 [sflag:s18], $0x4000  }
0x49: {  	[sflag:s18] =	ssyncset.done @!p1 $0x0  }
0x4a: {  	[sflag:s18] =	ssyncadd.s32 @!p1 $0xFFFFC000  }
0x4b: {  	[bflag:$0x0] =	sbarrier.arrive $0xFFFF  }
0x4c: {  	[hbm:s8], [sflag:s7] =	dma.local [spmem:s13], $0x2700  }
0x4d: {  	s3 =	sadd.s32 $0x1, s3;
	_ =	swait.ge [sflag:s14], $0x2700  }
0x4e: {  	p1 =	sne.s32 s3, s10;
	[sflag:s14] =	ssyncset.done $0x0  }
.Ltmp1:
0x4f: {  	s16 =	simm.s32 @!p0 $0x2;
	[sflag:s14] =	ssyncadd.s32 $0xFFFFD900;
	(pc) =	sbr.rel @p1 .LBB2_1-.Ltmp1, $4  }
0x50: {  	[hbm:s9], [sflag:s7] =	dma.local @!p0 [spmem:s15], $0x100  }
0x51: {  	_ =	swait.ge @!p0 [sflag:s16], $0x100  }
0x52: {  	[sflag:s16] =	ssyncset.done @!p0 $0x0  }
0x53: {  	[sflag:s16] =	ssyncadd.s32 @!p0 $0xFFFFFF00  }
0x54: {  	_ =	sfence.sel $0x180000  }
0x55: {  	[bflag:$0x0] =	sbarrier.arrive $0xFFFF  }
0x56: {  	p0 =	sne.s32 s2, $0x0;
	_ =	strace $0x9000004D  }
0x57: {  	s0 =	sadd.s32 @!p0 $0x100000, s0;
	[bflag:$0x2] =	sbarrier.arrive $0xFFFF  }
0x58: {  	[sflag:s0] =	ssyncadd.tile.s32 @!p0 $0x1;
	_ =	shalt  }
.Lfunc_end2:
_tile_overlayer_lowered:
.L_overlay_start_2:
0x59: {  	(tag) =	ssettag $0x2  }
0x5a: {  	s0 =	rddreg [dreg:$0x0];
	s2 =	stileid.u32  }
0x5b: {  	s1 =	rddreg [dreg:$0x1];
	p0 =	sne.s32 s2, $0x0  }
0x5c: {  	s3 =	rddreg [dreg:$0x2];
	[bflag:$0x3] =	sbarrier.arrive $0xFFFF;
	s2 =	simm.s32 @!p0 $0x1C02  }
0x5d: {  	[timem:s3], [sflag:s2] =	dma.local @!p0 [hbm:s0], s1  }
0x5e: {  	s0 =	simm.s32 @!p0 $0x2  }
0x5f: {  	_ =	swait.ge @!p0 [sflag:s0], s1  }
0x60: {  	s1 =	ssub.s32 @!p0 $0x0, s1;
	[sflag:s0] =	ssyncset.done @!p0 $0x0  }
0x61: {  	[sflag:s0] =	ssyncadd.s32 @!p0 s1  }
0x62: {  	[bflag:$0x3] =	sbarrier.arrive $0xFFFF  }
0x63: {  	_ =	shalt  }

// kernel: kernel.25.cloned.1.call-start
scs
__scs_entry_jumppad:
0x0: {  	(pc) =	sbr.rel $0x88, $3  }
0x1: {  	(tag) =	ssettag $0x0;
	lr =	simm.s32 $0x1  }
0x2: {  	[smem:$0x3F87] =	sst lr;
	_ =	strace $0xD0000000  }
0x3: {  	_ = 	snop  }
0x4: {  	_ = 	snop  }
0x5: {  	_ = 	snop  }
0x6: {  	_ = 	snop  }
0x7: {  	_ = 	snop  }
__scs_overlays_trampoline_lowered:
0x8: {  	[smem:$0x3F96] =	sst s0  }
0x9: {  	[smem:$0x3F97] =	sst s1  }
0xa: {  	[smem:$0x3F98] =	sst s2  }
0xb: {  	[smem:$0x3F99] =	sst s3  }
0xc: {  	[smem:$0x3F9A] =	sst s4  }
0xd: {  	[smem:$0x3F9B] =	sst s5  }
0xe: {  	[smem:$0x3F9C] =	sst s6  }
0xf: {  	[smem:$0x3F9D] =	sst s7  }
0x10: {  	[smem:$0x3F9E] =	sst s8  }
0x11: {  	[smem:$0x3F9F] =	sst s9;
	s0 =	simm.s32 @!p0 $0x0  }
0x12: {  	s1 =	sld [smem:$0x3F85];
	s0 =	simm.s32 @p0 $0x1  }
0x13: {  	[smem:$0x3FA0] =	sst s0;
	s0 =	simm.s32 @!p1 $0x0  }
0x14: {  	s2 =	sld [smem:$0x3F84];
	s0 =	simm.s32 @p1 $0x1  }
0x15: {  	[smem:$0x3FA1] =	sst s0;
	s0 =	simm.s32 @!p2 $0x0  }
0x16: {  	s3 =	sld [smem:$0x3FDB];
	s0 =	simm.s32 @p2 $0x1  }
0x17: {  	s4 =	simm.s32 $0x1BF5;
	[smem:$0x3FA3] =	sst s0  }
0x18: {  	s0 =	sld [smem:$0x3F86];
	_ =	swait.ge [sflag:s4], $0x0  }
0x19: {  	s7 =	sld [smem:$0x3F87]  }
0x1a: {  	s8 =	sadd.s32 $0xFFFFE003, lr  }
0x1b: {  	s9 =	sadd.s32 $0xFFFFFEF7, lr;
	s5 =	simm.s32 $0xFFFFFFFF;
	p2 =	slt.u32 s8, $0xFFFFF086  }
0x1c: {  	p1 =	slt.u32 s9, $0xF7A;
	s5 =	simm.s32 @!p2 $0x0  }
0x1d: {  	s5 =	simm.s32 @p1 $0x1;
	p0 =	seq.s32 s7, s2  }
0x1e: {  	s7 =	smul.u32 @!p0 $0xF7A, s2;
	p2 =	seq.s32 @!p0 s5, $0x0  }
0x1f: {  	s9 =	smul.u32 $0xF7A, s1;
	s8 =	simm.s32 @!p0 $0x1BF5;
	p2 =	por !p2, p0  }
0x20: {  	[sflag:s8] =	ssyncset.s32 @!p0 $0xFFFFF086;
	s6 =	sadd.s32 @!p0 s3, s7;
	s7 =	simm.s32 @!p0 $0x108  }
0x21: {  	s3 =	sadd.s32 s3, s9;
	s6 =	sadd.s32 @!p0 $0x88, s6;
	s7 =	simm.s32 @p2 $0x1082  }
0x22: {  	[simem:s7], [sflag:s8] =	dma.local @!p0 [hbm:s6], $0xF7A  }
0x23: {  	s9 =	sor.u32 $0xD0000000, s2;
	s6 =	simm.s32 $0x108;
	_ =	swait.ge @!p0 [sflag:s8], $0x0  }
0x24: {  	s3 =	sadd.s32 $0x88, s3;
	s6 =	simm.s32 @!p1 $0x1082;
	[sflag:s4] =	ssyncset.s32 $0xFFFFF086  }
0x25: {  	[simem:s6], [sflag:s4] =	dma.local [hbm:s3], $0xF7A  }
0x26: {  	[smem:$0x3F87] =	sst s1;
	(tag) =	ssettag s2;
	_ =	strace s9  }
0x27: {  	s1 =	sld [smem:$0x3F97]  }
0x28: {  	s2 =	sld [smem:$0x3F98]  }
0x29: {  	s4 =	sld [smem:$0x3F9A]  }
0x2a: {  	p0 =	seq.s32 s5, $0x0;
	s5 =	sld [smem:$0x3F9B]  }
0x2b: {  	s6 =	sld [smem:$0x3F9C]  }
0x2c: {  	s7 =	sld [smem:$0x3F9D]  }
0x2d: {  	s3 =	simm.s32 $0x108;
	s8 =	sld [smem:$0x3F9E]  }
0x2e: {  	s3 =	simm.s32 @!p0 $0x1082;
	s9 =	sld [smem:$0x3F9F]  }
0x2f: {  	lr =	sadd.s32 s0, s3;
	s0 =	sld [smem:$0x3F96]  }
0x30: {  	s3 =	sld [smem:$0x3F99]  }
0x31: {  	[smem:$0x3FA2] =	sst s10  }
0x32: {  	s10 =	sld [smem:$0x3FA0];
	_ =	sdelay $0x3  }
0x33: {  	p0 =	seq.s32 s10, $0x1;
	s10 =	sld [smem:$0x3FA2];
	_ =	sdelay $0x3  }
0x34: {  	[smem:$0x3FA2] =	sst s10  }
0x35: {  	s10 =	sld [smem:$0x3FA1];
	_ =	sdelay $0x3  }
0x36: {  	p1 =	seq.s32 s10, $0x1;
	s10 =	sld [smem:$0x3FA2];
	_ =	sdelay $0x3  }
0x37: {  	[smem:$0x3FA2] =	sst s10  }
0x38: {  	s10 =	sld [smem:$0x3FA3]  }
0x39: {  	_ = 	snop;
	(pc) =	sbr.ind lr, $3  }
0x3a: {  	_ = 	snop  }
0x3b: {  	_ = 	snop  }
0x3c: {  	p2 =	seq.s32 s10, $0x1;
	s10 =	sld [smem:$0x3FA2]  }
0x3d: {  	_ =	shalt  }
0x3e: {  	_ =	shalt  }
0x3f: {  	_ =	shalt  }
0x40: {  	_ =	shalt  }
0x41: {  	_ =	shalt  }
0x42: {  	_ =	shalt  }
0x43: {  	_ =	shalt  }
0x44: {  	_ =	shalt  }
0x45: {  	_ =	shalt  }
0x46: {  	_ =	shalt  }
0x47: {  	_ =	shalt  }
0x48: {  	_ =	shalt  }
0x49: {  	_ =	shalt  }
0x4a: {  	_ =	shalt  }
0x4b: {  	_ =	shalt  }
0x4c: {  	_ =	shalt  }
0x4d: {  	_ =	shalt  }
0x4e: {  	_ =	shalt  }
0x4f: {  	_ =	shalt  }
0x50: {  	_ =	shalt  }
0x51: {  	_ =	shalt  }
0x52: {  	_ =	shalt  }
0x53: {  	_ =	shalt  }
0x54: {  	_ =	shalt  }
0x55: {  	_ =	shalt  }
0x56: {  	_ =	shalt  }
0x57: {  	_ =	shalt  }
0x58: {  	_ =	shalt  }
0x59: {  	_ =	shalt  }
0x5a: {  	_ =	shalt  }
0x5b: {  	_ =	shalt  }
0x5c: {  	_ =	shalt  }
0x5d: {  	_ =	shalt  }
0x5e: {  	_ =	shalt  }
0x5f: {  	_ =	shalt  }
0x60: {  	_ =	shalt  }
0x61: {  	_ =	shalt  }
0x62: {  	_ =	shalt  }
0x63: {  	_ =	shalt  }
0x64: {  	_ =	shalt  }
0x65: {  	_ =	shalt  }
0x66: {  	_ =	shalt  }
0x67: {  	_ =	shalt  }
0x68: {  	_ =	shalt  }
0x69: {  	_ =	shalt  }
0x6a: {  	_ =	shalt  }
0x6b: {  	_ =	shalt  }
0x6c: {  	_ =	shalt  }
0x6d: {  	_ =	shalt  }
0x6e: {  	_ =	shalt  }
0x6f: {  	_ =	shalt  }
0x70: {  	_ =	shalt  }
0x71: {  	_ =	shalt  }
0x72: {  	_ =	shalt  }
0x73: {  	_ =	shalt  }
0x74: {  	_ =	shalt  }
0x75: {  	_ =	shalt  }
0x76: {  	_ =	shalt  }
0x77: {  	_ =	shalt  }
0x78: {  	_ =	shalt  }
0x79: {  	_ =	shalt  }
0x7a: {  	_ =	shalt  }
0x7b: {  	_ =	shalt  }
0x7c: {  	_ =	shalt  }
0x7d: {  	_ =	shalt  }
0x7e: {  	_ =	shalt  }
0x7f: {  	_ =	shalt  }
0x80: {  	_ =	shalt  }
0x81: {  	_ =	shalt  }
0x82: {  	_ =	shalt  }
0x83: {  	_ =	shalt  }
0x84: {  	_ =	shalt  }
0x85: {  	_ =	shalt  }
0x86: {  	_ =	shalt  }
0x87: {  	_ =	shalt  }
.Lfunc_end0:
.L_simem_size_0:
called_computation.3_lowered:
.L_overlay_start_0:
0x88: {  	s2 =	sld [smem:$0x3FD9]  }
0x89: {  	s3 =	sld [smem:$0x3FFE];
	_ =	sdelay $0x1  }
0x8a: {  	s1 =	srdreg.scid  }
0x8b: {  	s0 =	sand.u32 $0x1, s1  }
0x8c: {  	s16 =	sshll.u32 s0, $0xA;
	s2 =	sadd.s32 s3, s2  }
0x8d: {  	s2 =	sadd.s32 s2, s16  }
0x8e: {  	[smem:$0x3FAE] =	sst s2  }
0x8f: {  	_ = 	snop  }
0x90: {  	(tm) =	ssettm $0x1  }
0x91: {  	s17 =	sld [smem:$0x3FFB];
	_ =	sdelay $0x3  }
0x92: {  	_ =	strace s17  }
0x93: {  	s2 =	sld [smem:$0x3FFC];
	_ =	sdelay $0x3  }
0x94: {  	_ =	strace s2  }
0x95: {  	s2 =	sld [smem:$0x3FFD];
	_ =	sdelay $0x3  }
0x96: {  	_ =	strace s2  }
0x97: {  	_ =	strace $0x8FFFFFFF  }
0x98: {  	s18 =	sld [smem:$0x3FDB];
	_ =	sdelay $0x1  }
0x99: {  	s19 =	simm.s32 $_scs_section_size  }
0x9a: {  	s4 =	simm.s32 $_size__tile_overlayer_lowered;
	s5 =	simm.s32 $_tile_overlayer_lowered  }
0x9b: {  	s22 =	simm.s32 $0x1BFF;
	s21 =	sshll.u32 s5, $0x1;
	s2 =	sadd.s32 s19, s18  }
0x9c: {  	s6 =	simm.s32 $0x0;
	s20 =	sshll.u32 s4, $0x1;
	s4 =	sadd.s32 s21, s2  }
0x9d: {  	[timem:s6], [sflag:s22] =	dma.local [hbm:s4], s20  }
0x9e: {  	_ =	swait.ge [sflag:s22], s20  }
0x9f: {  	s3 =	ssub.s32 $0x0, s20;
	[sflag:s22] =	ssyncset.done $0x0  }
0xa0: {  	[sflag:s22] =	ssyncadd.s32 s3;
	_ =	sdelay $0x1  }
0xa1: {  	s23 =	simm.s32 $0x1B8B  }
0xa2: {  	_ =	swait.ge [sflag:s23], $0x1  }
0xa3: {  	[sflag:s23] =	ssyncset.done $0x0  }
0xa4: {  	s25 =	simm.s32 $0x1B8E;
	s24 =	sld [smem:$0x3FFE];
	[sflag:s23] =	ssyncadd.s32 $0xFFFFFFFF  }
0xa5: {  	s26 =	simm.s32 $execute0_lowered;
	[smem:$0x3FD2] =	sst s25  }
0xa6: {  	s4 =	sshll.u32 s26, $0x1;
	_ =	strace $0x8000004F;
	[dreg:$0x1] =	wrdreg $0xFFFFFFFF  }
0xa7: {  	s28 =	simm.s32 $_size_execute0_lowered;
	s2 =	sadd.s32 s2, s4;
	[dreg:$0x0] =	wrdreg $0x0  }
0xa8: {  	s4 =	sshll.u32 s28, $0x1;
	[dreg:$0x2] =	wrdreg s2  }
0xa9: {  	[dreg:$0x3] =	wrdreg s4  }
0xaa: {  	[dreg:$0x4] =	wrdreg $0xC0  }
0xab: {  	_ =	task [dreg:s6], $0x5FFFF  }
0xac: {  	[dreg:$0x1] =	wrdreg $0xFFFFFFFF  }
0xad: {  	[dreg:$0x0] =	wrdreg $0x60  }
0xae: {  	[dreg:$0x2] =	wrdreg s24  }
0xaf: {  	[dreg:$0x3] =	wrdreg $0x41000  }
0xb0: {  	[dreg:$0x4] =	wrdreg $0x9  }
0xb1: {  	_ =	task.clear_ibuf [dreg:s6], $0x5FFFF;
	_ =	strace $0x9000004F  }
0xb2: {  	s29 =	simm.s32 $0x9;
	_ =	strace $0x80000051  }
0xb3: {  	_ =	swait.ge [sflag:s29], $0x1  }
0xb4: {  	[sflag:s29] =	ssyncadd.s32 $0xFFFFFFFF  }
0xb5: {  	_ =	strace $0x90000051  }
0xb6: {  	_ =	sfence  }
0xb7: {  	s30 =	sld [smem:$0x0];
	_ =	sdelay $0x2  }
0xb8: {  	s31 =	sshll.u32 s1, $0xD;
	s1 =	sshrl.u32 s1, $0x2  }
0xb9: {  	s3 =	sand.u32 $0x4000, s31;
	s1 =	sadd.s32 s1, s30  }
0xba: {  	s0 =	sor.u32 s3, s0;
	s1 =	sshll.u32 s1, $0x11  }
0xbb: {  	s0 =	sor.u32 s1, s0  }
0xbc: {  	s0 =	sadd.s32 $0x8F2B, s0  }
0xbd: {  	[sflag:s0] =	ssyncadd.remote.s32 $0x1  }
0xbe: {  	_ =	sfence.sel $0xFFFF  }
0xbf: {  	[dreg:$0x0] =	wrdreg $0xFFFFFFFF;
	(pc) =	sbr.abs _section_cstart, $3  }
0xc0: {  	[dreg:$0x1] =	wrdreg $0xFFFFFFFF  }
0xc1: {  	_ =	task.clear_ibuf [dreg:s6], $0x2FFFF;
	_ =	strace $0x9FFFFFFF  }
0xc2: {  	(tm) =	ssettm $0x7FFFFFFF  }
0xc3: {  	_ =	shalt  }
tec
execute0_lowered:
.L_overlay_start_1:
0x0: {  	(tag) =	ssettag $0x1  }
0x1: {  	s6 =	rddreg [dreg:$0x0]  }
0x2: {  	s1 =	rddreg [dreg:$0x1]  }
0x3: {  	s0 =	rddreg [dreg:$0x2];
	s3 =	simm.s32 $0x0;
	s2 =	stileid.u32  }
0x4: {  	s5 =	srdreg.scid;
	[smem:$0x7FF] =	sst s3;
	s4 =	sadd.s32 $0x69000, s6  }
0x5: {  	s7 =	sshll.u32 s2, $0x5;
	s9 =	sand.u32 $0x1, s5;
	s8 =	smul.u32 $0x4E000, s2  }
0x6: {  	s5 =	sadd.s32 $0x66800, s6;
	s13 =	sadd.s32 $0x17600, s6;
	s14 =	smul.u32 $0x13800, s2  }
0x7: {  	s28 =	sshll.u32 s2, $0x6;
	s16 =	sadd.s32 $0x138000, s1;
	p0 =	sne.s32 s2, $0xF  }
0x8: {  	_ =	strace $0x80000050;
	s11 =	sadd.s32 s7, s6;
	s25 =	ssub.s32 $0x2, s9  }
0x9: {  	s12 =	smul.u32 $0x138800, s9;
	s6 =	sshll.u32 s2, $0x1;
	s7 =	sor.u32 $0x1C02, s28  }
0xa: {  	s30 =	sshll.u32 s9, $0x4;
	s10 =	sshrl.u32 s25, $0x1;
	s26 =	sshrl.u32 s8, $0x2  }
0xb: {  	s31 =	sadd.s32 s30, s11;
	s10 =	ssub.s32 s25, s10;
	s15 =	sadd.s32 s26, s1  }
0xc: {  	s29 =	sadd.s32 s14, s12;
	s12 =	sshrl.u32 s12, $0x3;
	s11 =	sadd.s32 $0xD600, s31  }
0xd: {  	s14 =	simm.s32 $0x2;
	s8 =	sshrl.u32 s29, $0x3;
	s12 =	sadd.s32 s13, s12  }
0xe: {  	s10 =	smax.u32 s10, $0x1;
	s8 =	sadd.s32 s13, s8;
	s9 =	sadd.s32 $0x27000, s12  }
0xf: {  	s12 =	sadd.s32 $0x12600, s31;
	s13 =	sshrl.u32 s15, $0x3;
	s15 =	sshrl.u32 @!p0 s16, $0x3  }
.LBB2_1:
0x10: {  	[spmem:s13], [sflag:s7] =	dma.local [hbm:s5], $0x2700  }
0x11: {  	_ =	swait.ge [sflag:s14], $0x2700  }
0x12: {  	[sflag:s14] =	ssyncset.done $0x0  }
0x13: {  	s16 =	simm.s32 @!p0 $0x2;
	[sflag:s14] =	ssyncadd.s32 $0xFFFFD900  }
0x14: {  	[spmem:s15], [sflag:s7] =	dma.local @!p0 [hbm:s5], $0x100  }
0x15: {  	_ =	swait.ge @!p0 [sflag:s16], $0x100  }
0x16: {  	p1 =	sgt.u32 s6, $0x4E1;
	[sflag:s16] =	ssyncset.done @!p0 $0x0  }
0x17: {  	s17 =	simm.s32 @!p1 $0x0;
	[sflag:s16] =	ssyncadd.s32 @!p0 $0xFFFFFF00  }
0x18: {  	s18 =	simm.s32 @!p1 $0x3;
	s16 =	sadd.s32 @!p1 $0x0, s12;
	[bflag:$0x0] =	sbarrier.arrive $0xFFFF  }
0x19: {  	[tilespmem:s17], [sflag:$0x3] =	stream.linear.gather @!p1 [hbm4b:s16+s17], $0x80, $0x38;
	[tilespmem:$0x17A00] =	vst v63  }
0x1a: {  	_ =	swait.ge @!p1 [sflag:s18], $0x80;
	p1 =	por p1, p1  }
0x1b: {  	[sflag:s18] =	ssyncset.done @!p1 $0x0  }
0x1c: {  	s16 =	sadd.s32 @!p1 $0x0, s11;
	s19 =	simm.s32 @!p1 $0x80;
	[sflag:s18] =	ssyncadd.s32 @!p1 $0xFFFFFF80  }
0x1d: {  	[tilespmem:s19], [sflag:$0x3] =	stream.linear.gather @!p1 [hbm4b:s16+s17], $0x80, $0x38;
	[tilespmem:$0x17A00] =	vst v63  }
0x1e: {  	_ =	swait.ge @!p1 [sflag:s18], $0x80  }
0x1f: {  	[sflag:s18] =	ssyncset.done @!p1 $0x0  }
0x20: {  	s16 =	simm.s32 @!p1 $0x100;
	[sflag:s18] =	ssyncadd.s32 @!p1 $0xFFFFFF80;
	s18 =	simm.s32 @!p1 $0x1  }
0x21: {  	[tilespmem:s16], [sflag:$0x1] =	stream.indirect.gather @!p1 [hbm4b:s4+s19], $0x80, s17, s19, $0xb8;
	[tilespmem:$0x17A00] =	vst v63  }
0x22: {  	_ =	swait.ge @!p1 [sflag:s18], $0x4000  }
0x23: {  	[sflag:s18] =	ssyncset.done @!p1 $0x0  }
0x24: {  	s17 =	sadd.s32 $0x20, s6;
	[sflag:s18] =	ssyncadd.s32 @!p1 $0xFFFFC000  }
0x25: {  	[spmem:s1] =	stream.indirect.scatter.add.f32 @!p1 [tilespmem:s16], [sflag:$0x2], $0x80, s19, s19, $0xb8;
	[tilespmem:$0x17A00] =	vst v63  }
0x26: {  	p3 =	sgt.u32 s17, $0x4E1;
	s19 =	simm.s32 @!p1 $0x2  }
0x27: {  	s18 =	simm.s32 $0x400;
	s16 =	simm.s32 $0x200;
	_ =	swait.ge @!p1 [sflag:s19], $0x4000  }
.LBB2_2:
0x28: {  	s20 =	sadd.s32 @!p3 s16, s12  }
0x29: {  	s21 =	simm.s32 @!p3 $0x0;
	[sflag:s19] =	ssyncset.done @!p1 $0x0;
	s22 =	smov.u32 s18  }
0x2a: {  	s18 =	sadd.s32 $0x200, s18;
	s23 =	simm.s32 @!p3 $0x3;
	[sflag:s19] =	ssyncadd.s32 @!p1 $0xFFFFC000  }
0x2b: {  	[tilespmem:s21], [sflag:$0x3] =	stream.linear.gather @!p3 [hbm4b:s20+s21], $0x80, $0x38;
	[tilespmem:$0x17A00] =	vst v63  }
0x2c: {  	p2 =	sne.s32 s18, $0x5000;
	p1 =	por p3, p3;
	_ =	swait.ge @!p3 [sflag:s23], $0x80  }
0x2d: {  	[sflag:s23] =	ssyncset.done @!p1 $0x0  }
0x2e: {  	s16 =	sadd.s32 @!p1 s16, s11;
	s20 =	simm.s32 @!p1 $0x80;
	[sflag:s23] =	ssyncadd.s32 @!p1 $0xFFFFFF80  }
0x2f: {  	[tilespmem:s20], [sflag:$0x3] =	stream.linear.gather @!p1 [hbm4b:s16+s21], $0x80, $0x38;
	[tilespmem:$0x17A00] =	vst v63  }
0x30: {  	s16 =	smov.u32 s22;
	_ =	swait.ge @!p1 [sflag:s23], $0x80  }
0x31: {  	[sflag:s23] =	ssyncset.done @!p1 $0x0  }
0x32: {  	s19 =	simm.s32 @!p1 $0x1;
	s22 =	simm.s32 @!p1 $0x100;
	[sflag:s23] =	ssyncadd.s32 @!p1 $0xFFFFFF80  }
0x33: {  	[tilespmem:s22], [sflag:$0x1] =	stream.indirect.gather @!p1 [hbm4b:s4+s20], $0x80, s21, s20, $0xb8;
	[tilespmem:$0x17A00] =	vst v63  }
.Ltmp0:
0x34: {  	_ =	swait.ge @!p1 [sflag:s19], $0x4000;
	(pc) =	sbr.rel @p2 .LBB2_2-.Ltmp0, $4  }
0x35: {  	[sflag:s19] =	ssyncset.done @!p1 $0x0  }
0x36: {  	s17 =	sadd.s32 $0x20, s17;
	[sflag:s19] =	ssyncadd.s32 @!p1 $0xFFFFC000;
	s19 =	simm.s32 @!p1 $0x2  }
0x37: {  	[spmem:s1] =	stream.indirect.scatter.add.f32 @!p1 [tilespmem:s22], [sflag:$0x2], $0x80, s20, s20, $0xb8;
	[tilespmem:$0x17A00] =	vst v63  }
0x38: {  	p3 =	sgt.u32 s17, $0x4E1;
	_ =	swait.ge @!p1 [sflag:s19], $0x4000  }
0x39: {  	s17 =	sadd.s32 @!p3 s16, s12;
	[sflag:s19] =	ssyncset.done @!p1 $0x0  }
0x3a: {  	s18 =	simm.s32 @!p3 $0x0;
	s20 =	simm.s32 @!p3 $0x3;
	[sflag:s19] =	ssyncadd.s32 @!p1 $0xFFFFC000  }
0x3b: {  	[tilespmem:s18], [sflag:$0x3] =	stream.linear.gather @!p3 [hbm4b:s17+s18], $0x80, $0x38;
	[tilespmem:$0x17A00] =	vst v63  }
0x3c: {  	p1 =	por p3, p3;
	_ =	swait.ge @!p3 [sflag:s20], $0x80  }
0x3d: {  	[sflag:s20] =	ssyncset.done @!p1 $0x0  }
0x3e: {  	s16 =	sadd.s32 @!p1 s16, s11;
	s17 =	simm.s32 @!p1 $0x80;
	[sflag:s20] =	ssyncadd.s32 @!p1 $0xFFFFFF80  }
0x3f: {  	[tilespmem:s17], [sflag:$0x3] =	stream.linear.gather @!p1 [hbm4b:s16+s18], $0x80, $0x38;
	[tilespmem:$0x17A00] =	vst v63  }
0x40: {  	_ =	swait.ge @!p1 [sflag:s20], $0x80  }
0x41: {  	[sflag:s20] =	ssyncset.done @!p1 $0x0  }
0x42: {  	s19 =	simm.s32 @!p1 $0x1;
	s16 =	simm.s32 @!p1 $0x100;
	[sflag:s20] =	ssyncadd.s32 @!p1 $0xFFFFFF80  }
0x43: {  	[tilespmem:s16], [sflag:$0x1] =	stream.indirect.gather @!p1 [hbm4b:s4+s17], $0x80, s18, s17, $0xb8;
	[tilespmem:$0x17A00] =	vst v63  }
0x44: {  	_ =	swait.ge @!p1 [sflag:s19], $0x4000  }
0x45: {  	[sflag:s19] =	ssyncset.done @!p1 $0x0  }
0x46: {  	s18 =	simm.s32 @!p1 $0x2;
	[sflag:s19] =	ssyncadd.s32 @!p1 $0xFFFFC000  }
0x47: {  	[spmem:s1] =	stream.indirect.scatter.add.f32 @!p1 [tilespmem:s16], [sflag:$0x2], $0x80, s17, s17, $0xb8;
	[tilespmem:$0x17A00] =	vst v63  }
0x48: {  	_ =	swait.ge @!p1 [sflag:s18], $0x4000  }
0x49: {  	[sflag:s18] =	ssyncset.done @!p1 $0x0  }
0x4a: {  	[sflag:s18] =	ssyncadd.s32 @!p1 $0xFFFFC000  }
0x4b: {  	[bflag:$0x0] =	sbarrier.arrive $0xFFFF  }
0x4c: {  	[hbm:s8], [sflag:s7] =	dma.local [spmem:s13], $0x2700  }
0x4d: {  	s3 =	sadd.s32 $0x1, s3;
	_ =	swait.ge [sflag:s14], $0x2700  }
0x4e: {  	p1 =	sne.s32 s3, s10;
	[sflag:s14] =	ssyncset.done $0x0  }
.Ltmp1:
0x4f: {  	s16 =	simm.s32 @!p0 $0x2;
	[sflag:s14] =	ssyncadd.s32 $0xFFFFD900;
	(pc) =	sbr.rel @p1 .LBB2_1-.Ltmp1, $4  }
0x50: {  	[hbm:s9], [sflag:s7] =	dma.local @!p0 [spmem:s15], $0x100  }
0x51: {  	_ =	swait.ge @!p0 [sflag:s16], $0x100  }
0x52: {  	[sflag:s16] =	ssyncset.done @!p0 $0x0  }
0x53: {  	[sflag:s16] =	ssyncadd.s32 @!p0 $0xFFFFFF00  }
0x54: {  	_ =	sfence.sel $0x180000  }
0x55: {  	[bflag:$0x0] =	sbarrier.arrive $0xFFFF  }
0x56: {  	p0 =	sne.s32 s2, $0x0;
	_ =	strace $0x90000050  }
0x57: {  	s0 =	sadd.s32 @!p0 $0x100000, s0;
	[bflag:$0x2] =	sbarrier.arrive $0xFFFF  }
0x58: {  	[sflag:s0] =	ssyncadd.tile.s32 @!p0 $0x1;
	_ =	shalt  }
.Lfunc_end2:
_tile_overlayer_lowered:
.L_overlay_start_2:
0x59: {  	(tag) =	ssettag $0x2  }
0x5a: {  	s0 =	rddreg [dreg:$0x0];
	s2 =	stileid.u32  }
0x5b: {  	s1 =	rddreg [dreg:$0x1];
	p0 =	sne.s32 s2, $0x0  }
0x5c: {  	s3 =	rddreg [dreg:$0x2];
	[bflag:$0x3] =	sbarrier.arrive $0xFFFF;
	s2 =	simm.s32 @!p0 $0x1C02  }
0x5d: {  	[timem:s3], [sflag:s2] =	dma.local @!p0 [hbm:s0], s1  }
0x5e: {  	s0 =	simm.s32 @!p0 $0x2  }
0x5f: {  	_ =	swait.ge @!p0 [sflag:s0], s1  }
0x60: {  	s1 =	ssub.s32 @!p0 $0x0, s1;
	[sflag:s0] =	ssyncset.done @!p0 $0x0  }
0x61: {  	[sflag:s0] =	ssyncadd.s32 @!p0 s1  }
0x62: {  	[bflag:$0x3] =	sbarrier.arrive $0xFFFF  }
0x63: {  	_ =	shalt  }

// kernel: kernel.28.cloned.1.call-start
scs
__scs_entry_jumppad:
0x0: {  	(pc) =	sbr.rel $0x88, $3  }
0x1: {  	(tag) =	ssettag $0x0;
	lr =	simm.s32 $0x1  }
0x2: {  	[smem:$0x3F87] =	sst lr;
	_ =	strace $0xD0000000  }
0x3: {  	_ = 	snop  }
0x4: {  	_ = 	snop  }
0x5: {  	_ = 	snop  }
0x6: {  	_ = 	snop  }
0x7: {  	_ = 	snop  }
__scs_overlays_trampoline_lowered:
0x8: {  	[smem:$0x3F96] =	sst s0  }
0x9: {  	[smem:$0x3F97] =	sst s1  }
0xa: {  	[smem:$0x3F98] =	sst s2  }
0xb: {  	[smem:$0x3F99] =	sst s3  }
0xc: {  	[smem:$0x3F9A] =	sst s4  }
0xd: {  	[smem:$0x3F9B] =	sst s5  }
0xe: {  	[smem:$0x3F9C] =	sst s6  }
0xf: {  	[smem:$0x3F9D] =	sst s7  }
0x10: {  	[smem:$0x3F9E] =	sst s8  }
0x11: {  	[smem:$0x3F9F] =	sst s9;
	s0 =	simm.s32 @!p0 $0x0  }
0x12: {  	s1 =	sld [smem:$0x3F85];
	s0 =	simm.s32 @p0 $0x1  }
0x13: {  	[smem:$0x3FA0] =	sst s0;
	s0 =	simm.s32 @!p1 $0x0  }
0x14: {  	s2 =	sld [smem:$0x3F84];
	s0 =	simm.s32 @p1 $0x1  }
0x15: {  	[smem:$0x3FA1] =	sst s0;
	s0 =	simm.s32 @!p2 $0x0  }
0x16: {  	s3 =	sld [smem:$0x3FDB];
	s0 =	simm.s32 @p2 $0x1  }
0x17: {  	s4 =	simm.s32 $0x1BF5;
	[smem:$0x3FA3] =	sst s0  }
0x18: {  	s0 =	sld [smem:$0x3F86];
	_ =	swait.ge [sflag:s4], $0x0  }
0x19: {  	s7 =	sld [smem:$0x3F87]  }
0x1a: {  	s8 =	sadd.s32 $0xFFFFE003, lr  }
0x1b: {  	s9 =	sadd.s32 $0xFFFFFEF7, lr;
	s5 =	simm.s32 $0xFFFFFFFF;
	p2 =	slt.u32 s8, $0xFFFFF086  }
0x1c: {  	p1 =	slt.u32 s9, $0xF7A;
	s5 =	simm.s32 @!p2 $0x0  }
0x1d: {  	s5 =	simm.s32 @p1 $0x1;
	p0 =	seq.s32 s7, s2  }
0x1e: {  	s7 =	smul.u32 @!p0 $0xF7A, s2;
	p2 =	seq.s32 @!p0 s5, $0x0  }
0x1f: {  	s9 =	smul.u32 $0xF7A, s1;
	s8 =	simm.s32 @!p0 $0x1BF5;
	p2 =	por !p2, p0  }
0x20: {  	[sflag:s8] =	ssyncset.s32 @!p0 $0xFFFFF086;
	s6 =	sadd.s32 @!p0 s3, s7;
	s7 =	simm.s32 @!p0 $0x108  }
0x21: {  	s3 =	sadd.s32 s3, s9;
	s6 =	sadd.s32 @!p0 $0x88, s6;
	s7 =	simm.s32 @p2 $0x1082  }
0x22: {  	[simem:s7], [sflag:s8] =	dma.local @!p0 [hbm:s6], $0xF7A  }
0x23: {  	s9 =	sor.u32 $0xD0000000, s2;
	s6 =	simm.s32 $0x108;
	_ =	swait.ge @!p0 [sflag:s8], $0x0  }
0x24: {  	s3 =	sadd.s32 $0x88, s3;
	s6 =	simm.s32 @!p1 $0x1082;
	[sflag:s4] =	ssyncset.s32 $0xFFFFF086  }
0x25: {  	[simem:s6], [sflag:s4] =	dma.local [hbm:s3], $0xF7A  }
0x26: {  	[smem:$0x3F87] =	sst s1;
	(tag) =	ssettag s2;
	_ =	strace s9  }
0x27: {  	s1 =	sld [smem:$0x3F97]  }
0x28: {  	s2 =	sld [smem:$0x3F98]  }
0x29: {  	s4 =	sld [smem:$0x3F9A]  }
0x2a: {  	p0 =	seq.s32 s5, $0x0;
	s5 =	sld [smem:$0x3F9B]  }
0x2b: {  	s6 =	sld [smem:$0x3F9C]  }
0x2c: {  	s7 =	sld [smem:$0x3F9D]  }
0x2d: {  	s3 =	simm.s32 $0x108;
	s8 =	sld [smem:$0x3F9E]  }
0x2e: {  	s3 =	simm.s32 @!p0 $0x1082;
	s9 =	sld [smem:$0x3F9F]  }
0x2f: {  	lr =	sadd.s32 s0, s3;
	s0 =	sld [smem:$0x3F96]  }
0x30: {  	s3 =	sld [smem:$0x3F99]  }
0x31: {  	[smem:$0x3FA2] =	sst s10  }
0x32: {  	s10 =	sld [smem:$0x3FA0];
	_ =	sdelay $0x3  }
0x33: {  	p0 =	seq.s32 s10, $0x1;
	s10 =	sld [smem:$0x3FA2];
	_ =	sdelay $0x3  }
0x34: {  	[smem:$0x3FA2] =	sst s10  }
0x35: {  	s10 =	sld [smem:$0x3FA1];
	_ =	sdelay $0x3  }
0x36: {  	p1 =	seq.s32 s10, $0x1;
	s10 =	sld [smem:$0x3FA2];
	_ =	sdelay $0x3  }
0x37: {  	[smem:$0x3FA2] =	sst s10  }
0x38: {  	s10 =	sld [smem:$0x3FA3]  }
0x39: {  	_ = 	snop;
	(pc) =	sbr.ind lr, $3  }
0x3a: {  	_ = 	snop  }
0x3b: {  	_ = 	snop  }
0x3c: {  	p2 =	seq.s32 s10, $0x1;
	s10 =	sld [smem:$0x3FA2]  }
0x3d: {  	_ =	shalt  }
0x3e: {  	_ =	shalt  }
0x3f: {  	_ =	shalt  }
0x40: {  	_ =	shalt  }
0x41: {  	_ =	shalt  }
0x42: {  	_ =	shalt  }
0x43: {  	_ =	shalt  }
0x44: {  	_ =	shalt  }
0x45: {  	_ =	shalt  }
0x46: {  	_ =	shalt  }
0x47: {  	_ =	shalt  }
0x48: {  	_ =	shalt  }
0x49: {  	_ =	shalt  }
0x4a: {  	_ =	shalt  }
0x4b: {  	_ =	shalt  }
0x4c: {  	_ =	shalt  }
0x4d: {  	_ =	shalt  }
0x4e: {  	_ =	shalt  }
0x4f: {  	_ =	shalt  }
0x50: {  	_ =	shalt  }
0x51: {  	_ =	shalt  }
0x52: {  	_ =	shalt  }
0x53: {  	_ =	shalt  }
0x54: {  	_ =	shalt  }
0x55: {  	_ =	shalt  }
0x56: {  	_ =	shalt  }
0x57: {  	_ =	shalt  }
0x58: {  	_ =	shalt  }
0x59: {  	_ =	shalt  }
0x5a: {  	_ =	shalt  }
0x5b: {  	_ =	shalt  }
0x5c: {  	_ =	shalt  }
0x5d: {  	_ =	shalt  }
0x5e: {  	_ =	shalt  }
0x5f: {  	_ =	shalt  }
0x60: {  	_ =	shalt  }
0x61: {  	_ =	shalt  }
0x62: {  	_ =	shalt  }
0x63: {  	_ =	shalt  }
0x64: {  	_ =	shalt  }
0x65: {  	_ =	shalt  }
0x66: {  	_ =	shalt  }
0x67: {  	_ =	shalt  }
0x68: {  	_ =	shalt  }
0x69: {  	_ =	shalt  }
0x6a: {  	_ =	shalt  }
0x6b: {  	_ =	shalt  }
0x6c: {  	_ =	shalt  }
0x6d: {  	_ =	shalt  }
0x6e: {  	_ =	shalt  }
0x6f: {  	_ =	shalt  }
0x70: {  	_ =	shalt  }
0x71: {  	_ =	shalt  }
0x72: {  	_ =	shalt  }
0x73: {  	_ =	shalt  }
0x74: {  	_ =	shalt  }
0x75: {  	_ =	shalt  }
0x76: {  	_ =	shalt  }
0x77: {  	_ =	shalt  }
0x78: {  	_ =	shalt  }
0x79: {  	_ =	shalt  }
0x7a: {  	_ =	shalt  }
0x7b: {  	_ =	shalt  }
0x7c: {  	_ =	shalt  }
0x7d: {  	_ =	shalt  }
0x7e: {  	_ =	shalt  }
0x7f: {  	_ =	shalt  }
0x80: {  	_ =	shalt  }
0x81: {  	_ =	shalt  }
0x82: {  	_ =	shalt  }
0x83: {  	_ =	shalt  }
0x84: {  	_ =	shalt  }
0x85: {  	_ =	shalt  }
0x86: {  	_ =	shalt  }
0x87: {  	_ =	shalt  }
.Lfunc_end0:
.L_simem_size_0:
called_computation.4_lowered:
.L_overlay_start_0:
0x88: {  	s2 =	sld [smem:$0x3FD9]  }
0x89: {  	s3 =	sld [smem:$0x3FFE];
	_ =	sdelay $0x1  }
0x8a: {  	s1 =	srdreg.scid  }
0x8b: {  	s0 =	sand.u32 $0x1, s1  }
0x8c: {  	s16 =	sshll.u32 s0, $0xA;
	s2 =	sadd.s32 s3, s2  }
0x8d: {  	s2 =	sadd.s32 s2, s16  }
0x8e: {  	[smem:$0x3FAE] =	sst s2  }
0x8f: {  	_ = 	snop  }
0x90: {  	(tm) =	ssettm $0x1  }
0x91: {  	s17 =	sld [smem:$0x3FFB];
	_ =	sdelay $0x3  }
0x92: {  	_ =	strace s17  }
0x93: {  	s2 =	sld [smem:$0x3FFC];
	_ =	sdelay $0x3  }
0x94: {  	_ =	strace s2  }
0x95: {  	s2 =	sld [smem:$0x3FFD];
	_ =	sdelay $0x3  }
0x96: {  	_ =	strace s2  }
0x97: {  	_ =	strace $0x8FFFFFFF  }
0x98: {  	s18 =	sld [smem:$0x3FDB];
	_ =	sdelay $0x1  }
0x99: {  	s19 =	simm.s32 $_scs_section_size  }
0x9a: {  	s4 =	simm.s32 $_size__tile_overlayer_lowered;
	s5 =	simm.s32 $_tile_overlayer_lowered  }
0x9b: {  	s22 =	simm.s32 $0x1BFF;
	s21 =	sshll.u32 s5, $0x1;
	s2 =	sadd.s32 s19, s18  }
0x9c: {  	s6 =	simm.s32 $0x0;
	s20 =	sshll.u32 s4, $0x1;
	s4 =	sadd.s32 s21, s2  }
0x9d: {  	[timem:s6], [sflag:s22] =	dma.local [hbm:s4], s20  }
0x9e: {  	_ =	swait.ge [sflag:s22], s20  }
0x9f: {  	s3 =	ssub.s32 $0x0, s20;
	[sflag:s22] =	ssyncset.done $0x0  }
0xa0: {  	[sflag:s22] =	ssyncadd.s32 s3;
	_ =	sdelay $0x1  }
0xa1: {  	s23 =	simm.s32 $0x1B8B  }
0xa2: {  	_ =	swait.ge [sflag:s23], $0x1  }
0xa3: {  	[sflag:s23] =	ssyncset.done $0x0  }
0xa4: {  	s25 =	simm.s32 $0x1B8E;
	s24 =	sld [smem:$0x3FFE];
	[sflag:s23] =	ssyncadd.s32 $0xFFFFFFFF  }
0xa5: {  	s26 =	simm.s32 $execute0_lowered;
	[smem:$0x3FD2] =	sst s25  }
0xa6: {  	s4 =	sshll.u32 s26, $0x1;
	_ =	strace $0x80000052;
	[dreg:$0x1] =	wrdreg $0xFFFFFFFF  }
0xa7: {  	s28 =	simm.s32 $_size_execute0_lowered;
	s2 =	sadd.s32 s2, s4;
	[dreg:$0x0] =	wrdreg $0x0  }
0xa8: {  	s4 =	sshll.u32 s28, $0x1;
	[dreg:$0x2] =	wrdreg s2  }
0xa9: {  	[dreg:$0x3] =	wrdreg s4  }
0xaa: {  	[dreg:$0x4] =	wrdreg $0xC0  }
0xab: {  	_ =	task [dreg:s6], $0x5FFFF  }
0xac: {  	[dreg:$0x1] =	wrdreg $0xFFFFFFFF  }
0xad: {  	[dreg:$0x0] =	wrdreg $0x60  }
0xae: {  	[dreg:$0x2] =	wrdreg s24  }
0xaf: {  	[dreg:$0x3] =	wrdreg $0x9  }
0xb0: {  	_ =	task.clear_ibuf [dreg:s6], $0x4FFFF;
	_ =	strace $0x90000052  }
0xb1: {  	s29 =	simm.s32 $0x9;
	_ =	strace $0x80000054  }
0xb2: {  	_ =	swait.ge [sflag:s29], $0x1  }
0xb3: {  	[sflag:s29] =	ssyncadd.s32 $0xFFFFFFFF  }
0xb4: {  	_ =	strace $0x90000054  }
0xb5: {  	_ =	sfence  }
0xb6: {  	s30 =	sld [smem:$0x0];
	_ =	sdelay $0x2  }
0xb7: {  	s31 =	sshll.u32 s1, $0xD;
	s1 =	sshrl.u32 s1, $0x2  }
0xb8: {  	s3 =	sand.u32 $0x4000, s31;
	s1 =	sadd.s32 s1, s30  }
0xb9: {  	s0 =	sor.u32 s3, s0;
	s1 =	sshll.u32 s1, $0x11  }
0xba: {  	s0 =	sor.u32 s1, s0  }
0xbb: {  	s0 =	sadd.s32 $0x8F2B, s0  }
0xbc: {  	[sflag:s0] =	ssyncadd.remote.s32 $0x1  }
0xbd: {  	_ =	sfence.sel $0xFFFF  }
0xbe: {  	[dreg:$0x0] =	wrdreg $0xFFFFFFFF;
	(pc) =	sbr.abs _section_cstart, $3  }
0xbf: {  	[dreg:$0x1] =	wrdreg $0xFFFFFFFF  }
0xc0: {  	_ =	task.clear_ibuf [dreg:s6], $0x2FFFF;
	_ =	strace $0x9FFFFFFF  }
0xc1: {  	(tm) =	ssettm $0x7FFFFFFF  }
tec
execute0_lowered:
.L_overlay_start_1:
0x0: {  	(tag) =	ssettag $0x1  }
0x1: {  	s5 =	rddreg [dreg:$0x0]  }
0x2: {  	s0 =	rddreg [dreg:$0x1]  }
0x3: {  	s1 =	simm.s32 $0x0;
	s2 =	srdreg.scid;
	s11 =	simm.s32 $0x3  }
0x4: {  	s12 =	simm.s32 $0x80;
	s13 =	simm.s32 $0x100;
	s14 =	simm.s32 $0x4100  }
0x5: {  	s15 =	simm.s32 $0x1;
	s16 =	simm.s32 $0x2;
	s17 =	simm.s32 $0x0  }
.Ltmp0:
0x6: {  	[smem:$0x7FF] =	sst s1;
	s2 =	sand.u32 $0x1, s2;
	(pc) =	sbr.rel .LBB2_1-.Ltmp0, $4  }
0x7: {  	s3 =	sadd.s32 $0x69000, s5;
	s4 =	sadd.s32 $0x3E800, s5;
	s9 =	ssub.s32 $0x2, s2  }
0x8: {  	s6 =	sadd.s32 $0x12600, s5;
	s7 =	sadd.s32 $0xD600, s5;
	s10 =	sshrl.u32 s9, $0x1  }
0x9: {  	s8 =	sadd.s32 $0x105800, s5;
	s5 =	stileid.u32;
	s10 =	ssub.s32 s9, s10  }
0xa: {  	_ =	strace $0x80000053;
	s9 =	sshll.u32 s5, $0x1;
	s10 =	smax.u32 s10, $0x1  }
.LBB2_7:
0xb: {  	s17 =	sadd.s32 $0x1, s17  }
0xc: {  	p0 =	sne.s32 s17, s10  }
.Ltmp1:
0xd: {  	_ = 	snop;
	(pc) =	sbr.rel @!p0 .LBB2_8-.Ltmp1, $1  }
0xe: {  	_ =	sdelay $0x3  }
.LBB2_1:
.Ltmp2:
0xf: {  	(pc) =	sbr.rel .LBB2_2-.Ltmp2, $2  }
0x10: {  	_ =	sdelay $0x2  }
0x11: {  	s18 =	simm.s32 $0x0  }
.LBB2_6:
0x12: {  	s18 =	sadd.s32 $0x1, s18  }
0x13: {  	p0 =	sne.s32 s18, $0x28  }
.Ltmp3:
0x14: {  	_ = 	snop;
	(pc) =	sbr.rel @!p0 .LBB2_7-.Ltmp3, $1  }
0x15: {  	_ =	sdelay $0x3  }
.LBB2_2:
0x16: {  	s19 =	sshll.u32 s18, $0x5  }
0x17: {  	s19 =	sor.u32 s9, s19  }
0x18: {  	p0 =	sgt.u32 s19, $0x4E1  }
.Ltmp4:
0x19: {  	_ = 	snop;
	(pc) =	sbr.rel @p0 .LBB2_6-.Ltmp4, $1  }
0x1a: {  	_ =	sdelay $0x3  }
0x1b: {  	s19 =	sor.u32 s2, s19  }
0x1c: {  	s20 =	sshll.u32 s19, $0x4  }
0x1d: {  	s22 =	simm.s32 $0x0;
	s21 =	sadd.s32 s6, s20  }
0x1e: {  	[tilespmem:s22], [sflag:$0x3] =	stream.linear.gather [hbm4b:s21+s22], $0x80, $0x38;
	[tilespmem:$0x8100] =	vst v63  }
0x1f: {  	_ =	swait.ge [sflag:s11], $0x80  }
0x20: {  	[sflag:s11] =	ssyncset.done $0x0  }
0x21: {  	s20 =	sadd.s32 s7, s20;
	[sflag:s11] =	ssyncadd.s32 $0xFFFFFF80  }
0x22: {  	[tilespmem:s12], [sflag:$0x3] =	stream.linear.gather [hbm4b:s20+s22], $0x80, $0x38;
	[tilespmem:$0x8100] =	vst v63  }
0x23: {  	_ =	swait.ge [sflag:s11], $0x80  }
0x24: {  	[sflag:s11] =	ssyncset.done $0x0  }
0x25: {  	[sflag:s11] =	ssyncadd.s32 $0xFFFFFF80  }
0x26: {  	[tilespmem:s13], [sflag:$0x1] =	stream.indirect.gather [hbm4b:s3+s12], $0x80, s22, s12, $0xb8;
	[tilespmem:$0x8100] =	vst v63  }
0x27: {  	_ = 	snop  }
0x28: {  	[tilespmem:s14], [sflag:$0x1] =	stream.indirect.gather [hbm4b:s4+s12], $0x80, s12, s12, $0xb8;
	[tilespmem:$0x8100] =	vst v63  }
0x29: {  	_ =	swait.ge [sflag:s15], $0x4000  }
0x2a: {  	[sflag:s15] =	ssyncset.done $0x0  }
0x2b: {  	[sflag:s15] =	ssyncadd.s32 $0xFFFFC000  }
0x2c: {  	_ =	swait.ge [sflag:s15], $0x4000  }
0x2d: {  	[sflag:s15] =	ssyncset.done $0x0  }
0x2e: {  	s20 =	simm.s32 $0x0;
	[sflag:s15] =	ssyncadd.s32 $0xFFFFC000  }
0x2f: {  	s21 =	simm.s32 $0x200;
	v0 =	vld [tilespmem:s20+$0x4100]  }
.LBB2_4:
0x30: {  	p0 =	sne.s32 s21, $0xFE00;
	v1 =	vld [tilespmem:s20+$0x100];
	_ =	sdelay $0x2  }
.Ltmp5:
0x31: {  	(pc) =	sbr.rel @p0 .LBB2_4-.Ltmp5, $4  }
0x32: {  	_ = 	snop  }
0x33: {  	v1 =	vadd.f32 v0, v1  }
0x34: {  	s22 =	sshra.s32 s21, $0x2  }
0x35: {  	s21 =	sadd.s32 $0x200, s21;
	v0 =	vld [tilespmem:s22+$0x4100];
	[tilespmem:s20+$0x100] =	vst v1;
	s20 =	smov.u32 s22  }
0x36: {  	v1 =	vld [tilespmem:s20+$0x100];
	_ =	sdelay $0x4  }
0x37: {  	v0 =	vadd.f32 v0, v1  }
0x38: {  	s19 =	sshll.u32 s19, $0xB  }
.Ltmp6:
0x39: {  	s19 =	sadd.s32 s8, s19;
	[tilespmem:s20+$0x100] =	vst v0;
	(pc) =	sbr.rel .LBB2_6-.Ltmp6, $4  }
0x3a: {  	[hbm4b:s19+s1] =	stream.linear.scatter [tilespmem:s13], [sflag:$0x2], $0x4000, $0x38;
	[tilespmem:$0x8100] =	vst v63  }
0x3b: {  	_ =	swait.ge [sflag:s16], $0x4000  }
0x3c: {  	[sflag:s16] =	ssyncset.done $0x0  }
0x3d: {  	[sflag:s16] =	ssyncadd.s32 $0xFFFFC000  }
.LBB2_8:
0x3e: {  	_ =	sfence.sel $0x180000  }
0x3f: {  	[bflag:$0x0] =	sbarrier.arrive $0xFFFF  }
0x40: {  	p0 =	sne.s32 s5, $0x0;
	_ =	strace $0x90000053  }
0x41: {  	s0 =	sadd.s32 @!p0 $0x100000, s0;
	[bflag:$0x2] =	sbarrier.arrive $0xFFFF  }
0x42: {  	[sflag:s0] =	ssyncadd.tile.s32 @!p0 $0x1;
	_ =	shalt  }
.Lfunc_end2:
_tile_overlayer_lowered:
.L_overlay_start_2:
0x43: {  	(tag) =	ssettag $0x2  }
0x44: {  	s0 =	rddreg [dreg:$0x0];
	s2 =	stileid.u32  }
0x45: {  	s1 =	rddreg [dreg:$0x1];
	p0 =	sne.s32 s2, $0x0  }
0x46: {  	s3 =	rddreg [dreg:$0x2];
	[bflag:$0x3] =	sbarrier.arrive $0xFFFF;
	s2 =	simm.s32 @!p0 $0x1C02  }
0x47: {  	[timem:s3], [sflag:s2] =	dma.local @!p0 [hbm:s0], s1  }
0x48: {  	s0 =	simm.s32 @!p0 $0x2  }
0x49: {  	_ =	swait.ge @!p0 [sflag:s0], s1  }
0x4a: {  	s1 =	ssub.s32 @!p0 $0x0, s1;
	[sflag:s0] =	ssyncset.done @!p0 $0x0  }
0x4b: {  	[sflag:s0] =	ssyncadd.s32 @!p0 s1  }
0x4c: {  	[bflag:$0x3] =	sbarrier.arrive $0xFFFF  }
0x4d: {  	_ =	shalt  }

// kernel: kernel.31.cloned.1.call-start
scs
__scs_entry_jumppad:
0x0: {  	(pc) =	sbr.rel $0x88, $3  }
0x1: {  	(tag) =	ssettag $0x0;
	lr =	simm.s32 $0x1  }
0x2: {  	[smem:$0x3F87] =	sst lr;
	_ =	strace $0xD0000000  }
0x3: {  	_ = 	snop  }
0x4: {  	_ = 	snop  }
0x5: {  	_ = 	snop  }
0x6: {  	_ = 	snop  }
0x7: {  	_ = 	snop  }
__scs_overlays_trampoline_lowered:
0x8: {  	[smem:$0x3F96] =	sst s0  }
0x9: {  	[smem:$0x3F97] =	sst s1  }
0xa: {  	[smem:$0x3F98] =	sst s2  }
0xb: {  	[smem:$0x3F99] =	sst s3  }
0xc: {  	[smem:$0x3F9A] =	sst s4  }
0xd: {  	[smem:$0x3F9B] =	sst s5  }
0xe: {  	[smem:$0x3F9C] =	sst s6  }
0xf: {  	[smem:$0x3F9D] =	sst s7  }
0x10: {  	[smem:$0x3F9E] =	sst s8  }
0x11: {  	[smem:$0x3F9F] =	sst s9;
	s0 =	simm.s32 @!p0 $0x0  }
0x12: {  	s1 =	sld [smem:$0x3F85];
	s0 =	simm.s32 @p0 $0x1  }
0x13: {  	[smem:$0x3FA0] =	sst s0;
	s0 =	simm.s32 @!p1 $0x0  }
0x14: {  	s2 =	sld [smem:$0x3F84];
	s0 =	simm.s32 @p1 $0x1  }
0x15: {  	[smem:$0x3FA1] =	sst s0;
	s0 =	simm.s32 @!p2 $0x0  }
0x16: {  	s3 =	sld [smem:$0x3FDB];
	s0 =	simm.s32 @p2 $0x1  }
0x17: {  	s4 =	simm.s32 $0x1BF5;
	[smem:$0x3FA3] =	sst s0  }
0x18: {  	s0 =	sld [smem:$0x3F86];
	_ =	swait.ge [sflag:s4], $0x0  }
0x19: {  	s7 =	sld [smem:$0x3F87]  }
0x1a: {  	s8 =	sadd.s32 $0xFFFFE003, lr  }
0x1b: {  	s9 =	sadd.s32 $0xFFFFFEF7, lr;
	s5 =	simm.s32 $0xFFFFFFFF;
	p2 =	slt.u32 s8, $0xFFFFF086  }
0x1c: {  	p1 =	slt.u32 s9, $0xF7A;
	s5 =	simm.s32 @!p2 $0x0  }
0x1d: {  	s5 =	simm.s32 @p1 $0x1;
	p0 =	seq.s32 s7, s2  }
0x1e: {  	s7 =	smul.u32 @!p0 $0xF7A, s2;
	p2 =	seq.s32 @!p0 s5, $0x0  }
0x1f: {  	s9 =	smul.u32 $0xF7A, s1;
	s8 =	simm.s32 @!p0 $0x1BF5;
	p2 =	por !p2, p0  }
0x20: {  	[sflag:s8] =	ssyncset.s32 @!p0 $0xFFFFF086;
	s6 =	sadd.s32 @!p0 s3, s7;
	s7 =	simm.s32 @!p0 $0x108  }
0x21: {  	s3 =	sadd.s32 s3, s9;
	s6 =	sadd.s32 @!p0 $0x88, s6;
	s7 =	simm.s32 @p2 $0x1082  }
0x22: {  	[simem:s7], [sflag:s8] =	dma.local @!p0 [hbm:s6], $0xF7A  }
0x23: {  	s9 =	sor.u32 $0xD0000000, s2;
	s6 =	simm.s32 $0x108;
	_ =	swait.ge @!p0 [sflag:s8], $0x0  }
0x24: {  	s3 =	sadd.s32 $0x88, s3;
	s6 =	simm.s32 @!p1 $0x1082;
	[sflag:s4] =	ssyncset.s32 $0xFFFFF086  }
0x25: {  	[simem:s6], [sflag:s4] =	dma.local [hbm:s3], $0xF7A  }
0x26: {  	[smem:$0x3F87] =	sst s1;
	(tag) =	ssettag s2;
	_ =	strace s9  }
0x27: {  	s1 =	sld [smem:$0x3F97]  }
0x28: {  	s2 =	sld [smem:$0x3F98]  }
0x29: {  	s4 =	sld [smem:$0x3F9A]  }
0x2a: {  	p0 =	seq.s32 s5, $0x0;
	s5 =	sld [smem:$0x3F9B]  }
0x2b: {  	s6 =	sld [smem:$0x3F9C]  }
0x2c: {  	s7 =	sld [smem:$0x3F9D]  }
0x2d: {  	s3 =	simm.s32 $0x108;
	s8 =	sld [smem:$0x3F9E]  }
0x2e: {  	s3 =	simm.s32 @!p0 $0x1082;
	s9 =	sld [smem:$0x3F9F]  }
0x2f: {  	lr =	sadd.s32 s0, s3;
	s0 =	sld [smem:$0x3F96]  }
0x30: {  	s3 =	sld [smem:$0x3F99]  }
0x31: {  	[smem:$0x3FA2] =	sst s10  }
0x32: {  	s10 =	sld [smem:$0x3FA0];
	_ =	sdelay $0x3  }
0x33: {  	p0 =	seq.s32 s10, $0x1;
	s10 =	sld [smem:$0x3FA2];
	_ =	sdelay $0x3  }
0x34: {  	[smem:$0x3FA2] =	sst s10  }
0x35: {  	s10 =	sld [smem:$0x3FA1];
	_ =	sdelay $0x3  }
0x36: {  	p1 =	seq.s32 s10, $0x1;
	s10 =	sld [smem:$0x3FA2];
	_ =	sdelay $0x3  }
0x37: {  	[smem:$0x3FA2] =	sst s10  }
0x38: {  	s10 =	sld [smem:$0x3FA3]  }
0x39: {  	_ = 	snop;
	(pc) =	sbr.ind lr, $3  }
0x3a: {  	_ = 	snop  }
0x3b: {  	_ = 	snop  }
0x3c: {  	p2 =	seq.s32 s10, $0x1;
	s10 =	sld [smem:$0x3FA2]  }
0x3d: {  	_ =	shalt  }
0x3e: {  	_ =	shalt  }
0x3f: {  	_ =	shalt  }
0x40: {  	_ =	shalt  }
0x41: {  	_ =	shalt  }
0x42: {  	_ =	shalt  }
0x43: {  	_ =	shalt  }
0x44: {  	_ =	shalt  }
0x45: {  	_ =	shalt  }
0x46: {  	_ =	shalt  }
0x47: {  	_ =	shalt  }
0x48: {  	_ =	shalt  }
0x49: {  	_ =	shalt  }
0x4a: {  	_ =	shalt  }
0x4b: {  	_ =	shalt  }
0x4c: {  	_ =	shalt  }
0x4d: {  	_ =	shalt  }
0x4e: {  	_ =	shalt  }
0x4f: {  	_ =	shalt  }
0x50: {  	_ =	shalt  }
0x51: {  	_ =	shalt  }
0x52: {  	_ =	shalt  }
0x53: {  	_ =	shalt  }
0x54: {  	_ =	shalt  }
0x55: {  	_ =	shalt  }
0x56: {  	_ =	shalt  }
0x57: {  	_ =	shalt  }
0x58: {  	_ =	shalt  }
0x59: {  	_ =	shalt  }
0x5a: {  	_ =	shalt  }
0x5b: {  	_ =	shalt  }
0x5c: {  	_ =	shalt  }
0x5d: {  	_ =	shalt  }
0x5e: {  	_ =	shalt  }
0x5f: {  	_ =	shalt  }
0x60: {  	_ =	shalt  }
0x61: {  	_ =	shalt  }
0x62: {  	_ =	shalt  }
0x63: {  	_ =	shalt  }
0x64: {  	_ =	shalt  }
0x65: {  	_ =	shalt  }
0x66: {  	_ =	shalt  }
0x67: {  	_ =	shalt  }
0x68: {  	_ =	shalt  }
0x69: {  	_ =	shalt  }
0x6a: {  	_ =	shalt  }
0x6b: {  	_ =	shalt  }
0x6c: {  	_ =	shalt  }
0x6d: {  	_ =	shalt  }
0x6e: {  	_ =	shalt  }
0x6f: {  	_ =	shalt  }
0x70: {  	_ =	shalt  }
0x71: {  	_ =	shalt  }
0x72: {  	_ =	shalt  }
0x73: {  	_ =	shalt  }
0x74: {  	_ =	shalt  }
0x75: {  	_ =	shalt  }
0x76: {  	_ =	shalt  }
0x77: {  	_ =	shalt  }
0x78: {  	_ =	shalt  }
0x79: {  	_ =	shalt  }
0x7a: {  	_ =	shalt  }
0x7b: {  	_ =	shalt  }
0x7c: {  	_ =	shalt  }
0x7d: {  	_ =	shalt  }
0x7e: {  	_ =	shalt  }
0x7f: {  	_ =	shalt  }
0x80: {  	_ =	shalt  }
0x81: {  	_ =	shalt  }
0x82: {  	_ =	shalt  }
0x83: {  	_ =	shalt  }
0x84: {  	_ =	shalt  }
0x85: {  	_ =	shalt  }
0x86: {  	_ =	shalt  }
0x87: {  	_ =	shalt  }
.Lfunc_end0:
.L_simem_size_0:
called_computation.5_lowered:
.L_overlay_start_0:
0x88: {  	s2 =	sld [smem:$0x3FD9]  }
0x89: {  	s3 =	sld [smem:$0x3FFE];
	_ =	sdelay $0x1  }
0x8a: {  	s1 =	srdreg.scid  }
0x8b: {  	s0 =	sand.u32 $0x1, s1  }
0x8c: {  	s16 =	sshll.u32 s0, $0xA;
	s2 =	sadd.s32 s3, s2  }
0x8d: {  	s2 =	sadd.s32 s2, s16  }
0x8e: {  	[smem:$0x3FAE] =	sst s2  }
0x8f: {  	_ = 	snop  }
0x90: {  	(tm) =	ssettm $0x1  }
0x91: {  	s17 =	sld [smem:$0x3FFB];
	_ =	sdelay $0x3  }
0x92: {  	_ =	strace s17  }
0x93: {  	s2 =	sld [smem:$0x3FFC];
	_ =	sdelay $0x3  }
0x94: {  	_ =	strace s2  }
0x95: {  	s2 =	sld [smem:$0x3FFD];
	_ =	sdelay $0x3  }
0x96: {  	_ =	strace s2  }
0x97: {  	_ =	strace $0x8FFFFFFF  }
0x98: {  	s18 =	sld [smem:$0x3FDB];
	_ =	sdelay $0x1  }
0x99: {  	s19 =	simm.s32 $_scs_section_size  }
0x9a: {  	s4 =	simm.s32 $_size__tile_overlayer_lowered;
	s5 =	simm.s32 $_tile_overlayer_lowered  }
0x9b: {  	s22 =	simm.s32 $0x1BFF;
	s21 =	sshll.u32 s5, $0x1;
	s2 =	sadd.s32 s19, s18  }
0x9c: {  	s6 =	simm.s32 $0x0;
	s20 =	sshll.u32 s4, $0x1;
	s4 =	sadd.s32 s21, s2  }
0x9d: {  	[timem:s6], [sflag:s22] =	dma.local [hbm:s4], s20  }
0x9e: {  	_ =	swait.ge [sflag:s22], s20  }
0x9f: {  	s3 =	ssub.s32 $0x0, s20;
	[sflag:s22] =	ssyncset.done $0x0  }
0xa0: {  	[sflag:s22] =	ssyncadd.s32 s3;
	_ =	sdelay $0x1  }
0xa1: {  	s23 =	simm.s32 $0x1B8B  }
0xa2: {  	_ =	swait.ge [sflag:s23], $0x1  }
0xa3: {  	[sflag:s23] =	ssyncset.done $0x0  }
0xa4: {  	s25 =	simm.s32 $0x1B8E;
	s24 =	sld [smem:$0x3FFE];
	[sflag:s23] =	ssyncadd.s32 $0xFFFFFFFF  }
0xa5: {  	s26 =	simm.s32 $execute0_lowered;
	[smem:$0x3FD2] =	sst s25  }
0xa6: {  	s4 =	sshll.u32 s26, $0x1;
	_ =	strace $0x80000055;
	[dreg:$0x1] =	wrdreg $0xFFFFFFFF  }
0xa7: {  	s28 =	simm.s32 $_size_execute0_lowered;
	s2 =	sadd.s32 s2, s4;
	[dreg:$0x0] =	wrdreg $0x0  }
0xa8: {  	s4 =	sshll.u32 s28, $0x1;
	[dreg:$0x2] =	wrdreg s2  }
0xa9: {  	[dreg:$0x3] =	wrdreg s4  }
0xaa: {  	[dreg:$0x4] =	wrdreg $0xC0  }
0xab: {  	_ =	task [dreg:s6], $0x5FFFF  }
0xac: {  	[dreg:$0x1] =	wrdreg $0xFFFFFFFF  }
0xad: {  	[dreg:$0x0] =	wrdreg $0x60  }
0xae: {  	[dreg:$0x2] =	wrdreg s24  }
0xaf: {  	[dreg:$0x3] =	wrdreg $0x41000  }
0xb0: {  	[dreg:$0x4] =	wrdreg $0x9  }
0xb1: {  	_ =	task.clear_ibuf [dreg:s6], $0x5FFFF;
	_ =	strace $0x90000055  }
0xb2: {  	s29 =	simm.s32 $0x9;
	_ =	strace $0x80000057  }
0xb3: {  	_ =	swait.ge [sflag:s29], $0x1  }
0xb4: {  	[sflag:s29] =	ssyncadd.s32 $0xFFFFFFFF  }
0xb5: {  	_ =	strace $0x90000057  }
0xb6: {  	_ =	sfence  }
0xb7: {  	s30 =	sld [smem:$0x0];
	_ =	sdelay $0x2  }
0xb8: {  	s31 =	sshll.u32 s1, $0xD;
	s1 =	sshrl.u32 s1, $0x2  }
0xb9: {  	s3 =	sand.u32 $0x4000, s31;
	s1 =	sadd.s32 s1, s30  }
0xba: {  	s0 =	sor.u32 s3, s0;
	s1 =	sshll.u32 s1, $0x11  }
0xbb: {  	s0 =	sor.u32 s1, s0  }
0xbc: {  	s0 =	sadd.s32 $0x8F2B, s0  }
0xbd: {  	[sflag:s0] =	ssyncadd.remote.s32 $0x1  }
0xbe: {  	_ =	sfence.sel $0xFFFF  }
0xbf: {  	[dreg:$0x0] =	wrdreg $0xFFFFFFFF;
	(pc) =	sbr.abs _section_cstart, $3  }
0xc0: {  	[dreg:$0x1] =	wrdreg $0xFFFFFFFF  }
0xc1: {  	_ =	task.clear_ibuf [dreg:s6], $0x2FFFF;
	_ =	strace $0x9FFFFFFF  }
0xc2: {  	(tm) =	ssettm $0x7FFFFFFF  }
0xc3: {  	_ =	shalt  }
tec
execute0_lowered:
.L_overlay_start_1:
0x0: {  	(tag) =	ssettag $0x1  }
0x1: {  	s6 =	rddreg [dreg:$0x0]  }
0x2: {  	s1 =	rddreg [dreg:$0x1]  }
0x3: {  	s0 =	rddreg [dreg:$0x2];
	s3 =	simm.s32 $0x0;
	s2 =	stileid.u32  }
0x4: {  	s5 =	srdreg.scid;
	[smem:$0x7FF] =	sst s3;
	s4 =	sadd.s32 $0xB7400, s6  }
0x5: {  	s7 =	sshll.u32 s2, $0x5;
	s9 =	sand.u32 $0x1, s5;
	s8 =	smul.u32 $0x4E000, s2  }
0x6: {  	s5 =	sadd.s32 $0x66800, s6;
	s13 =	sadd.s32 $0x105800, s6;
	s14 =	smul.u32 $0x13800, s2  }
0x7: {  	s28 =	sshll.u32 s2, $0x6;
	s16 =	sadd.s32 $0x138000, s1;
	p0 =	sne.s32 s2, $0xF  }
0x8: {  	_ =	strace $0x80000056;
	s11 =	sadd.s32 s7, s6;
	s25 =	ssub.s32 $0x2, s9  }
0x9: {  	s12 =	smul.u32 $0x138800, s9;
	s6 =	sshll.u32 s2, $0x1;
	s7 =	sor.u32 $0x1C02, s28  }
0xa: {  	s30 =	sshll.u32 s9, $0x4;
	s10 =	sshrl.u32 s25, $0x1;
	s26 =	sshrl.u32 s8, $0x2  }
0xb: {  	s31 =	sadd.s32 s30, s11;
	s10 =	ssub.s32 s25, s10;
	s15 =	sadd.s32 s26, s1  }
0xc: {  	s29 =	sadd.s32 s14, s12;
	s12 =	sshrl.u32 s12, $0x3;
	s11 =	sadd.s32 $0x8600, s31  }
0xd: {  	s14 =	simm.s32 $0x2;
	s8 =	sshrl.u32 s29, $0x3;
	s12 =	sadd.s32 s13, s12  }
0xe: {  	s10 =	smax.u32 s10, $0x1;
	s8 =	sadd.s32 s13, s8;
	s9 =	sadd.s32 $0x27000, s12  }
0xf: {  	s12 =	sadd.s32 $0x12600, s31;
	s13 =	sshrl.u32 s15, $0x3;
	s15 =	sshrl.u32 @!p0 s16, $0x3  }
.LBB2_1:
0x10: {  	[spmem:s13], [sflag:s7] =	dma.local [hbm:s5], $0x2700  }
0x11: {  	_ =	swait.ge [sflag:s14], $0x2700  }
0x12: {  	[sflag:s14] =	ssyncset.done $0x0  }
0x13: {  	s16 =	simm.s32 @!p0 $0x2;
	[sflag:s14] =	ssyncadd.s32 $0xFFFFD900  }
0x14: {  	[spmem:s15], [sflag:s7] =	dma.local @!p0 [hbm:s5], $0x100  }
0x15: {  	_ =	swait.ge @!p0 [sflag:s16], $0x100  }
0x16: {  	p1 =	sgt.u32 s6, $0x4E1;
	[sflag:s16] =	ssyncset.done @!p0 $0x0  }
0x17: {  	s17 =	simm.s32 @!p1 $0x0;
	[sflag:s16] =	ssyncadd.s32 @!p0 $0xFFFFFF00  }
0x18: {  	s18 =	simm.s32 @!p1 $0x3;
	s16 =	sadd.s32 @!p1 $0x0, s12;
	[bflag:$0x0] =	sbarrier.arrive $0xFFFF  }
0x19: {  	[tilespmem:s17], [sflag:$0x3] =	stream.linear.gather @!p1 [hbm4b:s16+s17], $0x80, $0x38;
	[tilespmem:$0x17A00] =	vst v63  }
0x1a: {  	_ =	swait.ge @!p1 [sflag:s18], $0x80;
	p1 =	por p1, p1  }
0x1b: {  	[sflag:s18] =	ssyncset.done @!p1 $0x0  }
0x1c: {  	s16 =	sadd.s32 @!p1 $0x0, s11;
	s19 =	simm.s32 @!p1 $0x80;
	[sflag:s18] =	ssyncadd.s32 @!p1 $0xFFFFFF80  }
0x1d: {  	[tilespmem:s19], [sflag:$0x3] =	stream.linear.gather @!p1 [hbm4b:s16+s17], $0x80, $0x38;
	[tilespmem:$0x17A00] =	vst v63  }
0x1e: {  	_ =	swait.ge @!p1 [sflag:s18], $0x80  }
0x1f: {  	[sflag:s18] =	ssyncset.done @!p1 $0x0  }
0x20: {  	s16 =	simm.s32 @!p1 $0x100;
	[sflag:s18] =	ssyncadd.s32 @!p1 $0xFFFFFF80;
	s18 =	simm.s32 @!p1 $0x1  }
0x21: {  	[tilespmem:s16], [sflag:$0x1] =	stream.indirect.gather @!p1 [hbm4b:s4+s19], $0x80, s17, s19, $0xb8;
	[tilespmem:$0x17A00] =	vst v63  }
0x22: {  	_ =	swait.ge @!p1 [sflag:s18], $0x4000  }
0x23: {  	[sflag:s18] =	ssyncset.done @!p1 $0x0  }
0x24: {  	s17 =	sadd.s32 $0x20, s6;
	[sflag:s18] =	ssyncadd.s32 @!p1 $0xFFFFC000  }
0x25: {  	[spmem:s1] =	stream.indirect.scatter.add.f32 @!p1 [tilespmem:s16], [sflag:$0x2], $0x80, s19, s19, $0xb8;
	[tilespmem:$0x17A00] =	vst v63  }
0x26: {  	p3 =	sgt.u32 s17, $0x4E1;
	s19 =	simm.s32 @!p1 $0x2  }
0x27: {  	s18 =	simm.s32 $0x400;
	s16 =	simm.s32 $0x200;
	_ =	swait.ge @!p1 [sflag:s19], $0x4000  }
.LBB2_2:
0x28: {  	s20 =	sadd.s32 @!p3 s16, s12  }
0x29: {  	s21 =	simm.s32 @!p3 $0x0;
	[sflag:s19] =	ssyncset.done @!p1 $0x0;
	s22 =	smov.u32 s18  }
0x2a: {  	s18 =	sadd.s32 $0x200, s18;
	s23 =	simm.s32 @!p3 $0x3;
	[sflag:s19] =	ssyncadd.s32 @!p1 $0xFFFFC000  }
0x2b: {  	[tilespmem:s21], [sflag:$0x3] =	stream.linear.gather @!p3 [hbm4b:s20+s21], $0x80, $0x38;
	[tilespmem:$0x17A00] =	vst v63  }
0x2c: {  	p2 =	sne.s32 s18, $0x5000;
	p1 =	por p3, p3;
	_ =	swait.ge @!p3 [sflag:s23], $0x80  }
0x2d: {  	[sflag:s23] =	ssyncset.done @!p1 $0x0  }
0x2e: {  	s16 =	sadd.s32 @!p1 s16, s11;
	s20 =	simm.s32 @!p1 $0x80;
	[sflag:s23] =	ssyncadd.s32 @!p1 $0xFFFFFF80  }
0x2f: {  	[tilespmem:s20], [sflag:$0x3] =	stream.linear.gather @!p1 [hbm4b:s16+s21], $0x80, $0x38;
	[tilespmem:$0x17A00] =	vst v63  }
0x30: {  	s16 =	smov.u32 s22;
	_ =	swait.ge @!p1 [sflag:s23], $0x80  }
0x31: {  	[sflag:s23] =	ssyncset.done @!p1 $0x0  }
0x32: {  	s19 =	simm.s32 @!p1 $0x1;
	s22 =	simm.s32 @!p1 $0x100;
	[sflag:s23] =	ssyncadd.s32 @!p1 $0xFFFFFF80  }
0x33: {  	[tilespmem:s22], [sflag:$0x1] =	stream.indirect.gather @!p1 [hbm4b:s4+s20], $0x80, s21, s20, $0xb8;
	[tilespmem:$0x17A00] =	vst v63  }
.Ltmp0:
0x34: {  	_ =	swait.ge @!p1 [sflag:s19], $0x4000;
	(pc) =	sbr.rel @p2 .LBB2_2-.Ltmp0, $4  }
0x35: {  	[sflag:s19] =	ssyncset.done @!p1 $0x0  }
0x36: {  	s17 =	sadd.s32 $0x20, s17;
	[sflag:s19] =	ssyncadd.s32 @!p1 $0xFFFFC000;
	s19 =	simm.s32 @!p1 $0x2  }
0x37: {  	[spmem:s1] =	stream.indirect.scatter.add.f32 @!p1 [tilespmem:s22], [sflag:$0x2], $0x80, s20, s20, $0xb8;
	[tilespmem:$0x17A00] =	vst v63  }
0x38: {  	p3 =	sgt.u32 s17, $0x4E1;
	_ =	swait.ge @!p1 [sflag:s19], $0x4000  }
0x39: {  	s17 =	sadd.s32 @!p3 s16, s12;
	[sflag:s19] =	ssyncset.done @!p1 $0x0  }
0x3a: {  	s18 =	simm.s32 @!p3 $0x0;
	s20 =	simm.s32 @!p3 $0x3;
	[sflag:s19] =	ssyncadd.s32 @!p1 $0xFFFFC000  }
0x3b: {  	[tilespmem:s18], [sflag:$0x3] =	stream.linear.gather @!p3 [hbm4b:s17+s18], $0x80, $0x38;
	[tilespmem:$0x17A00] =	vst v63  }
0x3c: {  	p1 =	por p3, p3;
	_ =	swait.ge @!p3 [sflag:s20], $0x80  }
0x3d: {  	[sflag:s20] =	ssyncset.done @!p1 $0x0  }
0x3e: {  	s16 =	sadd.s32 @!p1 s16, s11;
	s17 =	simm.s32 @!p1 $0x80;
	[sflag:s20] =	ssyncadd.s32 @!p1 $0xFFFFFF80  }
0x3f: {  	[tilespmem:s17], [sflag:$0x3] =	stream.linear.gather @!p1 [hbm4b:s16+s18], $0x80, $0x38;
	[tilespmem:$0x17A00] =	vst v63  }
0x40: {  	_ =	swait.ge @!p1 [sflag:s20], $0x80  }
0x41: {  	[sflag:s20] =	ssyncset.done @!p1 $0x0  }
0x42: {  	s19 =	simm.s32 @!p1 $0x1;
	s16 =	simm.s32 @!p1 $0x100;
	[sflag:s20] =	ssyncadd.s32 @!p1 $0xFFFFFF80  }
0x43: {  	[tilespmem:s16], [sflag:$0x1] =	stream.indirect.gather @!p1 [hbm4b:s4+s17], $0x80, s18, s17, $0xb8;
	[tilespmem:$0x17A00] =	vst v63  }
0x44: {  	_ =	swait.ge @!p1 [sflag:s19], $0x4000  }
0x45: {  	[sflag:s19] =	ssyncset.done @!p1 $0x0  }
0x46: {  	s18 =	simm.s32 @!p1 $0x2;
	[sflag:s19] =	ssyncadd.s32 @!p1 $0xFFFFC000  }
0x47: {  	[spmem:s1] =	stream.indirect.scatter.add.f32 @!p1 [tilespmem:s16], [sflag:$0x2], $0x80, s17, s17, $0xb8;
	[tilespmem:$0x17A00] =	vst v63  }
0x48: {  	_ =	swait.ge @!p1 [sflag:s18], $0x4000  }
0x49: {  	[sflag:s18] =	ssyncset.done @!p1 $0x0  }
0x4a: {  	[sflag:s18] =	ssyncadd.s32 @!p1 $0xFFFFC000  }
0x4b: {  	[bflag:$0x0] =	sbarrier.arrive $0xFFFF  }
0x4c: {  	[hbm:s8], [sflag:s7] =	dma.local [spmem:s13], $0x2700  }
0x4d: {  	s3 =	sadd.s32 $0x1, s3;
	_ =	swait.ge [sflag:s14], $0x2700  }
0x4e: {  	p1 =	sne.s32 s3, s10;
	[sflag:s14] =	ssyncset.done $0x0  }
.Ltmp1:
0x4f: {  	s16 =	simm.s32 @!p0 $0x2;
	[sflag:s14] =	ssyncadd.s32 $0xFFFFD900;
	(pc) =	sbr.rel @p1 .LBB2_1-.Ltmp1, $4  }
0x50: {  	[hbm:s9], [sflag:s7] =	dma.local @!p0 [spmem:s15], $0x100  }
0x51: {  	_ =	swait.ge @!p0 [sflag:s16], $0x100  }
0x52: {  	[sflag:s16] =	ssyncset.done @!p0 $0x0  }
0x53: {  	[sflag:s16] =	ssyncadd.s32 @!p0 $0xFFFFFF00  }
0x54: {  	_ =	sfence.sel $0x180000  }
0x55: {  	[bflag:$0x0] =	sbarrier.arrive $0xFFFF  }
0x56: {  	p0 =	sne.s32 s2, $0x0;
	_ =	strace $0x90000056  }
0x57: {  	s0 =	sadd.s32 @!p0 $0x100000, s0;
	[bflag:$0x2] =	sbarrier.arrive $0xFFFF  }
0x58: {  	[sflag:s0] =	ssyncadd.tile.s32 @!p0 $0x1;
	_ =	shalt  }
.Lfunc_end2:
_tile_overlayer_lowered:
.L_overlay_start_2:
0x59: {  	(tag) =	ssettag $0x2  }
0x5a: {  	s0 =	rddreg [dreg:$0x0];
	s2 =	stileid.u32  }
0x5b: {  	s1 =	rddreg [dreg:$0x1];
	p0 =	sne.s32 s2, $0x0  }
0x5c: {  	s3 =	rddreg [dreg:$0x2];
	[bflag:$0x3] =	sbarrier.arrive $0xFFFF;
	s2 =	simm.s32 @!p0 $0x1C02  }
0x5d: {  	[timem:s3], [sflag:s2] =	dma.local @!p0 [hbm:s0], s1  }
0x5e: {  	s0 =	simm.s32 @!p0 $0x2  }
0x5f: {  	_ =	swait.ge @!p0 [sflag:s0], s1  }
0x60: {  	s1 =	ssub.s32 @!p0 $0x0, s1;
	[sflag:s0] =	ssyncset.done @!p0 $0x0  }
0x61: {  	[sflag:s0] =	ssyncadd.s32 @!p0 s1  }
0x62: {  	[bflag:$0x3] =	sbarrier.arrive $0xFFFF  }
0x63: {  	_ =	shalt  }

// kernel: kernel.34.cloned.1.call-start
scs
__scs_entry_jumppad:
0x0: {  	(pc) =	sbr.rel $0x88, $3  }
0x1: {  	(tag) =	ssettag $0x0;
	lr =	simm.s32 $0x1  }
0x2: {  	[smem:$0x3F87] =	sst lr;
	_ =	strace $0xD0000000  }
0x3: {  	_ = 	snop  }
0x4: {  	_ = 	snop  }
0x5: {  	_ = 	snop  }
0x6: {  	_ = 	snop  }
0x7: {  	_ = 	snop  }
__scs_overlays_trampoline_lowered:
0x8: {  	[smem:$0x3F96] =	sst s0  }
0x9: {  	[smem:$0x3F97] =	sst s1  }
0xa: {  	[smem:$0x3F98] =	sst s2  }
0xb: {  	[smem:$0x3F99] =	sst s3  }
0xc: {  	[smem:$0x3F9A] =	sst s4  }
0xd: {  	[smem:$0x3F9B] =	sst s5  }
0xe: {  	[smem:$0x3F9C] =	sst s6  }
0xf: {  	[smem:$0x3F9D] =	sst s7  }
0x10: {  	[smem:$0x3F9E] =	sst s8  }
0x11: {  	[smem:$0x3F9F] =	sst s9;
	s0 =	simm.s32 @!p0 $0x0  }
0x12: {  	s1 =	sld [smem:$0x3F85];
	s0 =	simm.s32 @p0 $0x1  }
0x13: {  	[smem:$0x3FA0] =	sst s0;
	s0 =	simm.s32 @!p1 $0x0  }
0x14: {  	s2 =	sld [smem:$0x3F84];
	s0 =	simm.s32 @p1 $0x1  }
0x15: {  	[smem:$0x3FA1] =	sst s0;
	s0 =	simm.s32 @!p2 $0x0  }
0x16: {  	s3 =	sld [smem:$0x3FDB];
	s0 =	simm.s32 @p2 $0x1  }
0x17: {  	s4 =	simm.s32 $0x1BF5;
	[smem:$0x3FA3] =	sst s0  }
0x18: {  	s0 =	sld [smem:$0x3F86];
	_ =	swait.ge [sflag:s4], $0x0  }
0x19: {  	s7 =	sld [smem:$0x3F87]  }
0x1a: {  	s8 =	sadd.s32 $0xFFFFE003, lr  }
0x1b: {  	s9 =	sadd.s32 $0xFFFFFEF7, lr;
	s5 =	simm.s32 $0xFFFFFFFF;
	p2 =	slt.u32 s8, $0xFFFFF086  }
0x1c: {  	p1 =	slt.u32 s9, $0xF7A;
	s5 =	simm.s32 @!p2 $0x0  }
0x1d: {  	s5 =	simm.s32 @p1 $0x1;
	p0 =	seq.s32 s7, s2  }
0x1e: {  	s7 =	smul.u32 @!p0 $0xF7A, s2;
	p2 =	seq.s32 @!p0 s5, $0x0  }
0x1f: {  	s9 =	smul.u32 $0xF7A, s1;
	s8 =	simm.s32 @!p0 $0x1BF5;
	p2 =	por !p2, p0  }
0x20: {  	[sflag:s8] =	ssyncset.s32 @!p0 $0xFFFFF086;
	s6 =	sadd.s32 @!p0 s3, s7;
	s7 =	simm.s32 @!p0 $0x108  }
0x21: {  	s3 =	sadd.s32 s3, s9;
	s6 =	sadd.s32 @!p0 $0x88, s6;
	s7 =	simm.s32 @p2 $0x1082  }
0x22: {  	[simem:s7], [sflag:s8] =	dma.local @!p0 [hbm:s6], $0xF7A  }
0x23: {  	s9 =	sor.u32 $0xD0000000, s2;
	s6 =	simm.s32 $0x108;
	_ =	swait.ge @!p0 [sflag:s8], $0x0  }
0x24: {  	s3 =	sadd.s32 $0x88, s3;
	s6 =	simm.s32 @!p1 $0x1082;
	[sflag:s4] =	ssyncset.s32 $0xFFFFF086  }
0x25: {  	[simem:s6], [sflag:s4] =	dma.local [hbm:s3], $0xF7A  }
0x26: {  	[smem:$0x3F87] =	sst s1;
	(tag) =	ssettag s2;
	_ =	strace s9  }
0x27: {  	s1 =	sld [smem:$0x3F97]  }
0x28: {  	s2 =	sld [smem:$0x3F98]  }
0x29: {  	s4 =	sld [smem:$0x3F9A]  }
0x2a: {  	p0 =	seq.s32 s5, $0x0;
	s5 =	sld [smem:$0x3F9B]  }
0x2b: {  	s6 =	sld [smem:$0x3F9C]  }
0x2c: {  	s7 =	sld [smem:$0x3F9D]  }
0x2d: {  	s3 =	simm.s32 $0x108;
	s8 =	sld [smem:$0x3F9E]  }
0x2e: {  	s3 =	simm.s32 @!p0 $0x1082;
	s9 =	sld [smem:$0x3F9F]  }
0x2f: {  	lr =	sadd.s32 s0, s3;
	s0 =	sld [smem:$0x3F96]  }
0x30: {  	s3 =	sld [smem:$0x3F99]  }
0x31: {  	[smem:$0x3FA2] =	sst s10  }
0x32: {  	s10 =	sld [smem:$0x3FA0];
	_ =	sdelay $0x3  }
0x33: {  	p0 =	seq.s32 s10, $0x1;
	s10 =	sld [smem:$0x3FA2];
	_ =	sdelay $0x3  }
0x34: {  	[smem:$0x3FA2] =	sst s10  }
0x35: {  	s10 =	sld [smem:$0x3FA1];
	_ =	sdelay $0x3  }
0x36: {  	p1 =	seq.s32 s10, $0x1;
	s10 =	sld [smem:$0x3FA2];
	_ =	sdelay $0x3  }
0x37: {  	[smem:$0x3FA2] =	sst s10  }
0x38: {  	s10 =	sld [smem:$0x3FA3]  }
0x39: {  	_ = 	snop;
	(pc) =	sbr.ind lr, $3  }
0x3a: {  	_ = 	snop  }
0x3b: {  	_ = 	snop  }
0x3c: {  	p2 =	seq.s32 s10, $0x1;
	s10 =	sld [smem:$0x3FA2]  }
0x3d: {  	_ =	shalt  }
0x3e: {  	_ =	shalt  }
0x3f: {  	_ =	shalt  }
0x40: {  	_ =	shalt  }
0x41: {  	_ =	shalt  }
0x42: {  	_ =	shalt  }
0x43: {  	_ =	shalt  }
0x44: {  	_ =	shalt  }
0x45: {  	_ =	shalt  }
0x46: {  	_ =	shalt  }
0x47: {  	_ =	shalt  }
0x48: {  	_ =	shalt  }
0x49: {  	_ =	shalt  }
0x4a: {  	_ =	shalt  }
0x4b: {  	_ =	shalt  }
0x4c: {  	_ =	shalt  }
0x4d: {  	_ =	shalt  }
0x4e: {  	_ =	shalt  }
0x4f: {  	_ =	shalt  }
0x50: {  	_ =	shalt  }
0x51: {  	_ =	shalt  }
0x52: {  	_ =	shalt  }
0x53: {  	_ =	shalt  }
0x54: {  	_ =	shalt  }
0x55: {  	_ =	shalt  }
0x56: {  	_ =	shalt  }
0x57: {  	_ =	shalt  }
0x58: {  	_ =	shalt  }
0x59: {  	_ =	shalt  }
0x5a: {  	_ =	shalt  }
0x5b: {  	_ =	shalt  }
0x5c: {  	_ =	shalt  }
0x5d: {  	_ =	shalt  }
0x5e: {  	_ =	shalt  }
0x5f: {  	_ =	shalt  }
0x60: {  	_ =	shalt  }
0x61: {  	_ =	shalt  }
0x62: {  	_ =	shalt  }
0x63: {  	_ =	shalt  }
0x64: {  	_ =	shalt  }
0x65: {  	_ =	shalt  }
0x66: {  	_ =	shalt  }
0x67: {  	_ =	shalt  }
0x68: {  	_ =	shalt  }
0x69: {  	_ =	shalt  }
0x6a: {  	_ =	shalt  }
0x6b: {  	_ =	shalt  }
0x6c: {  	_ =	shalt  }
0x6d: {  	_ =	shalt  }
0x6e: {  	_ =	shalt  }
0x6f: {  	_ =	shalt  }
0x70: {  	_ =	shalt  }
0x71: {  	_ =	shalt  }
0x72: {  	_ =	shalt  }
0x73: {  	_ =	shalt  }
0x74: {  	_ =	shalt  }
0x75: {  	_ =	shalt  }
0x76: {  	_ =	shalt  }
0x77: {  	_ =	shalt  }
0x78: {  	_ =	shalt  }
0x79: {  	_ =	shalt  }
0x7a: {  	_ =	shalt  }
0x7b: {  	_ =	shalt  }
0x7c: {  	_ =	shalt  }
0x7d: {  	_ =	shalt  }
0x7e: {  	_ =	shalt  }
0x7f: {  	_ =	shalt  }
0x80: {  	_ =	shalt  }
0x81: {  	_ =	shalt  }
0x82: {  	_ =	shalt  }
0x83: {  	_ =	shalt  }
0x84: {  	_ =	shalt  }
0x85: {  	_ =	shalt  }
0x86: {  	_ =	shalt  }
0x87: {  	_ =	shalt  }
.Lfunc_end0:
.L_simem_size_0:
called_computation.6_lowered:
.L_overlay_start_0:
0x88: {  	s2 =	sld [smem:$0x3FD9]  }
0x89: {  	s3 =	sld [smem:$0x3FFE];
	_ =	sdelay $0x1  }
0x8a: {  	s1 =	srdreg.scid  }
0x8b: {  	s0 =	sand.u32 $0x1, s1  }
0x8c: {  	s16 =	sshll.u32 s0, $0xA;
	s2 =	sadd.s32 s3, s2  }
0x8d: {  	s2 =	sadd.s32 s2, s16  }
0x8e: {  	[smem:$0x3FAE] =	sst s2  }
0x8f: {  	_ = 	snop  }
0x90: {  	(tm) =	ssettm $0x1  }
0x91: {  	s17 =	sld [smem:$0x3FFB];
	_ =	sdelay $0x3  }
0x92: {  	_ =	strace s17  }
0x93: {  	s2 =	sld [smem:$0x3FFC];
	_ =	sdelay $0x3  }
0x94: {  	_ =	strace s2  }
0x95: {  	s2 =	sld [smem:$0x3FFD];
	_ =	sdelay $0x3  }
0x96: {  	_ =	strace s2  }
0x97: {  	_ =	strace $0x8FFFFFFF  }
0x98: {  	s18 =	sld [smem:$0x3FDB];
	_ =	sdelay $0x1  }
0x99: {  	s19 =	simm.s32 $_scs_section_size  }
0x9a: {  	s4 =	simm.s32 $_size__tile_overlayer_lowered;
	s5 =	simm.s32 $_tile_overlayer_lowered  }
0x9b: {  	s22 =	simm.s32 $0x1BFF;
	s21 =	sshll.u32 s5, $0x1;
	s2 =	sadd.s32 s19, s18  }
0x9c: {  	s6 =	simm.s32 $0x0;
	s20 =	sshll.u32 s4, $0x1;
	s4 =	sadd.s32 s21, s2  }
0x9d: {  	[timem:s6], [sflag:s22] =	dma.local [hbm:s4], s20  }
0x9e: {  	_ =	swait.ge [sflag:s22], s20  }
0x9f: {  	s3 =	ssub.s32 $0x0, s20;
	[sflag:s22] =	ssyncset.done $0x0  }
0xa0: {  	[sflag:s22] =	ssyncadd.s32 s3;
	_ =	sdelay $0x1  }
0xa1: {  	s23 =	simm.s32 $0x1B8B  }
0xa2: {  	_ =	swait.ge [sflag:s23], $0x1  }
0xa3: {  	[sflag:s23] =	ssyncset.done $0x0  }
0xa4: {  	s25 =	simm.s32 $0x1B8E;
	s24 =	sld [smem:$0x3FFE];
	[sflag:s23] =	ssyncadd.s32 $0xFFFFFFFF  }
0xa5: {  	s26 =	simm.s32 $execute0_lowered;
	[smem:$0x3FD2] =	sst s25  }
0xa6: {  	s4 =	sshll.u32 s26, $0x1;
	_ =	strace $0x80000058;
	[dreg:$0x1] =	wrdreg $0xFFFFFFFF  }
0xa7: {  	s28 =	simm.s32 $_size_execute0_lowered;
	s2 =	sadd.s32 s2, s4;
	[dreg:$0x0] =	wrdreg $0x0  }
0xa8: {  	s4 =	sshll.u32 s28, $0x1;
	[dreg:$0x2] =	wrdreg s2  }
0xa9: {  	[dreg:$0x3] =	wrdreg s4  }
0xaa: {  	[dreg:$0x4] =	wrdreg $0xC0  }
0xab: {  	_ =	task [dreg:s6], $0x5FFFF  }
0xac: {  	[dreg:$0x1] =	wrdreg $0xFFFFFFFF  }
0xad: {  	[dreg:$0x0] =	wrdreg $0x60  }
0xae: {  	[dreg:$0x2] =	wrdreg s24  }
0xaf: {  	[dreg:$0x3] =	wrdreg $0x41000  }
0xb0: {  	[dreg:$0x4] =	wrdreg $0x9  }
0xb1: {  	_ =	task.clear_ibuf [dreg:s6], $0x5FFFF;
	_ =	strace $0x90000058  }
0xb2: {  	s29 =	simm.s32 $0x9;
	_ =	strace $0x8000005A  }
0xb3: {  	_ =	swait.ge [sflag:s29], $0x1  }
0xb4: {  	[sflag:s29] =	ssyncadd.s32 $0xFFFFFFFF  }
0xb5: {  	_ =	strace $0x9000005A  }
0xb6: {  	_ =	sfence  }
0xb7: {  	s30 =	sld [smem:$0x0];
	_ =	sdelay $0x2  }
0xb8: {  	s31 =	sshll.u32 s1, $0xD;
	s1 =	sshrl.u32 s1, $0x2  }
0xb9: {  	s3 =	sand.u32 $0x4000, s31;
	s1 =	sadd.s32 s1, s30  }
0xba: {  	s0 =	sor.u32 s3, s0;
	s1 =	sshll.u32 s1, $0x11  }
0xbb: {  	s0 =	sor.u32 s1, s0  }
0xbc: {  	s0 =	sadd.s32 $0x8F2B, s0  }
0xbd: {  	[sflag:s0] =	ssyncadd.remote.s32 $0x1  }
0xbe: {  	_ =	sfence.sel $0xFFFF  }
0xbf: {  	[dreg:$0x0] =	wrdreg $0xFFFFFFFF;
	(pc) =	sbr.abs _section_cstart, $3  }
0xc0: {  	[dreg:$0x1] =	wrdreg $0xFFFFFFFF  }
0xc1: {  	_ =	task.clear_ibuf [dreg:s6], $0x2FFFF;
	_ =	strace $0x9FFFFFFF  }
0xc2: {  	(tm) =	ssettm $0x7FFFFFFF  }
0xc3: {  	_ =	shalt  }
tec
execute0_lowered:
.L_overlay_start_1:
0x0: {  	(tag) =	ssettag $0x1  }
0x1: {  	s6 =	rddreg [dreg:$0x0]  }
0x2: {  	s1 =	rddreg [dreg:$0x1]  }
0x3: {  	s0 =	rddreg [dreg:$0x2];
	s3 =	simm.s32 $0x0;
	s2 =	stileid.u32  }
0x4: {  	s5 =	srdreg.scid;
	[smem:$0x7FF] =	sst s3;
	s4 =	sadd.s32 $0x90200, s6  }
0x5: {  	s7 =	sshll.u32 s2, $0x5;
	s9 =	sand.u32 $0x1, s5;
	s8 =	smul.u32 $0x4E000, s2  }
0x6: {  	s5 =	sadd.s32 $0x66800, s6;
	s13 =	sadd.s32 $0x153A00, s6;
	s14 =	smul.u32 $0x13800, s2  }
0x7: {  	s28 =	sshll.u32 s2, $0x6;
	s16 =	sadd.s32 $0x138000, s1;
	p0 =	sne.s32 s2, $0xF  }
0x8: {  	_ =	strace $0x80000059;
	s11 =	sadd.s32 s7, s6;
	s25 =	ssub.s32 $0x2, s9  }
0x9: {  	s12 =	smul.u32 $0x138800, s9;
	s6 =	sshll.u32 s2, $0x1;
	s7 =	sor.u32 $0x1C02, s28  }
0xa: {  	s30 =	sshll.u32 s9, $0x4;
	s10 =	sshrl.u32 s25, $0x1;
	s26 =	sshrl.u32 s8, $0x2  }
0xb: {  	s31 =	sadd.s32 s30, s11;
	s10 =	ssub.s32 s25, s10;
	s15 =	sadd.s32 s26, s1  }
0xc: {  	s29 =	sadd.s32 s14, s12;
	s12 =	sshrl.u32 s12, $0x3;
	s11 =	sadd.s32 $0xD600, s31  }
0xd: {  	s14 =	simm.s32 $0x2;
	s8 =	sshrl.u32 s29, $0x3;
	s12 =	sadd.s32 s13, s12  }
0xe: {  	s10 =	smax.u32 s10, $0x1;
	s8 =	sadd.s32 s13, s8;
	s9 =	sadd.s32 $0x27000, s12  }
0xf: {  	s12 =	sadd.s32 $0x12600, s31;
	s13 =	sshrl.u32 s15, $0x3;
	s15 =	sshrl.u32 @!p0 s16, $0x3  }
.LBB2_1:
0x10: {  	[spmem:s13], [sflag:s7] =	dma.local [hbm:s5], $0x2700  }
0x11: {  	_ =	swait.ge [sflag:s14], $0x2700  }
0x12: {  	[sflag:s14] =	ssyncset.done $0x0  }
0x13: {  	s16 =	simm.s32 @!p0 $0x2;
	[sflag:s14] =	ssyncadd.s32 $0xFFFFD900  }
0x14: {  	[spmem:s15], [sflag:s7] =	dma.local @!p0 [hbm:s5], $0x100  }
0x15: {  	_ =	swait.ge @!p0 [sflag:s16], $0x100  }
0x16: {  	p1 =	sgt.u32 s6, $0x4E1;
	[sflag:s16] =	ssyncset.done @!p0 $0x0  }
0x17: {  	s17 =	simm.s32 @!p1 $0x0;
	[sflag:s16] =	ssyncadd.s32 @!p0 $0xFFFFFF00  }
0x18: {  	s18 =	simm.s32 @!p1 $0x3;
	s16 =	sadd.s32 @!p1 $0x0, s12;
	[bflag:$0x0] =	sbarrier.arrive $0xFFFF  }
0x19: {  	[tilespmem:s17], [sflag:$0x3] =	stream.linear.gather @!p1 [hbm4b:s16+s17], $0x80, $0x38;
	[tilespmem:$0x17A00] =	vst v63  }
0x1a: {  	_ =	swait.ge @!p1 [sflag:s18], $0x80;
	p1 =	por p1, p1  }
0x1b: {  	[sflag:s18] =	ssyncset.done @!p1 $0x0  }
0x1c: {  	s16 =	sadd.s32 @!p1 $0x0, s11;
	s19 =	simm.s32 @!p1 $0x80;
	[sflag:s18] =	ssyncadd.s32 @!p1 $0xFFFFFF80  }
0x1d: {  	[tilespmem:s19], [sflag:$0x3] =	stream.linear.gather @!p1 [hbm4b:s16+s17], $0x80, $0x38;
	[tilespmem:$0x17A00] =	vst v63  }
0x1e: {  	_ =	swait.ge @!p1 [sflag:s18], $0x80  }
0x1f: {  	[sflag:s18] =	ssyncset.done @!p1 $0x0  }
0x20: {  	s16 =	simm.s32 @!p1 $0x100;
	[sflag:s18] =	ssyncadd.s32 @!p1 $0xFFFFFF80;
	s18 =	simm.s32 @!p1 $0x1  }
0x21: {  	[tilespmem:s16], [sflag:$0x1] =	stream.indirect.gather @!p1 [hbm4b:s4+s19], $0x80, s17, s19, $0xb8;
	[tilespmem:$0x17A00] =	vst v63  }
0x22: {  	_ =	swait.ge @!p1 [sflag:s18], $0x4000  }
0x23: {  	[sflag:s18] =	ssyncset.done @!p1 $0x0  }
0x24: {  	s17 =	sadd.s32 $0x20, s6;
	[sflag:s18] =	ssyncadd.s32 @!p1 $0xFFFFC000  }
0x25: {  	[spmem:s1] =	stream.indirect.scatter.add.f32 @!p1 [tilespmem:s16], [sflag:$0x2], $0x80, s19, s19, $0xb8;
	[tilespmem:$0x17A00] =	vst v63  }
0x26: {  	p3 =	sgt.u32 s17, $0x4E1;
	s19 =	simm.s32 @!p1 $0x2  }
0x27: {  	s18 =	simm.s32 $0x400;
	s16 =	simm.s32 $0x200;
	_ =	swait.ge @!p1 [sflag:s19], $0x4000  }
.LBB2_2:
0x28: {  	s20 =	sadd.s32 @!p3 s16, s12  }
0x29: {  	s21 =	simm.s32 @!p3 $0x0;
	[sflag:s19] =	ssyncset.done @!p1 $0x0;
	s22 =	smov.u32 s18  }
0x2a: {  	s18 =	sadd.s32 $0x200, s18;
	s23 =	simm.s32 @!p3 $0x3;
	[sflag:s19] =	ssyncadd.s32 @!p1 $0xFFFFC000  }
0x2b: {  	[tilespmem:s21], [sflag:$0x3] =	stream.linear.gather @!p3 [hbm4b:s20+s21], $0x80, $0x38;
	[tilespmem:$0x17A00] =	vst v63  }
0x2c: {  	p2 =	sne.s32 s18, $0x5000;
	p1 =	por p3, p3;
	_ =	swait.ge @!p3 [sflag:s23], $0x80  }
0x2d: {  	[sflag:s23] =	ssyncset.done @!p1 $0x0  }
0x2e: {  	s16 =	sadd.s32 @!p1 s16, s11;
	s20 =	simm.s32 @!p1 $0x80;
	[sflag:s23] =	ssyncadd.s32 @!p1 $0xFFFFFF80  }
0x2f: {  	[tilespmem:s20], [sflag:$0x3] =	stream.linear.gather @!p1 [hbm4b:s16+s21], $0x80, $0x38;
	[tilespmem:$0x17A00] =	vst v63  }
0x30: {  	s16 =	smov.u32 s22;
	_ =	swait.ge @!p1 [sflag:s23], $0x80  }
0x31: {  	[sflag:s23] =	ssyncset.done @!p1 $0x0  }
0x32: {  	s19 =	simm.s32 @!p1 $0x1;
	s22 =	simm.s32 @!p1 $0x100;
	[sflag:s23] =	ssyncadd.s32 @!p1 $0xFFFFFF80  }
0x33: {  	[tilespmem:s22], [sflag:$0x1] =	stream.indirect.gather @!p1 [hbm4b:s4+s20], $0x80, s21, s20, $0xb8;
	[tilespmem:$0x17A00] =	vst v63  }
.Ltmp0:
0x34: {  	_ =	swait.ge @!p1 [sflag:s19], $0x4000;
	(pc) =	sbr.rel @p2 .LBB2_2-.Ltmp0, $4  }
0x35: {  	[sflag:s19] =	ssyncset.done @!p1 $0x0  }
0x36: {  	s17 =	sadd.s32 $0x20, s17;
	[sflag:s19] =	ssyncadd.s32 @!p1 $0xFFFFC000;
	s19 =	simm.s32 @!p1 $0x2  }
0x37: {  	[spmem:s1] =	stream.indirect.scatter.add.f32 @!p1 [tilespmem:s22], [sflag:$0x2], $0x80, s20, s20, $0xb8;
	[tilespmem:$0x17A00] =	vst v63  }
0x38: {  	p3 =	sgt.u32 s17, $0x4E1;
	_ =	swait.ge @!p1 [sflag:s19], $0x4000  }
0x39: {  	s17 =	sadd.s32 @!p3 s16, s12;
	[sflag:s19] =	ssyncset.done @!p1 $0x0  }
0x3a: {  	s18 =	simm.s32 @!p3 $0x0;
	s20 =	simm.s32 @!p3 $0x3;
	[sflag:s19] =	ssyncadd.s32 @!p1 $0xFFFFC000  }
0x3b: {  	[tilespmem:s18], [sflag:$0x3] =	stream.linear.gather @!p3 [hbm4b:s17+s18], $0x80, $0x38;
	[tilespmem:$0x17A00] =	vst v63  }
0x3c: {  	p1 =	por p3, p3;
	_ =	swait.ge @!p3 [sflag:s20], $0x80  }
0x3d: {  	[sflag:s20] =	ssyncset.done @!p1 $0x0  }
0x3e: {  	s16 =	sadd.s32 @!p1 s16, s11;
	s17 =	simm.s32 @!p1 $0x80;
	[sflag:s20] =	ssyncadd.s32 @!p1 $0xFFFFFF80  }
0x3f: {  	[tilespmem:s17], [sflag:$0x3] =	stream.linear.gather @!p1 [hbm4b:s16+s18], $0x80, $0x38;
	[tilespmem:$0x17A00] =	vst v63  }
0x40: {  	_ =	swait.ge @!p1 [sflag:s20], $0x80  }
0x41: {  	[sflag:s20] =	ssyncset.done @!p1 $0x0  }
0x42: {  	s19 =	simm.s32 @!p1 $0x1;
	s16 =	simm.s32 @!p1 $0x100;
	[sflag:s20] =	ssyncadd.s32 @!p1 $0xFFFFFF80  }
0x43: {  	[tilespmem:s16], [sflag:$0x1] =	stream.indirect.gather @!p1 [hbm4b:s4+s17], $0x80, s18, s17, $0xb8;
	[tilespmem:$0x17A00] =	vst v63  }
0x44: {  	_ =	swait.ge @!p1 [sflag:s19], $0x4000  }
0x45: {  	[sflag:s19] =	ssyncset.done @!p1 $0x0  }
0x46: {  	s18 =	simm.s32 @!p1 $0x2;
	[sflag:s19] =	ssyncadd.s32 @!p1 $0xFFFFC000  }
0x47: {  	[spmem:s1] =	stream.indirect.scatter.add.f32 @!p1 [tilespmem:s16], [sflag:$0x2], $0x80, s17, s17, $0xb8;
	[tilespmem:$0x17A00] =	vst v63  }
0x48: {  	_ =	swait.ge @!p1 [sflag:s18], $0x4000  }
0x49: {  	[sflag:s18] =	ssyncset.done @!p1 $0x0  }
0x4a: {  	[sflag:s18] =	ssyncadd.s32 @!p1 $0xFFFFC000  }
0x4b: {  	[bflag:$0x0] =	sbarrier.arrive $0xFFFF  }
0x4c: {  	[hbm:s8], [sflag:s7] =	dma.local [spmem:s13], $0x2700  }
0x4d: {  	s3 =	sadd.s32 $0x1, s3;
	_ =	swait.ge [sflag:s14], $0x2700  }
0x4e: {  	p1 =	sne.s32 s3, s10;
	[sflag:s14] =	ssyncset.done $0x0  }
.Ltmp1:
0x4f: {  	s16 =	simm.s32 @!p0 $0x2;
	[sflag:s14] =	ssyncadd.s32 $0xFFFFD900;
	(pc) =	sbr.rel @p1 .LBB2_1-.Ltmp1, $4  }
0x50: {  	[hbm:s9], [sflag:s7] =	dma.local @!p0 [spmem:s15], $0x100  }
0x51: {  	_ =	swait.ge @!p0 [sflag:s16], $0x100  }
0x52: {  	[sflag:s16] =	ssyncset.done @!p0 $0x0  }
0x53: {  	[sflag:s16] =	ssyncadd.s32 @!p0 $0xFFFFFF00  }
0x54: {  	_ =	sfence.sel $0x180000  }
0x55: {  	[bflag:$0x0] =	sbarrier.arrive $0xFFFF  }
0x56: {  	p0 =	sne.s32 s2, $0x0;
	_ =	strace $0x90000059  }
0x57: {  	s0 =	sadd.s32 @!p0 $0x100000, s0;
	[bflag:$0x2] =	sbarrier.arrive $0xFFFF  }
0x58: {  	[sflag:s0] =	ssyncadd.tile.s32 @!p0 $0x1;
	_ =	shalt  }
.Lfunc_end2:
_tile_overlayer_lowered:
.L_overlay_start_2:
0x59: {  	(tag) =	ssettag $0x2  }
0x5a: {  	s0 =	rddreg [dreg:$0x0];
	s2 =	stileid.u32  }
0x5b: {  	s1 =	rddreg [dreg:$0x1];
	p0 =	sne.s32 s2, $0x0  }
0x5c: {  	s3 =	rddreg [dreg:$0x2];
	[bflag:$0x3] =	sbarrier.arrive $0xFFFF;
	s2 =	simm.s32 @!p0 $0x1C02  }
0x5d: {  	[timem:s3], [sflag:s2] =	dma.local @!p0 [hbm:s0], s1  }
0x5e: {  	s0 =	simm.s32 @!p0 $0x2  }
0x5f: {  	_ =	swait.ge @!p0 [sflag:s0], s1  }
0x60: {  	s1 =	ssub.s32 @!p0 $0x0, s1;
	[sflag:s0] =	ssyncset.done @!p0 $0x0  }
0x61: {  	[sflag:s0] =	ssyncadd.s32 @!p0 s1  }
0x62: {  	[bflag:$0x3] =	sbarrier.arrive $0xFFFF  }
0x63: {  	_ =	shalt  }

// kernel: kernel.37.cloned.1.call-start
scs
__scs_entry_jumppad:
0x0: {  	(pc) =	sbr.rel $0x88, $3  }
0x1: {  	(tag) =	ssettag $0x0;
	lr =	simm.s32 $0x1  }
0x2: {  	[smem:$0x3F87] =	sst lr;
	_ =	strace $0xD0000000  }
0x3: {  	_ = 	snop  }
0x4: {  	_ = 	snop  }
0x5: {  	_ = 	snop  }
0x6: {  	_ = 	snop  }
0x7: {  	_ = 	snop  }
__scs_overlays_trampoline_lowered:
0x8: {  	[smem:$0x3F96] =	sst s0  }
0x9: {  	[smem:$0x3F97] =	sst s1  }
0xa: {  	[smem:$0x3F98] =	sst s2  }
0xb: {  	[smem:$0x3F99] =	sst s3  }
0xc: {  	[smem:$0x3F9A] =	sst s4  }
0xd: {  	[smem:$0x3F9B] =	sst s5  }
0xe: {  	[smem:$0x3F9C] =	sst s6  }
0xf: {  	[smem:$0x3F9D] =	sst s7  }
0x10: {  	[smem:$0x3F9E] =	sst s8  }
0x11: {  	[smem:$0x3F9F] =	sst s9;
	s0 =	simm.s32 @!p0 $0x0  }
0x12: {  	s1 =	sld [smem:$0x3F85];
	s0 =	simm.s32 @p0 $0x1  }
0x13: {  	[smem:$0x3FA0] =	sst s0;
	s0 =	simm.s32 @!p1 $0x0  }
0x14: {  	s2 =	sld [smem:$0x3F84];
	s0 =	simm.s32 @p1 $0x1  }
0x15: {  	[smem:$0x3FA1] =	sst s0;
	s0 =	simm.s32 @!p2 $0x0  }
0x16: {  	s3 =	sld [smem:$0x3FDB];
	s0 =	simm.s32 @p2 $0x1  }
0x17: {  	s4 =	simm.s32 $0x1BF5;
	[smem:$0x3FA3] =	sst s0  }
0x18: {  	s0 =	sld [smem:$0x3F86];
	_ =	swait.ge [sflag:s4], $0x0  }
0x19: {  	s7 =	sld [smem:$0x3F87]  }
0x1a: {  	s8 =	sadd.s32 $0xFFFFE003, lr  }
0x1b: {  	s9 =	sadd.s32 $0xFFFFFEF7, lr;
	s5 =	simm.s32 $0xFFFFFFFF;
	p2 =	slt.u32 s8, $0xFFFFF086  }
0x1c: {  	p1 =	slt.u32 s9, $0xF7A;
	s5 =	simm.s32 @!p2 $0x0  }
0x1d: {  	s5 =	simm.s32 @p1 $0x1;
	p0 =	seq.s32 s7, s2  }
0x1e: {  	s7 =	smul.u32 @!p0 $0xF7A, s2;
	p2 =	seq.s32 @!p0 s5, $0x0  }
0x1f: {  	s9 =	smul.u32 $0xF7A, s1;
	s8 =	simm.s32 @!p0 $0x1BF5;
	p2 =	por !p2, p0  }
0x20: {  	[sflag:s8] =	ssyncset.s32 @!p0 $0xFFFFF086;
	s6 =	sadd.s32 @!p0 s3, s7;
	s7 =	simm.s32 @!p0 $0x108  }
0x21: {  	s3 =	sadd.s32 s3, s9;
	s6 =	sadd.s32 @!p0 $0x88, s6;
	s7 =	simm.s32 @p2 $0x1082  }
0x22: {  	[simem:s7], [sflag:s8] =	dma.local @!p0 [hbm:s6], $0xF7A  }
0x23: {  	s9 =	sor.u32 $0xD0000000, s2;
	s6 =	simm.s32 $0x108;
	_ =	swait.ge @!p0 [sflag:s8], $0x0  }
0x24: {  	s3 =	sadd.s32 $0x88, s3;
	s6 =	simm.s32 @!p1 $0x1082;
	[sflag:s4] =	ssyncset.s32 $0xFFFFF086  }
0x25: {  	[simem:s6], [sflag:s4] =	dma.local [hbm:s3], $0xF7A  }
0x26: {  	[smem:$0x3F87] =	sst s1;
	(tag) =	ssettag s2;
	_ =	strace s9  }
0x27: {  	s1 =	sld [smem:$0x3F97]  }
0x28: {  	s2 =	sld [smem:$0x3F98]  }
0x29: {  	s4 =	sld [smem:$0x3F9A]  }
0x2a: {  	p0 =	seq.s32 s5, $0x0;
	s5 =	sld [smem:$0x3F9B]  }
0x2b: {  	s6 =	sld [smem:$0x3F9C]  }
0x2c: {  	s7 =	sld [smem:$0x3F9D]  }
0x2d: {  	s3 =	simm.s32 $0x108;
	s8 =	sld [smem:$0x3F9E]  }
0x2e: {  	s3 =	simm.s32 @!p0 $0x1082;
	s9 =	sld [smem:$0x3F9F]  }
0x2f: {  	lr =	sadd.s32 s0, s3;
	s0 =	sld [smem:$0x3F96]  }
0x30: {  	s3 =	sld [smem:$0x3F99]  }
0x31: {  	[smem:$0x3FA2] =	sst s10  }
0x32: {  	s10 =	sld [smem:$0x3FA0];
	_ =	sdelay $0x3  }
0x33: {  	p0 =	seq.s32 s10, $0x1;
	s10 =	sld [smem:$0x3FA2];
	_ =	sdelay $0x3  }
0x34: {  	[smem:$0x3FA2] =	sst s10  }
0x35: {  	s10 =	sld [smem:$0x3FA1];
	_ =	sdelay $0x3  }
0x36: {  	p1 =	seq.s32 s10, $0x1;
	s10 =	sld [smem:$0x3FA2];
	_ =	sdelay $0x3  }
0x37: {  	[smem:$0x3FA2] =	sst s10  }
0x38: {  	s10 =	sld [smem:$0x3FA3]  }
0x39: {  	_ = 	snop;
	(pc) =	sbr.ind lr, $3  }
0x3a: {  	_ = 	snop  }
0x3b: {  	_ = 	snop  }
0x3c: {  	p2 =	seq.s32 s10, $0x1;
	s10 =	sld [smem:$0x3FA2]  }
0x3d: {  	_ =	shalt  }
0x3e: {  	_ =	shalt  }
0x3f: {  	_ =	shalt  }
0x40: {  	_ =	shalt  }
0x41: {  	_ =	shalt  }
0x42: {  	_ =	shalt  }
0x43: {  	_ =	shalt  }
0x44: {  	_ =	shalt  }
0x45: {  	_ =	shalt  }
0x46: {  	_ =	shalt  }
0x47: {  	_ =	shalt  }
0x48: {  	_ =	shalt  }
0x49: {  	_ =	shalt  }
0x4a: {  	_ =	shalt  }
0x4b: {  	_ =	shalt  }
0x4c: {  	_ =	shalt  }
0x4d: {  	_ =	shalt  }
0x4e: {  	_ =	shalt  }
0x4f: {  	_ =	shalt  }
0x50: {  	_ =	shalt  }
0x51: {  	_ =	shalt  }
0x52: {  	_ =	shalt  }
0x53: {  	_ =	shalt  }
0x54: {  	_ =	shalt  }
0x55: {  	_ =	shalt  }
0x56: {  	_ =	shalt  }
0x57: {  	_ =	shalt  }
0x58: {  	_ =	shalt  }
0x59: {  	_ =	shalt  }
0x5a: {  	_ =	shalt  }
0x5b: {  	_ =	shalt  }
0x5c: {  	_ =	shalt  }
0x5d: {  	_ =	shalt  }
0x5e: {  	_ =	shalt  }
0x5f: {  	_ =	shalt  }
0x60: {  	_ =	shalt  }
0x61: {  	_ =	shalt  }
0x62: {  	_ =	shalt  }
0x63: {  	_ =	shalt  }
0x64: {  	_ =	shalt  }
0x65: {  	_ =	shalt  }
0x66: {  	_ =	shalt  }
0x67: {  	_ =	shalt  }
0x68: {  	_ =	shalt  }
0x69: {  	_ =	shalt  }
0x6a: {  	_ =	shalt  }
0x6b: {  	_ =	shalt  }
0x6c: {  	_ =	shalt  }
0x6d: {  	_ =	shalt  }
0x6e: {  	_ =	shalt  }
0x6f: {  	_ =	shalt  }
0x70: {  	_ =	shalt  }
0x71: {  	_ =	shalt  }
0x72: {  	_ =	shalt  }
0x73: {  	_ =	shalt  }
0x74: {  	_ =	shalt  }
0x75: {  	_ =	shalt  }
0x76: {  	_ =	shalt  }
0x77: {  	_ =	shalt  }
0x78: {  	_ =	shalt  }
0x79: {  	_ =	shalt  }
0x7a: {  	_ =	shalt  }
0x7b: {  	_ =	shalt  }
0x7c: {  	_ =	shalt  }
0x7d: {  	_ =	shalt  }
0x7e: {  	_ =	shalt  }
0x7f: {  	_ =	shalt  }
0x80: {  	_ =	shalt  }
0x81: {  	_ =	shalt  }
0x82: {  	_ =	shalt  }
0x83: {  	_ =	shalt  }
0x84: {  	_ =	shalt  }
0x85: {  	_ =	shalt  }
0x86: {  	_ =	shalt  }
0x87: {  	_ =	shalt  }
.Lfunc_end0:
.L_simem_size_0:
called_computation.7_lowered:
.L_overlay_start_0:
0x88: {  	s2 =	sld [smem:$0x3FD9]  }
0x89: {  	s3 =	sld [smem:$0x3FFE];
	_ =	sdelay $0x1  }
0x8a: {  	s1 =	srdreg.scid  }
0x8b: {  	s0 =	sand.u32 $0x1, s1  }
0x8c: {  	s17 =	sshll.u32 s0, $0xA;
	s2 =	sadd.s32 s3, s2  }
0x8d: {  	s2 =	sadd.s32 s2, s17  }
0x8e: {  	[smem:$0x3FAE] =	sst s2  }
0x8f: {  	_ = 	snop  }
0x90: {  	s2 =	sld [smem:$0x3FD0];
	(tm) =	ssettm $0x1  }
0x91: {  	s18 =	sld [smem:$0x3FFB];
	_ =	sdelay $0x3  }
0x92: {  	_ =	strace s18  }
0x93: {  	s3 =	sld [smem:$0x3FFC];
	_ =	sdelay $0x3  }
0x94: {  	_ =	strace s3  }
0x95: {  	s3 =	sld [smem:$0x3FFD];
	_ =	sdelay $0x3  }
0x96: {  	_ =	strace s3  }
0x97: {  	_ =	strace $0x8FFFFFFF  }
0x98: {  	s19 =	sld [smem:$0x3FDB];
	_ =	sdelay $0x1  }
0x99: {  	s4 =	simm.s32 $_scs_section_size  }
0x9a: {  	s5 =	simm.s32 $_size__tile_overlayer_lowered;
	s6 =	simm.s32 $_tile_overlayer_lowered  }
0x9b: {  	s22 =	simm.s32 $0x1BFF;
	s21 =	sshll.u32 s6, $0x1;
	s3 =	sadd.s32 s4, s19  }
0x9c: {  	s7 =	simm.s32 $0x0;
	s20 =	sshll.u32 s5, $0x1;
	s5 =	sadd.s32 s21, s3  }
0x9d: {  	[timem:s7], [sflag:s22] =	dma.local [hbm:s5], s20  }
0x9e: {  	_ =	swait.ge [sflag:s22], s20  }
0x9f: {  	s4 =	ssub.s32 $0x0, s20;
	[sflag:s22] =	ssyncset.done $0x0  }
0xa0: {  	[sflag:s22] =	ssyncadd.s32 s4;
	_ =	sdelay $0x1  }
0xa1: {  	s23 =	simm.s32 $0x1B8B  }
0xa2: {  	_ =	swait.ge [sflag:s23], $0x1  }
0xa3: {  	[sflag:s23] =	ssyncset.done $0x0  }
0xa4: {  	s25 =	simm.s32 $0x1B8E;
	s24 =	sld [smem:$0x3FFE];
	[sflag:s23] =	ssyncadd.s32 $0xFFFFFFFF  }
0xa5: {  	s26 =	simm.s32 $execute0_lowered;
	[smem:$0x3FD2] =	sst s25  }
0xa6: {  	s5 =	sshll.u32 s26, $0x1;
	_ =	strace $0x8000005B;
	[dreg:$0x1] =	wrdreg $0xFFFFFFFF  }
0xa7: {  	s28 =	simm.s32 $_size_execute0_lowered;
	s3 =	sadd.s32 s3, s5;
	[dreg:$0x0] =	wrdreg $0x0  }
0xa8: {  	s5 =	sshll.u32 s28, $0x1;
	[dreg:$0x2] =	wrdreg s3  }
0xa9: {  	[dreg:$0x3] =	wrdreg s5  }
0xaa: {  	[dreg:$0x4] =	wrdreg $0xC0  }
0xab: {  	_ =	task [dreg:s7], $0x5FFFF  }
0xac: {  	[dreg:$0x1] =	wrdreg $0xFFFFFFFF  }
0xad: {  	[dreg:$0x0] =	wrdreg $0x60  }
0xae: {  	[dreg:$0x2] =	wrdreg s24  }
0xaf: {  	[dreg:$0x3] =	wrdreg s2  }
0xb0: {  	[dreg:$0x4] =	wrdreg $0xC5800  }
0xb1: {  	[dreg:$0x5] =	wrdreg $0x9  }
0xb2: {  	_ =	task.clear_ibuf [dreg:s7], $0x6FFFF;
	_ =	strace $0x9000005B  }
0xb3: {  	s29 =	simm.s32 $0x9;
	_ =	strace $0x8000005D  }
0xb4: {  	_ =	swait.ge [sflag:s29], $0x1  }
0xb5: {  	[sflag:s29] =	ssyncadd.s32 $0xFFFFFFFF  }
0xb6: {  	_ =	strace $0x9000005D  }
0xb7: {  	_ =	sfence  }
0xb8: {  	s30 =	sld [smem:$0x0];
	_ =	sdelay $0x2  }
0xb9: {  	s31 =	sshll.u32 s1, $0xD;
	s1 =	sshrl.u32 s1, $0x2  }
0xba: {  	s3 =	sand.u32 $0x4000, s31;
	s1 =	sadd.s32 s1, s30  }
0xbb: {  	s0 =	sor.u32 s3, s0;
	s1 =	sshll.u32 s1, $0x11  }
0xbc: {  	s0 =	sor.u32 s1, s0  }
0xbd: {  	s0 =	sadd.s32 $0x8F2B, s0  }
0xbe: {  	[sflag:s0] =	ssyncadd.remote.s32 $0x1  }
0xbf: {  	_ =	sfence.sel $0xFFFF  }
0xc0: {  	[dreg:$0x0] =	wrdreg $0xFFFFFFFF;
	(pc) =	sbr.abs _section_cstart, $3  }
0xc1: {  	[dreg:$0x1] =	wrdreg $0xFFFFFFFF  }
0xc2: {  	_ =	task.clear_ibuf [dreg:s7], $0x2FFFF;
	_ =	strace $0x9FFFFFFF  }
0xc3: {  	(tm) =	ssettm $0x7FFFFFFF  }
tec
execute0_lowered:
.L_overlay_start_1:
0x0: {  	(tag) =	ssettag $0x1  }
0x1: {  	s11 =	rddreg [dreg:$0x0]  }
0x2: {  	s1 =	rddreg [dreg:$0x1]  }
0x3: {  	s2 =	rddreg [dreg:$0x2]  }
0x4: {  	s3 =	simm.s32 $0x0;
	s9 =	srdreg.scid;
	s4 =	stileid.u32  }
0x5: {  	s18 =	simm.s32 $0x8180;
	s22 =	simm.s32 $0x3;
	s23 =	simm.s32 $0x80  }
0x6: {  	s24 =	simm.s32 $0x100;
	s25 =	simm.s32 $0x180;
	s26 =	simm.s32 $0x1  }
0x7: {  	s28 =	simm.s32 $0x0;
	[smem:$0x7FF] =	sst s3;
	s5 =	sadd.s32 $0x17600, s11  }
0x8: {  	s6 =	sadd.s32 $0x12600, s11;
	s7 =	sadd.s32 $0x8600, s11;
	s8 =	sadd.s32 $0xD600, s11  }
0x9: {  	s9 =	sand.u32 $0x1, s9;
	s12 =	smul.u32 $0x4E000, s4;
	s10 =	sadd.s32 $0x66800, s11  }
0xa: {  	s15 =	sadd.s32 $0x90200, s11;
	s16 =	smul.u32 $0x13800, s4;
	s11 =	sshll.u32 s4, $0x1  }
0xb: {  	s21 =	sadd.s32 $0x138000, s2;
	p0 =	sne.s32 s4, $0xF;
	s19 =	sshll.u32 s4, $0x6  }
0xc: {  	_ =	strace $0x8000005C;
	s13 =	ssub.s32 $0x2, s9;
	s14 =	smul.u32 $0x138800, s9  }
0xd: {  	s19 =	sor.u32 $0x1C02, s19;
	s21 =	sshrl.u32 @!p0 s21, $0x3;
	s29 =	sshrl.u32 s13, $0x1  }
.Ltmp0:
0xe: {  	s12 =	sshrl.u32 s12, $0x2;
	s17 =	ssub.s32 s13, s29;
	(pc) =	sbr.rel .LBB2_1-.Ltmp0, $4  }
0xf: {  	s20 =	sadd.s32 s12, s2;
	s30 =	sadd.s32 s16, s14;
	s31 =	sshrl.u32 s14, $0x3  }
0x10: {  	s16 =	simm.s32 $0x2;
	s12 =	sshrl.u32 s30, $0x3;
	s13 =	sadd.s32 s15, s31  }
0x11: {  	s14 =	smax.u32 s17, $0x1;
	s17 =	simm.s32 $0x4180;
	s20 =	sshrl.u32 s20, $0x3  }
0x12: {  	s12 =	sadd.s32 s15, s12;
	s13 =	sadd.s32 $0x27000, s13;
	s15 =	simm.s32 $0xC180  }
.LBB2_7:
0x13: {  	[bflag:$0x0] =	sbarrier.arrive $0xFFFF  }
0x14: {  	[hbm:s12], [sflag:s19] =	dma.local [spmem:s20], $0x2700  }
0x15: {  	s28 =	sadd.s32 $0x1, s28;
	_ =	swait.ge [sflag:s16], $0x2700  }
0x16: {  	p1 =	sne.s32 s28, s14;
	[sflag:s16] =	ssyncset.done $0x0  }
.Ltmp1:
0x17: {  	s0 =	simm.s32 @!p0 $0x2;
	[sflag:s16] =	ssyncadd.s32 $0xFFFFD900;
	(pc) =	sbr.rel @!p1 .LBB2_8-.Ltmp1, $4  }
0x18: {  	[hbm:s13], [sflag:s19] =	dma.local @!p0 [spmem:s21], $0x100  }
0x19: {  	_ =	swait.ge @!p0 [sflag:s0], $0x100  }
0x1a: {  	[sflag:s0] =	ssyncset.done @!p0 $0x0  }
0x1b: {  	[sflag:s0] =	ssyncadd.s32 @!p0 $0xFFFFFF00  }
.LBB2_1:
0x1c: {  	[tilespmem:s15], [sflag:$0x2] =	stream.linear.gather [hbm4b:s1+s3], $0x400, $0x38;
	[tilespmem:$0x1FE80] =	vst v63  }
0x1d: {  	_ =	swait.ge [sflag:s16], $0x400  }
0x1e: {  	[sflag:s16] =	ssyncset.done $0x0  }
0x1f: {  	[sflag:s16] =	ssyncadd.s32 $0xFFFFFC00  }
0x20: {  	[tilespmem:s17], [sflag:$0x2] =	stream.linear.gather [hbm4b:s10+s3], $0x4000, $0x38;
	[tilespmem:$0x1FE80] =	vst v63  }
0x21: {  	_ =	swait.ge [sflag:s16], $0x4000  }
0x22: {  	[sflag:s16] =	ssyncset.done $0x0  }
0x23: {  	[sflag:s16] =	ssyncadd.s32 $0xFFFFC000  }
0x24: {  	[tilespmem:s18], [sflag:$0x2] =	stream.linear.gather [hbm4b:s10+s3], $0x4000, $0x38;
	[tilespmem:$0x1FE80] =	vst v63  }
0x25: {  	_ =	swait.ge [sflag:s16], $0x4000  }
0x26: {  	[sflag:s16] =	ssyncset.done $0x0  }
0x27: {  	[sflag:s16] =	ssyncadd.s32 $0xFFFFC000  }
0x28: {  	[spmem:s20], [sflag:s19] =	dma.local [hbm:s10], $0x2700  }
0x29: {  	_ =	swait.ge [sflag:s16], $0x2700  }
0x2a: {  	[sflag:s16] =	ssyncset.done $0x0  }
0x2b: {  	s29 =	simm.s32 @!p0 $0x2;
	[sflag:s16] =	ssyncadd.s32 $0xFFFFD900  }
0x2c: {  	[spmem:s21], [sflag:s19] =	dma.local @!p0 [hbm:s10], $0x100  }
.Ltmp2:
0x2d: {  	_ =	swait.ge @!p0 [sflag:s29], $0x100;
	(pc) =	sbr.rel .LBB2_2-.Ltmp2, $4  }
0x2e: {  	[sflag:s29] =	ssyncset.done @!p0 $0x0  }
0x2f: {  	[sflag:s29] =	ssyncadd.s32 @!p0 $0xFFFFFF00  }
0x30: {  	[bflag:$0x0] =	sbarrier.arrive $0xFFFF  }
0x31: {  	s29 =	simm.s32 $0x0  }
.LBB2_6:
0x32: {  	s29 =	sadd.s32 $0x1, s29  }
0x33: {  	p1 =	sne.s32 s29, $0x28  }
.Ltmp3:
0x34: {  	_ = 	snop;
	(pc) =	sbr.rel @!p1 .LBB2_7-.Ltmp3, $1  }
0x35: {  	_ =	sdelay $0x3  }
.LBB2_2:
0x36: {  	s30 =	sshll.u32 s29, $0x5  }
0x37: {  	s30 =	sor.u32 s11, s30  }
0x38: {  	p1 =	sgt.u32 s30, $0x4E1  }
.Ltmp4:
0x39: {  	_ = 	snop;
	(pc) =	sbr.rel @p1 .LBB2_6-.Ltmp4, $1  }
0x3a: {  	_ =	sdelay $0x3  }
0x3b: {  	s30 =	sor.u32 s9, s30  }
0x3c: {  	s30 =	sshll.u32 s30, $0x4  }
0x3d: {  	s0 =	simm.s32 $0x0;
	s31 =	sadd.s32 s6, s30  }
0x3e: {  	[tilespmem:s0], [sflag:$0x3] =	stream.linear.gather [hbm4b:s31+s0], $0x80, $0x38;
	[tilespmem:$0x1FE80] =	vst v63  }
0x3f: {  	_ =	swait.ge [sflag:s22], $0x80  }
0x40: {  	[sflag:s22] =	ssyncset.done $0x0  }
0x41: {  	s31 =	sadd.s32 s7, s30;
	[sflag:s22] =	ssyncadd.s32 $0xFFFFFF80  }
0x42: {  	[tilespmem:s23], [sflag:$0x3] =	stream.linear.gather [hbm4b:s31+s0], $0x80, $0x38;
	[tilespmem:$0x1FE80] =	vst v63  }
0x43: {  	_ =	swait.ge [sflag:s22], $0x80  }
0x44: {  	[sflag:s22] =	ssyncset.done $0x0  }
0x45: {  	s30 =	sadd.s32 s8, s30;
	[sflag:s22] =	ssyncadd.s32 $0xFFFFFF80  }
0x46: {  	[tilespmem:s24], [sflag:$0x3] =	stream.linear.gather [hbm4b:s30+s0], $0x80, $0x38;
	[tilespmem:$0x1FE80] =	vst v63  }
0x47: {  	_ =	swait.ge [sflag:s22], $0x80  }
0x48: {  	[sflag:s22] =	ssyncset.done $0x0  }
0x49: {  	[sflag:s22] =	ssyncadd.s32 $0xFFFFFF80  }
0x4a: {  	[tilespmem:s25], [sflag:$0x1] =	stream.indirect.gather [hbm4b:s5+s23], $0x80, s0, s23, $0xb8;
	[tilespmem:$0x1FE80] =	vst v63  }
0x4b: {  	_ =	swait.ge [sflag:s26], $0x4000  }
0x4c: {  	[sflag:s26] =	ssyncset.done $0x0  }
0x4d: {  	[sflag:s26] =	ssyncadd.s32 $0xFFFFC000  }
0x4e: {  	s30 =	simm.s32 $0x0;
	v1 =	vld [tilespmem:$0xC200]  }
0x4f: {  	v2 =	vld [tilespmem:s30+$0x180]  }
0x50: {  	s31 =	simm.s32 $0x200;
	v0 =	vld [tilespmem:$0xC180]  }
.LBB2_4:
0x51: {  	_ = 	snop  }
0x52: {  	p1 =	sne.s32 s31, $0xFE00  }
.Ltmp5:
0x53: {  	_ = 	snop;
	(pc) =	sbr.rel @p1 .LBB2_4-.Ltmp5, $4  }
0x54: {  	v4 =	vmul.f32 v2, v1  }
0x55: {  	s0 =	sshra.s32 s31, $0x2;
	v3 =	vmul.f32 v2, v0  }
0x56: {  	v2 =	vld [tilespmem:s0+$0x180];
	[tilespmem:s30+$0x8180] =	vst v4  }
0x57: {  	s31 =	sadd.s32 $0x200, s31;
	[tilespmem:s30+$0x4180] =	vst v3;
	s30 =	smov.u32 s0  }
0x58: {  	_ =	sdelay $0x2  }
0x59: {  	v1 =	vmul.f32 v2, v1  }
0x5a: {  	v0 =	vmul.f32 v2, v0  }
0x5b: {  	[tilespmem:s30+$0x8180] =	vst v1  }
0x5c: {  	[tilespmem:s30+$0x4180] =	vst v0  }
0x5d: {  	[spmem:s2] =	stream.indirect.scatter.add.f32 [tilespmem:s17], [sflag:$0x3], $0x80, s23, s23, $0xb8;
	[tilespmem:$0x1FE80] =	vst v63  }
0x5e: {  	_ =	swait.ge [sflag:s22], $0x4000  }
0x5f: {  	[sflag:s22] =	ssyncset.done $0x0  }
.Ltmp6:
0x60: {  	[sflag:s22] =	ssyncadd.s32 $0xFFFFC000;
	(pc) =	sbr.rel .LBB2_6-.Ltmp6, $4  }
0x61: {  	[spmem:s2] =	stream.indirect.scatter.add.f32 [tilespmem:s18], [sflag:$0x2], $0x80, s24, s23, $0xb8;
	[tilespmem:$0x1FE80] =	vst v63  }
0x62: {  	_ =	swait.ge [sflag:s16], $0x4000  }
0x63: {  	[sflag:s16] =	ssyncset.done $0x0  }
0x64: {  	[sflag:s16] =	ssyncadd.s32 $0xFFFFC000  }
.LBB2_8:
0x65: {  	_ =	sfence.sel $0x180000  }
0x66: {  	[bflag:$0x0] =	sbarrier.arrive $0xFFFF  }
0x67: {  	_ =	strace $0x9000005C  }
0x68: {  	[bflag:$0x2] =	sbarrier.arrive $0xFFFF  }
0x69: {  	p0 =	sne.s32 s4, $0x0;
	s0 =	rddreg [dreg:$0x3]  }
0x6a: {  	s0 =	sadd.s32 @!p0 $0x100000, s0  }
0x6b: {  	[sflag:s0] =	ssyncadd.tile.s32 @!p0 $0x1;
	_ =	shalt  }
.Lfunc_end2:
_tile_overlayer_lowered:
.L_overlay_start_2:
0x6c: {  	(tag) =	ssettag $0x2  }
0x6d: {  	s0 =	rddreg [dreg:$0x0];
	s2 =	stileid.u32  }
0x6e: {  	s1 =	rddreg [dreg:$0x1];
	p0 =	sne.s32 s2, $0x0  }
0x6f: {  	s3 =	rddreg [dreg:$0x2];
	[bflag:$0x3] =	sbarrier.arrive $0xFFFF;
	s2 =	simm.s32 @!p0 $0x1C02  }
0x70: {  	[timem:s3], [sflag:s2] =	dma.local @!p0 [hbm:s0], s1  }
0x71: {  	s0 =	simm.s32 @!p0 $0x2  }
0x72: {  	_ =	swait.ge @!p0 [sflag:s0], s1  }
0x73: {  	s1 =	ssub.s32 @!p0 $0x0, s1;
	[sflag:s0] =	ssyncset.done @!p0 $0x0  }
0x74: {  	[sflag:s0] =	ssyncadd.s32 @!p0 s1  }
0x75: {  	[bflag:$0x3] =	sbarrier.arrive $0xFFFF  }
0x76: {  	_ =	shalt  }

</sc_bundles>
